<compile_context>
chip_gen: v7x
topology: tpu7x:2x2x1
jax: 0.10.2.dev20260603
libtpu: 0.0.44.dev20260713+nightly
codegen_flags: <defaults>
</compile_context>

<pallas_src>
import jax
import jax.numpy as jnp
from jax import lax
from jax.experimental import pallas as pl
from jax.experimental.pallas import tpu as pltpu
from jax.experimental.pallas import tpu_sc as plsc

N = 10000
E = 320000
D = 128

NUM_CORES = 2
NUM_SUBCORES = 16
CHUNK = 128
NUM_CHUNKS = E // CHUNK
T = 160
PAD_CHUNKS = T * NUM_SUBCORES
ACC_ROWS = N + 8
PHASES = 4
PCH = T // PHASES
ROWS_PER_TILE = 624
ROWS_TAIL = N - ROWS_PER_TILE * NUM_SUBCORES

_MESH = plsc.VectorSubcoreMesh(core_axis_name="c", subcore_axis_name="s",
                               num_cores=NUM_CORES,
                               num_subcores=NUM_SUBCORES)


def _for_row_chunks(s, fn):
    base = s * ROWS_PER_TILE
    off = 0
    for n in (CHUNK, CHUNK, CHUNK, CHUNK, ROWS_PER_TILE - 4 * CHUNK):
        fn(base + off, n)
        off += n

    @pl.when(s == NUM_SUBCORES - 1)
    def _():
        fn(ROWS_PER_TILE * NUM_SUBCORES, ROWS_TAIL)


def _sc_agg_body(x_hbm, src_hbm, dst_hbm, zrows_hbm, agg_hbm,
                 acc, srcb, dstb, rows0, rows1, g0, g1):
    c = lax.axis_index("c")
    s = lax.axis_index("s")

    pltpu.sync_copy(zrows_hbm, rows0)
    _for_row_chunks(
        s, lambda base, n: pltpu.sync_copy(rows0.at[pl.ds(0, n)],
                                           acc.at[pl.ds(base, n)]))
    plsc.subcore_barrier()

    x_dir = x_hbm.at[c]

    def gather(j, buf, sem):
        pltpu.async_copy(x_dir.at[srcb.at[j]], buf, sem)

    def gwait(j, buf, sem):
        pltpu.make_async_copy(x_dir.at[srcb.at[j]], buf, sem).wait()

    def scat(j, buf):
        pltpu.sync_copy(buf, acc.at[dstb.at[j]], add=True)

    def phase(p, carry):
        pltpu.sync_copy(src_hbm.at[c, s, pl.ds(p * PCH, PCH)], srcb)
        pltpu.sync_copy(dst_hbm.at[c, s, pl.ds(p * PCH, PCH)], dstb)
        gather(0, rows0, g0)
        gather(1, rows1, g1)

        def body(m, carry2):
            j = 2 * m
            gwait(j, rows0, g0)
            scat(j, rows0)
            gather(j + 2, rows0, g0)
            gwait(j + 1, rows1, g1)
            scat(j + 1, rows1)
            gather(j + 3, rows1, g1)
            return carry2

        lax.fori_loop(0, PCH // 2 - 1, body, 0)
        gwait(PCH - 2, rows0, g0)
        scat(PCH - 2, rows0)
        gwait(PCH - 1, rows1, g1)
        scat(PCH - 1, rows1)
        return carry

    lax.fori_loop(0, PHASES, phase, 0)
    plsc.subcore_barrier()

    def out_chunk(base, n):
        pltpu.sync_copy(acc.at[pl.ds(base, n)], rows0.at[pl.ds(0, n)])
        pltpu.sync_copy(rows0.at[pl.ds(0, n)],
                        agg_hbm.at[c, pl.ds(base, n)])

    _for_row_chunks(s, out_chunk)


_sc_agg = pl.kernel(
    _sc_agg_body,
    out_type=jax.ShapeDtypeStruct((NUM_CORES, N, D), jnp.float32),
    mesh=_MESH,
    scratch_types=[
        pltpu.VMEM_SHARED((ACC_ROWS, D), jnp.float32),
        pltpu.VMEM((PCH, CHUNK), jnp.int32),
        pltpu.VMEM((PCH, CHUNK), jnp.int32),
        pltpu.VMEM((CHUNK, D), jnp.float32),
        pltpu.VMEM((CHUNK, D), jnp.float32),
        pltpu.SemaphoreType.DMA,
        pltpu.SemaphoreType.DMA,
    ],
)


def _sc_deg_body(dst_hbm, oz_hbm, deg_hbm, dacc, dstb, buf, sem):
    c = lax.axis_index("c")
    s = lax.axis_index("s")

    pltpu.sync_copy(oz_hbm.at[1], buf)
    _for_row_chunks(
        s, lambda base, n: pltpu.sync_copy(buf.at[pl.ds(0, n)],
                                           dacc.at[pl.ds(base, n)]))
    pltpu.sync_copy(oz_hbm.at[0], buf)
    plsc.subcore_barrier()

    BATCH = 8

    def phase(p, carry):
        pltpu.sync_copy(dst_hbm.at[c, s, pl.ds(p * PCH, PCH)], dstb)

        def body(m, carry2):
            for i in range(BATCH):
                j = m * BATCH + i
                pltpu.async_copy(buf, dacc.at[dstb.at[j]], sem, add=True)
            for i in range(BATCH):
                j = m * BATCH + i
                pltpu.make_async_copy(buf, dacc.at[dstb.at[j]], sem).wait()
            return carry2

        lax.fori_loop(0, PCH // BATCH, body, 0)
        return carry

    lax.fori_loop(0, PHASES, phase, 0)
    plsc.subcore_barrier()

    def out_chunk(base, n):
        pltpu.sync_copy(dacc.at[pl.ds(base, n)], buf.at[pl.ds(0, n)])
        pltpu.sync_copy(buf.at[pl.ds(0, n)],
                        deg_hbm.at[c, pl.ds(base, n)])

    _for_row_chunks(s, out_chunk)


_sc_deg = pl.kernel(
    _sc_deg_body,
    out_type=jax.ShapeDtypeStruct((NUM_CORES, N, D), jnp.float32),
    mesh=_MESH,
    scratch_types=[
        pltpu.VMEM_SHARED((ACC_ROWS, D), jnp.float32),
        pltpu.VMEM((PCH, CHUNK), jnp.int32),
        pltpu.VMEM((CHUNK, D), jnp.float32),
        pltpu.SemaphoreType.DMA,
    ],
)


def _tc_linear_body(agg_ref, deg_ref, x_ref, wl_ref, b_ref, wr_ref, o_ref):
    a = agg_ref[0]
    d = deg_ref[0][:, :1]
    mean = a * (1.0 / jnp.maximum(d, 1.0))
    o = lax.dot_general(mean, wl_ref[0], (((1,), (1,)), ((), ())),
                        preferred_element_type=jnp.float32)
    o = o + lax.dot_general(x_ref[0], wr_ref[0], (((1,), (1,)), ((), ())),
                            preferred_element_type=jnp.float32)
    o_ref[0] = o + b_ref[0]


def _tc_linear(agg, deg, x_cat, wl, b, wr, agg_other, x_other):
    B = 1000
    rb = N // B

    def agg_map(k, r):
        return ((1 - k) if agg_other else k, r, 0)

    def x_map(k, r):
        return ((1 - k) if x_other else k, r, 0)

    return pl.pallas_call(
        _tc_linear_body,
        grid=(2, rb),
        in_specs=[
            pl.BlockSpec((1, B, D), agg_map),
            pl.BlockSpec((1, B, D), agg_map),
            pl.BlockSpec((1, B, D), x_map),
            pl.BlockSpec((1, D, D), lambda k, r: (k, 0, 0)),
            pl.BlockSpec((1, 1, D), lambda k, r: (k, 0, 0)),
            pl.BlockSpec((1, D, D), lambda k, r: (k, 0, 0)),
        ],
        out_specs=pl.BlockSpec((1, B, D), lambda k, r: (k, r, 0)),
        out_shape=jax.ShapeDtypeStruct((2, N, D), jnp.float32),
    )(agg, deg, x_cat, wl, b, wr)


def _prep_idx(e, pad_val):
    a = e.astype(jnp.int32).reshape(NUM_CHUNKS, CHUNK)
    pad = jnp.full((PAD_CHUNKS - NUM_CHUNKS, CHUNK), pad_val, jnp.int32)
    a = jnp.concatenate([a, pad], 0).reshape(T, NUM_SUBCORES, CHUNK)
    return a.transpose(1, 0, 2)


def kernel(x_s, x_t, s2t_edge_index, t2s_edge_index,
           Wl1s, bl1s, Wr1s, Wl1t, bl1t, Wr1t,
           Wl2s, bl2s, Wr2s, Wl2t, bl2t, Wr2t):
    x_cat = jnp.stack([x_t, x_s])
    src_cat = jnp.stack([_prep_idx(t2s_edge_index[0], 0),
                         _prep_idx(s2t_edge_index[0], 0)])
    dst_cat = jnp.stack([_prep_idx(t2s_edge_index[1], N),
                         _prep_idx(s2t_edge_index[1], N)])

    zrows = jnp.zeros((CHUNK, D), jnp.float32)
    oz = jnp.stack([jnp.ones((CHUNK, D), jnp.float32), zrows])

    deg = _sc_deg(dst_cat, oz)
    agg1 = _sc_agg(x_cat, src_cat, dst_cat, zrows)

    wl1 = jnp.stack([Wl1t, Wl1s])
    b1 = jnp.stack([bl1t, bl1s]).reshape(2, 1, D)
    wr1 = jnp.stack([Wr1t, Wr1s])
    h = _tc_linear(agg1, deg, x_cat, wl1, b1, wr1, agg_other=True,
                   x_other=False)

    agg2 = _sc_agg(h, src_cat, dst_cat, zrows)

    wl2 = jnp.stack([Wl2s, Wl2t])
    b2 = jnp.stack([bl2s, bl2t]).reshape(2, 1, D)
    wr2 = jnp.stack([Wr2s, Wr2t])
    z = _tc_linear(agg2, deg, h, wl2, b2, wr2, agg_other=False, x_other=True)

    return (z[0], z[1])

# --- scband reference (transcript-rebuilt; emitter-appended) ---
"""Pipeline reference for scband-sage-51677046505876 (READ-ONLY COPY).

The authoritative reference and input builder live on the scoring server;
editing this copy changes nothing except your own understanding.
"""

import jax, jax.numpy as jnp
import numpy as np

N_S = 10000
N_T = 10000
E = 320000
D_IN = 128
D_HID = 128
D_OUT = 128


def _sage_conv(x_src, x_dst, edge_index, W_l, b_l, W_r):
    # PyG SAGEConv (aggr='mean', root_weight=True, normalize=False) on bipartite input
    src = edge_index[0]
    dst = edge_index[1]
    n_dst = x_dst.shape[0]
    msgs = jnp.take(x_src, src, axis=0)
    agg = jax.ops.segment_sum(msgs, dst, num_segments=n_dst)
    deg = jax.ops.segment_sum(jnp.ones((edge_index.shape[1],), x_src.dtype), dst, num_segments=n_dst)
    mean = agg / jnp.clip(deg, 1.0)[:, None]
    return mean @ W_l.T + b_l + x_dst @ W_r.T


def _make_conv_params(key, d_in, d_out):
    k1, k2, k3 = jax.random.split(key, 3)
    s = 1.0 / np.sqrt(d_in)
    W_l = jax.random.uniform(k1, (d_out, d_in), jnp.float32, -s, s)
    b_l = jax.random.uniform(k2, (d_out,), jnp.float32, -s, s)
    W_r = jax.random.uniform(k3, (d_out, d_in), jnp.float32, -s, s)
    return W_l, b_l, W_r


def setup_inputs(seed: int = 0) -> dict:
    key = jax.random.key(seed)
    ks = jax.random.split(key, 10)
    x_s = jax.random.normal(ks[0], (N_S, D_IN), jnp.float32)
    x_t = jax.random.normal(ks[1], (N_T, D_IN), jnp.float32)
    s2t = jnp.stack([
        jax.random.randint(ks[2], (E,), 0, N_S),
        jax.random.randint(ks[3], (E,), 0, N_T),
    ]).astype(jnp.int64)
    t2s = jnp.stack([
        jax.random.randint(ks[4], (E,), 0, N_T),
        jax.random.randint(ks[5], (E,), 0, N_S),
    ]).astype(jnp.int64)
    W1s = _make_conv_params(ks[6], D_IN, D_HID)
    W1t = _make_conv_params(ks[7], D_IN, D_HID)
    W2s = _make_conv_params(ks[8], D_HID, D_OUT)
    W2t = _make_conv_params(ks[9], D_HID, D_OUT)
    return {
        'x_s': x_s, 'x_t': x_t,
        's2t_edge_index': s2t, 't2s_edge_index': t2s,
        'Wl1s': W1s[0], 'bl1s': W1s[1], 'Wr1s': W1s[2],
        'Wl1t': W1t[0], 'bl1t': W1t[1], 'Wr1t': W1t[2],
        'Wl2s': W2s[0], 'bl2s': W2s[1], 'Wr2s': W2s[2],
        'Wl2t': W2t[0], 'bl2t': W2t[1], 'Wr2t': W2t[2],
    }


def reference(x_s, x_t, s2t_edge_index, t2s_edge_index,
              Wl1s, bl1s, Wr1s, Wl1t, bl1t, Wr1t,
              Wl2s, bl2s, Wr2s, Wl2t, bl2t, Wr2t):
    # encode(): two bipartite SAGE layers per node type, no activation (as in source)
    x_new_s = _sage_conv(x_t, x_s, t2s_edge_index, Wl1s, bl1s, Wr1s)
    x_new_t = _sage_conv(x_s, x_t, s2t_edge_index, Wl1t, bl1t, Wr1t)
    z_s = _sage_conv(x_new_t, x_new_s, t2s_edge_index, Wl2s, bl2s, Wr2s)
    z_t = _sage_conv(x_new_s, x_new_t, s2t_edge_index, Wl2t, bl2t, Wr2t)
    return (z_s, z_t)

if __name__ == "__main__":
    import jax
    _d = setup_inputs()
    print(jax.jit(kernel)(*tuple(_d.values())))

</pallas_src>

<mosaic_0001>
#map = affine_map<(d0, d1) -> (0, 0, 0)>
#map1 = affine_map<(d0, d1) -> (0, 0, 0, 0)>
#map2 = affine_map<(d0, d1) -> (0, 0)>
module attributes {stable_mosaic.version = 14 : i64} {
  func.func @_sc_agg_body(%arg0: i32, %arg1: i32, %arg2: memref<2x10000x128xf32, #tpu.memory_space<hbm>>, %arg3: memref<2x16x160x128xi32, #tpu.memory_space<hbm>>, %arg4: memref<2x16x160x128xi32, #tpu.memory_space<hbm>>, %arg5: memref<128x128xf32, #tpu.memory_space<hbm>>, %arg6: memref<2x10000x128xf32, #tpu.memory_space<hbm>>, %arg7: memref<10008x128xf32, #tpu.memory_space<vmem_shared>>, %arg8: memref<40x128xi32, #tpu.memory_space<vmem>>, %arg9: memref<40x128xi32, #tpu.memory_space<vmem>>, %arg10: memref<128x128xf32, #tpu.memory_space<vmem>>, %arg11: memref<128x128xf32, #tpu.memory_space<vmem>>, %arg12: memref<!tpu.dma_semaphore, #tpu.memory_space<semaphore_mem>>, %arg13: memref<!tpu.dma_semaphore, #tpu.memory_space<semaphore_mem>>) attributes {dimension_semantics = [#tpu.dimension_semantics<core_parallel>, #tpu.dimension_semantics<subcore_parallel>], iteration_bounds = array<i64: 2, 16>, scalar_prefetch = 0 : i64, scratch_operands = 7 : i64, tpu.core_type = #tpu.core_type<sc_vector_subcore>, window_params = [{transform_indices = #map}, {transform_indices = #map1}, {transform_indices = #map1}, {transform_indices = #map2}, {transform_indices = #map}]} {
    "tpu.region"() ({
      %run_scoped3A = tpu.sem_alloc : memref<!tpu.dma_semaphore, #tpu.memory_space<semaphore_mem>>
      tpu.enqueue_dma source(%arg5 : memref<128x128xf32, #tpu.memory_space<hbm>>) target(%arg10 : memref<128x128xf32, #tpu.memory_space<vmem>>) target_semaphore(%run_scoped3A : memref<!tpu.dma_semaphore, #tpu.memory_space<semaphore_mem>>)
      tpu.wait_dma2 semaphore(%run_scoped3A : memref<!tpu.dma_semaphore, #tpu.memory_space<semaphore_mem>>) src(%arg5 : memref<128x128xf32, #tpu.memory_space<hbm>>) dst(%arg10 : memref<128x128xf32, #tpu.memory_space<vmem>>)
      tpu.yield
    }) : () -> ()
    %mul3A = arith.constant 624 : i32
    %mul3A_0 = arith.muli %arg1, %mul3A : i32
    %add3A = arith.constant 0 : i32
    %add3A_1 = arith.addi %mul3A_0, %add3A : i32
    "tpu.region"() ({
      %run_scoped3A = tpu.sem_alloc : memref<!tpu.dma_semaphore, #tpu.memory_space<semaphore_mem>>
      %dma_start3A = arith.constant 0 : i32
      %dma_start3A_35 = arith.constant 0 : i32
      %dma_start3A_36 = tpu.memref_slice %arg10[%dma_start3A, %dma_start3A_35] : memref<128x128xf32, #tpu.memory_space<vmem>> -> memref<128x128xf32, #tpu.memory_space<vmem>>
      %dma_start3A_37 = arith.constant 0 : i32
      %dma_start3A_38 = tpu.memref_slice %arg7[%add3A_1, %dma_start3A_37] : memref<10008x128xf32, #tpu.memory_space<vmem_shared>> -> memref<128x128xf32, #tpu.memory_space<vmem_shared>>
      %dma_start3A_39 = arith.constant 0 : i32
      %dma_start3A_40 = tpu.memref_slice %arg7[%add3A_1, %dma_start3A_39] : memref<10008x128xf32, #tpu.memory_space<vmem_shared>> -> memref<128x128xf32, #tpu.memory_space<vmem_shared>>
      %dma_start3A_41 = arith.constant 0 : i32
      %dma_start3A_42 = arith.constant 0 : i32
      %dma_start3A_43 = tpu.memref_slice %arg10[%dma_start3A_41, %dma_start3A_42] : memref<128x128xf32, #tpu.memory_space<vmem>> -> memref<128x128xf32, #tpu.memory_space<vmem>>
      tpu.enqueue_dma source(%dma_start3A_43 : memref<128x128xf32, #tpu.memory_space<vmem>>) target(%dma_start3A_40 : memref<128x128xf32, #tpu.memory_space<vmem_shared>>) target_semaphore(%run_scoped3A : memref<!tpu.dma_semaphore, #tpu.memory_space<semaphore_mem>>)
      %dma_wait3A = arith.constant 0 : i32
      %dma_wait3A_44 = arith.constant 0 : i32
      %dma_wait3A_45 = tpu.memref_slice %arg10[%dma_wait3A, %dma_wait3A_44] : memref<128x128xf32, #tpu.memory_space<vmem>> -> memref<128x128xf32, #tpu.memory_space<vmem>>
      %dma_wait3A_46 = arith.constant 0 : i32
      %dma_wait3A_47 = tpu.memref_slice %arg7[%add3A_1, %dma_wait3A_46] : memref<10008x128xf32, #tpu.memory_space<vmem_shared>> -> memref<128x128xf32, #tpu.memory_space<vmem_shared>>
      %dma_wait3A_48 = arith.constant 0 : i32
      %dma_wait3A_49 = tpu.memref_slice %arg7[%add3A_1, %dma_wait3A_48] : memref<10008x128xf32, #tpu.memory_space<vmem_shared>> -> memref<128x128xf32, #tpu.memory_space<vmem_shared>>
      %dma_wait3A_50 = arith.constant 0 : i32
      %dma_wait3A_51 = arith.constant 0 : i32
      %dma_wait3A_52 = tpu.memref_slice %arg10[%dma_wait3A_50, %dma_wait3A_51] : memref<128x128xf32, #tpu.memory_space<vmem>> -> memref<128x128xf32, #tpu.memory_space<vmem>>
      tpu.wait_dma2 semaphore(%run_scoped3A : memref<!tpu.dma_semaphore, #tpu.memory_space<semaphore_mem>>) src(%dma_wait3A_52 : memref<128x128xf32, #tpu.memory_space<vmem>>) dst(%dma_wait3A_49 : memref<128x128xf32, #tpu.memory_space<vmem_shared>>)
      tpu.yield
    }) : () -> ()
    %add3A_2 = arith.constant 128 : i32
    %add3A_3 = arith.addi %mul3A_0, %add3A_2 : i32
    "tpu.region"() ({
      %run_scoped3A = tpu.sem_alloc : memref<!tpu.dma_semaphore, #tpu.memory_space<semaphore_mem>>
      %dma_start3A = arith.constant 0 : i32
      %dma_start3A_35 = arith.constant 0 : i32
      %dma_start3A_36 = tpu.memref_slice %arg10[%dma_start3A, %dma_start3A_35] : memref<128x128xf32, #tpu.memory_space<vmem>> -> memref<128x128xf32, #tpu.memory_space<vmem>>
      %dma_start3A_37 = arith.constant 0 : i32
      %dma_start3A_38 = tpu.memref_slice %arg7[%add3A_3, %dma_start3A_37] : memref<10008x128xf32, #tpu.memory_space<vmem_shared>> -> memref<128x128xf32, #tpu.memory_space<vmem_shared>>
      %dma_start3A_39 = arith.constant 0 : i32
      %dma_start3A_40 = tpu.memref_slice %arg7[%add3A_3, %dma_start3A_39] : memref<10008x128xf32, #tpu.memory_space<vmem_shared>> -> memref<128x128xf32, #tpu.memory_space<vmem_shared>>
      %dma_start3A_41 = arith.constant 0 : i32
      %dma_start3A_42 = arith.constant 0 : i32
      %dma_start3A_43 = tpu.memref_slice %arg10[%dma_start3A_41, %dma_start3A_42] : memref<128x128xf32, #tpu.memory_space<vmem>> -> memref<128x128xf32, #tpu.memory_space<vmem>>
      tpu.enqueue_dma source(%dma_start3A_43 : memref<128x128xf32, #tpu.memory_space<vmem>>) target(%dma_start3A_40 : memref<128x128xf32, #tpu.memory_space<vmem_shared>>) target_semaphore(%run_scoped3A : memref<!tpu.dma_semaphore, #tpu.memory_space<semaphore_mem>>)
      %dma_wait3A = arith.constant 0 : i32
      %dma_wait3A_44 = arith.constant 0 : i32
      %dma_wait3A_45 = tpu.memref_slice %arg10[%dma_wait3A, %dma_wait3A_44] : memref<128x128xf32, #tpu.memory_space<vmem>> -> memref<128x128xf32, #tpu.memory_space<vmem>>
      %dma_wait3A_46 = arith.constant 0 : i32
      %dma_wait3A_47 = tpu.memref_slice %arg7[%add3A_3, %dma_wait3A_46] : memref<10008x128xf32, #tpu.memory_space<vmem_shared>> -> memref<128x128xf32, #tpu.memory_space<vmem_shared>>
      %dma_wait3A_48 = arith.constant 0 : i32
      %dma_wait3A_49 = tpu.memref_slice %arg7[%add3A_3, %dma_wait3A_48] : memref<10008x128xf32, #tpu.memory_space<vmem_shared>> -> memref<128x128xf32, #tpu.memory_space<vmem_shared>>
      %dma_wait3A_50 = arith.constant 0 : i32
      %dma_wait3A_51 = arith.constant 0 : i32
      %dma_wait3A_52 = tpu.memref_slice %arg10[%dma_wait3A_50, %dma_wait3A_51] : memref<128x128xf32, #tpu.memory_space<vmem>> -> memref<128x128xf32, #tpu.memory_space<vmem>>
      tpu.wait_dma2 semaphore(%run_scoped3A : memref<!tpu.dma_semaphore, #tpu.memory_space<semaphore_mem>>) src(%dma_wait3A_52 : memref<128x128xf32, #tpu.memory_space<vmem>>) dst(%dma_wait3A_49 : memref<128x128xf32, #tpu.memory_space<vmem_shared>>)
      tpu.yield
    }) : () -> ()
    %add3A_4 = arith.constant 256 : i32
    %add3A_5 = arith.addi %mul3A_0, %add3A_4 : i32
    "tpu.region"() ({
      %run_scoped3A = tpu.sem_alloc : memref<!tpu.dma_semaphore, #tpu.memory_space<semaphore_mem>>
      %dma_start3A = arith.constant 0 : i32
      %dma_start3A_35 = arith.constant 0 : i32
      %dma_start3A_36 = tpu.memref_slice %arg10[%dma_start3A, %dma_start3A_35] : memref<128x128xf32, #tpu.memory_space<vmem>> -> memref<128x128xf32, #tpu.memory_space<vmem>>
      %dma_start3A_37 = arith.constant 0 : i32
      %dma_start3A_38 = tpu.memref_slice %arg7[%add3A_5, %dma_start3A_37] : memref<10008x128xf32, #tpu.memory_space<vmem_shared>> -> memref<128x128xf32, #tpu.memory_space<vmem_shared>>
      %dma_start3A_39 = arith.constant 0 : i32
      %dma_start3A_40 = tpu.memref_slice %arg7[%add3A_5, %dma_start3A_39] : memref<10008x128xf32, #tpu.memory_space<vmem_shared>> -> memref<128x128xf32, #tpu.memory_space<vmem_shared>>
      %dma_start3A_41 = arith.constant 0 : i32
      %dma_start3A_42 = arith.constant 0 : i32
      %dma_start3A_43 = tpu.memref_slice %arg10[%dma_start3A_41, %dma_start3A_42] : memref<128x128xf32, #tpu.memory_space<vmem>> -> memref<128x128xf32, #tpu.memory_space<vmem>>
      tpu.enqueue_dma source(%dma_start3A_43 : memref<128x128xf32, #tpu.memory_space<vmem>>) target(%dma_start3A_40 : memref<128x128xf32, #tpu.memory_space<vmem_shared>>) target_semaphore(%run_scoped3A : memref<!tpu.dma_semaphore, #tpu.memory_space<semaphore_mem>>)
      %dma_wait3A = arith.constant 0 : i32
      %dma_wait3A_44 = arith.constant 0 : i32
      %dma_wait3A_45 = tpu.memref_slice %arg10[%dma_wait3A, %dma_wait3A_44] : memref<128x128xf32, #tpu.memory_space<vmem>> -> memref<128x128xf32, #tpu.memory_space<vmem>>
      %dma_wait3A_46 = arith.constant 0 : i32
      %dma_wait3A_47 = tpu.memref_slice %arg7[%add3A_5, %dma_wait3A_46] : memref<10008x128xf32, #tpu.memory_space<vmem_shared>> -> memref<128x128xf32, #tpu.memory_space<vmem_shared>>
      %dma_wait3A_48 = arith.constant 0 : i32
      %dma_wait3A_49 = tpu.memref_slice %arg7[%add3A_5, %dma_wait3A_48] : memref<10008x128xf32, #tpu.memory_space<vmem_shared>> -> memref<128x128xf32, #tpu.memory_space<vmem_shared>>
      %dma_wait3A_50 = arith.constant 0 : i32
      %dma_wait3A_51 = arith.constant 0 : i32
      %dma_wait3A_52 = tpu.memref_slice %arg10[%dma_wait3A_50, %dma_wait3A_51] : memref<128x128xf32, #tpu.memory_space<vmem>> -> memref<128x128xf32, #tpu.memory_space<vmem>>
      tpu.wait_dma2 semaphore(%run_scoped3A : memref<!tpu.dma_semaphore, #tpu.memory_space<semaphore_mem>>) src(%dma_wait3A_52 : memref<128x128xf32, #tpu.memory_space<vmem>>) dst(%dma_wait3A_49 : memref<128x128xf32, #tpu.memory_space<vmem_shared>>)
      tpu.yield
    }) : () -> ()
    %add3A_6 = arith.constant 384 : i32
    %add3A_7 = arith.addi %mul3A_0, %add3A_6 : i32
    "tpu.region"() ({
      %run_scoped3A = tpu.sem_alloc : memref<!tpu.dma_semaphore, #tpu.memory_space<semaphore_mem>>
      %dma_start3A = arith.constant 0 : i32
      %dma_start3A_35 = arith.constant 0 : i32
      %dma_start3A_36 = tpu.memref_slice %arg10[%dma_start3A, %dma_start3A_35] : memref<128x128xf32, #tpu.memory_space<vmem>> -> memref<128x128xf32, #tpu.memory_space<vmem>>
      %dma_start3A_37 = arith.constant 0 : i32
      %dma_start3A_38 = tpu.memref_slice %arg7[%add3A_7, %dma_start3A_37] : memref<10008x128xf32, #tpu.memory_space<vmem_shared>> -> memref<128x128xf32, #tpu.memory_space<vmem_shared>>
      %dma_start3A_39 = arith.constant 0 : i32
      %dma_start3A_40 = tpu.memref_slice %arg7[%add3A_7, %dma_start3A_39] : memref<10008x128xf32, #tpu.memory_space<vmem_shared>> -> memref<128x128xf32, #tpu.memory_space<vmem_shared>>
      %dma_start3A_41 = arith.constant 0 : i32
      %dma_start3A_42 = arith.constant 0 : i32
      %dma_start3A_43 = tpu.memref_slice %arg10[%dma_start3A_41, %dma_start3A_42] : memref<128x128xf32, #tpu.memory_space<vmem>> -> memref<128x128xf32, #tpu.memory_space<vmem>>
      tpu.enqueue_dma source(%dma_start3A_43 : memref<128x128xf32, #tpu.memory_space<vmem>>) target(%dma_start3A_40 : memref<128x128xf32, #tpu.memory_space<vmem_shared>>) target_semaphore(%run_scoped3A : memref<!tpu.dma_semaphore, #tpu.memory_space<semaphore_mem>>)
      %dma_wait3A = arith.constant 0 : i32
      %dma_wait3A_44 = arith.constant 0 : i32
      %dma_wait3A_45 = tpu.memref_slice %arg10[%dma_wait3A, %dma_wait3A_44] : memref<128x128xf32, #tpu.memory_space<vmem>> -> memref<128x128xf32, #tpu.memory_space<vmem>>
      %dma_wait3A_46 = arith.constant 0 : i32
      %dma_wait3A_47 = tpu.memref_slice %arg7[%add3A_7, %dma_wait3A_46] : memref<10008x128xf32, #tpu.memory_space<vmem_shared>> -> memref<128x128xf32, #tpu.memory_space<vmem_shared>>
      %dma_wait3A_48 = arith.constant 0 : i32
      %dma_wait3A_49 = tpu.memref_slice %arg7[%add3A_7, %dma_wait3A_48] : memref<10008x128xf32, #tpu.memory_space<vmem_shared>> -> memref<128x128xf32, #tpu.memory_space<vmem_shared>>
      %dma_wait3A_50 = arith.constant 0 : i32
      %dma_wait3A_51 = arith.constant 0 : i32
      %dma_wait3A_52 = tpu.memref_slice %arg10[%dma_wait3A_50, %dma_wait3A_51] : memref<128x128xf32, #tpu.memory_space<vmem>> -> memref<128x128xf32, #tpu.memory_space<vmem>>
      tpu.wait_dma2 semaphore(%run_scoped3A : memref<!tpu.dma_semaphore, #tpu.memory_space<semaphore_mem>>) src(%dma_wait3A_52 : memref<128x128xf32, #tpu.memory_space<vmem>>) dst(%dma_wait3A_49 : memref<128x128xf32, #tpu.memory_space<vmem_shared>>)
      tpu.yield
    }) : () -> ()
    %add3A_8 = arith.constant 512 : i32
    %add3A_9 = arith.addi %mul3A_0, %add3A_8 : i32
    "tpu.region"() ({
      %run_scoped3A = tpu.sem_alloc : memref<!tpu.dma_semaphore, #tpu.memory_space<semaphore_mem>>
      %dma_start3A = arith.constant 0 : i32
      %dma_start3A_35 = arith.constant 0 : i32
      %dma_start3A_36 = tpu.memref_slice %arg10[%dma_start3A, %dma_start3A_35] : memref<128x128xf32, #tpu.memory_space<vmem>> -> memref<112x128xf32, #tpu.memory_space<vmem>>
      %dma_start3A_37 = arith.constant 0 : i32
      %dma_start3A_38 = tpu.memref_slice %arg7[%add3A_9, %dma_start3A_37] : memref<10008x128xf32, #tpu.memory_space<vmem_shared>> -> memref<112x128xf32, #tpu.memory_space<vmem_shared>>
      %dma_start3A_39 = arith.constant 0 : i32
      %dma_start3A_40 = tpu.memref_slice %arg7[%add3A_9, %dma_start3A_39] : memref<10008x128xf32, #tpu.memory_space<vmem_shared>> -> memref<112x128xf32, #tpu.memory_space<vmem_shared>>
      %dma_start3A_41 = arith.constant 0 : i32
      %dma_start3A_42 = arith.constant 0 : i32
      %dma_start3A_43 = tpu.memref_slice %arg10[%dma_start3A_41, %dma_start3A_42] : memref<128x128xf32, #tpu.memory_space<vmem>> -> memref<112x128xf32, #tpu.memory_space<vmem>>
      tpu.enqueue_dma source(%dma_start3A_43 : memref<112x128xf32, #tpu.memory_space<vmem>>) target(%dma_start3A_40 : memref<112x128xf32, #tpu.memory_space<vmem_shared>>) target_semaphore(%run_scoped3A : memref<!tpu.dma_semaphore, #tpu.memory_space<semaphore_mem>>)
      %dma_wait3A = arith.constant 0 : i32
      %dma_wait3A_44 = arith.constant 0 : i32
      %dma_wait3A_45 = tpu.memref_slice %arg10[%dma_wait3A, %dma_wait3A_44] : memref<128x128xf32, #tpu.memory_space<vmem>> -> memref<112x128xf32, #tpu.memory_space<vmem>>
      %dma_wait3A_46 = arith.constant 0 : i32
      %dma_wait3A_47 = tpu.memref_slice %arg7[%add3A_9, %dma_wait3A_46] : memref<10008x128xf32, #tpu.memory_space<vmem_shared>> -> memref<112x128xf32, #tpu.memory_space<vmem_shared>>
      %dma_wait3A_48 = arith.constant 0 : i32
      %dma_wait3A_49 = tpu.memref_slice %arg7[%add3A_9, %dma_wait3A_48] : memref<10008x128xf32, #tpu.memory_space<vmem_shared>> -> memref<112x128xf32, #tpu.memory_space<vmem_shared>>
      %dma_wait3A_50 = arith.constant 0 : i32
      %dma_wait3A_51 = arith.constant 0 : i32
      %dma_wait3A_52 = tpu.memref_slice %arg10[%dma_wait3A_50, %dma_wait3A_51] : memref<128x128xf32, #tpu.memory_space<vmem>> -> memref<112x128xf32, #tpu.memory_space<vmem>>
      tpu.wait_dma2 semaphore(%run_scoped3A : memref<!tpu.dma_semaphore, #tpu.memory_space<semaphore_mem>>) src(%dma_wait3A_52 : memref<112x128xf32, #tpu.memory_space<vmem>>) dst(%dma_wait3A_49 : memref<112x128xf32, #tpu.memory_space<vmem_shared>>)
      tpu.yield
    }) : () -> ()
    %eq3A = arith.constant 15 : i32
    %eq3A_10 = arith.cmpi eq, %arg1, %eq3A : i32
    %convert_element_type3A = arith.extui %eq3A_10 : i1 to i32
    %cond3A = arith.constant 0 : i32
    %cond3A_11 = arith.cmpi ne, %convert_element_type3A, %cond3A : i32
    scf.if %cond3A_11 {
      "tpu.region"() ({
        %run_scoped3A = tpu.sem_alloc : memref<!tpu.dma_semaphore, #tpu.memory_space<semaphore_mem>>
        %dma_start3A = arith.constant 0 : i32
        %dma_start3A_35 = arith.constant 0 : i32
        %dma_start3A_36 = tpu.memref_slice %arg10[%dma_start3A, %dma_start3A_35] : memref<128x128xf32, #tpu.memory_space<vmem>> -> memref<16x128xf32, #tpu.memory_space<vmem>>
        %dma_start3A_37 = arith.constant 9984 : i32
        %dma_start3A_38 = arith.constant 0 : i32
        %dma_start3A_39 = tpu.memref_slice %arg7[%dma_start3A_37, %dma_start3A_38] : memref<10008x128xf32, #tpu.memory_space<vmem_shared>> -> memref<16x128xf32, #tpu.memory_space<vmem_shared>>
        %dma_start3A_40 = arith.constant 9984 : i32
        %dma_start3A_41 = arith.constant 0 : i32
        %dma_start3A_42 = tpu.memref_slice %arg7[%dma_start3A_40, %dma_start3A_41] : memref<10008x128xf32, #tpu.memory_space<vmem_shared>> -> memref<16x128xf32, #tpu.memory_space<vmem_shared>>
        %dma_start3A_43 = arith.constant 0 : i32
        %dma_start3A_44 = arith.constant 0 : i32
        %dma_start3A_45 = tpu.memref_slice %arg10[%dma_start3A_43, %dma_start3A_44] : memref<128x128xf32, #tpu.memory_space<vmem>> -> memref<16x128xf32, #tpu.memory_space<vmem>>
        tpu.enqueue_dma source(%dma_start3A_45 : memref<16x128xf32, #tpu.memory_space<vmem>>) target(%dma_start3A_42 : memref<16x128xf32, #tpu.memory_space<vmem_shared>>) target_semaphore(%run_scoped3A : memref<!tpu.dma_semaphore, #tpu.memory_space<semaphore_mem>>)
        %dma_wait3A = arith.constant 0 : i32
        %dma_wait3A_46 = arith.constant 0 : i32
        %dma_wait3A_47 = tpu.memref_slice %arg10[%dma_wait3A, %dma_wait3A_46] : memref<128x128xf32, #tpu.memory_space<vmem>> -> memref<16x128xf32, #tpu.memory_space<vmem>>
        %dma_wait3A_48 = arith.constant 9984 : i32
        %dma_wait3A_49 = arith.constant 0 : i32
        %dma_wait3A_50 = tpu.memref_slice %arg7[%dma_wait3A_48, %dma_wait3A_49] : memref<10008x128xf32, #tpu.memory_space<vmem_shared>> -> memref<16x128xf32, #tpu.memory_space<vmem_shared>>
        %dma_wait3A_51 = arith.constant 9984 : i32
        %dma_wait3A_52 = arith.constant 0 : i32
        %dma_wait3A_53 = tpu.memref_slice %arg7[%dma_wait3A_51, %dma_wait3A_52] : memref<10008x128xf32, #tpu.memory_space<vmem_shared>> -> memref<16x128xf32, #tpu.memory_space<vmem_shared>>
        %dma_wait3A_54 = arith.constant 0 : i32
        %dma_wait3A_55 = arith.constant 0 : i32
        %dma_wait3A_56 = tpu.memref_slice %arg10[%dma_wait3A_54, %dma_wait3A_55] : memref<128x128xf32, #tpu.memory_space<vmem>> -> memref<16x128xf32, #tpu.memory_space<vmem>>
        tpu.wait_dma2 semaphore(%run_scoped3A : memref<!tpu.dma_semaphore, #tpu.memory_space<semaphore_mem>>) src(%dma_wait3A_56 : memref<16x128xf32, #tpu.memory_space<vmem>>) dst(%dma_wait3A_53 : memref<16x128xf32, #tpu.memory_space<vmem_shared>>)
        tpu.yield
      }) : () -> ()
    } else {
    }
    %barrier3A = arith.constant 0 : index
    tpu.barrier barrier_id(%barrier3A)
    %scan3A = arith.constant 0 : i32
    %scan3A_12 = arith.constant 0 : i32
    %scan3A_13 = arith.constant 4 : i32
    %scan3A_14 = arith.addi %scan3A_12, %scan3A_13 : i32
    %scan3A_15 = arith.constant 1 : i32
    scf.for %scan3A_35 = %scan3A_12 to %scan3A_14 step %scan3A_15  : i32 {
      %mul3A_36 = arith.constant 40 : i32
      %mul3A_37 = arith.muli %scan3A_35, %mul3A_36 : i32
      "tpu.region"() ({
        %run_scoped3A_89 = tpu.sem_alloc : memref<!tpu.dma_semaphore, #tpu.memory_space<semaphore_mem>>
        %dma_start3A_90 = arith.constant 0 : i32
        %dma_start3A_91 = tpu.memref_slice %arg3[%arg0, %arg1, %mul3A_37, %dma_start3A_90] : memref<2x16x160x128xi32, #tpu.memory_space<hbm>> -> memref<1x1x40x128xi32, #tpu.memory_space<hbm>>
        %dma_start3A_92 = tpu.memref_squeeze %dma_start3A_91 : memref<1x1x40x128xi32, #tpu.memory_space<hbm>> -> memref<40x128xi32, #tpu.memory_space<hbm>>
        %dma_start3A_93 = arith.constant 0 : i32
        %dma_start3A_94 = tpu.memref_slice %arg3[%arg0, %arg1, %mul3A_37, %dma_start3A_93] : memref<2x16x160x128xi32, #tpu.memory_space<hbm>> -> memref<1x1x40x128xi32, #tpu.memory_space<hbm>>
        %dma_start3A_95 = tpu.memref_squeeze %dma_start3A_94 : memref<1x1x40x128xi32, #tpu.memory_space<hbm>> -> memref<40x128xi32, #tpu.memory_space<hbm>>
        tpu.enqueue_dma source(%dma_start3A_95 : memref<40x128xi32, #tpu.memory_space<hbm>>) target(%arg8 : memref<40x128xi32, #tpu.memory_space<vmem>>) target_semaphore(%run_scoped3A_89 : memref<!tpu.dma_semaphore, #tpu.memory_space<semaphore_mem>>)
        %dma_wait3A_96 = arith.constant 0 : i32
        %dma_wait3A_97 = tpu.memref_slice %arg3[%arg0, %arg1, %mul3A_37, %dma_wait3A_96] : memref<2x16x160x128xi32, #tpu.memory_space<hbm>> -> memref<1x1x40x128xi32, #tpu.memory_space<hbm>>
        %dma_wait3A_98 = tpu.memref_squeeze %dma_wait3A_97 : memref<1x1x40x128xi32, #tpu.memory_space<hbm>> -> memref<40x128xi32, #tpu.memory_space<hbm>>
        %dma_wait3A_99 = arith.constant 0 : i32
        %dma_wait3A_100 = tpu.memref_slice %arg3[%arg0, %arg1, %mul3A_37, %dma_wait3A_99] : memref<2x16x160x128xi32, #tpu.memory_space<hbm>> -> memref<1x1x40x128xi32, #tpu.memory_space<hbm>>
        %dma_wait3A_101 = tpu.memref_squeeze %dma_wait3A_100 : memref<1x1x40x128xi32, #tpu.memory_space<hbm>> -> memref<40x128xi32, #tpu.memory_space<hbm>>
        tpu.wait_dma2 semaphore(%run_scoped3A_89 : memref<!tpu.dma_semaphore, #tpu.memory_space<semaphore_mem>>) src(%dma_wait3A_101 : memref<40x128xi32, #tpu.memory_space<hbm>>) dst(%arg8 : memref<40x128xi32, #tpu.memory_space<vmem>>)
        tpu.yield
      }) : () -> ()
      %mul3A_38 = arith.constant 40 : i32
      %mul3A_39 = arith.muli %scan3A_35, %mul3A_38 : i32
      "tpu.region"() ({
        %run_scoped3A_89 = tpu.sem_alloc : memref<!tpu.dma_semaphore, #tpu.memory_space<semaphore_mem>>
        %dma_start3A_90 = arith.constant 0 : i32
        %dma_start3A_91 = tpu.memref_slice %arg4[%arg0, %arg1, %mul3A_39, %dma_start3A_90] : memref<2x16x160x128xi32, #tpu.memory_space<hbm>> -> memref<1x1x40x128xi32, #tpu.memory_space<hbm>>
        %dma_start3A_92 = tpu.memref_squeeze %dma_start3A_91 : memref<1x1x40x128xi32, #tpu.memory_space<hbm>> -> memref<40x128xi32, #tpu.memory_space<hbm>>
        %dma_start3A_93 = arith.constant 0 : i32
        %dma_start3A_94 = tpu.memref_slice %arg4[%arg0, %arg1, %mul3A_39, %dma_start3A_93] : memref<2x16x160x128xi32, #tpu.memory_space<hbm>> -> memref<1x1x40x128xi32, #tpu.memory_space<hbm>>
        %dma_start3A_95 = tpu.memref_squeeze %dma_start3A_94 : memref<1x1x40x128xi32, #tpu.memory_space<hbm>> -> memref<40x128xi32, #tpu.memory_space<hbm>>
        tpu.enqueue_dma source(%dma_start3A_95 : memref<40x128xi32, #tpu.memory_space<hbm>>) target(%arg9 : memref<40x128xi32, #tpu.memory_space<vmem>>) target_semaphore(%run_scoped3A_89 : memref<!tpu.dma_semaphore, #tpu.memory_space<semaphore_mem>>)
        %dma_wait3A_96 = arith.constant 0 : i32
        %dma_wait3A_97 = tpu.memref_slice %arg4[%arg0, %arg1, %mul3A_39, %dma_wait3A_96] : memref<2x16x160x128xi32, #tpu.memory_space<hbm>> -> memref<1x1x40x128xi32, #tpu.memory_space<hbm>>
        %dma_wait3A_98 = tpu.memref_squeeze %dma_wait3A_97 : memref<1x1x40x128xi32, #tpu.memory_space<hbm>> -> memref<40x128xi32, #tpu.memory_space<hbm>>
        %dma_wait3A_99 = arith.constant 0 : i32
        %dma_wait3A_100 = tpu.memref_slice %arg4[%arg0, %arg1, %mul3A_39, %dma_wait3A_99] : memref<2x16x160x128xi32, #tpu.memory_space<hbm>> -> memref<1x1x40x128xi32, #tpu.memory_space<hbm>>
        %dma_wait3A_101 = tpu.memref_squeeze %dma_wait3A_100 : memref<1x1x40x128xi32, #tpu.memory_space<hbm>> -> memref<40x128xi32, #tpu.memory_space<hbm>>
        tpu.wait_dma2 semaphore(%run_scoped3A_89 : memref<!tpu.dma_semaphore, #tpu.memory_space<semaphore_mem>>) src(%dma_wait3A_101 : memref<40x128xi32, #tpu.memory_space<hbm>>) dst(%arg9 : memref<40x128xi32, #tpu.memory_space<vmem>>)
        tpu.yield
      }) : () -> ()
      %dma_start3A = arith.constant 0 : i32
      %dma_start3A_40 = arith.constant 0 : i32
      %dma_start3A_41 = tpu.memref_slice %arg8[%dma_start3A, %dma_start3A_40] : memref<40x128xi32, #tpu.memory_space<vmem>> -> memref<1x128xi32, #tpu.memory_space<vmem>>
      %dma_start3A_42 = tpu.memref_squeeze %dma_start3A_41 : memref<1x128xi32, #tpu.memory_space<vmem>> -> memref<128xi32, #tpu.memory_space<vmem>>
      %dma_start3A_43 = arith.constant 0 : i32
      %dma_start3A_44 = arith.constant 0 : i32
      %dma_start3A_45 = tpu.memref_slice %arg2[%arg0, %dma_start3A_43, %dma_start3A_44] : memref<2x10000x128xf32, #tpu.memory_space<hbm>> -> memref<1x10000x128xf32, #tpu.memory_space<hbm>>
      %dma_start3A_46 = tpu.memref_squeeze %dma_start3A_45 : memref<1x10000x128xf32, #tpu.memory_space<hbm>> -> memref<10000x128xf32, #tpu.memory_space<hbm>>
      %dma_start3A_47 = arith.constant 0 : i32
      %dma_start3A_48 = arith.constant 0 : i32
      %dma_start3A_49 = tpu.memref_slice %dma_start3A_46[%dma_start3A_47, %dma_start3A_48] : memref<10000x128xf32, #tpu.memory_space<hbm>> -> memref<10000x128xf32, #tpu.memory_space<hbm>>
      tpu.enqueue_indirect_dma source(%dma_start3A_49 : memref<10000x128xf32, #tpu.memory_space<hbm>>) target(%arg10 : memref<128x128xf32, #tpu.memory_space<vmem>>) offsets(%dma_start3A_42 : memref<128xi32, #tpu.memory_space<vmem>>) semaphore(%arg12 : memref<!tpu.dma_semaphore, #tpu.memory_space<semaphore_mem>>)
      %dma_start3A_50 = arith.constant 1 : i32
      %dma_start3A_51 = arith.constant 0 : i32
      %dma_start3A_52 = tpu.memref_slice %arg8[%dma_start3A_50, %dma_start3A_51] : memref<40x128xi32, #tpu.memory_space<vmem>> -> memref<1x128xi32, #tpu.memory_space<vmem>>
      %dma_start3A_53 = tpu.memref_squeeze %dma_start3A_52 : memref<1x128xi32, #tpu.memory_space<vmem>> -> memref<128xi32, #tpu.memory_space<vmem>>
      %dma_start3A_54 = arith.constant 0 : i32
      %dma_start3A_55 = arith.constant 0 : i32
      %dma_start3A_56 = tpu.memref_slice %arg2[%arg0, %dma_start3A_54, %dma_start3A_55] : memref<2x10000x128xf32, #tpu.memory_space<hbm>> -> memref<1x10000x128xf32, #tpu.memory_space<hbm>>
      %dma_start3A_57 = tpu.memref_squeeze %dma_start3A_56 : memref<1x10000x128xf32, #tpu.memory_space<hbm>> -> memref<10000x128xf32, #tpu.memory_space<hbm>>
      %dma_start3A_58 = arith.constant 0 : i32
      %dma_start3A_59 = arith.constant 0 : i32
      %dma_start3A_60 = tpu.memref_slice %dma_start3A_57[%dma_start3A_58, %dma_start3A_59] : memref<10000x128xf32, #tpu.memory_space<hbm>> -> memref<10000x128xf32, #tpu.memory_space<hbm>>
      tpu.enqueue_indirect_dma source(%dma_start3A_60 : memref<10000x128xf32, #tpu.memory_space<hbm>>) target(%arg11 : memref<128x128xf32, #tpu.memory_space<vmem>>) offsets(%dma_start3A_53 : memref<128xi32, #tpu.memory_space<vmem>>) semaphore(%arg13 : memref<!tpu.dma_semaphore, #tpu.memory_space<semaphore_mem>>)
      %scan3A_61 = arith.constant 0 : i32
      %scan3A_62 = arith.constant 0 : i32
      %scan3A_63 = arith.constant 19 : i32
      %scan3A_64 = arith.addi %scan3A_62, %scan3A_63 : i32
      %scan3A_65 = arith.constant 1 : i32
      scf.for %scan3A_89 = %scan3A_62 to %scan3A_64 step %scan3A_65  : i32 {
        %mul3A_90 = arith.constant 2 : i32
        %mul3A_91 = arith.muli %mul3A_90, %scan3A_89 : i32
        %dma_wait3A_92 = arith.constant 0 : i32
        %dma_wait3A_93 = tpu.memref_slice %arg8[%mul3A_91, %dma_wait3A_92] : memref<40x128xi32, #tpu.memory_space<vmem>> -> memref<1x128xi32, #tpu.memory_space<vmem>>
        %dma_wait3A_94 = tpu.memref_squeeze %dma_wait3A_93 : memref<1x128xi32, #tpu.memory_space<vmem>> -> memref<128xi32, #tpu.memory_space<vmem>>
        %dma_wait3A_95 = arith.constant 0 : i32
        %dma_wait3A_96 = arith.constant 0 : i32
        %dma_wait3A_97 = tpu.memref_slice %arg2[%arg0, %dma_wait3A_95, %dma_wait3A_96] : memref<2x10000x128xf32, #tpu.memory_space<hbm>> -> memref<1x10000x128xf32, #tpu.memory_space<hbm>>
        %dma_wait3A_98 = tpu.memref_squeeze %dma_wait3A_97 : memref<1x10000x128xf32, #tpu.memory_space<hbm>> -> memref<10000x128xf32, #tpu.memory_space<hbm>>
        %dma_wait3A_99 = arith.constant 0 : i32
        %dma_wait3A_100 = arith.constant 0 : i32
        %dma_wait3A_101 = tpu.memref_slice %dma_wait3A_98[%dma_wait3A_99, %dma_wait3A_100] : memref<10000x128xf32, #tpu.memory_space<hbm>> -> memref<10000x128xf32, #tpu.memory_space<hbm>>
        tpu.wait_indirect_dma semaphore(%arg12 : memref<!tpu.dma_semaphore, #tpu.memory_space<semaphore_mem>>) src(%dma_wait3A_101 : memref<10000x128xf32, #tpu.memory_space<hbm>>) dst(%arg10 : memref<128x128xf32, #tpu.memory_space<vmem>>)
        "tpu.region"() ({
          %run_scoped3A_140 = tpu.sem_alloc : memref<!tpu.dma_semaphore, #tpu.memory_space<semaphore_mem>>
          %dma_start3A_141 = arith.constant 0 : i32
          %dma_start3A_142 = tpu.memref_slice %arg9[%mul3A_91, %dma_start3A_141] : memref<40x128xi32, #tpu.memory_space<vmem>> -> memref<1x128xi32, #tpu.memory_space<vmem>>
          %dma_start3A_143 = tpu.memref_squeeze %dma_start3A_142 : memref<1x128xi32, #tpu.memory_space<vmem>> -> memref<128xi32, #tpu.memory_space<vmem>>
          %dma_start3A_144 = arith.constant 0 : i32
          %dma_start3A_145 = arith.constant 0 : i32
          %dma_start3A_146 = tpu.memref_slice %arg7[%dma_start3A_144, %dma_start3A_145] : memref<10008x128xf32, #tpu.memory_space<vmem_shared>> -> memref<10008x128xf32, #tpu.memory_space<vmem_shared>>
          tpu.enqueue_indirect_dma source(%arg10 : memref<128x128xf32, #tpu.memory_space<vmem>>) target(%dma_start3A_146 : memref<10008x128xf32, #tpu.memory_space<vmem_shared>>) offsets(%dma_start3A_143 : memref<128xi32, #tpu.memory_space<vmem>>) semaphore(%run_scoped3A_140 : memref<!tpu.dma_semaphore, #tpu.memory_space<semaphore_mem>>) {add = true}
          %dma_wait3A_147 = arith.constant 0 : i32
          %dma_wait3A_148 = tpu.memref_slice %arg9[%mul3A_91, %dma_wait3A_147] : memref<40x128xi32, #tpu.memory_space<vmem>> -> memref<1x128xi32, #tpu.memory_space<vmem>>
          %dma_wait3A_149 = tpu.memref_squeeze %dma_wait3A_148 : memref<1x128xi32, #tpu.memory_space<vmem>> -> memref<128xi32, #tpu.memory_space<vmem>>
          %dma_wait3A_150 = arith.constant 0 : i32
          %dma_wait3A_151 = arith.constant 0 : i32
          %dma_wait3A_152 = tpu.memref_slice %arg7[%dma_wait3A_150, %dma_wait3A_151] : memref<10008x128xf32, #tpu.memory_space<vmem_shared>> -> memref<10008x128xf32, #tpu.memory_space<vmem_shared>>
          tpu.wait_indirect_dma semaphore(%run_scoped3A_140 : memref<!tpu.dma_semaphore, #tpu.memory_space<semaphore_mem>>) src(%arg10 : memref<128x128xf32, #tpu.memory_space<vmem>>) dst(%dma_wait3A_152 : memref<10008x128xf32, #tpu.memory_space<vmem_shared>>)
          tpu.yield
        }) : () -> ()
        %add3A_102 = arith.constant 2 : i32
        %add3A_103 = arith.addi %mul3A_91, %add3A_102 : i32
        %dma_start3A_104 = arith.constant 0 : i32
        %dma_start3A_105 = tpu.memref_slice %arg8[%add3A_103, %dma_start3A_104] : memref<40x128xi32, #tpu.memory_space<vmem>> -> memref<1x128xi32, #tpu.memory_space<vmem>>
        %dma_start3A_106 = tpu.memref_squeeze %dma_start3A_105 : memref<1x128xi32, #tpu.memory_space<vmem>> -> memref<128xi32, #tpu.memory_space<vmem>>
        %dma_start3A_107 = arith.constant 0 : i32
        %dma_start3A_108 = arith.constant 0 : i32
        %dma_start3A_109 = tpu.memref_slice %arg2[%arg0, %dma_start3A_107, %dma_start3A_108] : memref<2x10000x128xf32, #tpu.memory_space<hbm>> -> memref<1x10000x128xf32, #tpu.memory_space<hbm>>
        %dma_start3A_110 = tpu.memref_squeeze %dma_start3A_109 : memref<1x10000x128xf32, #tpu.memory_space<hbm>> -> memref<10000x128xf32, #tpu.memory_space<hbm>>
        %dma_start3A_111 = arith.constant 0 : i32
        %dma_start3A_112 = arith.constant 0 : i32
        %dma_start3A_113 = tpu.memref_slice %dma_start3A_110[%dma_start3A_111, %dma_start3A_112] : memref<10000x128xf32, #tpu.memory_space<hbm>> -> memref<10000x128xf32, #tpu.memory_space<hbm>>
        tpu.enqueue_indirect_dma source(%dma_start3A_113 : memref<10000x128xf32, #tpu.memory_space<hbm>>) target(%arg10 : memref<128x128xf32, #tpu.memory_space<vmem>>) offsets(%dma_start3A_106 : memref<128xi32, #tpu.memory_space<vmem>>) semaphore(%arg12 : memref<!tpu.dma_semaphore, #tpu.memory_space<semaphore_mem>>)
        %add3A_114 = arith.constant 1 : i32
        %add3A_115 = arith.addi %mul3A_91, %add3A_114 : i32
        %dma_wait3A_116 = arith.constant 0 : i32
        %dma_wait3A_117 = tpu.memref_slice %arg8[%add3A_115, %dma_wait3A_116] : memref<40x128xi32, #tpu.memory_space<vmem>> -> memref<1x128xi32, #tpu.memory_space<vmem>>
        %dma_wait3A_118 = tpu.memref_squeeze %dma_wait3A_117 : memref<1x128xi32, #tpu.memory_space<vmem>> -> memref<128xi32, #tpu.memory_space<vmem>>
        %dma_wait3A_119 = arith.constant 0 : i32
        %dma_wait3A_120 = arith.constant 0 : i32
        %dma_wait3A_121 = tpu.memref_slice %arg2[%arg0, %dma_wait3A_119, %dma_wait3A_120] : memref<2x10000x128xf32, #tpu.memory_space<hbm>> -> memref<1x10000x128xf32, #tpu.memory_space<hbm>>
        %dma_wait3A_122 = tpu.memref_squeeze %dma_wait3A_121 : memref<1x10000x128xf32, #tpu.memory_space<hbm>> -> memref<10000x128xf32, #tpu.memory_space<hbm>>
        %dma_wait3A_123 = arith.constant 0 : i32
        %dma_wait3A_124 = arith.constant 0 : i32
        %dma_wait3A_125 = tpu.memref_slice %dma_wait3A_122[%dma_wait3A_123, %dma_wait3A_124] : memref<10000x128xf32, #tpu.memory_space<hbm>> -> memref<10000x128xf32, #tpu.memory_space<hbm>>
        tpu.wait_indirect_dma semaphore(%arg13 : memref<!tpu.dma_semaphore, #tpu.memory_space<semaphore_mem>>) src(%dma_wait3A_125 : memref<10000x128xf32, #tpu.memory_space<hbm>>) dst(%arg11 : memref<128x128xf32, #tpu.memory_space<vmem>>)
        %add3A_126 = arith.constant 1 : i32
        %add3A_127 = arith.addi %mul3A_91, %add3A_126 : i32
        "tpu.region"() ({
          %run_scoped3A_140 = tpu.sem_alloc : memref<!tpu.dma_semaphore, #tpu.memory_space<semaphore_mem>>
          %dma_start3A_141 = arith.constant 0 : i32
          %dma_start3A_142 = tpu.memref_slice %arg9[%add3A_127, %dma_start3A_141] : memref<40x128xi32, #tpu.memory_space<vmem>> -> memref<1x128xi32, #tpu.memory_space<vmem>>
          %dma_start3A_143 = tpu.memref_squeeze %dma_start3A_142 : memref<1x128xi32, #tpu.memory_space<vmem>> -> memref<128xi32, #tpu.memory_space<vmem>>
          %dma_start3A_144 = arith.constant 0 : i32
          %dma_start3A_145 = arith.constant 0 : i32
          %dma_start3A_146 = tpu.memref_slice %arg7[%dma_start3A_144, %dma_start3A_145] : memref<10008x128xf32, #tpu.memory_space<vmem_shared>> -> memref<10008x128xf32, #tpu.memory_space<vmem_shared>>
          tpu.enqueue_indirect_dma source(%arg11 : memref<128x128xf32, #tpu.memory_space<vmem>>) target(%dma_start3A_146 : memref<10008x128xf32, #tpu.memory_space<vmem_shared>>) offsets(%dma_start3A_143 : memref<128xi32, #tpu.memory_space<vmem>>) semaphore(%run_scoped3A_140 : memref<!tpu.dma_semaphore, #tpu.memory_space<semaphore_mem>>) {add = true}
          %dma_wait3A_147 = arith.constant 0 : i32
          %dma_wait3A_148 = tpu.memref_slice %arg9[%add3A_127, %dma_wait3A_147] : memref<40x128xi32, #tpu.memory_space<vmem>> -> memref<1x128xi32, #tpu.memory_space<vmem>>
          %dma_wait3A_149 = tpu.memref_squeeze %dma_wait3A_148 : memref<1x128xi32, #tpu.memory_space<vmem>> -> memref<128xi32, #tpu.memory_space<vmem>>
          %dma_wait3A_150 = arith.constant 0 : i32
          %dma_wait3A_151 = arith.constant 0 : i32
          %dma_wait3A_152 = tpu.memref_slice %arg7[%dma_wait3A_150, %dma_wait3A_151] : memref<10008x128xf32, #tpu.memory_space<vmem_shared>> -> memref<10008x128xf32, #tpu.memory_space<vmem_shared>>
          tpu.wait_indirect_dma semaphore(%run_scoped3A_140 : memref<!tpu.dma_semaphore, #tpu.memory_space<semaphore_mem>>) src(%arg11 : memref<128x128xf32, #tpu.memory_space<vmem>>) dst(%dma_wait3A_152 : memref<10008x128xf32, #tpu.memory_space<vmem_shared>>)
          tpu.yield
        }) : () -> ()
        %add3A_128 = arith.constant 3 : i32
        %add3A_129 = arith.addi %mul3A_91, %add3A_128 : i32
        %dma_start3A_130 = arith.constant 0 : i32
        %dma_start3A_131 = tpu.memref_slice %arg8[%add3A_129, %dma_start3A_130] : memref<40x128xi32, #tpu.memory_space<vmem>> -> memref<1x128xi32, #tpu.memory_space<vmem>>
        %dma_start3A_132 = tpu.memref_squeeze %dma_start3A_131 : memref<1x128xi32, #tpu.memory_space<vmem>> -> memref<128xi32, #tpu.memory_space<vmem>>
        %dma_start3A_133 = arith.constant 0 : i32
        %dma_start3A_134 = arith.constant 0 : i32
        %dma_start3A_135 = tpu.memref_slice %arg2[%arg0, %dma_start3A_133, %dma_start3A_134] : memref<2x10000x128xf32, #tpu.memory_space<hbm>> -> memref<1x10000x128xf32, #tpu.memory_space<hbm>>
        %dma_start3A_136 = tpu.memref_squeeze %dma_start3A_135 : memref<1x10000x128xf32, #tpu.memory_space<hbm>> -> memref<10000x128xf32, #tpu.memory_space<hbm>>
        %dma_start3A_137 = arith.constant 0 : i32
        %dma_start3A_138 = arith.constant 0 : i32
        %dma_start3A_139 = tpu.memref_slice %dma_start3A_136[%dma_start3A_137, %dma_start3A_138] : memref<10000x128xf32, #tpu.memory_space<hbm>> -> memref<10000x128xf32, #tpu.memory_space<hbm>>
        tpu.enqueue_indirect_dma source(%dma_start3A_139 : memref<10000x128xf32, #tpu.memory_space<hbm>>) target(%arg11 : memref<128x128xf32, #tpu.memory_space<vmem>>) offsets(%dma_start3A_132 : memref<128xi32, #tpu.memory_space<vmem>>) semaphore(%arg13 : memref<!tpu.dma_semaphore, #tpu.memory_space<semaphore_mem>>)
      }
      %scan3A_66 = arith.constant 19 : i32
      %dma_wait3A = arith.constant 38 : i32
      %dma_wait3A_67 = arith.constant 0 : i32
      %dma_wait3A_68 = tpu.memref_slice %arg8[%dma_wait3A, %dma_wait3A_67] : memref<40x128xi32, #tpu.memory_space<vmem>> -> memref<1x128xi32, #tpu.memory_space<vmem>>
      %dma_wait3A_69 = tpu.memref_squeeze %dma_wait3A_68 : memref<1x128xi32, #tpu.memory_space<vmem>> -> memref<128xi32, #tpu.memory_space<vmem>>
      %dma_wait3A_70 = arith.constant 0 : i32
      %dma_wait3A_71 = arith.constant 0 : i32
      %dma_wait3A_72 = tpu.memref_slice %arg2[%arg0, %dma_wait3A_70, %dma_wait3A_71] : memref<2x10000x128xf32, #tpu.memory_space<hbm>> -> memref<1x10000x128xf32, #tpu.memory_space<hbm>>
      %dma_wait3A_73 = tpu.memref_squeeze %dma_wait3A_72 : memref<1x10000x128xf32, #tpu.memory_space<hbm>> -> memref<10000x128xf32, #tpu.memory_space<hbm>>
      %dma_wait3A_74 = arith.constant 0 : i32
      %dma_wait3A_75 = arith.constant 0 : i32
      %dma_wait3A_76 = tpu.memref_slice %dma_wait3A_73[%dma_wait3A_74, %dma_wait3A_75] : memref<10000x128xf32, #tpu.memory_space<hbm>> -> memref<10000x128xf32, #tpu.memory_space<hbm>>
      tpu.wait_indirect_dma semaphore(%arg12 : memref<!tpu.dma_semaphore, #tpu.memory_space<semaphore_mem>>) src(%dma_wait3A_76 : memref<10000x128xf32, #tpu.memory_space<hbm>>) dst(%arg10 : memref<128x128xf32, #tpu.memory_space<vmem>>)
      %run_scoped3A = arith.constant 38 : i32
      "tpu.region"() ({
        %run_scoped3A_89 = tpu.sem_alloc : memref<!tpu.dma_semaphore, #tpu.memory_space<semaphore_mem>>
        %dma_start3A_90 = arith.constant 0 : i32
        %dma_start3A_91 = tpu.memref_slice %arg9[%run_scoped3A, %dma_start3A_90] : memref<40x128xi32, #tpu.memory_space<vmem>> -> memref<1x128xi32, #tpu.memory_space<vmem>>
        %dma_start3A_92 = tpu.memref_squeeze %dma_start3A_91 : memref<1x128xi32, #tpu.memory_space<vmem>> -> memref<128xi32, #tpu.memory_space<vmem>>
        %dma_start3A_93 = arith.constant 0 : i32
        %dma_start3A_94 = arith.constant 0 : i32
        %dma_start3A_95 = tpu.memref_slice %arg7[%dma_start3A_93, %dma_start3A_94] : memref<10008x128xf32, #tpu.memory_space<vmem_shared>> -> memref<10008x128xf32, #tpu.memory_space<vmem_shared>>
        tpu.enqueue_indirect_dma source(%arg10 : memref<128x128xf32, #tpu.memory_space<vmem>>) target(%dma_start3A_95 : memref<10008x128xf32, #tpu.memory_space<vmem_shared>>) offsets(%dma_start3A_92 : memref<128xi32, #tpu.memory_space<vmem>>) semaphore(%run_scoped3A_89 : memref<!tpu.dma_semaphore, #tpu.memory_space<semaphore_mem>>) {add = true}
        %dma_wait3A_96 = arith.constant 0 : i32
        %dma_wait3A_97 = tpu.memref_slice %arg9[%run_scoped3A, %dma_wait3A_96] : memref<40x128xi32, #tpu.memory_space<vmem>> -> memref<1x128xi32, #tpu.memory_space<vmem>>
        %dma_wait3A_98 = tpu.memref_squeeze %dma_wait3A_97 : memref<1x128xi32, #tpu.memory_space<vmem>> -> memref<128xi32, #tpu.memory_space<vmem>>
        %dma_wait3A_99 = arith.constant 0 : i32
        %dma_wait3A_100 = arith.constant 0 : i32
        %dma_wait3A_101 = tpu.memref_slice %arg7[%dma_wait3A_99, %dma_wait3A_100] : memref<10008x128xf32, #tpu.memory_space<vmem_shared>> -> memref<10008x128xf32, #tpu.memory_space<vmem_shared>>
        tpu.wait_indirect_dma semaphore(%run_scoped3A_89 : memref<!tpu.dma_semaphore, #tpu.memory_space<semaphore_mem>>) src(%arg10 : memref<128x128xf32, #tpu.memory_space<vmem>>) dst(%dma_wait3A_101 : memref<10008x128xf32, #tpu.memory_space<vmem_shared>>)
        tpu.yield
      }) : () -> ()
      %dma_wait3A_77 = arith.constant 39 : i32
      %dma_wait3A_78 = arith.constant 0 : i32
      %dma_wait3A_79 = tpu.memref_slice %arg8[%dma_wait3A_77, %dma_wait3A_78] : memref<40x128xi32, #tpu.memory_space<vmem>> -> memref<1x128xi32, #tpu.memory_space<vmem>>
      %dma_wait3A_80 = tpu.memref_squeeze %dma_wait3A_79 : memref<1x128xi32, #tpu.memory_space<vmem>> -> memref<128xi32, #tpu.memory_space<vmem>>
      %dma_wait3A_81 = arith.constant 0 : i32
      %dma_wait3A_82 = arith.constant 0 : i32
      %dma_wait3A_83 = tpu.memref_slice %arg2[%arg0, %dma_wait3A_81, %dma_wait3A_82] : memref<2x10000x128xf32, #tpu.memory_space<hbm>> -> memref<1x10000x128xf32, #tpu.memory_space<hbm>>
      %dma_wait3A_84 = tpu.memref_squeeze %dma_wait3A_83 : memref<1x10000x128xf32, #tpu.memory_space<hbm>> -> memref<10000x128xf32, #tpu.memory_space<hbm>>
      %dma_wait3A_85 = arith.constant 0 : i32
      %dma_wait3A_86 = arith.constant 0 : i32
      %dma_wait3A_87 = tpu.memref_slice %dma_wait3A_84[%dma_wait3A_85, %dma_wait3A_86] : memref<10000x128xf32, #tpu.memory_space<hbm>> -> memref<10000x128xf32, #tpu.memory_space<hbm>>
      tpu.wait_indirect_dma semaphore(%arg13 : memref<!tpu.dma_semaphore, #tpu.memory_space<semaphore_mem>>) src(%dma_wait3A_87 : memref<10000x128xf32, #tpu.memory_space<hbm>>) dst(%arg11 : memref<128x128xf32, #tpu.memory_space<vmem>>)
      %run_scoped3A_88 = arith.constant 39 : i32
      "tpu.region"() ({
        %run_scoped3A_89 = tpu.sem_alloc : memref<!tpu.dma_semaphore, #tpu.memory_space<semaphore_mem>>
        %dma_start3A_90 = arith.constant 0 : i32
        %dma_start3A_91 = tpu.memref_slice %arg9[%run_scoped3A_88, %dma_start3A_90] : memref<40x128xi32, #tpu.memory_space<vmem>> -> memref<1x128xi32, #tpu.memory_space<vmem>>
        %dma_start3A_92 = tpu.memref_squeeze %dma_start3A_91 : memref<1x128xi32, #tpu.memory_space<vmem>> -> memref<128xi32, #tpu.memory_space<vmem>>
        %dma_start3A_93 = arith.constant 0 : i32
        %dma_start3A_94 = arith.constant 0 : i32
        %dma_start3A_95 = tpu.memref_slice %arg7[%dma_start3A_93, %dma_start3A_94] : memref<10008x128xf32, #tpu.memory_space<vmem_shared>> -> memref<10008x128xf32, #tpu.memory_space<vmem_shared>>
        tpu.enqueue_indirect_dma source(%arg11 : memref<128x128xf32, #tpu.memory_space<vmem>>) target(%dma_start3A_95 : memref<10008x128xf32, #tpu.memory_space<vmem_shared>>) offsets(%dma_start3A_92 : memref<128xi32, #tpu.memory_space<vmem>>) semaphore(%run_scoped3A_89 : memref<!tpu.dma_semaphore, #tpu.memory_space<semaphore_mem>>) {add = true}
        %dma_wait3A_96 = arith.constant 0 : i32
        %dma_wait3A_97 = tpu.memref_slice %arg9[%run_scoped3A_88, %dma_wait3A_96] : memref<40x128xi32, #tpu.memory_space<vmem>> -> memref<1x128xi32, #tpu.memory_space<vmem>>
        %dma_wait3A_98 = tpu.memref_squeeze %dma_wait3A_97 : memref<1x128xi32, #tpu.memory_space<vmem>> -> memref<128xi32, #tpu.memory_space<vmem>>
        %dma_wait3A_99 = arith.constant 0 : i32
        %dma_wait3A_100 = arith.constant 0 : i32
        %dma_wait3A_101 = tpu.memref_slice %arg7[%dma_wait3A_99, %dma_wait3A_100] : memref<10008x128xf32, #tpu.memory_space<vmem_shared>> -> memref<10008x128xf32, #tpu.memory_space<vmem_shared>>
        tpu.wait_indirect_dma semaphore(%run_scoped3A_89 : memref<!tpu.dma_semaphore, #tpu.memory_space<semaphore_mem>>) src(%arg11 : memref<128x128xf32, #tpu.memory_space<vmem>>) dst(%dma_wait3A_101 : memref<10008x128xf32, #tpu.memory_space<vmem_shared>>)
        tpu.yield
      }) : () -> ()
    }
    %scan3A_16 = arith.constant 4 : i32
    %barrier3A_17 = arith.constant 0 : index
    tpu.barrier barrier_id(%barrier3A_17)
    %mul3A_18 = arith.constant 624 : i32
    %mul3A_19 = arith.muli %arg1, %mul3A_18 : i32
    %add3A_20 = arith.constant 0 : i32
    %add3A_21 = arith.addi %mul3A_19, %add3A_20 : i32
    "tpu.region"() ({
      %run_scoped3A = tpu.sem_alloc : memref<!tpu.dma_semaphore, #tpu.memory_space<semaphore_mem>>
      %dma_start3A = arith.constant 0 : i32
      %dma_start3A_35 = arith.constant 0 : i32
      %dma_start3A_36 = tpu.memref_slice %arg10[%dma_start3A, %dma_start3A_35] : memref<128x128xf32, #tpu.memory_space<vmem>> -> memref<128x128xf32, #tpu.memory_space<vmem>>
      %dma_start3A_37 = arith.constant 0 : i32
      %dma_start3A_38 = tpu.memref_slice %arg7[%add3A_21, %dma_start3A_37] : memref<10008x128xf32, #tpu.memory_space<vmem_shared>> -> memref<128x128xf32, #tpu.memory_space<vmem_shared>>
      %dma_start3A_39 = arith.constant 0 : i32
      %dma_start3A_40 = arith.constant 0 : i32
      %dma_start3A_41 = tpu.memref_slice %arg10[%dma_start3A_39, %dma_start3A_40] : memref<128x128xf32, #tpu.memory_space<vmem>> -> memref<128x128xf32, #tpu.memory_space<vmem>>
      %dma_start3A_42 = arith.constant 0 : i32
      %dma_start3A_43 = tpu.memref_slice %arg7[%add3A_21, %dma_start3A_42] : memref<10008x128xf32, #tpu.memory_space<vmem_shared>> -> memref<128x128xf32, #tpu.memory_space<vmem_shared>>
      tpu.enqueue_dma source(%dma_start3A_43 : memref<128x128xf32, #tpu.memory_space<vmem_shared>>) target(%dma_start3A_41 : memref<128x128xf32, #tpu.memory_space<vmem>>) target_semaphore(%run_scoped3A : memref<!tpu.dma_semaphore, #tpu.memory_space<semaphore_mem>>)
      %dma_wait3A = arith.constant 0 : i32
      %dma_wait3A_44 = arith.constant 0 : i32
      %dma_wait3A_45 = tpu.memref_slice %arg10[%dma_wait3A, %dma_wait3A_44] : memref<128x128xf32, #tpu.memory_space<vmem>> -> memref<128x128xf32, #tpu.memory_space<vmem>>
      %dma_wait3A_46 = arith.constant 0 : i32
      %dma_wait3A_47 = tpu.memref_slice %arg7[%add3A_21, %dma_wait3A_46] : memref<10008x128xf32, #tpu.memory_space<vmem_shared>> -> memref<128x128xf32, #tpu.memory_space<vmem_shared>>
      %dma_wait3A_48 = arith.constant 0 : i32
      %dma_wait3A_49 = arith.constant 0 : i32
      %dma_wait3A_50 = tpu.memref_slice %arg10[%dma_wait3A_48, %dma_wait3A_49] : memref<128x128xf32, #tpu.memory_space<vmem>> -> memref<128x128xf32, #tpu.memory_space<vmem>>
      %dma_wait3A_51 = arith.constant 0 : i32
      %dma_wait3A_52 = tpu.memref_slice %arg7[%add3A_21, %dma_wait3A_51] : memref<10008x128xf32, #tpu.memory_space<vmem_shared>> -> memref<128x128xf32, #tpu.memory_space<vmem_shared>>
      tpu.wait_dma2 semaphore(%run_scoped3A : memref<!tpu.dma_semaphore, #tpu.memory_space<semaphore_mem>>) src(%dma_wait3A_52 : memref<128x128xf32, #tpu.memory_space<vmem_shared>>) dst(%dma_wait3A_50 : memref<128x128xf32, #tpu.memory_space<vmem>>)
      tpu.yield
    }) : () -> ()
    "tpu.region"() ({
      %run_scoped3A = tpu.sem_alloc : memref<!tpu.dma_semaphore, #tpu.memory_space<semaphore_mem>>
      %dma_start3A = arith.constant 0 : i32
      %dma_start3A_35 = arith.constant 0 : i32
      %dma_start3A_36 = tpu.memref_slice %arg10[%dma_start3A, %dma_start3A_35] : memref<128x128xf32, #tpu.memory_space<vmem>> -> memref<128x128xf32, #tpu.memory_space<vmem>>
      %dma_start3A_37 = arith.constant 0 : i32
      %dma_start3A_38 = tpu.memref_slice %arg6[%arg0, %add3A_21, %dma_start3A_37] : memref<2x10000x128xf32, #tpu.memory_space<hbm>> -> memref<1x128x128xf32, #tpu.memory_space<hbm>>
      %dma_start3A_39 = tpu.memref_squeeze %dma_start3A_38 : memref<1x128x128xf32, #tpu.memory_space<hbm>> -> memref<128x128xf32, #tpu.memory_space<hbm>>
      %dma_start3A_40 = arith.constant 0 : i32
      %dma_start3A_41 = tpu.memref_slice %arg6[%arg0, %add3A_21, %dma_start3A_40] : memref<2x10000x128xf32, #tpu.memory_space<hbm>> -> memref<1x128x128xf32, #tpu.memory_space<hbm>>
      %dma_start3A_42 = tpu.memref_squeeze %dma_start3A_41 : memref<1x128x128xf32, #tpu.memory_space<hbm>> -> memref<128x128xf32, #tpu.memory_space<hbm>>
      %dma_start3A_43 = arith.constant 0 : i32
      %dma_start3A_44 = arith.constant 0 : i32
      %dma_start3A_45 = tpu.memref_slice %arg10[%dma_start3A_43, %dma_start3A_44] : memref<128x128xf32, #tpu.memory_space<vmem>> -> memref<128x128xf32, #tpu.memory_space<vmem>>
      tpu.enqueue_dma source(%dma_start3A_45 : memref<128x128xf32, #tpu.memory_space<vmem>>) target(%dma_start3A_42 : memref<128x128xf32, #tpu.memory_space<hbm>>) target_semaphore(%run_scoped3A : memref<!tpu.dma_semaphore, #tpu.memory_space<semaphore_mem>>)
      %dma_wait3A = arith.constant 0 : i32
      %dma_wait3A_46 = arith.constant 0 : i32
      %dma_wait3A_47 = tpu.memref_slice %arg10[%dma_wait3A, %dma_wait3A_46] : memref<128x128xf32, #tpu.memory_space<vmem>> -> memref<128x128xf32, #tpu.memory_space<vmem>>
      %dma_wait3A_48 = arith.constant 0 : i32
      %dma_wait3A_49 = tpu.memref_slice %arg6[%arg0, %add3A_21, %dma_wait3A_48] : memref<2x10000x128xf32, #tpu.memory_space<hbm>> -> memref<1x128x128xf32, #tpu.memory_space<hbm>>
      %dma_wait3A_50 = tpu.memref_squeeze %dma_wait3A_49 : memref<1x128x128xf32, #tpu.memory_space<hbm>> -> memref<128x128xf32, #tpu.memory_space<hbm>>
      %dma_wait3A_51 = arith.constant 0 : i32
      %dma_wait3A_52 = tpu.memref_slice %arg6[%arg0, %add3A_21, %dma_wait3A_51] : memref<2x10000x128xf32, #tpu.memory_space<hbm>> -> memref<1x128x128xf32, #tpu.memory_space<hbm>>
      %dma_wait3A_53 = tpu.memref_squeeze %dma_wait3A_52 : memref<1x128x128xf32, #tpu.memory_space<hbm>> -> memref<128x128xf32, #tpu.memory_space<hbm>>
      %dma_wait3A_54 = arith.constant 0 : i32
      %dma_wait3A_55 = arith.constant 0 : i32
      %dma_wait3A_56 = tpu.memref_slice %arg10[%dma_wait3A_54, %dma_wait3A_55] : memref<128x128xf32, #tpu.memory_space<vmem>> -> memref<128x128xf32, #tpu.memory_space<vmem>>
      tpu.wait_dma2 semaphore(%run_scoped3A : memref<!tpu.dma_semaphore, #tpu.memory_space<semaphore_mem>>) src(%dma_wait3A_56 : memref<128x128xf32, #tpu.memory_space<vmem>>) dst(%dma_wait3A_53 : memref<128x128xf32, #tpu.memory_space<hbm>>)
      tpu.yield
    }) : () -> ()
    %add3A_22 = arith.constant 128 : i32
    %add3A_23 = arith.addi %mul3A_19, %add3A_22 : i32
    "tpu.region"() ({
      %run_scoped3A = tpu.sem_alloc : memref<!tpu.dma_semaphore, #tpu.memory_space<semaphore_mem>>
      %dma_start3A = arith.constant 0 : i32
      %dma_start3A_35 = arith.constant 0 : i32
      %dma_start3A_36 = tpu.memref_slice %arg10[%dma_start3A, %dma_start3A_35] : memref<128x128xf32, #tpu.memory_space<vmem>> -> memref<128x128xf32, #tpu.memory_space<vmem>>
      %dma_start3A_37 = arith.constant 0 : i32
      %dma_start3A_38 = tpu.memref_slice %arg7[%add3A_23, %dma_start3A_37] : memref<10008x128xf32, #tpu.memory_space<vmem_shared>> -> memref<128x128xf32, #tpu.memory_space<vmem_shared>>
      %dma_start3A_39 = arith.constant 0 : i32
      %dma_start3A_40 = arith.constant 0 : i32
      %dma_start3A_41 = tpu.memref_slice %arg10[%dma_start3A_39, %dma_start3A_40] : memref<128x128xf32, #tpu.memory_space<vmem>> -> memref<128x128xf32, #tpu.memory_space<vmem>>
      %dma_start3A_42 = arith.constant 0 : i32
      %dma_start3A_43 = tpu.memref_slice %arg7[%add3A_23, %dma_start3A_42] : memref<10008x128xf32, #tpu.memory_space<vmem_shared>> -> memref<128x128xf32, #tpu.memory_space<vmem_shared>>
      tpu.enqueue_dma source(%dma_start3A_43 : memref<128x128xf32, #tpu.memory_space<vmem_shared>>) target(%dma_start3A_41 : memref<128x128xf32, #tpu.memory_space<vmem>>) target_semaphore(%run_scoped3A : memref<!tpu.dma_semaphore, #tpu.memory_space<semaphore_mem>>)
      %dma_wait3A = arith.constant 0 : i32
      %dma_wait3A_44 = arith.constant 0 : i32
      %dma_wait3A_45 = tpu.memref_slice %arg10[%dma_wait3A, %dma_wait3A_44] : memref<128x128xf32, #tpu.memory_space<vmem>> -> memref<128x128xf32, #tpu.memory_space<vmem>>
      %dma_wait3A_46 = arith.constant 0 : i32
      %dma_wait3A_47 = tpu.memref_slice %arg7[%add3A_23, %dma_wait3A_46] : memref<10008x128xf32, #tpu.memory_space<vmem_shared>> -> memref<128x128xf32, #tpu.memory_space<vmem_shared>>
      %dma_wait3A_48 = arith.constant 0 : i32
      %dma_wait3A_49 = arith.constant 0 : i32
      %dma_wait3A_50 = tpu.memref_slice %arg10[%dma_wait3A_48, %dma_wait3A_49] : memref<128x128xf32, #tpu.memory_space<vmem>> -> memref<128x128xf32, #tpu.memory_space<vmem>>
      %dma_wait3A_51 = arith.constant 0 : i32
      %dma_wait3A_52 = tpu.memref_slice %arg7[%add3A_23, %dma_wait3A_51] : memref<10008x128xf32, #tpu.memory_space<vmem_shared>> -> memref<128x128xf32, #tpu.memory_space<vmem_shared>>
      tpu.wait_dma2 semaphore(%run_scoped3A : memref<!tpu.dma_semaphore, #tpu.memory_space<semaphore_mem>>) src(%dma_wait3A_52 : memref<128x128xf32, #tpu.memory_space<vmem_shared>>) dst(%dma_wait3A_50 : memref<128x128xf32, #tpu.memory_space<vmem>>)
      tpu.yield
    }) : () -> ()
    "tpu.region"() ({
      %run_scoped3A = tpu.sem_alloc : memref<!tpu.dma_semaphore, #tpu.memory_space<semaphore_mem>>
      %dma_start3A = arith.constant 0 : i32
      %dma_start3A_35 = arith.constant 0 : i32
      %dma_start3A_36 = tpu.memref_slice %arg10[%dma_start3A, %dma_start3A_35] : memref<128x128xf32, #tpu.memory_space<vmem>> -> memref<128x128xf32, #tpu.memory_space<vmem>>
      %dma_start3A_37 = arith.constant 0 : i32
      %dma_start3A_38 = tpu.memref_slice %arg6[%arg0, %add3A_23, %dma_start3A_37] : memref<2x10000x128xf32, #tpu.memory_space<hbm>> -> memref<1x128x128xf32, #tpu.memory_space<hbm>>
      %dma_start3A_39 = tpu.memref_squeeze %dma_start3A_38 : memref<1x128x128xf32, #tpu.memory_space<hbm>> -> memref<128x128xf32, #tpu.memory_space<hbm>>
      %dma_start3A_40 = arith.constant 0 : i32
      %dma_start3A_41 = tpu.memref_slice %arg6[%arg0, %add3A_23, %dma_start3A_40] : memref<2x10000x128xf32, #tpu.memory_space<hbm>> -> memref<1x128x128xf32, #tpu.memory_space<hbm>>
      %dma_start3A_42 = tpu.memref_squeeze %dma_start3A_41 : memref<1x128x128xf32, #tpu.memory_space<hbm>> -> memref<128x128xf32, #tpu.memory_space<hbm>>
      %dma_start3A_43 = arith.constant 0 : i32
      %dma_start3A_44 = arith.constant 0 : i32
      %dma_start3A_45 = tpu.memref_slice %arg10[%dma_start3A_43, %dma_start3A_44] : memref<128x128xf32, #tpu.memory_space<vmem>> -> memref<128x128xf32, #tpu.memory_space<vmem>>
      tpu.enqueue_dma source(%dma_start3A_45 : memref<128x128xf32, #tpu.memory_space<vmem>>) target(%dma_start3A_42 : memref<128x128xf32, #tpu.memory_space<hbm>>) target_semaphore(%run_scoped3A : memref<!tpu.dma_semaphore, #tpu.memory_space<semaphore_mem>>)
      %dma_wait3A = arith.constant 0 : i32
      %dma_wait3A_46 = arith.constant 0 : i32
      %dma_wait3A_47 = tpu.memref_slice %arg10[%dma_wait3A, %dma_wait3A_46] : memref<128x128xf32, #tpu.memory_space<vmem>> -> memref<128x128xf32, #tpu.memory_space<vmem>>
      %dma_wait3A_48 = arith.constant 0 : i32
      %dma_wait3A_49 = tpu.memref_slice %arg6[%arg0, %add3A_23, %dma_wait3A_48] : memref<2x10000x128xf32, #tpu.memory_space<hbm>> -> memref<1x128x128xf32, #tpu.memory_space<hbm>>
      %dma_wait3A_50 = tpu.memref_squeeze %dma_wait3A_49 : memref<1x128x128xf32, #tpu.memory_space<hbm>> -> memref<128x128xf32, #tpu.memory_space<hbm>>
      %dma_wait3A_51 = arith.constant 0 : i32
      %dma_wait3A_52 = tpu.memref_slice %arg6[%arg0, %add3A_23, %dma_wait3A_51] : memref<2x10000x128xf32, #tpu.memory_space<hbm>> -> memref<1x128x128xf32, #tpu.memory_space<hbm>>
      %dma_wait3A_53 = tpu.memref_squeeze %dma_wait3A_52 : memref<1x128x128xf32, #tpu.memory_space<hbm>> -> memref<128x128xf32, #tpu.memory_space<hbm>>
      %dma_wait3A_54 = arith.constant 0 : i32
      %dma_wait3A_55 = arith.constant 0 : i32
      %dma_wait3A_56 = tpu.memref_slice %arg10[%dma_wait3A_54, %dma_wait3A_55] : memref<128x128xf32, #tpu.memory_space<vmem>> -> memref<128x128xf32, #tpu.memory_space<vmem>>
      tpu.wait_dma2 semaphore(%run_scoped3A : memref<!tpu.dma_semaphore, #tpu.memory_space<semaphore_mem>>) src(%dma_wait3A_56 : memref<128x128xf32, #tpu.memory_space<vmem>>) dst(%dma_wait3A_53 : memref<128x128xf32, #tpu.memory_space<hbm>>)
      tpu.yield
    }) : () -> ()
    %add3A_24 = arith.constant 256 : i32
    %add3A_25 = arith.addi %mul3A_19, %add3A_24 : i32
    "tpu.region"() ({
      %run_scoped3A = tpu.sem_alloc : memref<!tpu.dma_semaphore, #tpu.memory_space<semaphore_mem>>
      %dma_start3A = arith.constant 0 : i32
      %dma_start3A_35 = arith.constant 0 : i32
      %dma_start3A_36 = tpu.memref_slice %arg10[%dma_start3A, %dma_start3A_35] : memref<128x128xf32, #tpu.memory_space<vmem>> -> memref<128x128xf32, #tpu.memory_space<vmem>>
      %dma_start3A_37 = arith.constant 0 : i32
      %dma_start3A_38 = tpu.memref_slice %arg7[%add3A_25, %dma_start3A_37] : memref<10008x128xf32, #tpu.memory_space<vmem_shared>> -> memref<128x128xf32, #tpu.memory_space<vmem_shared>>
      %dma_start3A_39 = arith.constant 0 : i32
      %dma_start3A_40 = arith.constant 0 : i32
      %dma_start3A_41 = tpu.memref_slice %arg10[%dma_start3A_39, %dma_start3A_40] : memref<128x128xf32, #tpu.memory_space<vmem>> -> memref<128x128xf32, #tpu.memory_space<vmem>>
      %dma_start3A_42 = arith.constant 0 : i32
      %dma_start3A_43 = tpu.memref_slice %arg7[%add3A_25, %dma_start3A_42] : memref<10008x128xf32, #tpu.memory_space<vmem_shared>> -> memref<128x128xf32, #tpu.memory_space<vmem_shared>>
      tpu.enqueue_dma source(%dma_start3A_43 : memref<128x128xf32, #tpu.memory_space<vmem_shared>>) target(%dma_start3A_41 : memref<128x128xf32, #tpu.memory_space<vmem>>) target_semaphore(%run_scoped3A : memref<!tpu.dma_semaphore, #tpu.memory_space<semaphore_mem>>)
      %dma_wait3A = arith.constant 0 : i32
      %dma_wait3A_44 = arith.constant 0 : i32
      %dma_wait3A_45 = tpu.memref_slice %arg10[%dma_wait3A, %dma_wait3A_44] : memref<128x128xf32, #tpu.memory_space<vmem>> -> memref<128x128xf32, #tpu.memory_space<vmem>>
      %dma_wait3A_46 = arith.constant 0 : i32
      %dma_wait3A_47 = tpu.memref_slice %arg7[%add3A_25, %dma_wait3A_46] : memref<10008x128xf32, #tpu.memory_space<vmem_shared>> -> memref<128x128xf32, #tpu.memory_space<vmem_shared>>
      %dma_wait3A_48 = arith.constant 0 : i32
      %dma_wait3A_49 = arith.constant 0 : i32
      %dma_wait3A_50 = tpu.memref_slice %arg10[%dma_wait3A_48, %dma_wait3A_49] : memref<128x128xf32, #tpu.memory_space<vmem>> -> memref<128x128xf32, #tpu.memory_space<vmem>>
      %dma_wait3A_51 = arith.constant 0 : i32
      %dma_wait3A_52 = tpu.memref_slice %arg7[%add3A_25, %dma_wait3A_51] : memref<10008x128xf32, #tpu.memory_space<vmem_shared>> -> memref<128x128xf32, #tpu.memory_space<vmem_shared>>
      tpu.wait_dma2 semaphore(%run_scoped3A : memref<!tpu.dma_semaphore, #tpu.memory_space<semaphore_mem>>) src(%dma_wait3A_52 : memref<128x128xf32, #tpu.memory_space<vmem_shared>>) dst(%dma_wait3A_50 : memref<128x128xf32, #tpu.memory_space<vmem>>)
      tpu.yield
    }) : () -> ()
    "tpu.region"() ({
      %run_scoped3A = tpu.sem_alloc : memref<!tpu.dma_semaphore, #tpu.memory_space<semaphore_mem>>
      %dma_start3A = arith.constant 0 : i32
      %dma_start3A_35 = arith.constant 0 : i32
      %dma_start3A_36 = tpu.memref_slice %arg10[%dma_start3A, %dma_start3A_35] : memref<128x128xf32, #tpu.memory_space<vmem>> -> memref<128x128xf32, #tpu.memory_space<vmem>>
      %dma_start3A_37 = arith.constant 0 : i32
      %dma_start3A_38 = tpu.memref_slice %arg6[%arg0, %add3A_25, %dma_start3A_37] : memref<2x10000x128xf32, #tpu.memory_space<hbm>> -> memref<1x128x128xf32, #tpu.memory_space<hbm>>
      %dma_start3A_39 = tpu.memref_squeeze %dma_start3A_38 : memref<1x128x128xf32, #tpu.memory_space<hbm>> -> memref<128x128xf32, #tpu.memory_space<hbm>>
      %dma_start3A_40 = arith.constant 0 : i32
      %dma_start3A_41 = tpu.memref_slice %arg6[%arg0, %add3A_25, %dma_start3A_40] : memref<2x10000x128xf32, #tpu.memory_space<hbm>> -> memref<1x128x128xf32, #tpu.memory_space<hbm>>
      %dma_start3A_42 = tpu.memref_squeeze %dma_start3A_41 : memref<1x128x128xf32, #tpu.memory_space<hbm>> -> memref<128x128xf32, #tpu.memory_space<hbm>>
      %dma_start3A_43 = arith.constant 0 : i32
      %dma_start3A_44 = arith.constant 0 : i32
      %dma_start3A_45 = tpu.memref_slice %arg10[%dma_start3A_43, %dma_start3A_44] : memref<128x128xf32, #tpu.memory_space<vmem>> -> memref<128x128xf32, #tpu.memory_space<vmem>>
      tpu.enqueue_dma source(%dma_start3A_45 : memref<128x128xf32, #tpu.memory_space<vmem>>) target(%dma_start3A_42 : memref<128x128xf32, #tpu.memory_space<hbm>>) target_semaphore(%run_scoped3A : memref<!tpu.dma_semaphore, #tpu.memory_space<semaphore_mem>>)
      %dma_wait3A = arith.constant 0 : i32
      %dma_wait3A_46 = arith.constant 0 : i32
      %dma_wait3A_47 = tpu.memref_slice %arg10[%dma_wait3A, %dma_wait3A_46] : memref<128x128xf32, #tpu.memory_space<vmem>> -> memref<128x128xf32, #tpu.memory_space<vmem>>
      %dma_wait3A_48 = arith.constant 0 : i32
      %dma_wait3A_49 = tpu.memref_slice %arg6[%arg0, %add3A_25, %dma_wait3A_48] : memref<2x10000x128xf32, #tpu.memory_space<hbm>> -> memref<1x128x128xf32, #tpu.memory_space<hbm>>
      %dma_wait3A_50 = tpu.memref_squeeze %dma_wait3A_49 : memref<1x128x128xf32, #tpu.memory_space<hbm>> -> memref<128x128xf32, #tpu.memory_space<hbm>>
      %dma_wait3A_51 = arith.constant 0 : i32
      %dma_wait3A_52 = tpu.memref_slice %arg6[%arg0, %add3A_25, %dma_wait3A_51] : memref<2x10000x128xf32, #tpu.memory_space<hbm>> -> memref<1x128x128xf32, #tpu.memory_space<hbm>>
      %dma_wait3A_53 = tpu.memref_squeeze %dma_wait3A_52 : memref<1x128x128xf32, #tpu.memory_space<hbm>> -> memref<128x128xf32, #tpu.memory_space<hbm>>
      %dma_wait3A_54 = arith.constant 0 : i32
      %dma_wait3A_55 = arith.constant 0 : i32
      %dma_wait3A_56 = tpu.memref_slice %arg10[%dma_wait3A_54, %dma_wait3A_55] : memref<128x128xf32, #tpu.memory_space<vmem>> -> memref<128x128xf32, #tpu.memory_space<vmem>>
      tpu.wait_dma2 semaphore(%run_scoped3A : memref<!tpu.dma_semaphore, #tpu.memory_space<semaphore_mem>>) src(%dma_wait3A_56 : memref<128x128xf32, #tpu.memory_space<vmem>>) dst(%dma_wait3A_53 : memref<128x128xf32, #tpu.memory_space<hbm>>)
      tpu.yield
    }) : () -> ()
    %add3A_26 = arith.constant 384 : i32
    %add3A_27 = arith.addi %mul3A_19, %add3A_26 : i32
    "tpu.region"() ({
      %run_scoped3A = tpu.sem_alloc : memref<!tpu.dma_semaphore, #tpu.memory_space<semaphore_mem>>
      %dma_start3A = arith.constant 0 : i32
      %dma_start3A_35 = arith.constant 0 : i32
      %dma_start3A_36 = tpu.memref_slice %arg10[%dma_start3A, %dma_start3A_35] : memref<128x128xf32, #tpu.memory_space<vmem>> -> memref<128x128xf32, #tpu.memory_space<vmem>>
      %dma_start3A_37 = arith.constant 0 : i32
      %dma_start3A_38 = tpu.memref_slice %arg7[%add3A_27, %dma_start3A_37] : memref<10008x128xf32, #tpu.memory_space<vmem_shared>> -> memref<128x128xf32, #tpu.memory_space<vmem_shared>>
      %dma_start3A_39 = arith.constant 0 : i32
      %dma_start3A_40 = arith.constant 0 : i32
      %dma_start3A_41 = tpu.memref_slice %arg10[%dma_start3A_39, %dma_start3A_40] : memref<128x128xf32, #tpu.memory_space<vmem>> -> memref<128x128xf32, #tpu.memory_space<vmem>>
      %dma_start3A_42 = arith.constant 0 : i32
      %dma_start3A_43 = tpu.memref_slice %arg7[%add3A_27, %dma_start3A_42] : memref<10008x128xf32, #tpu.memory_space<vmem_shared>> -> memref<128x128xf32, #tpu.memory_space<vmem_shared>>
      tpu.enqueue_dma source(%dma_start3A_43 : memref<128x128xf32, #tpu.memory_space<vmem_shared>>) target(%dma_start3A_41 : memref<128x128xf32, #tpu.memory_space<vmem>>) target_semaphore(%run_scoped3A : memref<!tpu.dma_semaphore, #tpu.memory_space<semaphore_mem>>)
      %dma_wait3A = arith.constant 0 : i32
      %dma_wait3A_44 = arith.constant 0 : i32
      %dma_wait3A_45 = tpu.memref_slice %arg10[%dma_wait3A, %dma_wait3A_44] : memref<128x128xf32, #tpu.memory_space<vmem>> -> memref<128x128xf32, #tpu.memory_space<vmem>>
      %dma_wait3A_46 = arith.constant 0 : i32
      %dma_wait3A_47 = tpu.memref_slice %arg7[%add3A_27, %dma_wait3A_46] : memref<10008x128xf32, #tpu.memory_space<vmem_shared>> -> memref<128x128xf32, #tpu.memory_space<vmem_shared>>
      %dma_wait3A_48 = arith.constant 0 : i32
      %dma_wait3A_49 = arith.constant 0 : i32
      %dma_wait3A_50 = tpu.memref_slice %arg10[%dma_wait3A_48, %dma_wait3A_49] : memref<128x128xf32, #tpu.memory_space<vmem>> -> memref<128x128xf32, #tpu.memory_space<vmem>>
      %dma_wait3A_51 = arith.constant 0 : i32
      %dma_wait3A_52 = tpu.memref_slice %arg7[%add3A_27, %dma_wait3A_51] : memref<10008x128xf32, #tpu.memory_space<vmem_shared>> -> memref<128x128xf32, #tpu.memory_space<vmem_shared>>
      tpu.wait_dma2 semaphore(%run_scoped3A : memref<!tpu.dma_semaphore, #tpu.memory_space<semaphore_mem>>) src(%dma_wait3A_52 : memref<128x128xf32, #tpu.memory_space<vmem_shared>>) dst(%dma_wait3A_50 : memref<128x128xf32, #tpu.memory_space<vmem>>)
      tpu.yield
    }) : () -> ()
    "tpu.region"() ({
      %run_scoped3A = tpu.sem_alloc : memref<!tpu.dma_semaphore, #tpu.memory_space<semaphore_mem>>
      %dma_start3A = arith.constant 0 : i32
      %dma_start3A_35 = arith.constant 0 : i32
      %dma_start3A_36 = tpu.memref_slice %arg10[%dma_start3A, %dma_start3A_35] : memref<128x128xf32, #tpu.memory_space<vmem>> -> memref<128x128xf32, #tpu.memory_space<vmem>>
      %dma_start3A_37 = arith.constant 0 : i32
      %dma_start3A_38 = tpu.memref_slice %arg6[%arg0, %add3A_27, %dma_start3A_37] : memref<2x10000x128xf32, #tpu.memory_space<hbm>> -> memref<1x128x128xf32, #tpu.memory_space<hbm>>
      %dma_start3A_39 = tpu.memref_squeeze %dma_start3A_38 : memref<1x128x128xf32, #tpu.memory_space<hbm>> -> memref<128x128xf32, #tpu.memory_space<hbm>>
      %dma_start3A_40 = arith.constant 0 : i32
      %dma_start3A_41 = tpu.memref_slice %arg6[%arg0, %add3A_27, %dma_start3A_40] : memref<2x10000x128xf32, #tpu.memory_space<hbm>> -> memref<1x128x128xf32, #tpu.memory_space<hbm>>
      %dma_start3A_42 = tpu.memref_squeeze %dma_start3A_41 : memref<1x128x128xf32, #tpu.memory_space<hbm>> -> memref<128x128xf32, #tpu.memory_space<hbm>>
      %dma_start3A_43 = arith.constant 0 : i32
      %dma_start3A_44 = arith.constant 0 : i32
      %dma_start3A_45 = tpu.memref_slice %arg10[%dma_start3A_43, %dma_start3A_44] : memref<128x128xf32, #tpu.memory_space<vmem>> -> memref<128x128xf32, #tpu.memory_space<vmem>>
      tpu.enqueue_dma source(%dma_start3A_45 : memref<128x128xf32, #tpu.memory_space<vmem>>) target(%dma_start3A_42 : memref<128x128xf32, #tpu.memory_space<hbm>>) target_semaphore(%run_scoped3A : memref<!tpu.dma_semaphore, #tpu.memory_space<semaphore_mem>>)
      %dma_wait3A = arith.constant 0 : i32
      %dma_wait3A_46 = arith.constant 0 : i32
      %dma_wait3A_47 = tpu.memref_slice %arg10[%dma_wait3A, %dma_wait3A_46] : memref<128x128xf32, #tpu.memory_space<vmem>> -> memref<128x128xf32, #tpu.memory_space<vmem>>
      %dma_wait3A_48 = arith.constant 0 : i32
      %dma_wait3A_49 = tpu.memref_slice %arg6[%arg0, %add3A_27, %dma_wait3A_48] : memref<2x10000x128xf32, #tpu.memory_space<hbm>> -> memref<1x128x128xf32, #tpu.memory_space<hbm>>
      %dma_wait3A_50 = tpu.memref_squeeze %dma_wait3A_49 : memref<1x128x128xf32, #tpu.memory_space<hbm>> -> memref<128x128xf32, #tpu.memory_space<hbm>>
      %dma_wait3A_51 = arith.constant 0 : i32
      %dma_wait3A_52 = tpu.memref_slice %arg6[%arg0, %add3A_27, %dma_wait3A_51] : memref<2x10000x128xf32, #tpu.memory_space<hbm>> -> memref<1x128x128xf32, #tpu.memory_space<hbm>>
      %dma_wait3A_53 = tpu.memref_squeeze %dma_wait3A_52 : memref<1x128x128xf32, #tpu.memory_space<hbm>> -> memref<128x128xf32, #tpu.memory_space<hbm>>
      %dma_wait3A_54 = arith.constant 0 : i32
      %dma_wait3A_55 = arith.constant 0 : i32
      %dma_wait3A_56 = tpu.memref_slice %arg10[%dma_wait3A_54, %dma_wait3A_55] : memref<128x128xf32, #tpu.memory_space<vmem>> -> memref<128x128xf32, #tpu.memory_space<vmem>>
      tpu.wait_dma2 semaphore(%run_scoped3A : memref<!tpu.dma_semaphore, #tpu.memory_space<semaphore_mem>>) src(%dma_wait3A_56 : memref<128x128xf32, #tpu.memory_space<vmem>>) dst(%dma_wait3A_53 : memref<128x128xf32, #tpu.memory_space<hbm>>)
      tpu.yield
    }) : () -> ()
    %add3A_28 = arith.constant 512 : i32
    %add3A_29 = arith.addi %mul3A_19, %add3A_28 : i32
    "tpu.region"() ({
      %run_scoped3A = tpu.sem_alloc : memref<!tpu.dma_semaphore, #tpu.memory_space<semaphore_mem>>
      %dma_start3A = arith.constant 0 : i32
      %dma_start3A_35 = arith.constant 0 : i32
      %dma_start3A_36 = tpu.memref_slice %arg10[%dma_start3A, %dma_start3A_35] : memref<128x128xf32, #tpu.memory_space<vmem>> -> memref<112x128xf32, #tpu.memory_space<vmem>>
      %dma_start3A_37 = arith.constant 0 : i32
      %dma_start3A_38 = tpu.memref_slice %arg7[%add3A_29, %dma_start3A_37] : memref<10008x128xf32, #tpu.memory_space<vmem_shared>> -> memref<112x128xf32, #tpu.memory_space<vmem_shared>>
      %dma_start3A_39 = arith.constant 0 : i32
      %dma_start3A_40 = arith.constant 0 : i32
      %dma_start3A_41 = tpu.memref_slice %arg10[%dma_start3A_39, %dma_start3A_40] : memref<128x128xf32, #tpu.memory_space<vmem>> -> memref<112x128xf32, #tpu.memory_space<vmem>>
      %dma_start3A_42 = arith.constant 0 : i32
      %dma_start3A_43 = tpu.memref_slice %arg7[%add3A_29, %dma_start3A_42] : memref<10008x128xf32, #tpu.memory_space<vmem_shared>> -> memref<112x128xf32, #tpu.memory_space<vmem_shared>>
      tpu.enqueue_dma source(%dma_start3A_43 : memref<112x128xf32, #tpu.memory_space<vmem_shared>>) target(%dma_start3A_41 : memref<112x128xf32, #tpu.memory_space<vmem>>) target_semaphore(%run_scoped3A : memref<!tpu.dma_semaphore, #tpu.memory_space<semaphore_mem>>)
      %dma_wait3A = arith.constant 0 : i32
      %dma_wait3A_44 = arith.constant 0 : i32
      %dma_wait3A_45 = tpu.memref_slice %arg10[%dma_wait3A, %dma_wait3A_44] : memref<128x128xf32, #tpu.memory_space<vmem>> -> memref<112x128xf32, #tpu.memory_space<vmem>>
      %dma_wait3A_46 = arith.constant 0 : i32
      %dma_wait3A_47 = tpu.memref_slice %arg7[%add3A_29, %dma_wait3A_46] : memref<10008x128xf32, #tpu.memory_space<vmem_shared>> -> memref<112x128xf32, #tpu.memory_space<vmem_shared>>
      %dma_wait3A_48 = arith.constant 0 : i32
      %dma_wait3A_49 = arith.constant 0 : i32
      %dma_wait3A_50 = tpu.memref_slice %arg10[%dma_wait3A_48, %dma_wait3A_49] : memref<128x128xf32, #tpu.memory_space<vmem>> -> memref<112x128xf32, #tpu.memory_space<vmem>>
      %dma_wait3A_51 = arith.constant 0 : i32
      %dma_wait3A_52 = tpu.memref_slice %arg7[%add3A_29, %dma_wait3A_51] : memref<10008x128xf32, #tpu.memory_space<vmem_shared>> -> memref<112x128xf32, #tpu.memory_space<vmem_shared>>
      tpu.wait_dma2 semaphore(%run_scoped3A : memref<!tpu.dma_semaphore, #tpu.memory_space<semaphore_mem>>) src(%dma_wait3A_52 : memref<112x128xf32, #tpu.memory_space<vmem_shared>>) dst(%dma_wait3A_50 : memref<112x128xf32, #tpu.memory_space<vmem>>)
      tpu.yield
    }) : () -> ()
    "tpu.region"() ({
      %run_scoped3A = tpu.sem_alloc : memref<!tpu.dma_semaphore, #tpu.memory_space<semaphore_mem>>
      %dma_start3A = arith.constant 0 : i32
      %dma_start3A_35 = arith.constant 0 : i32
      %dma_start3A_36 = tpu.memref_slice %arg10[%dma_start3A, %dma_start3A_35] : memref<128x128xf32, #tpu.memory_space<vmem>> -> memref<112x128xf32, #tpu.memory_space<vmem>>
      %dma_start3A_37 = arith.constant 0 : i32
      %dma_start3A_38 = tpu.memref_slice %arg6[%arg0, %add3A_29, %dma_start3A_37] : memref<2x10000x128xf32, #tpu.memory_space<hbm>> -> memref<1x112x128xf32, #tpu.memory_space<hbm>>
      %dma_start3A_39 = tpu.memref_squeeze %dma_start3A_38 : memref<1x112x128xf32, #tpu.memory_space<hbm>> -> memref<112x128xf32, #tpu.memory_space<hbm>>
      %dma_start3A_40 = arith.constant 0 : i32
      %dma_start3A_41 = tpu.memref_slice %arg6[%arg0, %add3A_29, %dma_start3A_40] : memref<2x10000x128xf32, #tpu.memory_space<hbm>> -> memref<1x112x128xf32, #tpu.memory_space<hbm>>
      %dma_start3A_42 = tpu.memref_squeeze %dma_start3A_41 : memref<1x112x128xf32, #tpu.memory_space<hbm>> -> memref<112x128xf32, #tpu.memory_space<hbm>>
      %dma_start3A_43 = arith.constant 0 : i32
      %dma_start3A_44 = arith.constant 0 : i32
      %dma_start3A_45 = tpu.memref_slice %arg10[%dma_start3A_43, %dma_start3A_44] : memref<128x128xf32, #tpu.memory_space<vmem>> -> memref<112x128xf32, #tpu.memory_space<vmem>>
      tpu.enqueue_dma source(%dma_start3A_45 : memref<112x128xf32, #tpu.memory_space<vmem>>) target(%dma_start3A_42 : memref<112x128xf32, #tpu.memory_space<hbm>>) target_semaphore(%run_scoped3A : memref<!tpu.dma_semaphore, #tpu.memory_space<semaphore_mem>>)
      %dma_wait3A = arith.constant 0 : i32
      %dma_wait3A_46 = arith.constant 0 : i32
      %dma_wait3A_47 = tpu.memref_slice %arg10[%dma_wait3A, %dma_wait3A_46] : memref<128x128xf32, #tpu.memory_space<vmem>> -> memref<112x128xf32, #tpu.memory_space<vmem>>
      %dma_wait3A_48 = arith.constant 0 : i32
      %dma_wait3A_49 = tpu.memref_slice %arg6[%arg0, %add3A_29, %dma_wait3A_48] : memref<2x10000x128xf32, #tpu.memory_space<hbm>> -> memref<1x112x128xf32, #tpu.memory_space<hbm>>
      %dma_wait3A_50 = tpu.memref_squeeze %dma_wait3A_49 : memref<1x112x128xf32, #tpu.memory_space<hbm>> -> memref<112x128xf32, #tpu.memory_space<hbm>>
      %dma_wait3A_51 = arith.constant 0 : i32
      %dma_wait3A_52 = tpu.memref_slice %arg6[%arg0, %add3A_29, %dma_wait3A_51] : memref<2x10000x128xf32, #tpu.memory_space<hbm>> -> memref<1x112x128xf32, #tpu.memory_space<hbm>>
      %dma_wait3A_53 = tpu.memref_squeeze %dma_wait3A_52 : memref<1x112x128xf32, #tpu.memory_space<hbm>> -> memref<112x128xf32, #tpu.memory_space<hbm>>
      %dma_wait3A_54 = arith.constant 0 : i32
      %dma_wait3A_55 = arith.constant 0 : i32
      %dma_wait3A_56 = tpu.memref_slice %arg10[%dma_wait3A_54, %dma_wait3A_55] : memref<128x128xf32, #tpu.memory_space<vmem>> -> memref<112x128xf32, #tpu.memory_space<vmem>>
      tpu.wait_dma2 semaphore(%run_scoped3A : memref<!tpu.dma_semaphore, #tpu.memory_space<semaphore_mem>>) src(%dma_wait3A_56 : memref<112x128xf32, #tpu.memory_space<vmem>>) dst(%dma_wait3A_53 : memref<112x128xf32, #tpu.memory_space<hbm>>)
      tpu.yield
    }) : () -> ()
    %eq3A_30 = arith.constant 15 : i32
    %eq3A_31 = arith.cmpi eq, %arg1, %eq3A_30 : i32
    %convert_element_type3A_32 = arith.extui %eq3A_31 : i1 to i32
    %cond3A_33 = arith.constant 0 : i32
    %cond3A_34 = arith.cmpi ne, %convert_element_type3A_32, %cond3A_33 : i32
    scf.if %cond3A_34 {
      "tpu.region"() ({
        %run_scoped3A = tpu.sem_alloc : memref<!tpu.dma_semaphore, #tpu.memory_space<semaphore_mem>>
        %dma_start3A = arith.constant 0 : i32
        %dma_start3A_35 = arith.constant 0 : i32
        %dma_start3A_36 = tpu.memref_slice %arg10[%dma_start3A, %dma_start3A_35] : memref<128x128xf32, #tpu.memory_space<vmem>> -> memref<16x128xf32, #tpu.memory_space<vmem>>
        %dma_start3A_37 = arith.constant 9984 : i32
        %dma_start3A_38 = arith.constant 0 : i32
        %dma_start3A_39 = tpu.memref_slice %arg7[%dma_start3A_37, %dma_start3A_38] : memref<10008x128xf32, #tpu.memory_space<vmem_shared>> -> memref<16x128xf32, #tpu.memory_space<vmem_shared>>
        %dma_start3A_40 = arith.constant 0 : i32
        %dma_start3A_41 = arith.constant 0 : i32
        %dma_start3A_42 = tpu.memref_slice %arg10[%dma_start3A_40, %dma_start3A_41] : memref<128x128xf32, #tpu.memory_space<vmem>> -> memref<16x128xf32, #tpu.memory_space<vmem>>
        %dma_start3A_43 = arith.constant 9984 : i32
        %dma_start3A_44 = arith.constant 0 : i32
        %dma_start3A_45 = tpu.memref_slice %arg7[%dma_start3A_43, %dma_start3A_44] : memref<10008x128xf32, #tpu.memory_space<vmem_shared>> -> memref<16x128xf32, #tpu.memory_space<vmem_shared>>
        tpu.enqueue_dma source(%dma_start3A_45 : memref<16x128xf32, #tpu.memory_space<vmem_shared>>) target(%dma_start3A_42 : memref<16x128xf32, #tpu.memory_space<vmem>>) target_semaphore(%run_scoped3A : memref<!tpu.dma_semaphore, #tpu.memory_space<semaphore_mem>>)
        %dma_wait3A = arith.constant 0 : i32
        %dma_wait3A_46 = arith.constant 0 : i32
        %dma_wait3A_47 = tpu.memref_slice %arg10[%dma_wait3A, %dma_wait3A_46] : memref<128x128xf32, #tpu.memory_space<vmem>> -> memref<16x128xf32, #tpu.memory_space<vmem>>
        %dma_wait3A_48 = arith.constant 9984 : i32
        %dma_wait3A_49 = arith.constant 0 : i32
        %dma_wait3A_50 = tpu.memref_slice %arg7[%dma_wait3A_48, %dma_wait3A_49] : memref<10008x128xf32, #tpu.memory_space<vmem_shared>> -> memref<16x128xf32, #tpu.memory_space<vmem_shared>>
        %dma_wait3A_51 = arith.constant 0 : i32
        %dma_wait3A_52 = arith.constant 0 : i32
        %dma_wait3A_53 = tpu.memref_slice %arg10[%dma_wait3A_51, %dma_wait3A_52] : memref<128x128xf32, #tpu.memory_space<vmem>> -> memref<16x128xf32, #tpu.memory_space<vmem>>
        %dma_wait3A_54 = arith.constant 9984 : i32
        %dma_wait3A_55 = arith.constant 0 : i32
        %dma_wait3A_56 = tpu.memref_slice %arg7[%dma_wait3A_54, %dma_wait3A_55] : memref<10008x128xf32, #tpu.memory_space<vmem_shared>> -> memref<16x128xf32, #tpu.memory_space<vmem_shared>>
        tpu.wait_dma2 semaphore(%run_scoped3A : memref<!tpu.dma_semaphore, #tpu.memory_space<semaphore_mem>>) src(%dma_wait3A_56 : memref<16x128xf32, #tpu.memory_space<vmem_shared>>) dst(%dma_wait3A_53 : memref<16x128xf32, #tpu.memory_space<vmem>>)
        tpu.yield
      }) : () -> ()
      "tpu.region"() ({
        %run_scoped3A = tpu.sem_alloc : memref<!tpu.dma_semaphore, #tpu.memory_space<semaphore_mem>>
        %dma_start3A = arith.constant 0 : i32
        %dma_start3A_35 = arith.constant 0 : i32
        %dma_start3A_36 = tpu.memref_slice %arg10[%dma_start3A, %dma_start3A_35] : memref<128x128xf32, #tpu.memory_space<vmem>> -> memref<16x128xf32, #tpu.memory_space<vmem>>
        %dma_start3A_37 = arith.constant 9984 : i32
        %dma_start3A_38 = arith.constant 0 : i32
        %dma_start3A_39 = tpu.memref_slice %arg6[%arg0, %dma_start3A_37, %dma_start3A_38] : memref<2x10000x128xf32, #tpu.memory_space<hbm>> -> memref<1x16x128xf32, #tpu.memory_space<hbm>>
        %dma_start3A_40 = tpu.memref_squeeze %dma_start3A_39 : memref<1x16x128xf32, #tpu.memory_space<hbm>> -> memref<16x128xf32, #tpu.memory_space<hbm>>
        %dma_start3A_41 = arith.constant 9984 : i32
        %dma_start3A_42 = arith.constant 0 : i32
        %dma_start3A_43 = tpu.memref_slice %arg6[%arg0, %dma_start3A_41, %dma_start3A_42] : memref<2x10000x128xf32, #tpu.memory_space<hbm>> -> memref<1x16x128xf32, #tpu.memory_space<hbm>>
        %dma_start3A_44 = tpu.memref_squeeze %dma_start3A_43 : memref<1x16x128xf32, #tpu.memory_space<hbm>> -> memref<16x128xf32, #tpu.memory_space<hbm>>
        %dma_start3A_45 = arith.constant 0 : i32
        %dma_start3A_46 = arith.constant 0 : i32
        %dma_start3A_47 = tpu.memref_slice %arg10[%dma_start3A_45, %dma_start3A_46] : memref<128x128xf32, #tpu.memory_space<vmem>> -> memref<16x128xf32, #tpu.memory_space<vmem>>
        tpu.enqueue_dma source(%dma_start3A_47 : memref<16x128xf32, #tpu.memory_space<vmem>>) target(%dma_start3A_44 : memref<16x128xf32, #tpu.memory_space<hbm>>) target_semaphore(%run_scoped3A : memref<!tpu.dma_semaphore, #tpu.memory_space<semaphore_mem>>)
        %dma_wait3A = arith.constant 0 : i32
        %dma_wait3A_48 = arith.constant 0 : i32
        %dma_wait3A_49 = tpu.memref_slice %arg10[%dma_wait3A, %dma_wait3A_48] : memref<128x128xf32, #tpu.memory_space<vmem>> -> memref<16x128xf32, #tpu.memory_space<vmem>>
        %dma_wait3A_50 = arith.constant 9984 : i32
        %dma_wait3A_51 = arith.constant 0 : i32
        %dma_wait3A_52 = tpu.memref_slice %arg6[%arg0, %dma_wait3A_50, %dma_wait3A_51] : memref<2x10000x128xf32, #tpu.memory_space<hbm>> -> memref<1x16x128xf32, #tpu.memory_space<hbm>>
        %dma_wait3A_53 = tpu.memref_squeeze %dma_wait3A_52 : memref<1x16x128xf32, #tpu.memory_space<hbm>> -> memref<16x128xf32, #tpu.memory_space<hbm>>
        %dma_wait3A_54 = arith.constant 9984 : i32
        %dma_wait3A_55 = arith.constant 0 : i32
        %dma_wait3A_56 = tpu.memref_slice %arg6[%arg0, %dma_wait3A_54, %dma_wait3A_55] : memref<2x10000x128xf32, #tpu.memory_space<hbm>> -> memref<1x16x128xf32, #tpu.memory_space<hbm>>
        %dma_wait3A_57 = tpu.memref_squeeze %dma_wait3A_56 : memref<1x16x128xf32, #tpu.memory_space<hbm>> -> memref<16x128xf32, #tpu.memory_space<hbm>>
        %dma_wait3A_58 = arith.constant 0 : i32
        %dma_wait3A_59 = arith.constant 0 : i32
        %dma_wait3A_60 = tpu.memref_slice %arg10[%dma_wait3A_58, %dma_wait3A_59] : memref<128x128xf32, #tpu.memory_space<vmem>> -> memref<16x128xf32, #tpu.memory_space<vmem>>
        tpu.wait_dma2 semaphore(%run_scoped3A : memref<!tpu.dma_semaphore, #tpu.memory_space<semaphore_mem>>) src(%dma_wait3A_60 : memref<16x128xf32, #tpu.memory_space<vmem>>) dst(%dma_wait3A_57 : memref<16x128xf32, #tpu.memory_space<hbm>>)
        tpu.yield
      }) : () -> ()
    } else {
    }
    return
  }
}

#map = affine_map<(d0, d1) -> (0, 0, 0)>
#map1 = affine_map<(d0, d1) -> (0, 0, 0, 0)>
#map2 = affine_map<(d0, d1) -> (0, 0)>
module attributes {stable_mosaic.version = 14 : i64} {
  func.func @_sc_agg_body(%arg0: i32, %arg1: i32, %arg2: memref<2x10000x128xf32, #tpu.memory_space<hbm>>, %arg3: memref<2x16x160x128xi32, #tpu.memory_space<hbm>>, %arg4: memref<2x16x160x128xi32, #tpu.memory_space<hbm>>, %arg5: memref<128x128xf32, #tpu.memory_space<hbm>>, %arg6: memref<2x10000x128xf32, #tpu.memory_space<hbm>>, %arg7: memref<10008x128xf32, #tpu.memory_space<vmem_shared>>, %arg8: memref<40x128xi32, #tpu.memory_space<vmem>>, %arg9: memref<40x128xi32, #tpu.memory_space<vmem>>, %arg10: memref<128x128xf32, #tpu.memory_space<vmem>>, %arg11: memref<128x128xf32, #tpu.memory_space<vmem>>, %arg12: memref<!tpu.dma_semaphore, #tpu.memory_space<semaphore_mem>>, %arg13: memref<!tpu.dma_semaphore, #tpu.memory_space<semaphore_mem>>) attributes {dimension_semantics = [#tpu.dimension_semantics<core_parallel>, #tpu.dimension_semantics<subcore_parallel>], iteration_bounds = array<i64: 2, 16>, scalar_prefetch = 0 : i64, scratch_operands = 7 : i64, tpu.core_type = #tpu.core_type<sc_vector_subcore>, window_params = [{transform_indices = #map}, {transform_indices = #map1}, {transform_indices = #map1}, {transform_indices = #map2}, {transform_indices = #map}]} {
    "tpu.region"() ({
      %run_scoped3A = tpu.sem_alloc : memref<!tpu.dma_semaphore, #tpu.memory_space<semaphore_mem>>
      tpu.enqueue_dma source(%arg5 : memref<128x128xf32, #tpu.memory_space<hbm>>) target(%arg10 : memref<128x128xf32, #tpu.memory_space<vmem>>) target_semaphore(%run_scoped3A : memref<!tpu.dma_semaphore, #tpu.memory_space<semaphore_mem>>)
      tpu.wait_dma2 semaphore(%run_scoped3A : memref<!tpu.dma_semaphore, #tpu.memory_space<semaphore_mem>>) src(%arg5 : memref<128x128xf32, #tpu.memory_space<hbm>>) dst(%arg10 : memref<128x128xf32, #tpu.memory_space<vmem>>)
      tpu.yield
    }) : () -> ()
    %mul3A = arith.constant 624 : i32
    %mul3A_0 = arith.muli %arg1, %mul3A : i32
    %add3A = arith.constant 0 : i32
    %add3A_1 = arith.addi %mul3A_0, %add3A : i32
    "tpu.region"() ({
      %run_scoped3A = tpu.sem_alloc : memref<!tpu.dma_semaphore, #tpu.memory_space<semaphore_mem>>
      %dma_start3A = arith.constant 0 : i32
      %dma_start3A_35 = arith.constant 0 : i32
      %dma_start3A_36 = tpu.memref_slice %arg10[%dma_start3A, %dma_start3A_35] : memref<128x128xf32, #tpu.memory_space<vmem>> -> memref<128x128xf32, #tpu.memory_space<vmem>>
      %dma_start3A_37 = arith.constant 0 : i32
      %dma_start3A_38 = tpu.memref_slice %arg7[%add3A_1, %dma_start3A_37] : memref<10008x128xf32, #tpu.memory_space<vmem_shared>> -> memref<128x128xf32, #tpu.memory_space<vmem_shared>>
      %dma_start3A_39 = arith.constant 0 : i32
      %dma_start3A_40 = tpu.memref_slice %arg7[%add3A_1, %dma_start3A_39] : memref<10008x128xf32, #tpu.memory_space<vmem_shared>> -> memref<128x128xf32, #tpu.memory_space<vmem_shared>>
      %dma_start3A_41 = arith.constant 0 : i32
      %dma_start3A_42 = arith.constant 0 : i32
      %dma_start3A_43 = tpu.memref_slice %arg10[%dma_start3A_41, %dma_start3A_42] : memref<128x128xf32, #tpu.memory_space<vmem>> -> memref<128x128xf32, #tpu.memory_space<vmem>>
      tpu.enqueue_dma source(%dma_start3A_43 : memref<128x128xf32, #tpu.memory_space<vmem>>) target(%dma_start3A_40 : memref<128x128xf32, #tpu.memory_space<vmem_shared>>) target_semaphore(%run_scoped3A : memref<!tpu.dma_semaphore, #tpu.memory_space<semaphore_mem>>)
      %dma_wait3A = arith.constant 0 : i32
      %dma_wait3A_44 = arith.constant 0 : i32
      %dma_wait3A_45 = tpu.memref_slice %arg10[%dma_wait3A, %dma_wait3A_44] : memref<128x128xf32, #tpu.memory_space<vmem>> -> memref<128x128xf32, #tpu.memory_space<vmem>>
      %dma_wait3A_46 = arith.constant 0 : i32
      %dma_wait3A_47 = tpu.memref_slice %arg7[%add3A_1, %dma_wait3A_46] : memref<10008x128xf32, #tpu.memory_space<vmem_shared>> -> memref<128x128xf32, #tpu.memory_space<vmem_shared>>
      %dma_wait3A_48 = arith.constant 0 : i32
      %dma_wait3A_49 = tpu.memref_slice %arg7[%add3A_1, %dma_wait3A_48] : memref<10008x128xf32, #tpu.memory_space<vmem_shared>> -> memref<128x128xf32, #tpu.memory_space<vmem_shared>>
      %dma_wait3A_50 = arith.constant 0 : i32
      %dma_wait3A_51 = arith.constant 0 : i32
      %dma_wait3A_52 = tpu.memref_slice %arg10[%dma_wait3A_50, %dma_wait3A_51] : memref<128x128xf32, #tpu.memory_space<vmem>> -> memref<128x128xf32, #tpu.memory_space<vmem>>
      tpu.wait_dma2 semaphore(%run_scoped3A : memref<!tpu.dma_semaphore, #tpu.memory_space<semaphore_mem>>) src(%dma_wait3A_52 : memref<128x128xf32, #tpu.memory_space<vmem>>) dst(%dma_wait3A_49 : memref<128x128xf32, #tpu.memory_space<vmem_shared>>)
      tpu.yield
    }) : () -> ()
    %add3A_2 = arith.constant 128 : i32
    %add3A_3 = arith.addi %mul3A_0, %add3A_2 : i32
    "tpu.region"() ({
      %run_scoped3A = tpu.sem_alloc : memref<!tpu.dma_semaphore, #tpu.memory_space<semaphore_mem>>
      %dma_start3A = arith.constant 0 : i32
      %dma_start3A_35 = arith.constant 0 : i32
      %dma_start3A_36 = tpu.memref_slice %arg10[%dma_start3A, %dma_start3A_35] : memref<128x128xf32, #tpu.memory_space<vmem>> -> memref<128x128xf32, #tpu.memory_space<vmem>>
      %dma_start3A_37 = arith.constant 0 : i32
      %dma_start3A_38 = tpu.memref_slice %arg7[%add3A_3, %dma_start3A_37] : memref<10008x128xf32, #tpu.memory_space<vmem_shared>> -> memref<128x128xf32, #tpu.memory_space<vmem_shared>>
      %dma_start3A_39 = arith.constant 0 : i32
      %dma_start3A_40 = tpu.memref_slice %arg7[%add3A_3, %dma_start3A_39] : memref<10008x128xf32, #tpu.memory_space<vmem_shared>> -> memref<128x128xf32, #tpu.memory_space<vmem_shared>>
      %dma_start3A_41 = arith.constant 0 : i32
      %dma_start3A_42 = arith.constant 0 : i32
      %dma_start3A_43 = tpu.memref_slice %arg10[%dma_start3A_41, %dma_start3A_42] : memref<128x128xf32, #tpu.memory_space<vmem>> -> memref<128x128xf32, #tpu.memory_space<vmem>>
      tpu.enqueue_dma source(%dma_start3A_43 : memref<128x128xf32, #tpu.memory_space<vmem>>) target(%dma_start3A_40 : memref<128x128xf32, #tpu.memory_space<vmem_shared>>) target_semaphore(%run_scoped3A : memref<!tpu.dma_semaphore, #tpu.memory_space<semaphore_mem>>)
      %dma_wait3A = arith.constant 0 : i32
      %dma_wait3A_44 = arith.constant 0 : i32
      %dma_wait3A_45 = tpu.memref_slice %arg10[%dma_wait3A, %dma_wait3A_44] : memref<128x128xf32, #tpu.memory_space<vmem>> -> memref<128x128xf32, #tpu.memory_space<vmem>>
      %dma_wait3A_46 = arith.constant 0 : i32
      %dma_wait3A_47 = tpu.memref_slice %arg7[%add3A_3, %dma_wait3A_46] : memref<10008x128xf32, #tpu.memory_space<vmem_shared>> -> memref<128x128xf32, #tpu.memory_space<vmem_shared>>
      %dma_wait3A_48 = arith.constant 0 : i32
      %dma_wait3A_49 = tpu.memref_slice %arg7[%add3A_3, %dma_wait3A_48] : memref<10008x128xf32, #tpu.memory_space<vmem_shared>> -> memref<128x128xf32, #tpu.memory_space<vmem_shared>>
      %dma_wait3A_50 = arith.constant 0 : i32
      %dma_wait3A_51 = arith.constant 0 : i32
      %dma_wait3A_52 = tpu.memref_slice %arg10[%dma_wait3A_50, %dma_wait3A_51] : memref<128x128xf32, #tpu.memory_space<vmem>> -> memref<128x128xf32, #tpu.memory_space<vmem>>
      tpu.wait_dma2 semaphore(%run_scoped3A : memref<!tpu.dma_semaphore, #tpu.memory_space<semaphore_mem>>) src(%dma_wait3A_52 : memref<128x128xf32, #tpu.memory_space<vmem>>) dst(%dma_wait3A_49 : memref<128x128xf32, #tpu.memory_space<vmem_shared>>)
      tpu.yield
    }) : () -> ()
    %add3A_4 = arith.constant 256 : i32
    %add3A_5 = arith.addi %mul3A_0, %add3A_4 : i32
    "tpu.region"() ({
      %run_scoped3A = tpu.sem_alloc : memref<!tpu.dma_semaphore, #tpu.memory_space<semaphore_mem>>
      %dma_start3A = arith.constant 0 : i32
      %dma_start3A_35 = arith.constant 0 : i32
      %dma_start3A_36 = tpu.memref_slice %arg10[%dma_start3A, %dma_start3A_35] : memref<128x128xf32, #tpu.memory_space<vmem>> -> memref<128x128xf32, #tpu.memory_space<vmem>>
      %dma_start3A_37 = arith.constant 0 : i32
      %dma_start3A_38 = tpu.memref_slice %arg7[%add3A_5, %dma_start3A_37] : memref<10008x128xf32, #tpu.memory_space<vmem_shared>> -> memref<128x128xf32, #tpu.memory_space<vmem_shared>>
      %dma_start3A_39 = arith.constant 0 : i32
      %dma_start3A_40 = tpu.memref_slice %arg7[%add3A_5, %dma_start3A_39] : memref<10008x128xf32, #tpu.memory_space<vmem_shared>> -> memref<128x128xf32, #tpu.memory_space<vmem_shared>>
      %dma_start3A_41 = arith.constant 0 : i32
      %dma_start3A_42 = arith.constant 0 : i32
      %dma_start3A_43 = tpu.memref_slice %arg10[%dma_start3A_41, %dma_start3A_42] : memref<128x128xf32, #tpu.memory_space<vmem>> -> memref<128x128xf32, #tpu.memory_space<vmem>>
      tpu.enqueue_dma source(%dma_start3A_43 : memref<128x128xf32, #tpu.memory_space<vmem>>) target(%dma_start3A_40 : memref<128x128xf32, #tpu.memory_space<vmem_shared>>) target_semaphore(%run_scoped3A : memref<!tpu.dma_semaphore, #tpu.memory_space<semaphore_mem>>)
      %dma_wait3A = arith.constant 0 : i32
      %dma_wait3A_44 = arith.constant 0 : i32
      %dma_wait3A_45 = tpu.memref_slice %arg10[%dma_wait3A, %dma_wait3A_44] : memref<128x128xf32, #tpu.memory_space<vmem>> -> memref<128x128xf32, #tpu.memory_space<vmem>>
      %dma_wait3A_46 = arith.constant 0 : i32
      %dma_wait3A_47 = tpu.memref_slice %arg7[%add3A_5, %dma_wait3A_46] : memref<10008x128xf32, #tpu.memory_space<vmem_shared>> -> memref<128x128xf32, #tpu.memory_space<vmem_shared>>
      %dma_wait3A_48 = arith.constant 0 : i32
      %dma_wait3A_49 = tpu.memref_slice %arg7[%add3A_5, %dma_wait3A_48] : memref<10008x128xf32, #tpu.memory_space<vmem_shared>> -> memref<128x128xf32, #tpu.memory_space<vmem_shared>>
      %dma_wait3A_50 = arith.constant 0 : i32
      %dma_wait3A_51 = arith.constant 0 : i32
      %dma_wait3A_52 = tpu.memref_slice %arg10[%dma_wait3A_50, %dma_wait3A_51] : memref<128x128xf32, #tpu.memory_space<vmem>> -> memref<128x128xf32, #tpu.memory_space<vmem>>
      tpu.wait_dma2 semaphore(%run_scoped3A : memref<!tpu.dma_semaphore, #tpu.memory_space<semaphore_mem>>) src(%dma_wait3A_52 : memref<128x128xf32, #tpu.memory_space<vmem>>) dst(%dma_wait3A_49 : memref<128x128xf32, #tpu.memory_space<vmem_shared>>)
      tpu.yield
    }) : () -> ()
    %add3A_6 = arith.constant 384 : i32
    %add3A_7 = arith.addi %mul3A_0, %add3A_6 : i32
    "tpu.region"() ({
      %run_scoped3A = tpu.sem_alloc : memref<!tpu.dma_semaphore, #tpu.memory_space<semaphore_mem>>
      %dma_start3A = arith.constant 0 : i32
      %dma_start3A_35 = arith.constant 0 : i32
      %dma_start3A_36 = tpu.memref_slice %arg10[%dma_start3A, %dma_start3A_35] : memref<128x128xf32, #tpu.memory_space<vmem>> -> memref<128x128xf32, #tpu.memory_space<vmem>>
      %dma_start3A_37 = arith.constant 0 : i32
      %dma_start3A_38 = tpu.memref_slice %arg7[%add3A_7, %dma_start3A_37] : memref<10008x128xf32, #tpu.memory_space<vmem_shared>> -> memref<128x128xf32, #tpu.memory_space<vmem_shared>>
      %dma_start3A_39 = arith.constant 0 : i32
      %dma_start3A_40 = tpu.memref_slice %arg7[%add3A_7, %dma_start3A_39] : memref<10008x128xf32, #tpu.memory_space<vmem_shared>> -> memref<128x128xf32, #tpu.memory_space<vmem_shared>>
      %dma_start3A_41 = arith.constant 0 : i32
      %dma_start3A_42 = arith.constant 0 : i32
      %dma_start3A_43 = tpu.memref_slice %arg10[%dma_start3A_41, %dma_start3A_42] : memref<128x128xf32, #tpu.memory_space<vmem>> -> memref<128x128xf32, #tpu.memory_space<vmem>>
      tpu.enqueue_dma source(%dma_start3A_43 : memref<128x128xf32, #tpu.memory_space<vmem>>) target(%dma_start3A_40 : memref<128x128xf32, #tpu.memory_space<vmem_shared>>) target_semaphore(%run_scoped3A : memref<!tpu.dma_semaphore, #tpu.memory_space<semaphore_mem>>)
      %dma_wait3A = arith.constant 0 : i32
      %dma_wait3A_44 = arith.constant 0 : i32
      %dma_wait3A_45 = tpu.memref_slice %arg10[%dma_wait3A, %dma_wait3A_44] : memref<128x128xf32, #tpu.memory_space<vmem>> -> memref<128x128xf32, #tpu.memory_space<vmem>>
      %dma_wait3A_46 = arith.constant 0 : i32
      %dma_wait3A_47 = tpu.memref_slice %arg7[%add3A_7, %dma_wait3A_46] : memref<10008x128xf32, #tpu.memory_space<vmem_shared>> -> memref<128x128xf32, #tpu.memory_space<vmem_shared>>
      %dma_wait3A_48 = arith.constant 0 : i32
      %dma_wait3A_49 = tpu.memref_slice %arg7[%add3A_7, %dma_wait3A_48] : memref<10008x128xf32, #tpu.memory_space<vmem_shared>> -> memref<128x128xf32, #tpu.memory_space<vmem_shared>>
      %dma_wait3A_50 = arith.constant 0 : i32
      %dma_wait3A_51 = arith.constant 0 : i32
      %dma_wait3A_52 = tpu.memref_slice %arg10[%dma_wait3A_50, %dma_wait3A_51] : memref<128x128xf32, #tpu.memory_space<vmem>> -> memref<128x128xf32, #tpu.memory_space<vmem>>
      tpu.wait_dma2 semaphore(%run_scoped3A : memref<!tpu.dma_semaphore, #tpu.memory_space<semaphore_mem>>) src(%dma_wait3A_52 : memref<128x128xf32, #tpu.memory_space<vmem>>) dst(%dma_wait3A_49 : memref<128x128xf32, #tpu.memory_space<vmem_shared>>)
      tpu.yield
    }) : () -> ()
    %add3A_8 = arith.constant 512 : i32
    %add3A_9 = arith.addi %mul3A_0, %add3A_8 : i32
    "tpu.region"() ({
      %run_scoped3A = tpu.sem_alloc : memref<!tpu.dma_semaphore, #tpu.memory_space<semaphore_mem>>
      %dma_start3A = arith.constant 0 : i32
      %dma_start3A_35 = arith.constant 0 : i32
      %dma_start3A_36 = tpu.memref_slice %arg10[%dma_start3A, %dma_start3A_35] : memref<128x128xf32, #tpu.memory_space<vmem>> -> memref<112x128xf32, #tpu.memory_space<vmem>>
      %dma_start3A_37 = arith.constant 0 : i32
      %dma_start3A_38 = tpu.memref_slice %arg7[%add3A_9, %dma_start3A_37] : memref<10008x128xf32, #tpu.memory_space<vmem_shared>> -> memref<112x128xf32, #tpu.memory_space<vmem_shared>>
      %dma_start3A_39 = arith.constant 0 : i32
      %dma_start3A_40 = tpu.memref_slice %arg7[%add3A_9, %dma_start3A_39] : memref<10008x128xf32, #tpu.memory_space<vmem_shared>> -> memref<112x128xf32, #tpu.memory_space<vmem_shared>>
      %dma_start3A_41 = arith.constant 0 : i32
      %dma_start3A_42 = arith.constant 0 : i32
      %dma_start3A_43 = tpu.memref_slice %arg10[%dma_start3A_41, %dma_start3A_42] : memref<128x128xf32, #tpu.memory_space<vmem>> -> memref<112x128xf32, #tpu.memory_space<vmem>>
      tpu.enqueue_dma source(%dma_start3A_43 : memref<112x128xf32, #tpu.memory_space<vmem>>) target(%dma_start3A_40 : memref<112x128xf32, #tpu.memory_space<vmem_shared>>) target_semaphore(%run_scoped3A : memref<!tpu.dma_semaphore, #tpu.memory_space<semaphore_mem>>)
      %dma_wait3A = arith.constant 0 : i32
      %dma_wait3A_44 = arith.constant 0 : i32
      %dma_wait3A_45 = tpu.memref_slice %arg10[%dma_wait3A, %dma_wait3A_44] : memref<128x128xf32, #tpu.memory_space<vmem>> -> memref<112x128xf32, #tpu.memory_space<vmem>>
      %dma_wait3A_46 = arith.constant 0 : i32
      %dma_wait3A_47 = tpu.memref_slice %arg7[%add3A_9, %dma_wait3A_46] : memref<10008x128xf32, #tpu.memory_space<vmem_shared>> -> memref<112x128xf32, #tpu.memory_space<vmem_shared>>
      %dma_wait3A_48 = arith.constant 0 : i32
      %dma_wait3A_49 = tpu.memref_slice %arg7[%add3A_9, %dma_wait3A_48] : memref<10008x128xf32, #tpu.memory_space<vmem_shared>> -> memref<112x128xf32, #tpu.memory_space<vmem_shared>>
      %dma_wait3A_50 = arith.constant 0 : i32
      %dma_wait3A_51 = arith.constant 0 : i32
      %dma_wait3A_52 = tpu.memref_slice %arg10[%dma_wait3A_50, %dma_wait3A_51] : memref<128x128xf32, #tpu.memory_space<vmem>> -> memref<112x128xf32, #tpu.memory_space<vmem>>
      tpu.wait_dma2 semaphore(%run_scoped3A : memref<!tpu.dma_semaphore, #tpu.memory_space<semaphore_mem>>) src(%dma_wait3A_52 : memref<112x128xf32, #tpu.memory_space<vmem>>) dst(%dma_wait3A_49 : memref<112x128xf32, #tpu.memory_space<vmem_shared>>)
      tpu.yield
    }) : () -> ()
    %eq3A = arith.constant 15 : i32
    %eq3A_10 = arith.cmpi eq, %arg1, %eq3A : i32
    %convert_element_type3A = arith.extui %eq3A_10 : i1 to i32
    %cond3A = arith.constant 0 : i32
    %cond3A_11 = arith.cmpi ne, %convert_element_type3A, %cond3A : i32
    scf.if %cond3A_11 {
      "tpu.region"() ({
        %run_scoped3A = tpu.sem_alloc : memref<!tpu.dma_semaphore, #tpu.memory_space<semaphore_mem>>
        %dma_start3A = arith.constant 0 : i32
        %dma_start3A_35 = arith.constant 0 : i32
        %dma_start3A_36 = tpu.memref_slice %arg10[%dma_start3A, %dma_start3A_35] : memref<128x128xf32, #tpu.memory_space<vmem>> -> memref<16x128xf32, #tpu.memory_space<vmem>>
        %dma_start3A_37 = arith.constant 9984 : i32
        %dma_start3A_38 = arith.constant 0 : i32
        %dma_start3A_39 = tpu.memref_slice %arg7[%dma_start3A_37, %dma_start3A_38] : memref<10008x128xf32, #tpu.memory_space<vmem_shared>> -> memref<16x128xf32, #tpu.memory_space<vmem_shared>>
        %dma_start3A_40 = arith.constant 9984 : i32
        %dma_start3A_41 = arith.constant 0 : i32
        %dma_start3A_42 = tpu.memref_slice %arg7[%dma_start3A_40, %dma_start3A_41] : memref<10008x128xf32, #tpu.memory_space<vmem_shared>> -> memref<16x128xf32, #tpu.memory_space<vmem_shared>>
        %dma_start3A_43 = arith.constant 0 : i32
        %dma_start3A_44 = arith.constant 0 : i32
        %dma_start3A_45 = tpu.memref_slice %arg10[%dma_start3A_43, %dma_start3A_44] : memref<128x128xf32, #tpu.memory_space<vmem>> -> memref<16x128xf32, #tpu.memory_space<vmem>>
        tpu.enqueue_dma source(%dma_start3A_45 : memref<16x128xf32, #tpu.memory_space<vmem>>) target(%dma_start3A_42 : memref<16x128xf32, #tpu.memory_space<vmem_shared>>) target_semaphore(%run_scoped3A : memref<!tpu.dma_semaphore, #tpu.memory_space<semaphore_mem>>)
        %dma_wait3A = arith.constant 0 : i32
        %dma_wait3A_46 = arith.constant 0 : i32
        %dma_wait3A_47 = tpu.memref_slice %arg10[%dma_wait3A, %dma_wait3A_46] : memref<128x128xf32, #tpu.memory_space<vmem>> -> memref<16x128xf32, #tpu.memory_space<vmem>>
        %dma_wait3A_48 = arith.constant 9984 : i32
        %dma_wait3A_49 = arith.constant 0 : i32
        %dma_wait3A_50 = tpu.memref_slice %arg7[%dma_wait3A_48, %dma_wait3A_49] : memref<10008x128xf32, #tpu.memory_space<vmem_shared>> -> memref<16x128xf32, #tpu.memory_space<vmem_shared>>
        %dma_wait3A_51 = arith.constant 9984 : i32
        %dma_wait3A_52 = arith.constant 0 : i32
        %dma_wait3A_53 = tpu.memref_slice %arg7[%dma_wait3A_51, %dma_wait3A_52] : memref<10008x128xf32, #tpu.memory_space<vmem_shared>> -> memref<16x128xf32, #tpu.memory_space<vmem_shared>>
        %dma_wait3A_54 = arith.constant 0 : i32
        %dma_wait3A_55 = arith.constant 0 : i32
        %dma_wait3A_56 = tpu.memref_slice %arg10[%dma_wait3A_54, %dma_wait3A_55] : memref<128x128xf32, #tpu.memory_space<vmem>> -> memref<16x128xf32, #tpu.memory_space<vmem>>
        tpu.wait_dma2 semaphore(%run_scoped3A : memref<!tpu.dma_semaphore, #tpu.memory_space<semaphore_mem>>) src(%dma_wait3A_56 : memref<16x128xf32, #tpu.memory_space<vmem>>) dst(%dma_wait3A_53 : memref<16x128xf32, #tpu.memory_space<vmem_shared>>)
        tpu.yield
      }) : () -> ()
    } else {
    }
    %barrier3A = arith.constant 0 : index
    tpu.barrier barrier_id(%barrier3A)
    %scan3A = arith.constant 0 : i32
    %scan3A_12 = arith.constant 0 : i32
    %scan3A_13 = arith.constant 4 : i32
    %scan3A_14 = arith.addi %scan3A_12, %scan3A_13 : i32
    %scan3A_15 = arith.constant 1 : i32
    scf.for %scan3A_35 = %scan3A_12 to %scan3A_14 step %scan3A_15  : i32 {
      %mul3A_36 = arith.constant 40 : i32
      %mul3A_37 = arith.muli %scan3A_35, %mul3A_36 : i32
      "tpu.region"() ({
        %run_scoped3A_89 = tpu.sem_alloc : memref<!tpu.dma_semaphore, #tpu.memory_space<semaphore_mem>>
        %dma_start3A_90 = arith.constant 0 : i32
        %dma_start3A_91 = tpu.memref_slice %arg3[%arg0, %arg1, %mul3A_37, %dma_start3A_90] : memref<2x16x160x128xi32, #tpu.memory_space<hbm>> -> memref<1x1x40x128xi32, #tpu.memory_space<hbm>>
        %dma_start3A_92 = tpu.memref_squeeze %dma_start3A_91 : memref<1x1x40x128xi32, #tpu.memory_space<hbm>> -> memref<40x128xi32, #tpu.memory_space<hbm>>
        %dma_start3A_93 = arith.constant 0 : i32
        %dma_start3A_94 = tpu.memref_slice %arg3[%arg0, %arg1, %mul3A_37, %dma_start3A_93] : memref<2x16x160x128xi32, #tpu.memory_space<hbm>> -> memref<1x1x40x128xi32, #tpu.memory_space<hbm>>
        %dma_start3A_95 = tpu.memref_squeeze %dma_start3A_94 : memref<1x1x40x128xi32, #tpu.memory_space<hbm>> -> memref<40x128xi32, #tpu.memory_space<hbm>>
        tpu.enqueue_dma source(%dma_start3A_95 : memref<40x128xi32, #tpu.memory_space<hbm>>) target(%arg8 : memref<40x128xi32, #tpu.memory_space<vmem>>) target_semaphore(%run_scoped3A_89 : memref<!tpu.dma_semaphore, #tpu.memory_space<semaphore_mem>>)
        %dma_wait3A_96 = arith.constant 0 : i32
        %dma_wait3A_97 = tpu.memref_slice %arg3[%arg0, %arg1, %mul3A_37, %dma_wait3A_96] : memref<2x16x160x128xi32, #tpu.memory_space<hbm>> -> memref<1x1x40x128xi32, #tpu.memory_space<hbm>>
        %dma_wait3A_98 = tpu.memref_squeeze %dma_wait3A_97 : memref<1x1x40x128xi32, #tpu.memory_space<hbm>> -> memref<40x128xi32, #tpu.memory_space<hbm>>
        %dma_wait3A_99 = arith.constant 0 : i32
        %dma_wait3A_100 = tpu.memref_slice %arg3[%arg0, %arg1, %mul3A_37, %dma_wait3A_99] : memref<2x16x160x128xi32, #tpu.memory_space<hbm>> -> memref<1x1x40x128xi32, #tpu.memory_space<hbm>>
        %dma_wait3A_101 = tpu.memref_squeeze %dma_wait3A_100 : memref<1x1x40x128xi32, #tpu.memory_space<hbm>> -> memref<40x128xi32, #tpu.memory_space<hbm>>
        tpu.wait_dma2 semaphore(%run_scoped3A_89 : memref<!tpu.dma_semaphore, #tpu.memory_space<semaphore_mem>>) src(%dma_wait3A_101 : memref<40x128xi32, #tpu.memory_space<hbm>>) dst(%arg8 : memref<40x128xi32, #tpu.memory_space<vmem>>)
        tpu.yield
      }) : () -> ()
      %mul3A_38 = arith.constant 40 : i32
      %mul3A_39 = arith.muli %scan3A_35, %mul3A_38 : i32
      "tpu.region"() ({
        %run_scoped3A_89 = tpu.sem_alloc : memref<!tpu.dma_semaphore, #tpu.memory_space<semaphore_mem>>
        %dma_start3A_90 = arith.constant 0 : i32
        %dma_start3A_91 = tpu.memref_slice %arg4[%arg0, %arg1, %mul3A_39, %dma_start3A_90] : memref<2x16x160x128xi32, #tpu.memory_space<hbm>> -> memref<1x1x40x128xi32, #tpu.memory_space<hbm>>
        %dma_start3A_92 = tpu.memref_squeeze %dma_start3A_91 : memref<1x1x40x128xi32, #tpu.memory_space<hbm>> -> memref<40x128xi32, #tpu.memory_space<hbm>>
        %dma_start3A_93 = arith.constant 0 : i32
        %dma_start3A_94 = tpu.memref_slice %arg4[%arg0, %arg1, %mul3A_39, %dma_start3A_93] : memref<2x16x160x128xi32, #tpu.memory_space<hbm>> -> memref<1x1x40x128xi32, #tpu.memory_space<hbm>>
        %dma_start3A_95 = tpu.memref_squeeze %dma_start3A_94 : memref<1x1x40x128xi32, #tpu.memory_space<hbm>> -> memref<40x128xi32, #tpu.memory_space<hbm>>
        tpu.enqueue_dma source(%dma_start3A_95 : memref<40x128xi32, #tpu.memory_space<hbm>>) target(%arg9 : memref<40x128xi32, #tpu.memory_space<vmem>>) target_semaphore(%run_scoped3A_89 : memref<!tpu.dma_semaphore, #tpu.memory_space<semaphore_mem>>)
        %dma_wait3A_96 = arith.constant 0 : i32
        %dma_wait3A_97 = tpu.memref_slice %arg4[%arg0, %arg1, %mul3A_39, %dma_wait3A_96] : memref<2x16x160x128xi32, #tpu.memory_space<hbm>> -> memref<1x1x40x128xi32, #tpu.memory_space<hbm>>
        %dma_wait3A_98 = tpu.memref_squeeze %dma_wait3A_97 : memref<1x1x40x128xi32, #tpu.memory_space<hbm>> -> memref<40x128xi32, #tpu.memory_space<hbm>>
        %dma_wait3A_99 = arith.constant 0 : i32
        %dma_wait3A_100 = tpu.memref_slice %arg4[%arg0, %arg1, %mul3A_39, %dma_wait3A_99] : memref<2x16x160x128xi32, #tpu.memory_space<hbm>> -> memref<1x1x40x128xi32, #tpu.memory_space<hbm>>
        %dma_wait3A_101 = tpu.memref_squeeze %dma_wait3A_100 : memref<1x1x40x128xi32, #tpu.memory_space<hbm>> -> memref<40x128xi32, #tpu.memory_space<hbm>>
        tpu.wait_dma2 semaphore(%run_scoped3A_89 : memref<!tpu.dma_semaphore, #tpu.memory_space<semaphore_mem>>) src(%dma_wait3A_101 : memref<40x128xi32, #tpu.memory_space<hbm>>) dst(%arg9 : memref<40x128xi32, #tpu.memory_space<vmem>>)
        tpu.yield
      }) : () -> ()
      %dma_start3A = arith.constant 0 : i32
      %dma_start3A_40 = arith.constant 0 : i32
      %dma_start3A_41 = tpu.memref_slice %arg8[%dma_start3A, %dma_start3A_40] : memref<40x128xi32, #tpu.memory_space<vmem>> -> memref<1x128xi32, #tpu.memory_space<vmem>>
      %dma_start3A_42 = tpu.memref_squeeze %dma_start3A_41 : memref<1x128xi32, #tpu.memory_space<vmem>> -> memref<128xi32, #tpu.memory_space<vmem>>
      %dma_start3A_43 = arith.constant 0 : i32
      %dma_start3A_44 = arith.constant 0 : i32
      %dma_start3A_45 = tpu.memref_slice %arg2[%arg0, %dma_start3A_43, %dma_start3A_44] : memref<2x10000x128xf32, #tpu.memory_space<hbm>> -> memref<1x10000x128xf32, #tpu.memory_space<hbm>>
      %dma_start3A_46 = tpu.memref_squeeze %dma_start3A_45 : memref<1x10000x128xf32, #tpu.memory_space<hbm>> -> memref<10000x128xf32, #tpu.memory_space<hbm>>
      %dma_start3A_47 = arith.constant 0 : i32
      %dma_start3A_48 = arith.constant 0 : i32
      %dma_start3A_49 = tpu.memref_slice %dma_start3A_46[%dma_start3A_47, %dma_start3A_48] : memref<10000x128xf32, #tpu.memory_space<hbm>> -> memref<10000x128xf32, #tpu.memory_space<hbm>>
      tpu.enqueue_indirect_dma source(%dma_start3A_49 : memref<10000x128xf32, #tpu.memory_space<hbm>>) target(%arg10 : memref<128x128xf32, #tpu.memory_space<vmem>>) offsets(%dma_start3A_42 : memref<128xi32, #tpu.memory_space<vmem>>) semaphore(%arg12 : memref<!tpu.dma_semaphore, #tpu.memory_space<semaphore_mem>>)
      %dma_start3A_50 = arith.constant 1 : i32
      %dma_start3A_51 = arith.constant 0 : i32
      %dma_start3A_52 = tpu.memref_slice %arg8[%dma_start3A_50, %dma_start3A_51] : memref<40x128xi32, #tpu.memory_space<vmem>> -> memref<1x128xi32, #tpu.memory_space<vmem>>
      %dma_start3A_53 = tpu.memref_squeeze %dma_start3A_52 : memref<1x128xi32, #tpu.memory_space<vmem>> -> memref<128xi32, #tpu.memory_space<vmem>>
      %dma_start3A_54 = arith.constant 0 : i32
      %dma_start3A_55 = arith.constant 0 : i32
      %dma_start3A_56 = tpu.memref_slice %arg2[%arg0, %dma_start3A_54, %dma_start3A_55] : memref<2x10000x128xf32, #tpu.memory_space<hbm>> -> memref<1x10000x128xf32, #tpu.memory_space<hbm>>
      %dma_start3A_57 = tpu.memref_squeeze %dma_start3A_56 : memref<1x10000x128xf32, #tpu.memory_space<hbm>> -> memref<10000x128xf32, #tpu.memory_space<hbm>>
      %dma_start3A_58 = arith.constant 0 : i32
      %dma_start3A_59 = arith.constant 0 : i32
      %dma_start3A_60 = tpu.memref_slice %dma_start3A_57[%dma_start3A_58, %dma_start3A_59] : memref<10000x128xf32, #tpu.memory_space<hbm>> -> memref<10000x128xf32, #tpu.memory_space<hbm>>
      tpu.enqueue_indirect_dma source(%dma_start3A_60 : memref<10000x128xf32, #tpu.memory_space<hbm>>) target(%arg11 : memref<128x128xf32, #tpu.memory_space<vmem>>) offsets(%dma_start3A_53 : memref<128xi32, #tpu.memory_space<vmem>>) semaphore(%arg13 : memref<!tpu.dma_semaphore, #tpu.memory_space<semaphore_mem>>)
      %scan3A_61 = arith.constant 0 : i32
      %scan3A_62 = arith.constant 0 : i32
      %scan3A_63 = arith.constant 19 : i32
      %scan3A_64 = arith.addi %scan3A_62, %scan3A_63 : i32
      %scan3A_65 = arith.constant 1 : i32
      scf.for %scan3A_89 = %scan3A_62 to %scan3A_64 step %scan3A_65  : i32 {
        %mul3A_90 = arith.constant 2 : i32
        %mul3A_91 = arith.muli %mul3A_90, %scan3A_89 : i32
        %dma_wait3A_92 = arith.constant 0 : i32
        %dma_wait3A_93 = tpu.memref_slice %arg8[%mul3A_91, %dma_wait3A_92] : memref<40x128xi32, #tpu.memory_space<vmem>> -> memref<1x128xi32, #tpu.memory_space<vmem>>
        %dma_wait3A_94 = tpu.memref_squeeze %dma_wait3A_93 : memref<1x128xi32, #tpu.memory_space<vmem>> -> memref<128xi32, #tpu.memory_space<vmem>>
        %dma_wait3A_95 = arith.constant 0 : i32
        %dma_wait3A_96 = arith.constant 0 : i32
        %dma_wait3A_97 = tpu.memref_slice %arg2[%arg0, %dma_wait3A_95, %dma_wait3A_96] : memref<2x10000x128xf32, #tpu.memory_space<hbm>> -> memref<1x10000x128xf32, #tpu.memory_space<hbm>>
        %dma_wait3A_98 = tpu.memref_squeeze %dma_wait3A_97 : memref<1x10000x128xf32, #tpu.memory_space<hbm>> -> memref<10000x128xf32, #tpu.memory_space<hbm>>
        %dma_wait3A_99 = arith.constant 0 : i32
        %dma_wait3A_100 = arith.constant 0 : i32
        %dma_wait3A_101 = tpu.memref_slice %dma_wait3A_98[%dma_wait3A_99, %dma_wait3A_100] : memref<10000x128xf32, #tpu.memory_space<hbm>> -> memref<10000x128xf32, #tpu.memory_space<hbm>>
        tpu.wait_indirect_dma semaphore(%arg12 : memref<!tpu.dma_semaphore, #tpu.memory_space<semaphore_mem>>) src(%dma_wait3A_101 : memref<10000x128xf32, #tpu.memory_space<hbm>>) dst(%arg10 : memref<128x128xf32, #tpu.memory_space<vmem>>)
        "tpu.region"() ({
          %run_scoped3A_140 = tpu.sem_alloc : memref<!tpu.dma_semaphore, #tpu.memory_space<semaphore_mem>>
          %dma_start3A_141 = arith.constant 0 : i32
          %dma_start3A_142 = tpu.memref_slice %arg9[%mul3A_91, %dma_start3A_141] : memref<40x128xi32, #tpu.memory_space<vmem>> -> memref<1x128xi32, #tpu.memory_space<vmem>>
          %dma_start3A_143 = tpu.memref_squeeze %dma_start3A_142 : memref<1x128xi32, #tpu.memory_space<vmem>> -> memref<128xi32, #tpu.memory_space<vmem>>
          %dma_start3A_144 = arith.constant 0 : i32
          %dma_start3A_145 = arith.constant 0 : i32
          %dma_start3A_146 = tpu.memref_slice %arg7[%dma_start3A_144, %dma_start3A_145] : memref<10008x128xf32, #tpu.memory_space<vmem_shared>> -> memref<10008x128xf32, #tpu.memory_space<vmem_shared>>
          tpu.enqueue_indirect_dma source(%arg10 : memref<128x128xf32, #tpu.memory_space<vmem>>) target(%dma_start3A_146 : memref<10008x128xf32, #tpu.memory_space<vmem_shared>>) offsets(%dma_start3A_143 : memref<128xi32, #tpu.memory_space<vmem>>) semaphore(%run_scoped3A_140 : memref<!tpu.dma_semaphore, #tpu.memory_space<semaphore_mem>>) {add = true}
          %dma_wait3A_147 = arith.constant 0 : i32
          %dma_wait3A_148 = tpu.memref_slice %arg9[%mul3A_91, %dma_wait3A_147] : memref<40x128xi32, #tpu.memory_space<vmem>> -> memref<1x128xi32, #tpu.memory_space<vmem>>
          %dma_wait3A_149 = tpu.memref_squeeze %dma_wait3A_148 : memref<1x128xi32, #tpu.memory_space<vmem>> -> memref<128xi32, #tpu.memory_space<vmem>>
          %dma_wait3A_150 = arith.constant 0 : i32
          %dma_wait3A_151 = arith.constant 0 : i32
          %dma_wait3A_152 = tpu.memref_slice %arg7[%dma_wait3A_150, %dma_wait3A_151] : memref<10008x128xf32, #tpu.memory_space<vmem_shared>> -> memref<10008x128xf32, #tpu.memory_space<vmem_shared>>
          tpu.wait_indirect_dma semaphore(%run_scoped3A_140 : memref<!tpu.dma_semaphore, #tpu.memory_space<semaphore_mem>>) src(%arg10 : memref<128x128xf32, #tpu.memory_space<vmem>>) dst(%dma_wait3A_152 : memref<10008x128xf32, #tpu.memory_space<vmem_shared>>)
          tpu.yield
        }) : () -> ()
        %add3A_102 = arith.constant 2 : i32
        %add3A_103 = arith.addi %mul3A_91, %add3A_102 : i32
        %dma_start3A_104 = arith.constant 0 : i32
        %dma_start3A_105 = tpu.memref_slice %arg8[%add3A_103, %dma_start3A_104] : memref<40x128xi32, #tpu.memory_space<vmem>> -> memref<1x128xi32, #tpu.memory_space<vmem>>
        %dma_start3A_106 = tpu.memref_squeeze %dma_start3A_105 : memref<1x128xi32, #tpu.memory_space<vmem>> -> memref<128xi32, #tpu.memory_space<vmem>>
        %dma_start3A_107 = arith.constant 0 : i32
        %dma_start3A_108 = arith.constant 0 : i32
        %dma_start3A_109 = tpu.memref_slice %arg2[%arg0, %dma_start3A_107, %dma_start3A_108] : memref<2x10000x128xf32, #tpu.memory_space<hbm>> -> memref<1x10000x128xf32, #tpu.memory_space<hbm>>
        %dma_start3A_110 = tpu.memref_squeeze %dma_start3A_109 : memref<1x10000x128xf32, #tpu.memory_space<hbm>> -> memref<10000x128xf32, #tpu.memory_space<hbm>>
        %dma_start3A_111 = arith.constant 0 : i32
        %dma_start3A_112 = arith.constant 0 : i32
        %dma_start3A_113 = tpu.memref_slice %dma_start3A_110[%dma_start3A_111, %dma_start3A_112] : memref<10000x128xf32, #tpu.memory_space<hbm>> -> memref<10000x128xf32, #tpu.memory_space<hbm>>
        tpu.enqueue_indirect_dma source(%dma_start3A_113 : memref<10000x128xf32, #tpu.memory_space<hbm>>) target(%arg10 : memref<128x128xf32, #tpu.memory_space<vmem>>) offsets(%dma_start3A_106 : memref<128xi32, #tpu.memory_space<vmem>>) semaphore(%arg12 : memref<!tpu.dma_semaphore, #tpu.memory_space<semaphore_mem>>)
        %add3A_114 = arith.constant 1 : i32
        %add3A_115 = arith.addi %mul3A_91, %add3A_114 : i32
        %dma_wait3A_116 = arith.constant 0 : i32
        %dma_wait3A_117 = tpu.memref_slice %arg8[%add3A_115, %dma_wait3A_116] : memref<40x128xi32, #tpu.memory_space<vmem>> -> memref<1x128xi32, #tpu.memory_space<vmem>>
        %dma_wait3A_118 = tpu.memref_squeeze %dma_wait3A_117 : memref<1x128xi32, #tpu.memory_space<vmem>> -> memref<128xi32, #tpu.memory_space<vmem>>
        %dma_wait3A_119 = arith.constant 0 : i32
        %dma_wait3A_120 = arith.constant 0 : i32
        %dma_wait3A_121 = tpu.memref_slice %arg2[%arg0, %dma_wait3A_119, %dma_wait3A_120] : memref<2x10000x128xf32, #tpu.memory_space<hbm>> -> memref<1x10000x128xf32, #tpu.memory_space<hbm>>
        %dma_wait3A_122 = tpu.memref_squeeze %dma_wait3A_121 : memref<1x10000x128xf32, #tpu.memory_space<hbm>> -> memref<10000x128xf32, #tpu.memory_space<hbm>>
        %dma_wait3A_123 = arith.constant 0 : i32
        %dma_wait3A_124 = arith.constant 0 : i32
        %dma_wait3A_125 = tpu.memref_slice %dma_wait3A_122[%dma_wait3A_123, %dma_wait3A_124] : memref<10000x128xf32, #tpu.memory_space<hbm>> -> memref<10000x128xf32, #tpu.memory_space<hbm>>
        tpu.wait_indirect_dma semaphore(%arg13 : memref<!tpu.dma_semaphore, #tpu.memory_space<semaphore_mem>>) src(%dma_wait3A_125 : memref<10000x128xf32, #tpu.memory_space<hbm>>) dst(%arg11 : memref<128x128xf32, #tpu.memory_space<vmem>>)
        %add3A_126 = arith.constant 1 : i32
        %add3A_127 = arith.addi %mul3A_91, %add3A_126 : i32
        "tpu.region"() ({
          %run_scoped3A_140 = tpu.sem_alloc : memref<!tpu.dma_semaphore, #tpu.memory_space<semaphore_mem>>
          %dma_start3A_141 = arith.constant 0 : i32
          %dma_start3A_142 = tpu.memref_slice %arg9[%add3A_127, %dma_start3A_141] : memref<40x128xi32, #tpu.memory_space<vmem>> -> memref<1x128xi32, #tpu.memory_space<vmem>>
          %dma_start3A_143 = tpu.memref_squeeze %dma_start3A_142 : memref<1x128xi32, #tpu.memory_space<vmem>> -> memref<128xi32, #tpu.memory_space<vmem>>
          %dma_start3A_144 = arith.constant 0 : i32
          %dma_start3A_145 = arith.constant 0 : i32
          %dma_start3A_146 = tpu.memref_slice %arg7[%dma_start3A_144, %dma_start3A_145] : memref<10008x128xf32, #tpu.memory_space<vmem_shared>> -> memref<10008x128xf32, #tpu.memory_space<vmem_shared>>
          tpu.enqueue_indirect_dma source(%arg11 : memref<128x128xf32, #tpu.memory_space<vmem>>) target(%dma_start3A_146 : memref<10008x128xf32, #tpu.memory_space<vmem_shared>>) offsets(%dma_start3A_143 : memref<128xi32, #tpu.memory_space<vmem>>) semaphore(%run_scoped3A_140 : memref<!tpu.dma_semaphore, #tpu.memory_space<semaphore_mem>>) {add = true}
          %dma_wait3A_147 = arith.constant 0 : i32
          %dma_wait3A_148 = tpu.memref_slice %arg9[%add3A_127, %dma_wait3A_147] : memref<40x128xi32, #tpu.memory_space<vmem>> -> memref<1x128xi32, #tpu.memory_space<vmem>>
          %dma_wait3A_149 = tpu.memref_squeeze %dma_wait3A_148 : memref<1x128xi32, #tpu.memory_space<vmem>> -> memref<128xi32, #tpu.memory_space<vmem>>
          %dma_wait3A_150 = arith.constant 0 : i32
          %dma_wait3A_151 = arith.constant 0 : i32
          %dma_wait3A_152 = tpu.memref_slice %arg7[%dma_wait3A_150, %dma_wait3A_151] : memref<10008x128xf32, #tpu.memory_space<vmem_shared>> -> memref<10008x128xf32, #tpu.memory_space<vmem_shared>>
          tpu.wait_indirect_dma semaphore(%run_scoped3A_140 : memref<!tpu.dma_semaphore, #tpu.memory_space<semaphore_mem>>) src(%arg11 : memref<128x128xf32, #tpu.memory_space<vmem>>) dst(%dma_wait3A_152 : memref<10008x128xf32, #tpu.memory_space<vmem_shared>>)
          tpu.yield
        }) : () -> ()
        %add3A_128 = arith.constant 3 : i32
        %add3A_129 = arith.addi %mul3A_91, %add3A_128 : i32
        %dma_start3A_130 = arith.constant 0 : i32
        %dma_start3A_131 = tpu.memref_slice %arg8[%add3A_129, %dma_start3A_130] : memref<40x128xi32, #tpu.memory_space<vmem>> -> memref<1x128xi32, #tpu.memory_space<vmem>>
        %dma_start3A_132 = tpu.memref_squeeze %dma_start3A_131 : memref<1x128xi32, #tpu.memory_space<vmem>> -> memref<128xi32, #tpu.memory_space<vmem>>
        %dma_start3A_133 = arith.constant 0 : i32
        %dma_start3A_134 = arith.constant 0 : i32
        %dma_start3A_135 = tpu.memref_slice %arg2[%arg0, %dma_start3A_133, %dma_start3A_134] : memref<2x10000x128xf32, #tpu.memory_space<hbm>> -> memref<1x10000x128xf32, #tpu.memory_space<hbm>>
        %dma_start3A_136 = tpu.memref_squeeze %dma_start3A_135 : memref<1x10000x128xf32, #tpu.memory_space<hbm>> -> memref<10000x128xf32, #tpu.memory_space<hbm>>
        %dma_start3A_137 = arith.constant 0 : i32
        %dma_start3A_138 = arith.constant 0 : i32
        %dma_start3A_139 = tpu.memref_slice %dma_start3A_136[%dma_start3A_137, %dma_start3A_138] : memref<10000x128xf32, #tpu.memory_space<hbm>> -> memref<10000x128xf32, #tpu.memory_space<hbm>>
        tpu.enqueue_indirect_dma source(%dma_start3A_139 : memref<10000x128xf32, #tpu.memory_space<hbm>>) target(%arg11 : memref<128x128xf32, #tpu.memory_space<vmem>>) offsets(%dma_start3A_132 : memref<128xi32, #tpu.memory_space<vmem>>) semaphore(%arg13 : memref<!tpu.dma_semaphore, #tpu.memory_space<semaphore_mem>>)
      }
      %scan3A_66 = arith.constant 19 : i32
      %dma_wait3A = arith.constant 38 : i32
      %dma_wait3A_67 = arith.constant 0 : i32
      %dma_wait3A_68 = tpu.memref_slice %arg8[%dma_wait3A, %dma_wait3A_67] : memref<40x128xi32, #tpu.memory_space<vmem>> -> memref<1x128xi32, #tpu.memory_space<vmem>>
      %dma_wait3A_69 = tpu.memref_squeeze %dma_wait3A_68 : memref<1x128xi32, #tpu.memory_space<vmem>> -> memref<128xi32, #tpu.memory_space<vmem>>
      %dma_wait3A_70 = arith.constant 0 : i32
      %dma_wait3A_71 = arith.constant 0 : i32
      %dma_wait3A_72 = tpu.memref_slice %arg2[%arg0, %dma_wait3A_70, %dma_wait3A_71] : memref<2x10000x128xf32, #tpu.memory_space<hbm>> -> memref<1x10000x128xf32, #tpu.memory_space<hbm>>
      %dma_wait3A_73 = tpu.memref_squeeze %dma_wait3A_72 : memref<1x10000x128xf32, #tpu.memory_space<hbm>> -> memref<10000x128xf32, #tpu.memory_space<hbm>>
      %dma_wait3A_74 = arith.constant 0 : i32
      %dma_wait3A_75 = arith.constant 0 : i32
      %dma_wait3A_76 = tpu.memref_slice %dma_wait3A_73[%dma_wait3A_74, %dma_wait3A_75] : memref<10000x128xf32, #tpu.memory_space<hbm>> -> memref<10000x128xf32, #tpu.memory_space<hbm>>
      tpu.wait_indirect_dma semaphore(%arg12 : memref<!tpu.dma_semaphore, #tpu.memory_space<semaphore_mem>>) src(%dma_wait3A_76 : memref<10000x128xf32, #tpu.memory_space<hbm>>) dst(%arg10 : memref<128x128xf32, #tpu.memory_space<vmem>>)
      %run_scoped3A = arith.constant 38 : i32
      "tpu.region"() ({
        %run_scoped3A_89 = tpu.sem_alloc : memref<!tpu.dma_semaphore, #tpu.memory_space<semaphore_mem>>
        %dma_start3A_90 = arith.constant 0 : i32
        %dma_start3A_91 = tpu.memref_slice %arg9[%run_scoped3A, %dma_start3A_90] : memref<40x128xi32, #tpu.memory_space<vmem>> -> memref<1x128xi32, #tpu.memory_space<vmem>>
        %dma_start3A_92 = tpu.memref_squeeze %dma_start3A_91 : memref<1x128xi32, #tpu.memory_space<vmem>> -> memref<128xi32, #tpu.memory_space<vmem>>
        %dma_start3A_93 = arith.constant 0 : i32
        %dma_start3A_94 = arith.constant 0 : i32
        %dma_start3A_95 = tpu.memref_slice %arg7[%dma_start3A_93, %dma_start3A_94] : memref<10008x128xf32, #tpu.memory_space<vmem_shared>> -> memref<10008x128xf32, #tpu.memory_space<vmem_shared>>
        tpu.enqueue_indirect_dma source(%arg10 : memref<128x128xf32, #tpu.memory_space<vmem>>) target(%dma_start3A_95 : memref<10008x128xf32, #tpu.memory_space<vmem_shared>>) offsets(%dma_start3A_92 : memref<128xi32, #tpu.memory_space<vmem>>) semaphore(%run_scoped3A_89 : memref<!tpu.dma_semaphore, #tpu.memory_space<semaphore_mem>>) {add = true}
        %dma_wait3A_96 = arith.constant 0 : i32
        %dma_wait3A_97 = tpu.memref_slice %arg9[%run_scoped3A, %dma_wait3A_96] : memref<40x128xi32, #tpu.memory_space<vmem>> -> memref<1x128xi32, #tpu.memory_space<vmem>>
        %dma_wait3A_98 = tpu.memref_squeeze %dma_wait3A_97 : memref<1x128xi32, #tpu.memory_space<vmem>> -> memref<128xi32, #tpu.memory_space<vmem>>
        %dma_wait3A_99 = arith.constant 0 : i32
        %dma_wait3A_100 = arith.constant 0 : i32
        %dma_wait3A_101 = tpu.memref_slice %arg7[%dma_wait3A_99, %dma_wait3A_100] : memref<10008x128xf32, #tpu.memory_space<vmem_shared>> -> memref<10008x128xf32, #tpu.memory_space<vmem_shared>>
        tpu.wait_indirect_dma semaphore(%run_scoped3A_89 : memref<!tpu.dma_semaphore, #tpu.memory_space<semaphore_mem>>) src(%arg10 : memref<128x128xf32, #tpu.memory_space<vmem>>) dst(%dma_wait3A_101 : memref<10008x128xf32, #tpu.memory_space<vmem_shared>>)
        tpu.yield
      }) : () -> ()
      %dma_wait3A_77 = arith.constant 39 : i32
      %dma_wait3A_78 = arith.constant 0 : i32
      %dma_wait3A_79 = tpu.memref_slice %arg8[%dma_wait3A_77, %dma_wait3A_78] : memref<40x128xi32, #tpu.memory_space<vmem>> -> memref<1x128xi32, #tpu.memory_space<vmem>>
      %dma_wait3A_80 = tpu.memref_squeeze %dma_wait3A_79 : memref<1x128xi32, #tpu.memory_space<vmem>> -> memref<128xi32, #tpu.memory_space<vmem>>
      %dma_wait3A_81 = arith.constant 0 : i32
      %dma_wait3A_82 = arith.constant 0 : i32
      %dma_wait3A_83 = tpu.memref_slice %arg2[%arg0, %dma_wait3A_81, %dma_wait3A_82] : memref<2x10000x128xf32, #tpu.memory_space<hbm>> -> memref<1x10000x128xf32, #tpu.memory_space<hbm>>
      %dma_wait3A_84 = tpu.memref_squeeze %dma_wait3A_83 : memref<1x10000x128xf32, #tpu.memory_space<hbm>> -> memref<10000x128xf32, #tpu.memory_space<hbm>>
      %dma_wait3A_85 = arith.constant 0 : i32
      %dma_wait3A_86 = arith.constant 0 : i32
      %dma_wait3A_87 = tpu.memref_slice %dma_wait3A_84[%dma_wait3A_85, %dma_wait3A_86] : memref<10000x128xf32, #tpu.memory_space<hbm>> -> memref<10000x128xf32, #tpu.memory_space<hbm>>
      tpu.wait_indirect_dma semaphore(%arg13 : memref<!tpu.dma_semaphore, #tpu.memory_space<semaphore_mem>>) src(%dma_wait3A_87 : memref<10000x128xf32, #tpu.memory_space<hbm>>) dst(%arg11 : memref<128x128xf32, #tpu.memory_space<vmem>>)
      %run_scoped3A_88 = arith.constant 39 : i32
      "tpu.region"() ({
        %run_scoped3A_89 = tpu.sem_alloc : memref<!tpu.dma_semaphore, #tpu.memory_space<semaphore_mem>>
        %dma_start3A_90 = arith.constant 0 : i32
        %dma_start3A_91 = tpu.memref_slice %arg9[%run_scoped3A_88, %dma_start3A_90] : memref<40x128xi32, #tpu.memory_space<vmem>> -> memref<1x128xi32, #tpu.memory_space<vmem>>
        %dma_start3A_92 = tpu.memref_squeeze %dma_start3A_91 : memref<1x128xi32, #tpu.memory_space<vmem>> -> memref<128xi32, #tpu.memory_space<vmem>>
        %dma_start3A_93 = arith.constant 0 : i32
        %dma_start3A_94 = arith.constant 0 : i32
        %dma_start3A_95 = tpu.memref_slice %arg7[%dma_start3A_93, %dma_start3A_94] : memref<10008x128xf32, #tpu.memory_space<vmem_shared>> -> memref<10008x128xf32, #tpu.memory_space<vmem_shared>>
        tpu.enqueue_indirect_dma source(%arg11 : memref<128x128xf32, #tpu.memory_space<vmem>>) target(%dma_start3A_95 : memref<10008x128xf32, #tpu.memory_space<vmem_shared>>) offsets(%dma_start3A_92 : memref<128xi32, #tpu.memory_space<vmem>>) semaphore(%run_scoped3A_89 : memref<!tpu.dma_semaphore, #tpu.memory_space<semaphore_mem>>) {add = true}
        %dma_wait3A_96 = arith.constant 0 : i32
        %dma_wait3A_97 = tpu.memref_slice %arg9[%run_scoped3A_88, %dma_wait3A_96] : memref<40x128xi32, #tpu.memory_space<vmem>> -> memref<1x128xi32, #tpu.memory_space<vmem>>
        %dma_wait3A_98 = tpu.memref_squeeze %dma_wait3A_97 : memref<1x128xi32, #tpu.memory_space<vmem>> -> memref<128xi32, #tpu.memory_space<vmem>>
        %dma_wait3A_99 = arith.constant 0 : i32
        %dma_wait3A_100 = arith.constant 0 : i32
        %dma_wait3A_101 = tpu.memref_slice %arg7[%dma_wait3A_99, %dma_wait3A_100] : memref<10008x128xf32, #tpu.memory_space<vmem_shared>> -> memref<10008x128xf32, #tpu.memory_space<vmem_shared>>
        tpu.wait_indirect_dma semaphore(%run_scoped3A_89 : memref<!tpu.dma_semaphore, #tpu.memory_space<semaphore_mem>>) src(%arg11 : memref<128x128xf32, #tpu.memory_space<vmem>>) dst(%dma_wait3A_101 : memref<10008x128xf32, #tpu.memory_space<vmem_shared>>)
        tpu.yield
      }) : () -> ()
    }
    %scan3A_16 = arith.constant 4 : i32
    %barrier3A_17 = arith.constant 0 : index
    tpu.barrier barrier_id(%barrier3A_17)
    %mul3A_18 = arith.constant 624 : i32
    %mul3A_19 = arith.muli %arg1, %mul3A_18 : i32
    %add3A_20 = arith.constant 0 : i32
    %add3A_21 = arith.addi %mul3A_19, %add3A_20 : i32
    "tpu.region"() ({
      %run_scoped3A = tpu.sem_alloc : memref<!tpu.dma_semaphore, #tpu.memory_space<semaphore_mem>>
      %dma_start3A = arith.constant 0 : i32
      %dma_start3A_35 = arith.constant 0 : i32
      %dma_start3A_36 = tpu.memref_slice %arg10[%dma_start3A, %dma_start3A_35] : memref<128x128xf32, #tpu.memory_space<vmem>> -> memref<128x128xf32, #tpu.memory_space<vmem>>
      %dma_start3A_37 = arith.constant 0 : i32
      %dma_start3A_38 = tpu.memref_slice %arg7[%add3A_21, %dma_start3A_37] : memref<10008x128xf32, #tpu.memory_space<vmem_shared>> -> memref<128x128xf32, #tpu.memory_space<vmem_shared>>
      %dma_start3A_39 = arith.constant 0 : i32
      %dma_start3A_40 = arith.constant 0 : i32
      %dma_start3A_41 = tpu.memref_slice %arg10[%dma_start3A_39, %dma_start3A_40] : memref<128x128xf32, #tpu.memory_space<vmem>> -> memref<128x128xf32, #tpu.memory_space<vmem>>
      %dma_start3A_42 = arith.constant 0 : i32
      %dma_start3A_43 = tpu.memref_slice %arg7[%add3A_21, %dma_start3A_42] : memref<10008x128xf32, #tpu.memory_space<vmem_shared>> -> memref<128x128xf32, #tpu.memory_space<vmem_shared>>
      tpu.enqueue_dma source(%dma_start3A_43 : memref<128x128xf32, #tpu.memory_space<vmem_shared>>) target(%dma_start3A_41 : memref<128x128xf32, #tpu.memory_space<vmem>>) target_semaphore(%run_scoped3A : memref<!tpu.dma_semaphore, #tpu.memory_space<semaphore_mem>>)
      %dma_wait3A = arith.constant 0 : i32
      %dma_wait3A_44 = arith.constant 0 : i32
      %dma_wait3A_45 = tpu.memref_slice %arg10[%dma_wait3A, %dma_wait3A_44] : memref<128x128xf32, #tpu.memory_space<vmem>> -> memref<128x128xf32, #tpu.memory_space<vmem>>
      %dma_wait3A_46 = arith.constant 0 : i32
      %dma_wait3A_47 = tpu.memref_slice %arg7[%add3A_21, %dma_wait3A_46] : memref<10008x128xf32, #tpu.memory_space<vmem_shared>> -> memref<128x128xf32, #tpu.memory_space<vmem_shared>>
      %dma_wait3A_48 = arith.constant 0 : i32
      %dma_wait3A_49 = arith.constant 0 : i32
      %dma_wait3A_50 = tpu.memref_slice %arg10[%dma_wait3A_48, %dma_wait3A_49] : memref<128x128xf32, #tpu.memory_space<vmem>> -> memref<128x128xf32, #tpu.memory_space<vmem>>
      %dma_wait3A_51 = arith.constant 0 : i32
      %dma_wait3A_52 = tpu.memref_slice %arg7[%add3A_21, %dma_wait3A_51] : memref<10008x128xf32, #tpu.memory_space<vmem_shared>> -> memref<128x128xf32, #tpu.memory_space<vmem_shared>>
      tpu.wait_dma2 semaphore(%run_scoped3A : memref<!tpu.dma_semaphore, #tpu.memory_space<semaphore_mem>>) src(%dma_wait3A_52 : memref<128x128xf32, #tpu.memory_space<vmem_shared>>) dst(%dma_wait3A_50 : memref<128x128xf32, #tpu.memory_space<vmem>>)
      tpu.yield
    }) : () -> ()
    "tpu.region"() ({
      %run_scoped3A = tpu.sem_alloc : memref<!tpu.dma_semaphore, #tpu.memory_space<semaphore_mem>>
      %dma_start3A = arith.constant 0 : i32
      %dma_start3A_35 = arith.constant 0 : i32
      %dma_start3A_36 = tpu.memref_slice %arg10[%dma_start3A, %dma_start3A_35] : memref<128x128xf32, #tpu.memory_space<vmem>> -> memref<128x128xf32, #tpu.memory_space<vmem>>
      %dma_start3A_37 = arith.constant 0 : i32
      %dma_start3A_38 = tpu.memref_slice %arg6[%arg0, %add3A_21, %dma_start3A_37] : memref<2x10000x128xf32, #tpu.memory_space<hbm>> -> memref<1x128x128xf32, #tpu.memory_space<hbm>>
      %dma_start3A_39 = tpu.memref_squeeze %dma_start3A_38 : memref<1x128x128xf32, #tpu.memory_space<hbm>> -> memref<128x128xf32, #tpu.memory_space<hbm>>
      %dma_start3A_40 = arith.constant 0 : i32
      %dma_start3A_41 = tpu.memref_slice %arg6[%arg0, %add3A_21, %dma_start3A_40] : memref<2x10000x128xf32, #tpu.memory_space<hbm>> -> memref<1x128x128xf32, #tpu.memory_space<hbm>>
      %dma_start3A_42 = tpu.memref_squeeze %dma_start3A_41 : memref<1x128x128xf32, #tpu.memory_space<hbm>> -> memref<128x128xf32, #tpu.memory_space<hbm>>
      %dma_start3A_43 = arith.constant 0 : i32
      %dma_start3A_44 = arith.constant 0 : i32
      %dma_start3A_45 = tpu.memref_slice %arg10[%dma_start3A_43, %dma_start3A_44] : memref<128x128xf32, #tpu.memory_space<vmem>> -> memref<128x128xf32, #tpu.memory_space<vmem>>
      tpu.enqueue_dma source(%dma_start3A_45 : memref<128x128xf32, #tpu.memory_space<vmem>>) target(%dma_start3A_42 : memref<128x128xf32, #tpu.memory_space<hbm>>) target_semaphore(%run_scoped3A : memref<!tpu.dma_semaphore, #tpu.memory_space<semaphore_mem>>)
      %dma_wait3A = arith.constant 0 : i32
      %dma_wait3A_46 = arith.constant 0 : i32
      %dma_wait3A_47 = tpu.memref_slice %arg10[%dma_wait3A, %dma_wait3A_46] : memref<128x128xf32, #tpu.memory_space<vmem>> -> memref<128x128xf32, #tpu.memory_space<vmem>>
      %dma_wait3A_48 = arith.constant 0 : i32
      %dma_wait3A_49 = tpu.memref_slice %arg6[%arg0, %add3A_21, %dma_wait3A_48] : memref<2x10000x128xf32, #tpu.memory_space<hbm>> -> memref<1x128x128xf32, #tpu.memory_space<hbm>>
      %dma_wait3A_50 = tpu.memref_squeeze %dma_wait3A_49 : memref<1x128x128xf32, #tpu.memory_space<hbm>> -> memref<128x128xf32, #tpu.memory_space<hbm>>
      %dma_wait3A_51 = arith.constant 0 : i32
      %dma_wait3A_52 = tpu.memref_slice %arg6[%arg0, %add3A_21, %dma_wait3A_51] : memref<2x10000x128xf32, #tpu.memory_space<hbm>> -> memref<1x128x128xf32, #tpu.memory_space<hbm>>
      %dma_wait3A_53 = tpu.memref_squeeze %dma_wait3A_52 : memref<1x128x128xf32, #tpu.memory_space<hbm>> -> memref<128x128xf32, #tpu.memory_space<hbm>>
      %dma_wait3A_54 = arith.constant 0 : i32
      %dma_wait3A_55 = arith.constant 0 : i32
      %dma_wait3A_56 = tpu.memref_slice %arg10[%dma_wait3A_54, %dma_wait3A_55] : memref<128x128xf32, #tpu.memory_space<vmem>> -> memref<128x128xf32, #tpu.memory_space<vmem>>
      tpu.wait_dma2 semaphore(%run_scoped3A : memref<!tpu.dma_semaphore, #tpu.memory_space<semaphore_mem>>) src(%dma_wait3A_56 : memref<128x128xf32, #tpu.memory_space<vmem>>) dst(%dma_wait3A_53 : memref<128x128xf32, #tpu.memory_space<hbm>>)
      tpu.yield
    }) : () -> ()
    %add3A_22 = arith.constant 128 : i32
    %add3A_23 = arith.addi %mul3A_19, %add3A_22 : i32
    "tpu.region"() ({
      %run_scoped3A = tpu.sem_alloc : memref<!tpu.dma_semaphore, #tpu.memory_space<semaphore_mem>>
      %dma_start3A = arith.constant 0 : i32
      %dma_start3A_35 = arith.constant 0 : i32
      %dma_start3A_36 = tpu.memref_slice %arg10[%dma_start3A, %dma_start3A_35] : memref<128x128xf32, #tpu.memory_space<vmem>> -> memref<128x128xf32, #tpu.memory_space<vmem>>
      %dma_start3A_37 = arith.constant 0 : i32
      %dma_start3A_38 = tpu.memref_slice %arg7[%add3A_23, %dma_start3A_37] : memref<10008x128xf32, #tpu.memory_space<vmem_shared>> -> memref<128x128xf32, #tpu.memory_space<vmem_shared>>
      %dma_start3A_39 = arith.constant 0 : i32
      %dma_start3A_40 = arith.constant 0 : i32
      %dma_start3A_41 = tpu.memref_slice %arg10[%dma_start3A_39, %dma_start3A_40] : memref<128x128xf32, #tpu.memory_space<vmem>> -> memref<128x128xf32, #tpu.memory_space<vmem>>
      %dma_start3A_42 = arith.constant 0 : i32
      %dma_start3A_43 = tpu.memref_slice %arg7[%add3A_23, %dma_start3A_42] : memref<10008x128xf32, #tpu.memory_space<vmem_shared>> -> memref<128x128xf32, #tpu.memory_space<vmem_shared>>
      tpu.enqueue_dma source(%dma_start3A_43 : memref<128x128xf32, #tpu.memory_space<vmem_shared>>) target(%dma_start3A_41 : memref<128x128xf32, #tpu.memory_space<vmem>>) target_semaphore(%run_scoped3A : memref<!tpu.dma_semaphore, #tpu.memory_space<semaphore_mem>>)
      %dma_wait3A = arith.constant 0 : i32
      %dma_wait3A_44 = arith.constant 0 : i32
      %dma_wait3A_45 = tpu.memref_slice %arg10[%dma_wait3A, %dma_wait3A_44] : memref<128x128xf32, #tpu.memory_space<vmem>> -> memref<128x128xf32, #tpu.memory_space<vmem>>
      %dma_wait3A_46 = arith.constant 0 : i32
      %dma_wait3A_47 = tpu.memref_slice %arg7[%add3A_23, %dma_wait3A_46] : memref<10008x128xf32, #tpu.memory_space<vmem_shared>> -> memref<128x128xf32, #tpu.memory_space<vmem_shared>>
      %dma_wait3A_48 = arith.constant 0 : i32
      %dma_wait3A_49 = arith.constant 0 : i32
      %dma_wait3A_50 = tpu.memref_slice %arg10[%dma_wait3A_48, %dma_wait3A_49] : memref<128x128xf32, #tpu.memory_space<vmem>> -> memref<128x128xf32, #tpu.memory_space<vmem>>
      %dma_wait3A_51 = arith.constant 0 : i32
      %dma_wait3A_52 = tpu.memref_slice %arg7[%add3A_23, %dma_wait3A_51] : memref<10008x128xf32, #tpu.memory_space<vmem_shared>> -> memref<128x128xf32, #tpu.memory_space<vmem_shared>>
      tpu.wait_dma2 semaphore(%run_scoped3A : memref<!tpu.dma_semaphore, #tpu.memory_space<semaphore_mem>>) src(%dma_wait3A_52 : memref<128x128xf32, #tpu.memory_space<vmem_shared>>) dst(%dma_wait3A_50 : memref<128x128xf32, #tpu.memory_space<vmem>>)
      tpu.yield
    }) : () -> ()
    "tpu.region"() ({
      %run_scoped3A = tpu.sem_alloc : memref<!tpu.dma_semaphore, #tpu.memory_space<semaphore_mem>>
      %dma_start3A = arith.constant 0 : i32
      %dma_start3A_35 = arith.constant 0 : i32
      %dma_start3A_36 = tpu.memref_slice %arg10[%dma_start3A, %dma_start3A_35] : memref<128x128xf32, #tpu.memory_space<vmem>> -> memref<128x128xf32, #tpu.memory_space<vmem>>
      %dma_start3A_37 = arith.constant 0 : i32
      %dma_start3A_38 = tpu.memref_slice %arg6[%arg0, %add3A_23, %dma_start3A_37] : memref<2x10000x128xf32, #tpu.memory_space<hbm>> -> memref<1x128x128xf32, #tpu.memory_space<hbm>>
      %dma_start3A_39 = tpu.memref_squeeze %dma_start3A_38 : memref<1x128x128xf32, #tpu.memory_space<hbm>> -> memref<128x128xf32, #tpu.memory_space<hbm>>
      %dma_start3A_40 = arith.constant 0 : i32
      %dma_start3A_41 = tpu.memref_slice %arg6[%arg0, %add3A_23, %dma_start3A_40] : memref<2x10000x128xf32, #tpu.memory_space<hbm>> -> memref<1x128x128xf32, #tpu.memory_space<hbm>>
      %dma_start3A_42 = tpu.memref_squeeze %dma_start3A_41 : memref<1x128x128xf32, #tpu.memory_space<hbm>> -> memref<128x128xf32, #tpu.memory_space<hbm>>
      %dma_start3A_43 = arith.constant 0 : i32
      %dma_start3A_44 = arith.constant 0 : i32
      %dma_start3A_45 = tpu.memref_slice %arg10[%dma_start3A_43, %dma_start3A_44] : memref<128x128xf32, #tpu.memory_space<vmem>> -> memref<128x128xf32, #tpu.memory_space<vmem>>
      tpu.enqueue_dma source(%dma_start3A_45 : memref<128x128xf32, #tpu.memory_space<vmem>>) target(%dma_start3A_42 : memref<128x128xf32, #tpu.memory_space<hbm>>) target_semaphore(%run_scoped3A : memref<!tpu.dma_semaphore, #tpu.memory_space<semaphore_mem>>)
      %dma_wait3A = arith.constant 0 : i32
      %dma_wait3A_46 = arith.constant 0 : i32
      %dma_wait3A_47 = tpu.memref_slice %arg10[%dma_wait3A, %dma_wait3A_46] : memref<128x128xf32, #tpu.memory_space<vmem>> -> memref<128x128xf32, #tpu.memory_space<vmem>>
      %dma_wait3A_48 = arith.constant 0 : i32
      %dma_wait3A_49 = tpu.memref_slice %arg6[%arg0, %add3A_23, %dma_wait3A_48] : memref<2x10000x128xf32, #tpu.memory_space<hbm>> -> memref<1x128x128xf32, #tpu.memory_space<hbm>>
      %dma_wait3A_50 = tpu.memref_squeeze %dma_wait3A_49 : memref<1x128x128xf32, #tpu.memory_space<hbm>> -> memref<128x128xf32, #tpu.memory_space<hbm>>
      %dma_wait3A_51 = arith.constant 0 : i32
      %dma_wait3A_52 = tpu.memref_slice %arg6[%arg0, %add3A_23, %dma_wait3A_51] : memref<2x10000x128xf32, #tpu.memory_space<hbm>> -> memref<1x128x128xf32, #tpu.memory_space<hbm>>
      %dma_wait3A_53 = tpu.memref_squeeze %dma_wait3A_52 : memref<1x128x128xf32, #tpu.memory_space<hbm>> -> memref<128x128xf32, #tpu.memory_space<hbm>>
      %dma_wait3A_54 = arith.constant 0 : i32
      %dma_wait3A_55 = arith.constant 0 : i32
      %dma_wait3A_56 = tpu.memref_slice %arg10[%dma_wait3A_54, %dma_wait3A_55] : memref<128x128xf32, #tpu.memory_space<vmem>> -> memref<128x128xf32, #tpu.memory_space<vmem>>
      tpu.wait_dma2 semaphore(%run_scoped3A : memref<!tpu.dma_semaphore, #tpu.memory_space<semaphore_mem>>) src(%dma_wait3A_56 : memref<128x128xf32, #tpu.memory_space<vmem>>) dst(%dma_wait3A_53 : memref<128x128xf32, #tpu.memory_space<hbm>>)
      tpu.yield
    }) : () -> ()
    %add3A_24 = arith.constant 256 : i32
    %add3A_25 = arith.addi %mul3A_19, %add3A_24 : i32
    "tpu.region"() ({
      %run_scoped3A = tpu.sem_alloc : memref<!tpu.dma_semaphore, #tpu.memory_space<semaphore_mem>>
      %dma_start3A = arith.constant 0 : i32
      %dma_start3A_35 = arith.constant 0 : i32
      %dma_start3A_36 = tpu.memref_slice %arg10[%dma_start3A, %dma_start3A_35] : memref<128x128xf32, #tpu.memory_space<vmem>> -> memref<128x128xf32, #tpu.memory_space<vmem>>
      %dma_start3A_37 = arith.constant 0 : i32
      %dma_start3A_38 = tpu.memref_slice %arg7[%add3A_25, %dma_start3A_37] : memref<10008x128xf32, #tpu.memory_space<vmem_shared>> -> memref<128x128xf32, #tpu.memory_space<vmem_shared>>
      %dma_start3A_39 = arith.constant 0 : i32
      %dma_start3A_40 = arith.constant 0 : i32
      %dma_start3A_41 = tpu.memref_slice %arg10[%dma_start3A_39, %dma_start3A_40] : memref<128x128xf32, #tpu.memory_space<vmem>> -> memref<128x128xf32, #tpu.memory_space<vmem>>
      %dma_start3A_42 = arith.constant 0 : i32
      %dma_start3A_43 = tpu.memref_slice %arg7[%add3A_25, %dma_start3A_42] : memref<10008x128xf32, #tpu.memory_space<vmem_shared>> -> memref<128x128xf32, #tpu.memory_space<vmem_shared>>
      tpu.enqueue_dma source(%dma_start3A_43 : memref<128x128xf32, #tpu.memory_space<vmem_shared>>) target(%dma_start3A_41 : memref<128x128xf32, #tpu.memory_space<vmem>>) target_semaphore(%run_scoped3A : memref<!tpu.dma_semaphore, #tpu.memory_space<semaphore_mem>>)
      %dma_wait3A = arith.constant 0 : i32
      %dma_wait3A_44 = arith.constant 0 : i32
      %dma_wait3A_45 = tpu.memref_slice %arg10[%dma_wait3A, %dma_wait3A_44] : memref<128x128xf32, #tpu.memory_space<vmem>> -> memref<128x128xf32, #tpu.memory_space<vmem>>
      %dma_wait3A_46 = arith.constant 0 : i32
      %dma_wait3A_47 = tpu.memref_slice %arg7[%add3A_25, %dma_wait3A_46] : memref<10008x128xf32, #tpu.memory_space<vmem_shared>> -> memref<128x128xf32, #tpu.memory_space<vmem_shared>>
      %dma_wait3A_48 = arith.constant 0 : i32
      %dma_wait3A_49 = arith.constant 0 : i32
      %dma_wait3A_50 = tpu.memref_slice %arg10[%dma_wait3A_48, %dma_wait3A_49] : memref<128x128xf32, #tpu.memory_space<vmem>> -> memref<128x128xf32, #tpu.memory_space<vmem>>
      %dma_wait3A_51 = arith.constant 0 : i32
      %dma_wait3A_52 = tpu.memref_slice %arg7[%add3A_25, %dma_wait3A_51] : memref<10008x128xf32, #tpu.memory_space<vmem_shared>> -> memref<128x128xf32, #tpu.memory_space<vmem_shared>>
      tpu.wait_dma2 semaphore(%run_scoped3A : memref<!tpu.dma_semaphore, #tpu.memory_space<semaphore_mem>>) src(%dma_wait3A_52 : memref<128x128xf32, #tpu.memory_space<vmem_shared>>) dst(%dma_wait3A_50 : memref<128x128xf32, #tpu.memory_space<vmem>>)
      tpu.yield
    }) : () -> ()
    "tpu.region"() ({
      %run_scoped3A = tpu.sem_alloc : memref<!tpu.dma_semaphore, #tpu.memory_space<semaphore_mem>>
      %dma_start3A = arith.constant 0 : i32
      %dma_start3A_35 = arith.constant 0 : i32
      %dma_start3A_36 = tpu.memref_slice %arg10[%dma_start3A, %dma_start3A_35] : memref<128x128xf32, #tpu.memory_space<vmem>> -> memref<128x128xf32, #tpu.memory_space<vmem>>
      %dma_start3A_37 = arith.constant 0 : i32
      %dma_start3A_38 = tpu.memref_slice %arg6[%arg0, %add3A_25, %dma_start3A_37] : memref<2x10000x128xf32, #tpu.memory_space<hbm>> -> memref<1x128x128xf32, #tpu.memory_space<hbm>>
      %dma_start3A_39 = tpu.memref_squeeze %dma_start3A_38 : memref<1x128x128xf32, #tpu.memory_space<hbm>> -> memref<128x128xf32, #tpu.memory_space<hbm>>
      %dma_start3A_40 = arith.constant 0 : i32
      %dma_start3A_41 = tpu.memref_slice %arg6[%arg0, %add3A_25, %dma_start3A_40] : memref<2x10000x128xf32, #tpu.memory_space<hbm>> -> memref<1x128x128xf32, #tpu.memory_space<hbm>>
      %dma_start3A_42 = tpu.memref_squeeze %dma_start3A_41 : memref<1x128x128xf32, #tpu.memory_space<hbm>> -> memref<128x128xf32, #tpu.memory_space<hbm>>
      %dma_start3A_43 = arith.constant 0 : i32
      %dma_start3A_44 = arith.constant 0 : i32
      %dma_start3A_45 = tpu.memref_slice %arg10[%dma_start3A_43, %dma_start3A_44] : memref<128x128xf32, #tpu.memory_space<vmem>> -> memref<128x128xf32, #tpu.memory_space<vmem>>
      tpu.enqueue_dma source(%dma_start3A_45 : memref<128x128xf32, #tpu.memory_space<vmem>>) target(%dma_start3A_42 : memref<128x128xf32, #tpu.memory_space<hbm>>) target_semaphore(%run_scoped3A : memref<!tpu.dma_semaphore, #tpu.memory_space<semaphore_mem>>)
      %dma_wait3A = arith.constant 0 : i32
      %dma_wait3A_46 = arith.constant 0 : i32
      %dma_wait3A_47 = tpu.memref_slice %arg10[%dma_wait3A, %dma_wait3A_46] : memref<128x128xf32, #tpu.memory_space<vmem>> -> memref<128x128xf32, #tpu.memory_space<vmem>>
      %dma_wait3A_48 = arith.constant 0 : i32
      %dma_wait3A_49 = tpu.memref_slice %arg6[%arg0, %add3A_25, %dma_wait3A_48] : memref<2x10000x128xf32, #tpu.memory_space<hbm>> -> memref<1x128x128xf32, #tpu.memory_space<hbm>>
      %dma_wait3A_50 = tpu.memref_squeeze %dma_wait3A_49 : memref<1x128x128xf32, #tpu.memory_space<hbm>> -> memref<128x128xf32, #tpu.memory_space<hbm>>
      %dma_wait3A_51 = arith.constant 0 : i32
      %dma_wait3A_52 = tpu.memref_slice %arg6[%arg0, %add3A_25, %dma_wait3A_51] : memref<2x10000x128xf32, #tpu.memory_space<hbm>> -> memref<1x128x128xf32, #tpu.memory_space<hbm>>
      %dma_wait3A_53 = tpu.memref_squeeze %dma_wait3A_52 : memref<1x128x128xf32, #tpu.memory_space<hbm>> -> memref<128x128xf32, #tpu.memory_space<hbm>>
      %dma_wait3A_54 = arith.constant 0 : i32
      %dma_wait3A_55 = arith.constant 0 : i32
      %dma_wait3A_56 = tpu.memref_slice %arg10[%dma_wait3A_54, %dma_wait3A_55] : memref<128x128xf32, #tpu.memory_space<vmem>> -> memref<128x128xf32, #tpu.memory_space<vmem>>
      tpu.wait_dma2 semaphore(%run_scoped3A : memref<!tpu.dma_semaphore, #tpu.memory_space<semaphore_mem>>) src(%dma_wait3A_56 : memref<128x128xf32, #tpu.memory_space<vmem>>) dst(%dma_wait3A_53 : memref<128x128xf32, #tpu.memory_space<hbm>>)
      tpu.yield
    }) : () -> ()
    %add3A_26 = arith.constant 384 : i32
    %add3A_27 = arith.addi %mul3A_19, %add3A_26 : i32
    "tpu.region"() ({
      %run_scoped3A = tpu.sem_alloc : memref<!tpu.dma_semaphore, #tpu.memory_space<semaphore_mem>>
      %dma_start3A = arith.constant 0 : i32
      %dma_start3A_35 = arith.constant 0 : i32
      %dma_start3A_36 = tpu.memref_slice %arg10[%dma_start3A, %dma_start3A_35] : memref<128x128xf32, #tpu.memory_space<vmem>> -> memref<128x128xf32, #tpu.memory_space<vmem>>
      %dma_start3A_37 = arith.constant 0 : i32
      %dma_start3A_38 = tpu.memref_slice %arg7[%add3A_27, %dma_start3A_37] : memref<10008x128xf32, #tpu.memory_space<vmem_shared>> -> memref<128x128xf32, #tpu.memory_space<vmem_shared>>
      %dma_start3A_39 = arith.constant 0 : i32
      %dma_start3A_40 = arith.constant 0 : i32
      %dma_start3A_41 = tpu.memref_slice %arg10[%dma_start3A_39, %dma_start3A_40] : memref<128x128xf32, #tpu.memory_space<vmem>> -> memref<128x128xf32, #tpu.memory_space<vmem>>
      %dma_start3A_42 = arith.constant 0 : i32
      %dma_start3A_43 = tpu.memref_slice %arg7[%add3A_27, %dma_start3A_42] : memref<10008x128xf32, #tpu.memory_space<vmem_shared>> -> memref<128x128xf32, #tpu.memory_space<vmem_shared>>
      tpu.enqueue_dma source(%dma_start3A_43 : memref<128x128xf32, #tpu.memory_space<vmem_shared>>) target(%dma_start3A_41 : memref<128x128xf32, #tpu.memory_space<vmem>>) target_semaphore(%run_scoped3A : memref<!tpu.dma_semaphore, #tpu.memory_space<semaphore_mem>>)
      %dma_wait3A = arith.constant 0 : i32
      %dma_wait3A_44 = arith.constant 0 : i32
      %dma_wait3A_45 = tpu.memref_slice %arg10[%dma_wait3A, %dma_wait3A_44] : memref<128x128xf32, #tpu.memory_space<vmem>> -> memref<128x128xf32, #tpu.memory_space<vmem>>
      %dma_wait3A_46 = arith.constant 0 : i32
      %dma_wait3A_47 = tpu.memref_slice %arg7[%add3A_27, %dma_wait3A_46] : memref<10008x128xf32, #tpu.memory_space<vmem_shared>> -> memref<128x128xf32, #tpu.memory_space<vmem_shared>>
      %dma_wait3A_48 = arith.constant 0 : i32
      %dma_wait3A_49 = arith.constant 0 : i32
      %dma_wait3A_50 = tpu.memref_slice %arg10[%dma_wait3A_48, %dma_wait3A_49] : memref<128x128xf32, #tpu.memory_space<vmem>> -> memref<128x128xf32, #tpu.memory_space<vmem>>
      %dma_wait3A_51 = arith.constant 0 : i32
      %dma_wait3A_52 = tpu.memref_slice %arg7[%add3A_27, %dma_wait3A_51] : memref<10008x128xf32, #tpu.memory_space<vmem_shared>> -> memref<128x128xf32, #tpu.memory_space<vmem_shared>>
      tpu.wait_dma2 semaphore(%run_scoped3A : memref<!tpu.dma_semaphore, #tpu.memory_space<semaphore_mem>>) src(%dma_wait3A_52 : memref<128x128xf32, #tpu.memory_space<vmem_shared>>) dst(%dma_wait3A_50 : memref<128x128xf32, #tpu.memory_space<vmem>>)
      tpu.yield
    }) : () -> ()
    "tpu.region"() ({
      %run_scoped3A = tpu.sem_alloc : memref<!tpu.dma_semaphore, #tpu.memory_space<semaphore_mem>>
      %dma_start3A = arith.constant 0 : i32
      %dma_start3A_35 = arith.constant 0 : i32
      %dma_start3A_36 = tpu.memref_slice %arg10[%dma_start3A, %dma_start3A_35] : memref<128x128xf32, #tpu.memory_space<vmem>> -> memref<128x128xf32, #tpu.memory_space<vmem>>
      %dma_start3A_37 = arith.constant 0 : i32
      %dma_start3A_38 = tpu.memref_slice %arg6[%arg0, %add3A_27, %dma_start3A_37] : memref<2x10000x128xf32, #tpu.memory_space<hbm>> -> memref<1x128x128xf32, #tpu.memory_space<hbm>>
      %dma_start3A_39 = tpu.memref_squeeze %dma_start3A_38 : memref<1x128x128xf32, #tpu.memory_space<hbm>> -> memref<128x128xf32, #tpu.memory_space<hbm>>
      %dma_start3A_40 = arith.constant 0 : i32
      %dma_start3A_41 = tpu.memref_slice %arg6[%arg0, %add3A_27, %dma_start3A_40] : memref<2x10000x128xf32, #tpu.memory_space<hbm>> -> memref<1x128x128xf32, #tpu.memory_space<hbm>>
      %dma_start3A_42 = tpu.memref_squeeze %dma_start3A_41 : memref<1x128x128xf32, #tpu.memory_space<hbm>> -> memref<128x128xf32, #tpu.memory_space<hbm>>
      %dma_start3A_43 = arith.constant 0 : i32
      %dma_start3A_44 = arith.constant 0 : i32
      %dma_start3A_45 = tpu.memref_slice %arg10[%dma_start3A_43, %dma_start3A_44] : memref<128x128xf32, #tpu.memory_space<vmem>> -> memref<128x128xf32, #tpu.memory_space<vmem>>
      tpu.enqueue_dma source(%dma_start3A_45 : memref<128x128xf32, #tpu.memory_space<vmem>>) target(%dma_start3A_42 : memref<128x128xf32, #tpu.memory_space<hbm>>) target_semaphore(%run_scoped3A : memref<!tpu.dma_semaphore, #tpu.memory_space<semaphore_mem>>)
      %dma_wait3A = arith.constant 0 : i32
      %dma_wait3A_46 = arith.constant 0 : i32
      %dma_wait3A_47 = tpu.memref_slice %arg10[%dma_wait3A, %dma_wait3A_46] : memref<128x128xf32, #tpu.memory_space<vmem>> -> memref<128x128xf32, #tpu.memory_space<vmem>>
      %dma_wait3A_48 = arith.constant 0 : i32
      %dma_wait3A_49 = tpu.memref_slice %arg6[%arg0, %add3A_27, %dma_wait3A_48] : memref<2x10000x128xf32, #tpu.memory_space<hbm>> -> memref<1x128x128xf32, #tpu.memory_space<hbm>>
      %dma_wait3A_50 = tpu.memref_squeeze %dma_wait3A_49 : memref<1x128x128xf32, #tpu.memory_space<hbm>> -> memref<128x128xf32, #tpu.memory_space<hbm>>
      %dma_wait3A_51 = arith.constant 0 : i32
      %dma_wait3A_52 = tpu.memref_slice %arg6[%arg0, %add3A_27, %dma_wait3A_51] : memref<2x10000x128xf32, #tpu.memory_space<hbm>> -> memref<1x128x128xf32, #tpu.memory_space<hbm>>
      %dma_wait3A_53 = tpu.memref_squeeze %dma_wait3A_52 : memref<1x128x128xf32, #tpu.memory_space<hbm>> -> memref<128x128xf32, #tpu.memory_space<hbm>>
      %dma_wait3A_54 = arith.constant 0 : i32
      %dma_wait3A_55 = arith.constant 0 : i32
      %dma_wait3A_56 = tpu.memref_slice %arg10[%dma_wait3A_54, %dma_wait3A_55] : memref<128x128xf32, #tpu.memory_space<vmem>> -> memref<128x128xf32, #tpu.memory_space<vmem>>
      tpu.wait_dma2 semaphore(%run_scoped3A : memref<!tpu.dma_semaphore, #tpu.memory_space<semaphore_mem>>) src(%dma_wait3A_56 : memref<128x128xf32, #tpu.memory_space<vmem>>) dst(%dma_wait3A_53 : memref<128x128xf32, #tpu.memory_space<hbm>>)
      tpu.yield
    }) : () -> ()
    %add3A_28 = arith.constant 512 : i32
    %add3A_29 = arith.addi %mul3A_19, %add3A_28 : i32
    "tpu.region"() ({
      %run_scoped3A = tpu.sem_alloc : memref<!tpu.dma_semaphore, #tpu.memory_space<semaphore_mem>>
      %dma_start3A = arith.constant 0 : i32
      %dma_start3A_35 = arith.constant 0 : i32
      %dma_start3A_36 = tpu.memref_slice %arg10[%dma_start3A, %dma_start3A_35] : memref<128x128xf32, #tpu.memory_space<vmem>> -> memref<112x128xf32, #tpu.memory_space<vmem>>
      %dma_start3A_37 = arith.constant 0 : i32
      %dma_start3A_38 = tpu.memref_slice %arg7[%add3A_29, %dma_start3A_37] : memref<10008x128xf32, #tpu.memory_space<vmem_shared>> -> memref<112x128xf32, #tpu.memory_space<vmem_shared>>
      %dma_start3A_39 = arith.constant 0 : i32
      %dma_start3A_40 = arith.constant 0 : i32
      %dma_start3A_41 = tpu.memref_slice %arg10[%dma_start3A_39, %dma_start3A_40] : memref<128x128xf32, #tpu.memory_space<vmem>> -> memref<112x128xf32, #tpu.memory_space<vmem>>
      %dma_start3A_42 = arith.constant 0 : i32
      %dma_start3A_43 = tpu.memref_slice %arg7[%add3A_29, %dma_start3A_42] : memref<10008x128xf32, #tpu.memory_space<vmem_shared>> -> memref<112x128xf32, #tpu.memory_space<vmem_shared>>
      tpu.enqueue_dma source(%dma_start3A_43 : memref<112x128xf32, #tpu.memory_space<vmem_shared>>) target(%dma_start3A_41 : memref<112x128xf32, #tpu.memory_space<vmem>>) target_semaphore(%run_scoped3A : memref<!tpu.dma_semaphore, #tpu.memory_space<semaphore_mem>>)
      %dma_wait3A = arith.constant 0 : i32
      %dma_wait3A_44 = arith.constant 0 : i32
      %dma_wait3A_45 = tpu.memref_slice %arg10[%dma_wait3A, %dma_wait3A_44] : memref<128x128xf32, #tpu.memory_space<vmem>> -> memref<112x128xf32, #tpu.memory_space<vmem>>
      %dma_wait3A_46 = arith.constant 0 : i32
      %dma_wait3A_47 = tpu.memref_slice %arg7[%add3A_29, %dma_wait3A_46] : memref<10008x128xf32, #tpu.memory_space<vmem_shared>> -> memref<112x128xf32, #tpu.memory_space<vmem_shared>>
      %dma_wait3A_48 = arith.constant 0 : i32
      %dma_wait3A_49 = arith.constant 0 : i32
      %dma_wait3A_50 = tpu.memref_slice %arg10[%dma_wait3A_48, %dma_wait3A_49] : memref<128x128xf32, #tpu.memory_space<vmem>> -> memref<112x128xf32, #tpu.memory_space<vmem>>
      %dma_wait3A_51 = arith.constant 0 : i32
      %dma_wait3A_52 = tpu.memref_slice %arg7[%add3A_29, %dma_wait3A_51] : memref<10008x128xf32, #tpu.memory_space<vmem_shared>> -> memref<112x128xf32, #tpu.memory_space<vmem_shared>>
      tpu.wait_dma2 semaphore(%run_scoped3A : memref<!tpu.dma_semaphore, #tpu.memory_space<semaphore_mem>>) src(%dma_wait3A_52 : memref<112x128xf32, #tpu.memory_space<vmem_shared>>) dst(%dma_wait3A_50 : memref<112x128xf32, #tpu.memory_space<vmem>>)
      tpu.yield
    }) : () -> ()
    "tpu.region"() ({
      %run_scoped3A = tpu.sem_alloc : memref<!tpu.dma_semaphore, #tpu.memory_space<semaphore_mem>>
      %dma_start3A = arith.constant 0 : i32
      %dma_start3A_35 = arith.constant 0 : i32
      %dma_start3A_36 = tpu.memref_slice %arg10[%dma_start3A, %dma_start3A_35] : memref<128x128xf32, #tpu.memory_space<vmem>> -> memref<112x128xf32, #tpu.memory_space<vmem>>
      %dma_start3A_37 = arith.constant 0 : i32
      %dma_start3A_38 = tpu.memref_slice %arg6[%arg0, %add3A_29, %dma_start3A_37] : memref<2x10000x128xf32, #tpu.memory_space<hbm>> -> memref<1x112x128xf32, #tpu.memory_space<hbm>>
      %dma_start3A_39 = tpu.memref_squeeze %dma_start3A_38 : memref<1x112x128xf32, #tpu.memory_space<hbm>> -> memref<112x128xf32, #tpu.memory_space<hbm>>
      %dma_start3A_40 = arith.constant 0 : i32
      %dma_start3A_41 = tpu.memref_slice %arg6[%arg0, %add3A_29, %dma_start3A_40] : memref<2x10000x128xf32, #tpu.memory_space<hbm>> -> memref<1x112x128xf32, #tpu.memory_space<hbm>>
      %dma_start3A_42 = tpu.memref_squeeze %dma_start3A_41 : memref<1x112x128xf32, #tpu.memory_space<hbm>> -> memref<112x128xf32, #tpu.memory_space<hbm>>
      %dma_start3A_43 = arith.constant 0 : i32
      %dma_start3A_44 = arith.constant 0 : i32
      %dma_start3A_45 = tpu.memref_slice %arg10[%dma_start3A_43, %dma_start3A_44] : memref<128x128xf32, #tpu.memory_space<vmem>> -> memref<112x128xf32, #tpu.memory_space<vmem>>
      tpu.enqueue_dma source(%dma_start3A_45 : memref<112x128xf32, #tpu.memory_space<vmem>>) target(%dma_start3A_42 : memref<112x128xf32, #tpu.memory_space<hbm>>) target_semaphore(%run_scoped3A : memref<!tpu.dma_semaphore, #tpu.memory_space<semaphore_mem>>)
      %dma_wait3A = arith.constant 0 : i32
      %dma_wait3A_46 = arith.constant 0 : i32
      %dma_wait3A_47 = tpu.memref_slice %arg10[%dma_wait3A, %dma_wait3A_46] : memref<128x128xf32, #tpu.memory_space<vmem>> -> memref<112x128xf32, #tpu.memory_space<vmem>>
      %dma_wait3A_48 = arith.constant 0 : i32
      %dma_wait3A_49 = tpu.memref_slice %arg6[%arg0, %add3A_29, %dma_wait3A_48] : memref<2x10000x128xf32, #tpu.memory_space<hbm>> -> memref<1x112x128xf32, #tpu.memory_space<hbm>>
      %dma_wait3A_50 = tpu.memref_squeeze %dma_wait3A_49 : memref<1x112x128xf32, #tpu.memory_space<hbm>> -> memref<112x128xf32, #tpu.memory_space<hbm>>
      %dma_wait3A_51 = arith.constant 0 : i32
      %dma_wait3A_52 = tpu.memref_slice %arg6[%arg0, %add3A_29, %dma_wait3A_51] : memref<2x10000x128xf32, #tpu.memory_space<hbm>> -> memref<1x112x128xf32, #tpu.memory_space<hbm>>
      %dma_wait3A_53 = tpu.memref_squeeze %dma_wait3A_52 : memref<1x112x128xf32, #tpu.memory_space<hbm>> -> memref<112x128xf32, #tpu.memory_space<hbm>>
      %dma_wait3A_54 = arith.constant 0 : i32
      %dma_wait3A_55 = arith.constant 0 : i32
      %dma_wait3A_56 = tpu.memref_slice %arg10[%dma_wait3A_54, %dma_wait3A_55] : memref<128x128xf32, #tpu.memory_space<vmem>> -> memref<112x128xf32, #tpu.memory_space<vmem>>
      tpu.wait_dma2 semaphore(%run_scoped3A : memref<!tpu.dma_semaphore, #tpu.memory_space<semaphore_mem>>) src(%dma_wait3A_56 : memref<112x128xf32, #tpu.memory_space<vmem>>) dst(%dma_wait3A_53 : memref<112x128xf32, #tpu.memory_space<hbm>>)
      tpu.yield
    }) : () -> ()
    %eq3A_30 = arith.constant 15 : i32
    %eq3A_31 = arith.cmpi eq, %arg1, %eq3A_30 : i32
    %convert_element_type3A_32 = arith.extui %eq3A_31 : i1 to i32
    %cond3A_33 = arith.constant 0 : i32
    %cond3A_34 = arith.cmpi ne, %convert_element_type3A_32, %cond3A_33 : i32
    scf.if %cond3A_34 {
      "tpu.region"() ({
        %run_scoped3A = tpu.sem_alloc : memref<!tpu.dma_semaphore, #tpu.memory_space<semaphore_mem>>
        %dma_start3A = arith.constant 0 : i32
        %dma_start3A_35 = arith.constant 0 : i32
        %dma_start3A_36 = tpu.memref_slice %arg10[%dma_start3A, %dma_start3A_35] : memref<128x128xf32, #tpu.memory_space<vmem>> -> memref<16x128xf32, #tpu.memory_space<vmem>>
        %dma_start3A_37 = arith.constant 9984 : i32
        %dma_start3A_38 = arith.constant 0 : i32
        %dma_start3A_39 = tpu.memref_slice %arg7[%dma_start3A_37, %dma_start3A_38] : memref<10008x128xf32, #tpu.memory_space<vmem_shared>> -> memref<16x128xf32, #tpu.memory_space<vmem_shared>>
        %dma_start3A_40 = arith.constant 0 : i32
        %dma_start3A_41 = arith.constant 0 : i32
        %dma_start3A_42 = tpu.memref_slice %arg10[%dma_start3A_40, %dma_start3A_41] : memref<128x128xf32, #tpu.memory_space<vmem>> -> memref<16x128xf32, #tpu.memory_space<vmem>>
        %dma_start3A_43 = arith.constant 9984 : i32
        %dma_start3A_44 = arith.constant 0 : i32
        %dma_start3A_45 = tpu.memref_slice %arg7[%dma_start3A_43, %dma_start3A_44] : memref<10008x128xf32, #tpu.memory_space<vmem_shared>> -> memref<16x128xf32, #tpu.memory_space<vmem_shared>>
        tpu.enqueue_dma source(%dma_start3A_45 : memref<16x128xf32, #tpu.memory_space<vmem_shared>>) target(%dma_start3A_42 : memref<16x128xf32, #tpu.memory_space<vmem>>) target_semaphore(%run_scoped3A : memref<!tpu.dma_semaphore, #tpu.memory_space<semaphore_mem>>)
        %dma_wait3A = arith.constant 0 : i32
        %dma_wait3A_46 = arith.constant 0 : i32
        %dma_wait3A_47 = tpu.memref_slice %arg10[%dma_wait3A, %dma_wait3A_46] : memref<128x128xf32, #tpu.memory_space<vmem>> -> memref<16x128xf32, #tpu.memory_space<vmem>>
        %dma_wait3A_48 = arith.constant 9984 : i32
        %dma_wait3A_49 = arith.constant 0 : i32
        %dma_wait3A_50 = tpu.memref_slice %arg7[%dma_wait3A_48, %dma_wait3A_49] : memref<10008x128xf32, #tpu.memory_space<vmem_shared>> -> memref<16x128xf32, #tpu.memory_space<vmem_shared>>
        %dma_wait3A_51 = arith.constant 0 : i32
        %dma_wait3A_52 = arith.constant 0 : i32
        %dma_wait3A_53 = tpu.memref_slice %arg10[%dma_wait3A_51, %dma_wait3A_52] : memref<128x128xf32, #tpu.memory_space<vmem>> -> memref<16x128xf32, #tpu.memory_space<vmem>>
        %dma_wait3A_54 = arith.constant 9984 : i32
        %dma_wait3A_55 = arith.constant 0 : i32
        %dma_wait3A_56 = tpu.memref_slice %arg7[%dma_wait3A_54, %dma_wait3A_55] : memref<10008x128xf32, #tpu.memory_space<vmem_shared>> -> memref<16x128xf32, #tpu.memory_space<vmem_shared>>
        tpu.wait_dma2 semaphore(%run_scoped3A : memref<!tpu.dma_semaphore, #tpu.memory_space<semaphore_mem>>) src(%dma_wait3A_56 : memref<16x128xf32, #tpu.memory_space<vmem_shared>>) dst(%dma_wait3A_53 : memref<16x128xf32, #tpu.memory_space<vmem>>)
        tpu.yield
      }) : () -> ()
      "tpu.region"() ({
        %run_scoped3A = tpu.sem_alloc : memref<!tpu.dma_semaphore, #tpu.memory_space<semaphore_mem>>
        %dma_start3A = arith.constant 0 : i32
        %dma_start3A_35 = arith.constant 0 : i32
        %dma_start3A_36 = tpu.memref_slice %arg10[%dma_start3A, %dma_start3A_35] : memref<128x128xf32, #tpu.memory_space<vmem>> -> memref<16x128xf32, #tpu.memory_space<vmem>>
        %dma_start3A_37 = arith.constant 9984 : i32
        %dma_start3A_38 = arith.constant 0 : i32
        %dma_start3A_39 = tpu.memref_slice %arg6[%arg0, %dma_start3A_37, %dma_start3A_38] : memref<2x10000x128xf32, #tpu.memory_space<hbm>> -> memref<1x16x128xf32, #tpu.memory_space<hbm>>
        %dma_start3A_40 = tpu.memref_squeeze %dma_start3A_39 : memref<1x16x128xf32, #tpu.memory_space<hbm>> -> memref<16x128xf32, #tpu.memory_space<hbm>>
        %dma_start3A_41 = arith.constant 9984 : i32
        %dma_start3A_42 = arith.constant 0 : i32
        %dma_start3A_43 = tpu.memref_slice %arg6[%arg0, %dma_start3A_41, %dma_start3A_42] : memref<2x10000x128xf32, #tpu.memory_space<hbm>> -> memref<1x16x128xf32, #tpu.memory_space<hbm>>
        %dma_start3A_44 = tpu.memref_squeeze %dma_start3A_43 : memref<1x16x128xf32, #tpu.memory_space<hbm>> -> memref<16x128xf32, #tpu.memory_space<hbm>>
        %dma_start3A_45 = arith.constant 0 : i32
        %dma_start3A_46 = arith.constant 0 : i32
        %dma_start3A_47 = tpu.memref_slice %arg10[%dma_start3A_45, %dma_start3A_46] : memref<128x128xf32, #tpu.memory_space<vmem>> -> memref<16x128xf32, #tpu.memory_space<vmem>>
        tpu.enqueue_dma source(%dma_start3A_47 : memref<16x128xf32, #tpu.memory_space<vmem>>) target(%dma_start3A_44 : memref<16x128xf32, #tpu.memory_space<hbm>>) target_semaphore(%run_scoped3A : memref<!tpu.dma_semaphore, #tpu.memory_space<semaphore_mem>>)
        %dma_wait3A = arith.constant 0 : i32
        %dma_wait3A_48 = arith.constant 0 : i32
        %dma_wait3A_49 = tpu.memref_slice %arg10[%dma_wait3A, %dma_wait3A_48] : memref<128x128xf32, #tpu.memory_space<vmem>> -> memref<16x128xf32, #tpu.memory_space<vmem>>
        %dma_wait3A_50 = arith.constant 9984 : i32
        %dma_wait3A_51 = arith.constant 0 : i32
        %dma_wait3A_52 = tpu.memref_slice %arg6[%arg0, %dma_wait3A_50, %dma_wait3A_51] : memref<2x10000x128xf32, #tpu.memory_space<hbm>> -> memref<1x16x128xf32, #tpu.memory_space<hbm>>
        %dma_wait3A_53 = tpu.memref_squeeze %dma_wait3A_52 : memref<1x16x128xf32, #tpu.memory_space<hbm>> -> memref<16x128xf32, #tpu.memory_space<hbm>>
        %dma_wait3A_54 = arith.constant 9984 : i32
        %dma_wait3A_55 = arith.constant 0 : i32
        %dma_wait3A_56 = tpu.memref_slice %arg6[%arg0, %dma_wait3A_54, %dma_wait3A_55] : memref<2x10000x128xf32, #tpu.memory_space<hbm>> -> memref<1x16x128xf32, #tpu.memory_space<hbm>>
        %dma_wait3A_57 = tpu.memref_squeeze %dma_wait3A_56 : memref<1x16x128xf32, #tpu.memory_space<hbm>> -> memref<16x128xf32, #tpu.memory_space<hbm>>
        %dma_wait3A_58 = arith.constant 0 : i32
        %dma_wait3A_59 = arith.constant 0 : i32
        %dma_wait3A_60 = tpu.memref_slice %arg10[%dma_wait3A_58, %dma_wait3A_59] : memref<128x128xf32, #tpu.memory_space<vmem>> -> memref<16x128xf32, #tpu.memory_space<vmem>>
        tpu.wait_dma2 semaphore(%run_scoped3A : memref<!tpu.dma_semaphore, #tpu.memory_space<semaphore_mem>>) src(%dma_wait3A_60 : memref<16x128xf32, #tpu.memory_space<vmem>>) dst(%dma_wait3A_57 : memref<16x128xf32, #tpu.memory_space<hbm>>)
        tpu.yield
      }) : () -> ()
    } else {
    }
    return
  }
}

#map = affine_map<(d0, d1) -> (0, 0, 0, 0)>
#map1 = affine_map<(d0, d1) -> (0, 0, 0)>
module attributes {stable_mosaic.version = 14 : i64} {
  func.func @_sc_deg_body(%arg0: i32, %arg1: i32, %arg2: memref<2x16x160x128xi32, #tpu.memory_space<hbm>>, %arg3: memref<2x128x128xf32, #tpu.memory_space<hbm>>, %arg4: memref<2x10000x128xf32, #tpu.memory_space<hbm>>, %arg5: memref<10008x128xf32, #tpu.memory_space<vmem_shared>>, %arg6: memref<40x128xi32, #tpu.memory_space<vmem>>, %arg7: memref<128x128xf32, #tpu.memory_space<vmem>>, %arg8: memref<!tpu.dma_semaphore, #tpu.memory_space<semaphore_mem>>) attributes {dimension_semantics = [#tpu.dimension_semantics<core_parallel>, #tpu.dimension_semantics<subcore_parallel>], iteration_bounds = array<i64: 2, 16>, scalar_prefetch = 0 : i64, scratch_operands = 4 : i64, tpu.core_type = #tpu.core_type<sc_vector_subcore>, window_params = [{transform_indices = #map}, {transform_indices = #map1}, {transform_indices = #map1}]} {
    %run_scoped3A = arith.constant 1 : i32
    "tpu.region"() ({
      %run_scoped3A_36 = tpu.sem_alloc : memref<!tpu.dma_semaphore, #tpu.memory_space<semaphore_mem>>
      %dma_start3A = arith.constant 0 : i32
      %dma_start3A_37 = arith.constant 0 : i32
      %dma_start3A_38 = tpu.memref_slice %arg3[%run_scoped3A, %dma_start3A, %dma_start3A_37] : memref<2x128x128xf32, #tpu.memory_space<hbm>> -> memref<1x128x128xf32, #tpu.memory_space<hbm>>
      %dma_start3A_39 = tpu.memref_squeeze %dma_start3A_38 : memref<1x128x128xf32, #tpu.memory_space<hbm>> -> memref<128x128xf32, #tpu.memory_space<hbm>>
      %dma_start3A_40 = arith.constant 0 : i32
      %dma_start3A_41 = arith.constant 0 : i32
      %dma_start3A_42 = tpu.memref_slice %arg3[%run_scoped3A, %dma_start3A_40, %dma_start3A_41] : memref<2x128x128xf32, #tpu.memory_space<hbm>> -> memref<1x128x128xf32, #tpu.memory_space<hbm>>
      %dma_start3A_43 = tpu.memref_squeeze %dma_start3A_42 : memref<1x128x128xf32, #tpu.memory_space<hbm>> -> memref<128x128xf32, #tpu.memory_space<hbm>>
      tpu.enqueue_dma source(%dma_start3A_43 : memref<128x128xf32, #tpu.memory_space<hbm>>) target(%arg7 : memref<128x128xf32, #tpu.memory_space<vmem>>) target_semaphore(%run_scoped3A_36 : memref<!tpu.dma_semaphore, #tpu.memory_space<semaphore_mem>>)
      %dma_wait3A = arith.constant 0 : i32
      %dma_wait3A_44 = arith.constant 0 : i32
      %dma_wait3A_45 = tpu.memref_slice %arg3[%run_scoped3A, %dma_wait3A, %dma_wait3A_44] : memref<2x128x128xf32, #tpu.memory_space<hbm>> -> memref<1x128x128xf32, #tpu.memory_space<hbm>>
      %dma_wait3A_46 = tpu.memref_squeeze %dma_wait3A_45 : memref<1x128x128xf32, #tpu.memory_space<hbm>> -> memref<128x128xf32, #tpu.memory_space<hbm>>
      %dma_wait3A_47 = arith.constant 0 : i32
      %dma_wait3A_48 = arith.constant 0 : i32
      %dma_wait3A_49 = tpu.memref_slice %arg3[%run_scoped3A, %dma_wait3A_47, %dma_wait3A_48] : memref<2x128x128xf32, #tpu.memory_space<hbm>> -> memref<1x128x128xf32, #tpu.memory_space<hbm>>
      %dma_wait3A_50 = tpu.memref_squeeze %dma_wait3A_49 : memref<1x128x128xf32, #tpu.memory_space<hbm>> -> memref<128x128xf32, #tpu.memory_space<hbm>>
      tpu.wait_dma2 semaphore(%run_scoped3A_36 : memref<!tpu.dma_semaphore, #tpu.memory_space<semaphore_mem>>) src(%dma_wait3A_50 : memref<128x128xf32, #tpu.memory_space<hbm>>) dst(%arg7 : memref<128x128xf32, #tpu.memory_space<vmem>>)
      tpu.yield
    }) : () -> ()
    %mul3A = arith.constant 624 : i32
    %mul3A_0 = arith.muli %arg1, %mul3A : i32
    %add3A = arith.constant 0 : i32
    %add3A_1 = arith.addi %mul3A_0, %add3A : i32
    "tpu.region"() ({
      %run_scoped3A_36 = tpu.sem_alloc : memref<!tpu.dma_semaphore, #tpu.memory_space<semaphore_mem>>
      %dma_start3A = arith.constant 0 : i32
      %dma_start3A_37 = arith.constant 0 : i32
      %dma_start3A_38 = tpu.memref_slice %arg7[%dma_start3A, %dma_start3A_37] : memref<128x128xf32, #tpu.memory_space<vmem>> -> memref<128x128xf32, #tpu.memory_space<vmem>>
      %dma_start3A_39 = arith.constant 0 : i32
      %dma_start3A_40 = tpu.memref_slice %arg5[%add3A_1, %dma_start3A_39] : memref<10008x128xf32, #tpu.memory_space<vmem_shared>> -> memref<128x128xf32, #tpu.memory_space<vmem_shared>>
      %dma_start3A_41 = arith.constant 0 : i32
      %dma_start3A_42 = tpu.memref_slice %arg5[%add3A_1, %dma_start3A_41] : memref<10008x128xf32, #tpu.memory_space<vmem_shared>> -> memref<128x128xf32, #tpu.memory_space<vmem_shared>>
      %dma_start3A_43 = arith.constant 0 : i32
      %dma_start3A_44 = arith.constant 0 : i32
      %dma_start3A_45 = tpu.memref_slice %arg7[%dma_start3A_43, %dma_start3A_44] : memref<128x128xf32, #tpu.memory_space<vmem>> -> memref<128x128xf32, #tpu.memory_space<vmem>>
      tpu.enqueue_dma source(%dma_start3A_45 : memref<128x128xf32, #tpu.memory_space<vmem>>) target(%dma_start3A_42 : memref<128x128xf32, #tpu.memory_space<vmem_shared>>) target_semaphore(%run_scoped3A_36 : memref<!tpu.dma_semaphore, #tpu.memory_space<semaphore_mem>>)
      %dma_wait3A = arith.constant 0 : i32
      %dma_wait3A_46 = arith.constant 0 : i32
      %dma_wait3A_47 = tpu.memref_slice %arg7[%dma_wait3A, %dma_wait3A_46] : memref<128x128xf32, #tpu.memory_space<vmem>> -> memref<128x128xf32, #tpu.memory_space<vmem>>
      %dma_wait3A_48 = arith.constant 0 : i32
      %dma_wait3A_49 = tpu.memref_slice %arg5[%add3A_1, %dma_wait3A_48] : memref<10008x128xf32, #tpu.memory_space<vmem_shared>> -> memref<128x128xf32, #tpu.memory_space<vmem_shared>>
      %dma_wait3A_50 = arith.constant 0 : i32
      %dma_wait3A_51 = tpu.memref_slice %arg5[%add3A_1, %dma_wait3A_50] : memref<10008x128xf32, #tpu.memory_space<vmem_shared>> -> memref<128x128xf32, #tpu.memory_space<vmem_shared>>
      %dma_wait3A_52 = arith.constant 0 : i32
      %dma_wait3A_53 = arith.constant 0 : i32
      %dma_wait3A_54 = tpu.memref_slice %arg7[%dma_wait3A_52, %dma_wait3A_53] : memref<128x128xf32, #tpu.memory_space<vmem>> -> memref<128x128xf32, #tpu.memory_space<vmem>>
      tpu.wait_dma2 semaphore(%run_scoped3A_36 : memref<!tpu.dma_semaphore, #tpu.memory_space<semaphore_mem>>) src(%dma_wait3A_54 : memref<128x128xf32, #tpu.memory_space<vmem>>) dst(%dma_wait3A_51 : memref<128x128xf32, #tpu.memory_space<vmem_shared>>)
      tpu.yield
    }) : () -> ()
    %add3A_2 = arith.constant 128 : i32
    %add3A_3 = arith.addi %mul3A_0, %add3A_2 : i32
    "tpu.region"() ({
      %run_scoped3A_36 = tpu.sem_alloc : memref<!tpu.dma_semaphore, #tpu.memory_space<semaphore_mem>>
      %dma_start3A = arith.constant 0 : i32
      %dma_start3A_37 = arith.constant 0 : i32
      %dma_start3A_38 = tpu.memref_slice %arg7[%dma_start3A, %dma_start3A_37] : memref<128x128xf32, #tpu.memory_space<vmem>> -> memref<128x128xf32, #tpu.memory_space<vmem>>
      %dma_start3A_39 = arith.constant 0 : i32
      %dma_start3A_40 = tpu.memref_slice %arg5[%add3A_3, %dma_start3A_39] : memref<10008x128xf32, #tpu.memory_space<vmem_shared>> -> memref<128x128xf32, #tpu.memory_space<vmem_shared>>
      %dma_start3A_41 = arith.constant 0 : i32
      %dma_start3A_42 = tpu.memref_slice %arg5[%add3A_3, %dma_start3A_41] : memref<10008x128xf32, #tpu.memory_space<vmem_shared>> -> memref<128x128xf32, #tpu.memory_space<vmem_shared>>
      %dma_start3A_43 = arith.constant 0 : i32
      %dma_start3A_44 = arith.constant 0 : i32
      %dma_start3A_45 = tpu.memref_slice %arg7[%dma_start3A_43, %dma_start3A_44] : memref<128x128xf32, #tpu.memory_space<vmem>> -> memref<128x128xf32, #tpu.memory_space<vmem>>
      tpu.enqueue_dma source(%dma_start3A_45 : memref<128x128xf32, #tpu.memory_space<vmem>>) target(%dma_start3A_42 : memref<128x128xf32, #tpu.memory_space<vmem_shared>>) target_semaphore(%run_scoped3A_36 : memref<!tpu.dma_semaphore, #tpu.memory_space<semaphore_mem>>)
      %dma_wait3A = arith.constant 0 : i32
      %dma_wait3A_46 = arith.constant 0 : i32
      %dma_wait3A_47 = tpu.memref_slice %arg7[%dma_wait3A, %dma_wait3A_46] : memref<128x128xf32, #tpu.memory_space<vmem>> -> memref<128x128xf32, #tpu.memory_space<vmem>>
      %dma_wait3A_48 = arith.constant 0 : i32
      %dma_wait3A_49 = tpu.memref_slice %arg5[%add3A_3, %dma_wait3A_48] : memref<10008x128xf32, #tpu.memory_space<vmem_shared>> -> memref<128x128xf32, #tpu.memory_space<vmem_shared>>
      %dma_wait3A_50 = arith.constant 0 : i32
      %dma_wait3A_51 = tpu.memref_slice %arg5[%add3A_3, %dma_wait3A_50] : memref<10008x128xf32, #tpu.memory_space<vmem_shared>> -> memref<128x128xf32, #tpu.memory_space<vmem_shared>>
      %dma_wait3A_52 = arith.constant 0 : i32
      %dma_wait3A_53 = arith.constant 0 : i32
      %dma_wait3A_54 = tpu.memref_slice %arg7[%dma_wait3A_52, %dma_wait3A_53] : memref<128x128xf32, #tpu.memory_space<vmem>> -> memref<128x128xf32, #tpu.memory_space<vmem>>
      tpu.wait_dma2 semaphore(%run_scoped3A_36 : memref<!tpu.dma_semaphore, #tpu.memory_space<semaphore_mem>>) src(%dma_wait3A_54 : memref<128x128xf32, #tpu.memory_space<vmem>>) dst(%dma_wait3A_51 : memref<128x128xf32, #tpu.memory_space<vmem_shared>>)
      tpu.yield
    }) : () -> ()
    %add3A_4 = arith.constant 256 : i32
    %add3A_5 = arith.addi %mul3A_0, %add3A_4 : i32
    "tpu.region"() ({
      %run_scoped3A_36 = tpu.sem_alloc : memref<!tpu.dma_semaphore, #tpu.memory_space<semaphore_mem>>
      %dma_start3A = arith.constant 0 : i32
      %dma_start3A_37 = arith.constant 0 : i32
      %dma_start3A_38 = tpu.memref_slice %arg7[%dma_start3A, %dma_start3A_37] : memref<128x128xf32, #tpu.memory_space<vmem>> -> memref<128x128xf32, #tpu.memory_space<vmem>>
      %dma_start3A_39 = arith.constant 0 : i32
      %dma_start3A_40 = tpu.memref_slice %arg5[%add3A_5, %dma_start3A_39] : memref<10008x128xf32, #tpu.memory_space<vmem_shared>> -> memref<128x128xf32, #tpu.memory_space<vmem_shared>>
      %dma_start3A_41 = arith.constant 0 : i32
      %dma_start3A_42 = tpu.memref_slice %arg5[%add3A_5, %dma_start3A_41] : memref<10008x128xf32, #tpu.memory_space<vmem_shared>> -> memref<128x128xf32, #tpu.memory_space<vmem_shared>>
      %dma_start3A_43 = arith.constant 0 : i32
      %dma_start3A_44 = arith.constant 0 : i32
      %dma_start3A_45 = tpu.memref_slice %arg7[%dma_start3A_43, %dma_start3A_44] : memref<128x128xf32, #tpu.memory_space<vmem>> -> memref<128x128xf32, #tpu.memory_space<vmem>>
      tpu.enqueue_dma source(%dma_start3A_45 : memref<128x128xf32, #tpu.memory_space<vmem>>) target(%dma_start3A_42 : memref<128x128xf32, #tpu.memory_space<vmem_shared>>) target_semaphore(%run_scoped3A_36 : memref<!tpu.dma_semaphore, #tpu.memory_space<semaphore_mem>>)
      %dma_wait3A = arith.constant 0 : i32
      %dma_wait3A_46 = arith.constant 0 : i32
      %dma_wait3A_47 = tpu.memref_slice %arg7[%dma_wait3A, %dma_wait3A_46] : memref<128x128xf32, #tpu.memory_space<vmem>> -> memref<128x128xf32, #tpu.memory_space<vmem>>
      %dma_wait3A_48 = arith.constant 0 : i32
      %dma_wait3A_49 = tpu.memref_slice %arg5[%add3A_5, %dma_wait3A_48] : memref<10008x128xf32, #tpu.memory_space<vmem_shared>> -> memref<128x128xf32, #tpu.memory_space<vmem_shared>>
      %dma_wait3A_50 = arith.constant 0 : i32
      %dma_wait3A_51 = tpu.memref_slice %arg5[%add3A_5, %dma_wait3A_50] : memref<10008x128xf32, #tpu.memory_space<vmem_shared>> -> memref<128x128xf32, #tpu.memory_space<vmem_shared>>
      %dma_wait3A_52 = arith.constant 0 : i32
      %dma_wait3A_53 = arith.constant 0 : i32
      %dma_wait3A_54 = tpu.memref_slice %arg7[%dma_wait3A_52, %dma_wait3A_53] : memref<128x128xf32, #tpu.memory_space<vmem>> -> memref<128x128xf32, #tpu.memory_space<vmem>>
      tpu.wait_dma2 semaphore(%run_scoped3A_36 : memref<!tpu.dma_semaphore, #tpu.memory_space<semaphore_mem>>) src(%dma_wait3A_54 : memref<128x128xf32, #tpu.memory_space<vmem>>) dst(%dma_wait3A_51 : memref<128x128xf32, #tpu.memory_space<vmem_shared>>)
      tpu.yield
    }) : () -> ()
    %add3A_6 = arith.constant 384 : i32
    %add3A_7 = arith.addi %mul3A_0, %add3A_6 : i32
    "tpu.region"() ({
      %run_scoped3A_36 = tpu.sem_alloc : memref<!tpu.dma_semaphore, #tpu.memory_space<semaphore_mem>>
      %dma_start3A = arith.constant 0 : i32
      %dma_start3A_37 = arith.constant 0 : i32
      %dma_start3A_38 = tpu.memref_slice %arg7[%dma_start3A, %dma_start3A_37] : memref<128x128xf32, #tpu.memory_space<vmem>> -> memref<128x128xf32, #tpu.memory_space<vmem>>
      %dma_start3A_39 = arith.constant 0 : i32
      %dma_start3A_40 = tpu.memref_slice %arg5[%add3A_7, %dma_start3A_39] : memref<10008x128xf32, #tpu.memory_space<vmem_shared>> -> memref<128x128xf32, #tpu.memory_space<vmem_shared>>
      %dma_start3A_41 = arith.constant 0 : i32
      %dma_start3A_42 = tpu.memref_slice %arg5[%add3A_7, %dma_start3A_41] : memref<10008x128xf32, #tpu.memory_space<vmem_shared>> -> memref<128x128xf32, #tpu.memory_space<vmem_shared>>
      %dma_start3A_43 = arith.constant 0 : i32
      %dma_start3A_44 = arith.constant 0 : i32
      %dma_start3A_45 = tpu.memref_slice %arg7[%dma_start3A_43, %dma_start3A_44] : memref<128x128xf32, #tpu.memory_space<vmem>> -> memref<128x128xf32, #tpu.memory_space<vmem>>
      tpu.enqueue_dma source(%dma_start3A_45 : memref<128x128xf32, #tpu.memory_space<vmem>>) target(%dma_start3A_42 : memref<128x128xf32, #tpu.memory_space<vmem_shared>>) target_semaphore(%run_scoped3A_36 : memref<!tpu.dma_semaphore, #tpu.memory_space<semaphore_mem>>)
      %dma_wait3A = arith.constant 0 : i32
      %dma_wait3A_46 = arith.constant 0 : i32
      %dma_wait3A_47 = tpu.memref_slice %arg7[%dma_wait3A, %dma_wait3A_46] : memref<128x128xf32, #tpu.memory_space<vmem>> -> memref<128x128xf32, #tpu.memory_space<vmem>>
      %dma_wait3A_48 = arith.constant 0 : i32
      %dma_wait3A_49 = tpu.memref_slice %arg5[%add3A_7, %dma_wait3A_48] : memref<10008x128xf32, #tpu.memory_space<vmem_shared>> -> memref<128x128xf32, #tpu.memory_space<vmem_shared>>
      %dma_wait3A_50 = arith.constant 0 : i32
      %dma_wait3A_51 = tpu.memref_slice %arg5[%add3A_7, %dma_wait3A_50] : memref<10008x128xf32, #tpu.memory_space<vmem_shared>> -> memref<128x128xf32, #tpu.memory_space<vmem_shared>>
      %dma_wait3A_52 = arith.constant 0 : i32
      %dma_wait3A_53 = arith.constant 0 : i32
      %dma_wait3A_54 = tpu.memref_slice %arg7[%dma_wait3A_52, %dma_wait3A_53] : memref<128x128xf32, #tpu.memory_space<vmem>> -> memref<128x128xf32, #tpu.memory_space<vmem>>
      tpu.wait_dma2 semaphore(%run_scoped3A_36 : memref<!tpu.dma_semaphore, #tpu.memory_space<semaphore_mem>>) src(%dma_wait3A_54 : memref<128x128xf32, #tpu.memory_space<vmem>>) dst(%dma_wait3A_51 : memref<128x128xf32, #tpu.memory_space<vmem_shared>>)
      tpu.yield
    }) : () -> ()
    %add3A_8 = arith.constant 512 : i32
    %add3A_9 = arith.addi %mul3A_0, %add3A_8 : i32
    "tpu.region"() ({
      %run_scoped3A_36 = tpu.sem_alloc : memref<!tpu.dma_semaphore, #tpu.memory_space<semaphore_mem>>
      %dma_start3A = arith.constant 0 : i32
      %dma_start3A_37 = arith.constant 0 : i32
      %dma_start3A_38 = tpu.memref_slice %arg7[%dma_start3A, %dma_start3A_37] : memref<128x128xf32, #tpu.memory_space<vmem>> -> memref<112x128xf32, #tpu.memory_space<vmem>>
      %dma_start3A_39 = arith.constant 0 : i32
      %dma_start3A_40 = tpu.memref_slice %arg5[%add3A_9, %dma_start3A_39] : memref<10008x128xf32, #tpu.memory_space<vmem_shared>> -> memref<112x128xf32, #tpu.memory_space<vmem_shared>>
      %dma_start3A_41 = arith.constant 0 : i32
      %dma_start3A_42 = tpu.memref_slice %arg5[%add3A_9, %dma_start3A_41] : memref<10008x128xf32, #tpu.memory_space<vmem_shared>> -> memref<112x128xf32, #tpu.memory_space<vmem_shared>>
      %dma_start3A_43 = arith.constant 0 : i32
      %dma_start3A_44 = arith.constant 0 : i32
      %dma_start3A_45 = tpu.memref_slice %arg7[%dma_start3A_43, %dma_start3A_44] : memref<128x128xf32, #tpu.memory_space<vmem>> -> memref<112x128xf32, #tpu.memory_space<vmem>>
      tpu.enqueue_dma source(%dma_start3A_45 : memref<112x128xf32, #tpu.memory_space<vmem>>) target(%dma_start3A_42 : memref<112x128xf32, #tpu.memory_space<vmem_shared>>) target_semaphore(%run_scoped3A_36 : memref<!tpu.dma_semaphore, #tpu.memory_space<semaphore_mem>>)
      %dma_wait3A = arith.constant 0 : i32
      %dma_wait3A_46 = arith.constant 0 : i32
      %dma_wait3A_47 = tpu.memref_slice %arg7[%dma_wait3A, %dma_wait3A_46] : memref<128x128xf32, #tpu.memory_space<vmem>> -> memref<112x128xf32, #tpu.memory_space<vmem>>
      %dma_wait3A_48 = arith.constant 0 : i32
      %dma_wait3A_49 = tpu.memref_slice %arg5[%add3A_9, %dma_wait3A_48] : memref<10008x128xf32, #tpu.memory_space<vmem_shared>> -> memref<112x128xf32, #tpu.memory_space<vmem_shared>>
      %dma_wait3A_50 = arith.constant 0 : i32
      %dma_wait3A_51 = tpu.memref_slice %arg5[%add3A_9, %dma_wait3A_50] : memref<10008x128xf32, #tpu.memory_space<vmem_shared>> -> memref<112x128xf32, #tpu.memory_space<vmem_shared>>
      %dma_wait3A_52 = arith.constant 0 : i32
      %dma_wait3A_53 = arith.constant 0 : i32
      %dma_wait3A_54 = tpu.memref_slice %arg7[%dma_wait3A_52, %dma_wait3A_53] : memref<128x128xf32, #tpu.memory_space<vmem>> -> memref<112x128xf32, #tpu.memory_space<vmem>>
      tpu.wait_dma2 semaphore(%run_scoped3A_36 : memref<!tpu.dma_semaphore, #tpu.memory_space<semaphore_mem>>) src(%dma_wait3A_54 : memref<112x128xf32, #tpu.memory_space<vmem>>) dst(%dma_wait3A_51 : memref<112x128xf32, #tpu.memory_space<vmem_shared>>)
      tpu.yield
    }) : () -> ()
    %eq3A = arith.constant 15 : i32
    %eq3A_10 = arith.cmpi eq, %arg1, %eq3A : i32
    %convert_element_type3A = arith.extui %eq3A_10 : i1 to i32
    %cond3A = arith.constant 0 : i32
    %cond3A_11 = arith.cmpi ne, %convert_element_type3A, %cond3A : i32
    scf.if %cond3A_11 {
      "tpu.region"() ({
        %run_scoped3A_36 = tpu.sem_alloc : memref<!tpu.dma_semaphore, #tpu.memory_space<semaphore_mem>>
        %dma_start3A = arith.constant 0 : i32
        %dma_start3A_37 = arith.constant 0 : i32
        %dma_start3A_38 = tpu.memref_slice %arg7[%dma_start3A, %dma_start3A_37] : memref<128x128xf32, #tpu.memory_space<vmem>> -> memref<16x128xf32, #tpu.memory_space<vmem>>
        %dma_start3A_39 = arith.constant 9984 : i32
        %dma_start3A_40 = arith.constant 0 : i32
        %dma_start3A_41 = tpu.memref_slice %arg5[%dma_start3A_39, %dma_start3A_40] : memref<10008x128xf32, #tpu.memory_space<vmem_shared>> -> memref<16x128xf32, #tpu.memory_space<vmem_shared>>
        %dma_start3A_42 = arith.constant 9984 : i32
        %dma_start3A_43 = arith.constant 0 : i32
        %dma_start3A_44 = tpu.memref_slice %arg5[%dma_start3A_42, %dma_start3A_43] : memref<10008x128xf32, #tpu.memory_space<vmem_shared>> -> memref<16x128xf32, #tpu.memory_space<vmem_shared>>
        %dma_start3A_45 = arith.constant 0 : i32
        %dma_start3A_46 = arith.constant 0 : i32
        %dma_start3A_47 = tpu.memref_slice %arg7[%dma_start3A_45, %dma_start3A_46] : memref<128x128xf32, #tpu.memory_space<vmem>> -> memref<16x128xf32, #tpu.memory_space<vmem>>
        tpu.enqueue_dma source(%dma_start3A_47 : memref<16x128xf32, #tpu.memory_space<vmem>>) target(%dma_start3A_44 : memref<16x128xf32, #tpu.memory_space<vmem_shared>>) target_semaphore(%run_scoped3A_36 : memref<!tpu.dma_semaphore, #tpu.memory_space<semaphore_mem>>)
        %dma_wait3A = arith.constant 0 : i32
        %dma_wait3A_48 = arith.constant 0 : i32
        %dma_wait3A_49 = tpu.memref_slice %arg7[%dma_wait3A, %dma_wait3A_48] : memref<128x128xf32, #tpu.memory_space<vmem>> -> memref<16x128xf32, #tpu.memory_space<vmem>>
        %dma_wait3A_50 = arith.constant 9984 : i32
        %dma_wait3A_51 = arith.constant 0 : i32
        %dma_wait3A_52 = tpu.memref_slice %arg5[%dma_wait3A_50, %dma_wait3A_51] : memref<10008x128xf32, #tpu.memory_space<vmem_shared>> -> memref<16x128xf32, #tpu.memory_space<vmem_shared>>
        %dma_wait3A_53 = arith.constant 9984 : i32
        %dma_wait3A_54 = arith.constant 0 : i32
        %dma_wait3A_55 = tpu.memref_slice %arg5[%dma_wait3A_53, %dma_wait3A_54] : memref<10008x128xf32, #tpu.memory_space<vmem_shared>> -> memref<16x128xf32, #tpu.memory_space<vmem_shared>>
        %dma_wait3A_56 = arith.constant 0 : i32
        %dma_wait3A_57 = arith.constant 0 : i32
        %dma_wait3A_58 = tpu.memref_slice %arg7[%dma_wait3A_56, %dma_wait3A_57] : memref<128x128xf32, #tpu.memory_space<vmem>> -> memref<16x128xf32, #tpu.memory_space<vmem>>
        tpu.wait_dma2 semaphore(%run_scoped3A_36 : memref<!tpu.dma_semaphore, #tpu.memory_space<semaphore_mem>>) src(%dma_wait3A_58 : memref<16x128xf32, #tpu.memory_space<vmem>>) dst(%dma_wait3A_55 : memref<16x128xf32, #tpu.memory_space<vmem_shared>>)
        tpu.yield
      }) : () -> ()
    } else {
    }
    %run_scoped3A_12 = arith.constant 0 : i32
    "tpu.region"() ({
      %run_scoped3A_36 = tpu.sem_alloc : memref<!tpu.dma_semaphore, #tpu.memory_space<semaphore_mem>>
      %dma_start3A = arith.constant 0 : i32
      %dma_start3A_37 = arith.constant 0 : i32
      %dma_start3A_38 = tpu.memref_slice %arg3[%run_scoped3A_12, %dma_start3A, %dma_start3A_37] : memref<2x128x128xf32, #tpu.memory_space<hbm>> -> memref<1x128x128xf32, #tpu.memory_space<hbm>>
      %dma_start3A_39 = tpu.memref_squeeze %dma_start3A_38 : memref<1x128x128xf32, #tpu.memory_space<hbm>> -> memref<128x128xf32, #tpu.memory_space<hbm>>
      %dma_start3A_40 = arith.constant 0 : i32
      %dma_start3A_41 = arith.constant 0 : i32
      %dma_start3A_42 = tpu.memref_slice %arg3[%run_scoped3A_12, %dma_start3A_40, %dma_start3A_41] : memref<2x128x128xf32, #tpu.memory_space<hbm>> -> memref<1x128x128xf32, #tpu.memory_space<hbm>>
      %dma_start3A_43 = tpu.memref_squeeze %dma_start3A_42 : memref<1x128x128xf32, #tpu.memory_space<hbm>> -> memref<128x128xf32, #tpu.memory_space<hbm>>
      tpu.enqueue_dma source(%dma_start3A_43 : memref<128x128xf32, #tpu.memory_space<hbm>>) target(%arg7 : memref<128x128xf32, #tpu.memory_space<vmem>>) target_semaphore(%run_scoped3A_36 : memref<!tpu.dma_semaphore, #tpu.memory_space<semaphore_mem>>)
      %dma_wait3A = arith.constant 0 : i32
      %dma_wait3A_44 = arith.constant 0 : i32
      %dma_wait3A_45 = tpu.memref_slice %arg3[%run_scoped3A_12, %dma_wait3A, %dma_wait3A_44] : memref<2x128x128xf32, #tpu.memory_space<hbm>> -> memref<1x128x128xf32, #tpu.memory_space<hbm>>
      %dma_wait3A_46 = tpu.memref_squeeze %dma_wait3A_45 : memref<1x128x128xf32, #tpu.memory_space<hbm>> -> memref<128x128xf32, #tpu.memory_space<hbm>>
      %dma_wait3A_47 = arith.constant 0 : i32
      %dma_wait3A_48 = arith.constant 0 : i32
      %dma_wait3A_49 = tpu.memref_slice %arg3[%run_scoped3A_12, %dma_wait3A_47, %dma_wait3A_48] : memref<2x128x128xf32, #tpu.memory_space<hbm>> -> memref<1x128x128xf32, #tpu.memory_space<hbm>>
      %dma_wait3A_50 = tpu.memref_squeeze %dma_wait3A_49 : memref<1x128x128xf32, #tpu.memory_space<hbm>> -> memref<128x128xf32, #tpu.memory_space<hbm>>
      tpu.wait_dma2 semaphore(%run_scoped3A_36 : memref<!tpu.dma_semaphore, #tpu.memory_space<semaphore_mem>>) src(%dma_wait3A_50 : memref<128x128xf32, #tpu.memory_space<hbm>>) dst(%arg7 : memref<128x128xf32, #tpu.memory_space<vmem>>)
      tpu.yield
    }) : () -> ()
    %barrier3A = arith.constant 0 : index
    tpu.barrier barrier_id(%barrier3A)
    %scan3A = arith.constant 0 : i32
    %scan3A_13 = arith.constant 0 : i32
    %scan3A_14 = arith.constant 4 : i32
    %scan3A_15 = arith.addi %scan3A_13, %scan3A_14 : i32
    %scan3A_16 = arith.constant 1 : i32
    scf.for %scan3A_36 = %scan3A_13 to %scan3A_15 step %scan3A_16  : i32 {
      %mul3A_37 = arith.constant 40 : i32
      %mul3A_38 = arith.muli %scan3A_36, %mul3A_37 : i32
      "tpu.region"() ({
        %run_scoped3A_45 = tpu.sem_alloc : memref<!tpu.dma_semaphore, #tpu.memory_space<semaphore_mem>>
        %dma_start3A = arith.constant 0 : i32
        %dma_start3A_46 = tpu.memref_slice %arg2[%arg0, %arg1, %mul3A_38, %dma_start3A] : memref<2x16x160x128xi32, #tpu.memory_space<hbm>> -> memref<1x1x40x128xi32, #tpu.memory_space<hbm>>
        %dma_start3A_47 = tpu.memref_squeeze %dma_start3A_46 : memref<1x1x40x128xi32, #tpu.memory_space<hbm>> -> memref<40x128xi32, #tpu.memory_space<hbm>>
        %dma_start3A_48 = arith.constant 0 : i32
        %dma_start3A_49 = tpu.memref_slice %arg2[%arg0, %arg1, %mul3A_38, %dma_start3A_48] : memref<2x16x160x128xi32, #tpu.memory_space<hbm>> -> memref<1x1x40x128xi32, #tpu.memory_space<hbm>>
        %dma_start3A_50 = tpu.memref_squeeze %dma_start3A_49 : memref<1x1x40x128xi32, #tpu.memory_space<hbm>> -> memref<40x128xi32, #tpu.memory_space<hbm>>
        tpu.enqueue_dma source(%dma_start3A_50 : memref<40x128xi32, #tpu.memory_space<hbm>>) target(%arg6 : memref<40x128xi32, #tpu.memory_space<vmem>>) target_semaphore(%run_scoped3A_45 : memref<!tpu.dma_semaphore, #tpu.memory_space<semaphore_mem>>)
        %dma_wait3A = arith.constant 0 : i32
        %dma_wait3A_51 = tpu.memref_slice %arg2[%arg0, %arg1, %mul3A_38, %dma_wait3A] : memref<2x16x160x128xi32, #tpu.memory_space<hbm>> -> memref<1x1x40x128xi32, #tpu.memory_space<hbm>>
        %dma_wait3A_52 = tpu.memref_squeeze %dma_wait3A_51 : memref<1x1x40x128xi32, #tpu.memory_space<hbm>> -> memref<40x128xi32, #tpu.memory_space<hbm>>
        %dma_wait3A_53 = arith.constant 0 : i32
        %dma_wait3A_54 = tpu.memref_slice %arg2[%arg0, %arg1, %mul3A_38, %dma_wait3A_53] : memref<2x16x160x128xi32, #tpu.memory_space<hbm>> -> memref<1x1x40x128xi32, #tpu.memory_space<hbm>>
        %dma_wait3A_55 = tpu.memref_squeeze %dma_wait3A_54 : memref<1x1x40x128xi32, #tpu.memory_space<hbm>> -> memref<40x128xi32, #tpu.memory_space<hbm>>
        tpu.wait_dma2 semaphore(%run_scoped3A_45 : memref<!tpu.dma_semaphore, #tpu.memory_space<semaphore_mem>>) src(%dma_wait3A_55 : memref<40x128xi32, #tpu.memory_space<hbm>>) dst(%arg6 : memref<40x128xi32, #tpu.memory_space<vmem>>)
        tpu.yield
      }) : () -> ()
      %scan3A_39 = arith.constant 0 : i32
      %scan3A_40 = arith.constant 0 : i32
      %scan3A_41 = arith.constant 5 : i32
      %scan3A_42 = arith.addi %scan3A_40, %scan3A_41 : i32
      %scan3A_43 = arith.constant 1 : i32
      scf.for %scan3A_45 = %scan3A_40 to %scan3A_42 step %scan3A_43  : i32 {
        %mul3A_46 = arith.constant 8 : i32
        %mul3A_47 = arith.muli %scan3A_45, %mul3A_46 : i32
        %add3A_48 = arith.constant 0 : i32
        %add3A_49 = arith.addi %mul3A_47, %add3A_48 : i32
        %dma_start3A = arith.constant 0 : i32
        %dma_start3A_50 = tpu.memref_slice %arg6[%add3A_49, %dma_start3A] : memref<40x128xi32, #tpu.memory_space<vmem>> -> memref<1x128xi32, #tpu.memory_space<vmem>>
        %dma_start3A_51 = tpu.memref_squeeze %dma_start3A_50 : memref<1x128xi32, #tpu.memory_space<vmem>> -> memref<128xi32, #tpu.memory_space<vmem>>
        %dma_start3A_52 = arith.constant 0 : i32
        %dma_start3A_53 = arith.constant 0 : i32
        %dma_start3A_54 = tpu.memref_slice %arg5[%dma_start3A_52, %dma_start3A_53] : memref<10008x128xf32, #tpu.memory_space<vmem_shared>> -> memref<10008x128xf32, #tpu.memory_space<vmem_shared>>
        tpu.enqueue_indirect_dma source(%arg7 : memref<128x128xf32, #tpu.memory_space<vmem>>) target(%dma_start3A_54 : memref<10008x128xf32, #tpu.memory_space<vmem_shared>>) offsets(%dma_start3A_51 : memref<128xi32, #tpu.memory_space<vmem>>) semaphore(%arg8 : memref<!tpu.dma_semaphore, #tpu.memory_space<semaphore_mem>>) {add = true}
        %mul3A_55 = arith.constant 8 : i32
        %mul3A_56 = arith.muli %scan3A_45, %mul3A_55 : i32
        %add3A_57 = arith.constant 1 : i32
        %add3A_58 = arith.addi %mul3A_56, %add3A_57 : i32
        %dma_start3A_59 = arith.constant 0 : i32
        %dma_start3A_60 = tpu.memref_slice %arg6[%add3A_58, %dma_start3A_59] : memref<40x128xi32, #tpu.memory_space<vmem>> -> memref<1x128xi32, #tpu.memory_space<vmem>>
        %dma_start3A_61 = tpu.memref_squeeze %dma_start3A_60 : memref<1x128xi32, #tpu.memory_space<vmem>> -> memref<128xi32, #tpu.memory_space<vmem>>
        %dma_start3A_62 = arith.constant 0 : i32
        %dma_start3A_63 = arith.constant 0 : i32
        %dma_start3A_64 = tpu.memref_slice %arg5[%dma_start3A_62, %dma_start3A_63] : memref<10008x128xf32, #tpu.memory_space<vmem_shared>> -> memref<10008x128xf32, #tpu.memory_space<vmem_shared>>
        tpu.enqueue_indirect_dma source(%arg7 : memref<128x128xf32, #tpu.memory_space<vmem>>) target(%dma_start3A_64 : memref<10008x128xf32, #tpu.memory_space<vmem_shared>>) offsets(%dma_start3A_61 : memref<128xi32, #tpu.memory_space<vmem>>) semaphore(%arg8 : memref<!tpu.dma_semaphore, #tpu.memory_space<semaphore_mem>>) {add = true}
        %mul3A_65 = arith.constant 8 : i32
        %mul3A_66 = arith.muli %scan3A_45, %mul3A_65 : i32
        %add3A_67 = arith.constant 2 : i32
        %add3A_68 = arith.addi %mul3A_66, %add3A_67 : i32
        %dma_start3A_69 = arith.constant 0 : i32
        %dma_start3A_70 = tpu.memref_slice %arg6[%add3A_68, %dma_start3A_69] : memref<40x128xi32, #tpu.memory_space<vmem>> -> memref<1x128xi32, #tpu.memory_space<vmem>>
        %dma_start3A_71 = tpu.memref_squeeze %dma_start3A_70 : memref<1x128xi32, #tpu.memory_space<vmem>> -> memref<128xi32, #tpu.memory_space<vmem>>
        %dma_start3A_72 = arith.constant 0 : i32
        %dma_start3A_73 = arith.constant 0 : i32
        %dma_start3A_74 = tpu.memref_slice %arg5[%dma_start3A_72, %dma_start3A_73] : memref<10008x128xf32, #tpu.memory_space<vmem_shared>> -> memref<10008x128xf32, #tpu.memory_space<vmem_shared>>
        tpu.enqueue_indirect_dma source(%arg7 : memref<128x128xf32, #tpu.memory_space<vmem>>) target(%dma_start3A_74 : memref<10008x128xf32, #tpu.memory_space<vmem_shared>>) offsets(%dma_start3A_71 : memref<128xi32, #tpu.memory_space<vmem>>) semaphore(%arg8 : memref<!tpu.dma_semaphore, #tpu.memory_space<semaphore_mem>>) {add = true}
        %mul3A_75 = arith.constant 8 : i32
        %mul3A_76 = arith.muli %scan3A_45, %mul3A_75 : i32
        %add3A_77 = arith.constant 3 : i32
        %add3A_78 = arith.addi %mul3A_76, %add3A_77 : i32
        %dma_start3A_79 = arith.constant 0 : i32
        %dma_start3A_80 = tpu.memref_slice %arg6[%add3A_78, %dma_start3A_79] : memref<40x128xi32, #tpu.memory_space<vmem>> -> memref<1x128xi32, #tpu.memory_space<vmem>>
        %dma_start3A_81 = tpu.memref_squeeze %dma_start3A_80 : memref<1x128xi32, #tpu.memory_space<vmem>> -> memref<128xi32, #tpu.memory_space<vmem>>
        %dma_start3A_82 = arith.constant 0 : i32
        %dma_start3A_83 = arith.constant 0 : i32
        %dma_start3A_84 = tpu.memref_slice %arg5[%dma_start3A_82, %dma_start3A_83] : memref<10008x128xf32, #tpu.memory_space<vmem_shared>> -> memref<10008x128xf32, #tpu.memory_space<vmem_shared>>
        tpu.enqueue_indirect_dma source(%arg7 : memref<128x128xf32, #tpu.memory_space<vmem>>) target(%dma_start3A_84 : memref<10008x128xf32, #tpu.memory_space<vmem_shared>>) offsets(%dma_start3A_81 : memref<128xi32, #tpu.memory_space<vmem>>) semaphore(%arg8 : memref<!tpu.dma_semaphore, #tpu.memory_space<semaphore_mem>>) {add = true}
        %mul3A_85 = arith.constant 8 : i32
        %mul3A_86 = arith.muli %scan3A_45, %mul3A_85 : i32
        %add3A_87 = arith.constant 4 : i32
        %add3A_88 = arith.addi %mul3A_86, %add3A_87 : i32
        %dma_start3A_89 = arith.constant 0 : i32
        %dma_start3A_90 = tpu.memref_slice %arg6[%add3A_88, %dma_start3A_89] : memref<40x128xi32, #tpu.memory_space<vmem>> -> memref<1x128xi32, #tpu.memory_space<vmem>>
        %dma_start3A_91 = tpu.memref_squeeze %dma_start3A_90 : memref<1x128xi32, #tpu.memory_space<vmem>> -> memref<128xi32, #tpu.memory_space<vmem>>
        %dma_start3A_92 = arith.constant 0 : i32
        %dma_start3A_93 = arith.constant 0 : i32
        %dma_start3A_94 = tpu.memref_slice %arg5[%dma_start3A_92, %dma_start3A_93] : memref<10008x128xf32, #tpu.memory_space<vmem_shared>> -> memref<10008x128xf32, #tpu.memory_space<vmem_shared>>
        tpu.enqueue_indirect_dma source(%arg7 : memref<128x128xf32, #tpu.memory_space<vmem>>) target(%dma_start3A_94 : memref<10008x128xf32, #tpu.memory_space<vmem_shared>>) offsets(%dma_start3A_91 : memref<128xi32, #tpu.memory_space<vmem>>) semaphore(%arg8 : memref<!tpu.dma_semaphore, #tpu.memory_space<semaphore_mem>>) {add = true}
        %mul3A_95 = arith.constant 8 : i32
        %mul3A_96 = arith.muli %scan3A_45, %mul3A_95 : i32
        %add3A_97 = arith.constant 5 : i32
        %add3A_98 = arith.addi %mul3A_96, %add3A_97 : i32
        %dma_start3A_99 = arith.constant 0 : i32
        %dma_start3A_100 = tpu.memref_slice %arg6[%add3A_98, %dma_start3A_99] : memref<40x128xi32, #tpu.memory_space<vmem>> -> memref<1x128xi32, #tpu.memory_space<vmem>>
        %dma_start3A_101 = tpu.memref_squeeze %dma_start3A_100 : memref<1x128xi32, #tpu.memory_space<vmem>> -> memref<128xi32, #tpu.memory_space<vmem>>
        %dma_start3A_102 = arith.constant 0 : i32
        %dma_start3A_103 = arith.constant 0 : i32
        %dma_start3A_104 = tpu.memref_slice %arg5[%dma_start3A_102, %dma_start3A_103] : memref<10008x128xf32, #tpu.memory_space<vmem_shared>> -> memref<10008x128xf32, #tpu.memory_space<vmem_shared>>
        tpu.enqueue_indirect_dma source(%arg7 : memref<128x128xf32, #tpu.memory_space<vmem>>) target(%dma_start3A_104 : memref<10008x128xf32, #tpu.memory_space<vmem_shared>>) offsets(%dma_start3A_101 : memref<128xi32, #tpu.memory_space<vmem>>) semaphore(%arg8 : memref<!tpu.dma_semaphore, #tpu.memory_space<semaphore_mem>>) {add = true}
        %mul3A_105 = arith.constant 8 : i32
        %mul3A_106 = arith.muli %scan3A_45, %mul3A_105 : i32
        %add3A_107 = arith.constant 6 : i32
        %add3A_108 = arith.addi %mul3A_106, %add3A_107 : i32
        %dma_start3A_109 = arith.constant 0 : i32
        %dma_start3A_110 = tpu.memref_slice %arg6[%add3A_108, %dma_start3A_109] : memref<40x128xi32, #tpu.memory_space<vmem>> -> memref<1x128xi32, #tpu.memory_space<vmem>>
        %dma_start3A_111 = tpu.memref_squeeze %dma_start3A_110 : memref<1x128xi32, #tpu.memory_space<vmem>> -> memref<128xi32, #tpu.memory_space<vmem>>
        %dma_start3A_112 = arith.constant 0 : i32
        %dma_start3A_113 = arith.constant 0 : i32
        %dma_start3A_114 = tpu.memref_slice %arg5[%dma_start3A_112, %dma_start3A_113] : memref<10008x128xf32, #tpu.memory_space<vmem_shared>> -> memref<10008x128xf32, #tpu.memory_space<vmem_shared>>
        tpu.enqueue_indirect_dma source(%arg7 : memref<128x128xf32, #tpu.memory_space<vmem>>) target(%dma_start3A_114 : memref<10008x128xf32, #tpu.memory_space<vmem_shared>>) offsets(%dma_start3A_111 : memref<128xi32, #tpu.memory_space<vmem>>) semaphore(%arg8 : memref<!tpu.dma_semaphore, #tpu.memory_space<semaphore_mem>>) {add = true}
        %mul3A_115 = arith.constant 8 : i32
        %mul3A_116 = arith.muli %scan3A_45, %mul3A_115 : i32
        %add3A_117 = arith.constant 7 : i32
        %add3A_118 = arith.addi %mul3A_116, %add3A_117 : i32
        %dma_start3A_119 = arith.constant 0 : i32
        %dma_start3A_120 = tpu.memref_slice %arg6[%add3A_118, %dma_start3A_119] : memref<40x128xi32, #tpu.memory_space<vmem>> -> memref<1x128xi32, #tpu.memory_space<vmem>>
        %dma_start3A_121 = tpu.memref_squeeze %dma_start3A_120 : memref<1x128xi32, #tpu.memory_space<vmem>> -> memref<128xi32, #tpu.memory_space<vmem>>
        %dma_start3A_122 = arith.constant 0 : i32
        %dma_start3A_123 = arith.constant 0 : i32
        %dma_start3A_124 = tpu.memref_slice %arg5[%dma_start3A_122, %dma_start3A_123] : memref<10008x128xf32, #tpu.memory_space<vmem_shared>> -> memref<10008x128xf32, #tpu.memory_space<vmem_shared>>
        tpu.enqueue_indirect_dma source(%arg7 : memref<128x128xf32, #tpu.memory_space<vmem>>) target(%dma_start3A_124 : memref<10008x128xf32, #tpu.memory_space<vmem_shared>>) offsets(%dma_start3A_121 : memref<128xi32, #tpu.memory_space<vmem>>) semaphore(%arg8 : memref<!tpu.dma_semaphore, #tpu.memory_space<semaphore_mem>>) {add = true}
        %mul3A_125 = arith.constant 8 : i32
        %mul3A_126 = arith.muli %scan3A_45, %mul3A_125 : i32
        %add3A_127 = arith.constant 0 : i32
        %add3A_128 = arith.addi %mul3A_126, %add3A_127 : i32
        %dma_wait3A = arith.constant 0 : i32
        %dma_wait3A_129 = tpu.memref_slice %arg6[%add3A_128, %dma_wait3A] : memref<40x128xi32, #tpu.memory_space<vmem>> -> memref<1x128xi32, #tpu.memory_space<vmem>>
        %dma_wait3A_130 = tpu.memref_squeeze %dma_wait3A_129 : memref<1x128xi32, #tpu.memory_space<vmem>> -> memref<128xi32, #tpu.memory_space<vmem>>
        %dma_wait3A_131 = arith.constant 0 : i32
        %dma_wait3A_132 = arith.constant 0 : i32
        %dma_wait3A_133 = tpu.memref_slice %arg5[%dma_wait3A_131, %dma_wait3A_132] : memref<10008x128xf32, #tpu.memory_space<vmem_shared>> -> memref<10008x128xf32, #tpu.memory_space<vmem_shared>>
        tpu.wait_indirect_dma semaphore(%arg8 : memref<!tpu.dma_semaphore, #tpu.memory_space<semaphore_mem>>) src(%arg7 : memref<128x128xf32, #tpu.memory_space<vmem>>) dst(%dma_wait3A_133 : memref<10008x128xf32, #tpu.memory_space<vmem_shared>>)
        %mul3A_134 = arith.constant 8 : i32
        %mul3A_135 = arith.muli %scan3A_45, %mul3A_134 : i32
        %add3A_136 = arith.constant 1 : i32
        %add3A_137 = arith.addi %mul3A_135, %add3A_136 : i32
        %dma_wait3A_138 = arith.constant 0 : i32
        %dma_wait3A_139 = tpu.memref_slice %arg6[%add3A_137, %dma_wait3A_138] : memref<40x128xi32, #tpu.memory_space<vmem>> -> memref<1x128xi32, #tpu.memory_space<vmem>>
        %dma_wait3A_140 = tpu.memref_squeeze %dma_wait3A_139 : memref<1x128xi32, #tpu.memory_space<vmem>> -> memref<128xi32, #tpu.memory_space<vmem>>
        %dma_wait3A_141 = arith.constant 0 : i32
        %dma_wait3A_142 = arith.constant 0 : i32
        %dma_wait3A_143 = tpu.memref_slice %arg5[%dma_wait3A_141, %dma_wait3A_142] : memref<10008x128xf32, #tpu.memory_space<vmem_shared>> -> memref<10008x128xf32, #tpu.memory_space<vmem_shared>>
        tpu.wait_indirect_dma semaphore(%arg8 : memref<!tpu.dma_semaphore, #tpu.memory_space<semaphore_mem>>) src(%arg7 : memref<128x128xf32, #tpu.memory_space<vmem>>) dst(%dma_wait3A_143 : memref<10008x128xf32, #tpu.memory_space<vmem_shared>>)
        %mul3A_144 = arith.constant 8 : i32
        %mul3A_145 = arith.muli %scan3A_45, %mul3A_144 : i32
        %add3A_146 = arith.constant 2 : i32
        %add3A_147 = arith.addi %mul3A_145, %add3A_146 : i32
        %dma_wait3A_148 = arith.constant 0 : i32
        %dma_wait3A_149 = tpu.memref_slice %arg6[%add3A_147, %dma_wait3A_148] : memref<40x128xi32, #tpu.memory_space<vmem>> -> memref<1x128xi32, #tpu.memory_space<vmem>>
        %dma_wait3A_150 = tpu.memref_squeeze %dma_wait3A_149 : memref<1x128xi32, #tpu.memory_space<vmem>> -> memref<128xi32, #tpu.memory_space<vmem>>
        %dma_wait3A_151 = arith.constant 0 : i32
        %dma_wait3A_152 = arith.constant 0 : i32
        %dma_wait3A_153 = tpu.memref_slice %arg5[%dma_wait3A_151, %dma_wait3A_152] : memref<10008x128xf32, #tpu.memory_space<vmem_shared>> -> memref<10008x128xf32, #tpu.memory_space<vmem_shared>>
        tpu.wait_indirect_dma semaphore(%arg8 : memref<!tpu.dma_semaphore, #tpu.memory_space<semaphore_mem>>) src(%arg7 : memref<128x128xf32, #tpu.memory_space<vmem>>) dst(%dma_wait3A_153 : memref<10008x128xf32, #tpu.memory_space<vmem_shared>>)
        %mul3A_154 = arith.constant 8 : i32
        %mul3A_155 = arith.muli %scan3A_45, %mul3A_154 : i32
        %add3A_156 = arith.constant 3 : i32
        %add3A_157 = arith.addi %mul3A_155, %add3A_156 : i32
        %dma_wait3A_158 = arith.constant 0 : i32
        %dma_wait3A_159 = tpu.memref_slice %arg6[%add3A_157, %dma_wait3A_158] : memref<40x128xi32, #tpu.memory_space<vmem>> -> memref<1x128xi32, #tpu.memory_space<vmem>>
        %dma_wait3A_160 = tpu.memref_squeeze %dma_wait3A_159 : memref<1x128xi32, #tpu.memory_space<vmem>> -> memref<128xi32, #tpu.memory_space<vmem>>
        %dma_wait3A_161 = arith.constant 0 : i32
        %dma_wait3A_162 = arith.constant 0 : i32
        %dma_wait3A_163 = tpu.memref_slice %arg5[%dma_wait3A_161, %dma_wait3A_162] : memref<10008x128xf32, #tpu.memory_space<vmem_shared>> -> memref<10008x128xf32, #tpu.memory_space<vmem_shared>>
        tpu.wait_indirect_dma semaphore(%arg8 : memref<!tpu.dma_semaphore, #tpu.memory_space<semaphore_mem>>) src(%arg7 : memref<128x128xf32, #tpu.memory_space<vmem>>) dst(%dma_wait3A_163 : memref<10008x128xf32, #tpu.memory_space<vmem_shared>>)
        %mul3A_164 = arith.constant 8 : i32
        %mul3A_165 = arith.muli %scan3A_45, %mul3A_164 : i32
        %add3A_166 = arith.constant 4 : i32
        %add3A_167 = arith.addi %mul3A_165, %add3A_166 : i32
        %dma_wait3A_168 = arith.constant 0 : i32
        %dma_wait3A_169 = tpu.memref_slice %arg6[%add3A_167, %dma_wait3A_168] : memref<40x128xi32, #tpu.memory_space<vmem>> -> memref<1x128xi32, #tpu.memory_space<vmem>>
        %dma_wait3A_170 = tpu.memref_squeeze %dma_wait3A_169 : memref<1x128xi32, #tpu.memory_space<vmem>> -> memref<128xi32, #tpu.memory_space<vmem>>
        %dma_wait3A_171 = arith.constant 0 : i32
        %dma_wait3A_172 = arith.constant 0 : i32
        %dma_wait3A_173 = tpu.memref_slice %arg5[%dma_wait3A_171, %dma_wait3A_172] : memref<10008x128xf32, #tpu.memory_space<vmem_shared>> -> memref<10008x128xf32, #tpu.memory_space<vmem_shared>>
        tpu.wait_indirect_dma semaphore(%arg8 : memref<!tpu.dma_semaphore, #tpu.memory_space<semaphore_mem>>) src(%arg7 : memref<128x128xf32, #tpu.memory_space<vmem>>) dst(%dma_wait3A_173 : memref<10008x128xf32, #tpu.memory_space<vmem_shared>>)
        %mul3A_174 = arith.constant 8 : i32
        %mul3A_175 = arith.muli %scan3A_45, %mul3A_174 : i32
        %add3A_176 = arith.constant 5 : i32
        %add3A_177 = arith.addi %mul3A_175, %add3A_176 : i32
        %dma_wait3A_178 = arith.constant 0 : i32
        %dma_wait3A_179 = tpu.memref_slice %arg6[%add3A_177, %dma_wait3A_178] : memref<40x128xi32, #tpu.memory_space<vmem>> -> memref<1x128xi32, #tpu.memory_space<vmem>>
        %dma_wait3A_180 = tpu.memref_squeeze %dma_wait3A_179 : memref<1x128xi32, #tpu.memory_space<vmem>> -> memref<128xi32, #tpu.memory_space<vmem>>
        %dma_wait3A_181 = arith.constant 0 : i32
        %dma_wait3A_182 = arith.constant 0 : i32
        %dma_wait3A_183 = tpu.memref_slice %arg5[%dma_wait3A_181, %dma_wait3A_182] : memref<10008x128xf32, #tpu.memory_space<vmem_shared>> -> memref<10008x128xf32, #tpu.memory_space<vmem_shared>>
        tpu.wait_indirect_dma semaphore(%arg8 : memref<!tpu.dma_semaphore, #tpu.memory_space<semaphore_mem>>) src(%arg7 : memref<128x128xf32, #tpu.memory_space<vmem>>) dst(%dma_wait3A_183 : memref<10008x128xf32, #tpu.memory_space<vmem_shared>>)
        %mul3A_184 = arith.constant 8 : i32
        %mul3A_185 = arith.muli %scan3A_45, %mul3A_184 : i32
        %add3A_186 = arith.constant 6 : i32
        %add3A_187 = arith.addi %mul3A_185, %add3A_186 : i32
        %dma_wait3A_188 = arith.constant 0 : i32
        %dma_wait3A_189 = tpu.memref_slice %arg6[%add3A_187, %dma_wait3A_188] : memref<40x128xi32, #tpu.memory_space<vmem>> -> memref<1x128xi32, #tpu.memory_space<vmem>>
        %dma_wait3A_190 = tpu.memref_squeeze %dma_wait3A_189 : memref<1x128xi32, #tpu.memory_space<vmem>> -> memref<128xi32, #tpu.memory_space<vmem>>
        %dma_wait3A_191 = arith.constant 0 : i32
        %dma_wait3A_192 = arith.constant 0 : i32
        %dma_wait3A_193 = tpu.memref_slice %arg5[%dma_wait3A_191, %dma_wait3A_192] : memref<10008x128xf32, #tpu.memory_space<vmem_shared>> -> memref<10008x128xf32, #tpu.memory_space<vmem_shared>>
        tpu.wait_indirect_dma semaphore(%arg8 : memref<!tpu.dma_semaphore, #tpu.memory_space<semaphore_mem>>) src(%arg7 : memref<128x128xf32, #tpu.memory_space<vmem>>) dst(%dma_wait3A_193 : memref<10008x128xf32, #tpu.memory_space<vmem_shared>>)
        %mul3A_194 = arith.constant 8 : i32
        %mul3A_195 = arith.muli %scan3A_45, %mul3A_194 : i32
        %add3A_196 = arith.constant 7 : i32
        %add3A_197 = arith.addi %mul3A_195, %add3A_196 : i32
        %dma_wait3A_198 = arith.constant 0 : i32
        %dma_wait3A_199 = tpu.memref_slice %arg6[%add3A_197, %dma_wait3A_198] : memref<40x128xi32, #tpu.memory_space<vmem>> -> memref<1x128xi32, #tpu.memory_space<vmem>>
        %dma_wait3A_200 = tpu.memref_squeeze %dma_wait3A_199 : memref<1x128xi32, #tpu.memory_space<vmem>> -> memref<128xi32, #tpu.memory_space<vmem>>
        %dma_wait3A_201 = arith.constant 0 : i32
        %dma_wait3A_202 = arith.constant 0 : i32
        %dma_wait3A_203 = tpu.memref_slice %arg5[%dma_wait3A_201, %dma_wait3A_202] : memref<10008x128xf32, #tpu.memory_space<vmem_shared>> -> memref<10008x128xf32, #tpu.memory_space<vmem_shared>>
        tpu.wait_indirect_dma semaphore(%arg8 : memref<!tpu.dma_semaphore, #tpu.memory_space<semaphore_mem>>) src(%arg7 : memref<128x128xf32, #tpu.memory_space<vmem>>) dst(%dma_wait3A_203 : memref<10008x128xf32, #tpu.memory_space<vmem_shared>>)
      }
      %scan3A_44 = arith.constant 5 : i32
    }
    %scan3A_17 = arith.constant 4 : i32
    %barrier3A_18 = arith.constant 0 : index
    tpu.barrier barrier_id(%barrier3A_18)
    %mul3A_19 = arith.constant 624 : i32
    %mul3A_20 = arith.muli %arg1, %mul3A_19 : i32
    %add3A_21 = arith.constant 0 : i32
    %add3A_22 = arith.addi %mul3A_20, %add3A_21 : i32
    "tpu.region"() ({
      %run_scoped3A_36 = tpu.sem_alloc : memref<!tpu.dma_semaphore, #tpu.memory_space<semaphore_mem>>
      %dma_start3A = arith.constant 0 : i32
      %dma_start3A_37 = arith.constant 0 : i32
      %dma_start3A_38 = tpu.memref_slice %arg7[%dma_start3A, %dma_start3A_37] : memref<128x128xf32, #tpu.memory_space<vmem>> -> memref<128x128xf32, #tpu.memory_space<vmem>>
      %dma_start3A_39 = arith.constant 0 : i32
      %dma_start3A_40 = tpu.memref_slice %arg5[%add3A_22, %dma_start3A_39] : memref<10008x128xf32, #tpu.memory_space<vmem_shared>> -> memref<128x128xf32, #tpu.memory_space<vmem_shared>>
      %dma_start3A_41 = arith.constant 0 : i32
      %dma_start3A_42 = arith.constant 0 : i32
      %dma_start3A_43 = tpu.memref_slice %arg7[%dma_start3A_41, %dma_start3A_42] : memref<128x128xf32, #tpu.memory_space<vmem>> -> memref<128x128xf32, #tpu.memory_space<vmem>>
      %dma_start3A_44 = arith.constant 0 : i32
      %dma_start3A_45 = tpu.memref_slice %arg5[%add3A_22, %dma_start3A_44] : memref<10008x128xf32, #tpu.memory_space<vmem_shared>> -> memref<128x128xf32, #tpu.memory_space<vmem_shared>>
      tpu.enqueue_dma source(%dma_start3A_45 : memref<128x128xf32, #tpu.memory_space<vmem_shared>>) target(%dma_start3A_43 : memref<128x128xf32, #tpu.memory_space<vmem>>) target_semaphore(%run_scoped3A_36 : memref<!tpu.dma_semaphore, #tpu.memory_space<semaphore_mem>>)
      %dma_wait3A = arith.constant 0 : i32
      %dma_wait3A_46 = arith.constant 0 : i32
      %dma_wait3A_47 = tpu.memref_slice %arg7[%dma_wait3A, %dma_wait3A_46] : memref<128x128xf32, #tpu.memory_space<vmem>> -> memref<128x128xf32, #tpu.memory_space<vmem>>
      %dma_wait3A_48 = arith.constant 0 : i32
      %dma_wait3A_49 = tpu.memref_slice %arg5[%add3A_22, %dma_wait3A_48] : memref<10008x128xf32, #tpu.memory_space<vmem_shared>> -> memref<128x128xf32, #tpu.memory_space<vmem_shared>>
      %dma_wait3A_50 = arith.constant 0 : i32
      %dma_wait3A_51 = arith.constant 0 : i32
      %dma_wait3A_52 = tpu.memref_slice %arg7[%dma_wait3A_50, %dma_wait3A_51] : memref<128x128xf32, #tpu.memory_space<vmem>> -> memref<128x128xf32, #tpu.memory_space<vmem>>
      %dma_wait3A_53 = arith.constant 0 : i32
      %dma_wait3A_54 = tpu.memref_slice %arg5[%add3A_22, %dma_wait3A_53] : memref<10008x128xf32, #tpu.memory_space<vmem_shared>> -> memref<128x128xf32, #tpu.memory_space<vmem_shared>>
      tpu.wait_dma2 semaphore(%run_scoped3A_36 : memref<!tpu.dma_semaphore, #tpu.memory_space<semaphore_mem>>) src(%dma_wait3A_54 : memref<128x128xf32, #tpu.memory_space<vmem_shared>>) dst(%dma_wait3A_52 : memref<128x128xf32, #tpu.memory_space<vmem>>)
      tpu.yield
    }) : () -> ()
    "tpu.region"() ({
      %run_scoped3A_36 = tpu.sem_alloc : memref<!tpu.dma_semaphore, #tpu.memory_space<semaphore_mem>>
      %dma_start3A = arith.constant 0 : i32
      %dma_start3A_37 = arith.constant 0 : i32
      %dma_start3A_38 = tpu.memref_slice %arg7[%dma_start3A, %dma_start3A_37] : memref<128x128xf32, #tpu.memory_space<vmem>> -> memref<128x128xf32, #tpu.memory_space<vmem>>
      %dma_start3A_39 = arith.constant 0 : i32
      %dma_start3A_40 = tpu.memref_slice %arg4[%arg0, %add3A_22, %dma_start3A_39] : memref<2x10000x128xf32, #tpu.memory_space<hbm>> -> memref<1x128x128xf32, #tpu.memory_space<hbm>>
      %dma_start3A_41 = tpu.memref_squeeze %dma_start3A_40 : memref<1x128x128xf32, #tpu.memory_space<hbm>> -> memref<128x128xf32, #tpu.memory_space<hbm>>
      %dma_start3A_42 = arith.constant 0 : i32
      %dma_start3A_43 = tpu.memref_slice %arg4[%arg0, %add3A_22, %dma_start3A_42] : memref<2x10000x128xf32, #tpu.memory_space<hbm>> -> memref<1x128x128xf32, #tpu.memory_space<hbm>>
      %dma_start3A_44 = tpu.memref_squeeze %dma_start3A_43 : memref<1x128x128xf32, #tpu.memory_space<hbm>> -> memref<128x128xf32, #tpu.memory_space<hbm>>
      %dma_start3A_45 = arith.constant 0 : i32
      %dma_start3A_46 = arith.constant 0 : i32
      %dma_start3A_47 = tpu.memref_slice %arg7[%dma_start3A_45, %dma_start3A_46] : memref<128x128xf32, #tpu.memory_space<vmem>> -> memref<128x128xf32, #tpu.memory_space<vmem>>
      tpu.enqueue_dma source(%dma_start3A_47 : memref<128x128xf32, #tpu.memory_space<vmem>>) target(%dma_start3A_44 : memref<128x128xf32, #tpu.memory_space<hbm>>) target_semaphore(%run_scoped3A_36 : memref<!tpu.dma_semaphore, #tpu.memory_space<semaphore_mem>>)
      %dma_wait3A = arith.constant 0 : i32
      %dma_wait3A_48 = arith.constant 0 : i32
      %dma_wait3A_49 = tpu.memref_slice %arg7[%dma_wait3A, %dma_wait3A_48] : memref<128x128xf32, #tpu.memory_space<vmem>> -> memref<128x128xf32, #tpu.memory_space<vmem>>
      %dma_wait3A_50 = arith.constant 0 : i32
      %dma_wait3A_51 = tpu.memref_slice %arg4[%arg0, %add3A_22, %dma_wait3A_50] : memref<2x10000x128xf32, #tpu.memory_space<hbm>> -> memref<1x128x128xf32, #tpu.memory_space<hbm>>
      %dma_wait3A_52 = tpu.memref_squeeze %dma_wait3A_51 : memref<1x128x128xf32, #tpu.memory_space<hbm>> -> memref<128x128xf32, #tpu.memory_space<hbm>>
      %dma_wait3A_53 = arith.constant 0 : i32
      %dma_wait3A_54 = tpu.memref_slice %arg4[%arg0, %add3A_22, %dma_wait3A_53] : memref<2x10000x128xf32, #tpu.memory_space<hbm>> -> memref<1x128x128xf32, #tpu.memory_space<hbm>>
      %dma_wait3A_55 = tpu.memref_squeeze %dma_wait3A_54 : memref<1x128x128xf32, #tpu.memory_space<hbm>> -> memref<128x128xf32, #tpu.memory_space<hbm>>
      %dma_wait3A_56 = arith.constant 0 : i32
      %dma_wait3A_57 = arith.constant 0 : i32
      %dma_wait3A_58 = tpu.memref_slice %arg7[%dma_wait3A_56, %dma_wait3A_57] : memref<128x128xf32, #tpu.memory_space<vmem>> -> memref<128x128xf32, #tpu.memory_space<vmem>>
      tpu.wait_dma2 semaphore(%run_scoped3A_36 : memref<!tpu.dma_semaphore, #tpu.memory_space<semaphore_mem>>) src(%dma_wait3A_58 : memref<128x128xf32, #tpu.memory_space<vmem>>) dst(%dma_wait3A_55 : memref<128x128xf32, #tpu.memory_space<hbm>>)
      tpu.yield
    }) : () -> ()
    %add3A_23 = arith.constant 128 : i32
    %add3A_24 = arith.addi %mul3A_20, %add3A_23 : i32
    "tpu.region"() ({
      %run_scoped3A_36 = tpu.sem_alloc : memref<!tpu.dma_semaphore, #tpu.memory_space<semaphore_mem>>
      %dma_start3A = arith.constant 0 : i32
      %dma_start3A_37 = arith.constant 0 : i32
      %dma_start3A_38 = tpu.memref_slice %arg7[%dma_start3A, %dma_start3A_37] : memref<128x128xf32, #tpu.memory_space<vmem>> -> memref<128x128xf32, #tpu.memory_space<vmem>>
      %dma_start3A_39 = arith.constant 0 : i32
      %dma_start3A_40 = tpu.memref_slice %arg5[%add3A_24, %dma_start3A_39] : memref<10008x128xf32, #tpu.memory_space<vmem_shared>> -> memref<128x128xf32, #tpu.memory_space<vmem_shared>>
      %dma_start3A_41 = arith.constant 0 : i32
      %dma_start3A_42 = arith.constant 0 : i32
      %dma_start3A_43 = tpu.memref_slice %arg7[%dma_start3A_41, %dma_start3A_42] : memref<128x128xf32, #tpu.memory_space<vmem>> -> memref<128x128xf32, #tpu.memory_space<vmem>>
      %dma_start3A_44 = arith.constant 0 : i32
      %dma_start3A_45 = tpu.memref_slice %arg5[%add3A_24, %dma_start3A_44] : memref<10008x128xf32, #tpu.memory_space<vmem_shared>> -> memref<128x128xf32, #tpu.memory_space<vmem_shared>>
      tpu.enqueue_dma source(%dma_start3A_45 : memref<128x128xf32, #tpu.memory_space<vmem_shared>>) target(%dma_start3A_43 : memref<128x128xf32, #tpu.memory_space<vmem>>) target_semaphore(%run_scoped3A_36 : memref<!tpu.dma_semaphore, #tpu.memory_space<semaphore_mem>>)
      %dma_wait3A = arith.constant 0 : i32
      %dma_wait3A_46 = arith.constant 0 : i32
      %dma_wait3A_47 = tpu.memref_slice %arg7[%dma_wait3A, %dma_wait3A_46] : memref<128x128xf32, #tpu.memory_space<vmem>> -> memref<128x128xf32, #tpu.memory_space<vmem>>
      %dma_wait3A_48 = arith.constant 0 : i32
      %dma_wait3A_49 = tpu.memref_slice %arg5[%add3A_24, %dma_wait3A_48] : memref<10008x128xf32, #tpu.memory_space<vmem_shared>> -> memref<128x128xf32, #tpu.memory_space<vmem_shared>>
      %dma_wait3A_50 = arith.constant 0 : i32
      %dma_wait3A_51 = arith.constant 0 : i32
      %dma_wait3A_52 = tpu.memref_slice %arg7[%dma_wait3A_50, %dma_wait3A_51] : memref<128x128xf32, #tpu.memory_space<vmem>> -> memref<128x128xf32, #tpu.memory_space<vmem>>
      %dma_wait3A_53 = arith.constant 0 : i32
      %dma_wait3A_54 = tpu.memref_slice %arg5[%add3A_24, %dma_wait3A_53] : memref<10008x128xf32, #tpu.memory_space<vmem_shared>> -> memref<128x128xf32, #tpu.memory_space<vmem_shared>>
      tpu.wait_dma2 semaphore(%run_scoped3A_36 : memref<!tpu.dma_semaphore, #tpu.memory_space<semaphore_mem>>) src(%dma_wait3A_54 : memref<128x128xf32, #tpu.memory_space<vmem_shared>>) dst(%dma_wait3A_52 : memref<128x128xf32, #tpu.memory_space<vmem>>)
      tpu.yield
    }) : () -> ()
    "tpu.region"() ({
      %run_scoped3A_36 = tpu.sem_alloc : memref<!tpu.dma_semaphore, #tpu.memory_space<semaphore_mem>>
      %dma_start3A = arith.constant 0 : i32
      %dma_start3A_37 = arith.constant 0 : i32
      %dma_start3A_38 = tpu.memref_slice %arg7[%dma_start3A, %dma_start3A_37] : memref<128x128xf32, #tpu.memory_space<vmem>> -> memref<128x128xf32, #tpu.memory_space<vmem>>
      %dma_start3A_39 = arith.constant 0 : i32
      %dma_start3A_40 = tpu.memref_slice %arg4[%arg0, %add3A_24, %dma_start3A_39] : memref<2x10000x128xf32, #tpu.memory_space<hbm>> -> memref<1x128x128xf32, #tpu.memory_space<hbm>>
      %dma_start3A_41 = tpu.memref_squeeze %dma_start3A_40 : memref<1x128x128xf32, #tpu.memory_space<hbm>> -> memref<128x128xf32, #tpu.memory_space<hbm>>
      %dma_start3A_42 = arith.constant 0 : i32
      %dma_start3A_43 = tpu.memref_slice %arg4[%arg0, %add3A_24, %dma_start3A_42] : memref<2x10000x128xf32, #tpu.memory_space<hbm>> -> memref<1x128x128xf32, #tpu.memory_space<hbm>>
      %dma_start3A_44 = tpu.memref_squeeze %dma_start3A_43 : memref<1x128x128xf32, #tpu.memory_space<hbm>> -> memref<128x128xf32, #tpu.memory_space<hbm>>
      %dma_start3A_45 = arith.constant 0 : i32
      %dma_start3A_46 = arith.constant 0 : i32
      %dma_start3A_47 = tpu.memref_slice %arg7[%dma_start3A_45, %dma_start3A_46] : memref<128x128xf32, #tpu.memory_space<vmem>> -> memref<128x128xf32, #tpu.memory_space<vmem>>
      tpu.enqueue_dma source(%dma_start3A_47 : memref<128x128xf32, #tpu.memory_space<vmem>>) target(%dma_start3A_44 : memref<128x128xf32, #tpu.memory_space<hbm>>) target_semaphore(%run_scoped3A_36 : memref<!tpu.dma_semaphore, #tpu.memory_space<semaphore_mem>>)
      %dma_wait3A = arith.constant 0 : i32
      %dma_wait3A_48 = arith.constant 0 : i32
      %dma_wait3A_49 = tpu.memref_slice %arg7[%dma_wait3A, %dma_wait3A_48] : memref<128x128xf32, #tpu.memory_space<vmem>> -> memref<128x128xf32, #tpu.memory_space<vmem>>
      %dma_wait3A_50 = arith.constant 0 : i32
      %dma_wait3A_51 = tpu.memref_slice %arg4[%arg0, %add3A_24, %dma_wait3A_50] : memref<2x10000x128xf32, #tpu.memory_space<hbm>> -> memref<1x128x128xf32, #tpu.memory_space<hbm>>
      %dma_wait3A_52 = tpu.memref_squeeze %dma_wait3A_51 : memref<1x128x128xf32, #tpu.memory_space<hbm>> -> memref<128x128xf32, #tpu.memory_space<hbm>>
      %dma_wait3A_53 = arith.constant 0 : i32
      %dma_wait3A_54 = tpu.memref_slice %arg4[%arg0, %add3A_24, %dma_wait3A_53] : memref<2x10000x128xf32, #tpu.memory_space<hbm>> -> memref<1x128x128xf32, #tpu.memory_space<hbm>>
      %dma_wait3A_55 = tpu.memref_squeeze %dma_wait3A_54 : memref<1x128x128xf32, #tpu.memory_space<hbm>> -> memref<128x128xf32, #tpu.memory_space<hbm>>
      %dma_wait3A_56 = arith.constant 0 : i32
      %dma_wait3A_57 = arith.constant 0 : i32
      %dma_wait3A_58 = tpu.memref_slice %arg7[%dma_wait3A_56, %dma_wait3A_57] : memref<128x128xf32, #tpu.memory_space<vmem>> -> memref<128x128xf32, #tpu.memory_space<vmem>>
      tpu.wait_dma2 semaphore(%run_scoped3A_36 : memref<!tpu.dma_semaphore, #tpu.memory_space<semaphore_mem>>) src(%dma_wait3A_58 : memref<128x128xf32, #tpu.memory_space<vmem>>) dst(%dma_wait3A_55 : memref<128x128xf32, #tpu.memory_space<hbm>>)
      tpu.yield
    }) : () -> ()
    %add3A_25 = arith.constant 256 : i32
    %add3A_26 = arith.addi %mul3A_20, %add3A_25 : i32
    "tpu.region"() ({
      %run_scoped3A_36 = tpu.sem_alloc : memref<!tpu.dma_semaphore, #tpu.memory_space<semaphore_mem>>
      %dma_start3A = arith.constant 0 : i32
      %dma_start3A_37 = arith.constant 0 : i32
      %dma_start3A_38 = tpu.memref_slice %arg7[%dma_start3A, %dma_start3A_37] : memref<128x128xf32, #tpu.memory_space<vmem>> -> memref<128x128xf32, #tpu.memory_space<vmem>>
      %dma_start3A_39 = arith.constant 0 : i32
      %dma_start3A_40 = tpu.memref_slice %arg5[%add3A_26, %dma_start3A_39] : memref<10008x128xf32, #tpu.memory_space<vmem_shared>> -> memref<128x128xf32, #tpu.memory_space<vmem_shared>>
      %dma_start3A_41 = arith.constant 0 : i32
      %dma_start3A_42 = arith.constant 0 : i32
      %dma_start3A_43 = tpu.memref_slice %arg7[%dma_start3A_41, %dma_start3A_42] : memref<128x128xf32, #tpu.memory_space<vmem>> -> memref<128x128xf32, #tpu.memory_space<vmem>>
      %dma_start3A_44 = arith.constant 0 : i32
      %dma_start3A_45 = tpu.memref_slice %arg5[%add3A_26, %dma_start3A_44] : memref<10008x128xf32, #tpu.memory_space<vmem_shared>> -> memref<128x128xf32, #tpu.memory_space<vmem_shared>>
      tpu.enqueue_dma source(%dma_start3A_45 : memref<128x128xf32, #tpu.memory_space<vmem_shared>>) target(%dma_start3A_43 : memref<128x128xf32, #tpu.memory_space<vmem>>) target_semaphore(%run_scoped3A_36 : memref<!tpu.dma_semaphore, #tpu.memory_space<semaphore_mem>>)
      %dma_wait3A = arith.constant 0 : i32
      %dma_wait3A_46 = arith.constant 0 : i32
      %dma_wait3A_47 = tpu.memref_slice %arg7[%dma_wait3A, %dma_wait3A_46] : memref<128x128xf32, #tpu.memory_space<vmem>> -> memref<128x128xf32, #tpu.memory_space<vmem>>
      %dma_wait3A_48 = arith.constant 0 : i32
      %dma_wait3A_49 = tpu.memref_slice %arg5[%add3A_26, %dma_wait3A_48] : memref<10008x128xf32, #tpu.memory_space<vmem_shared>> -> memref<128x128xf32, #tpu.memory_space<vmem_shared>>
      %dma_wait3A_50 = arith.constant 0 : i32
      %dma_wait3A_51 = arith.constant 0 : i32
      %dma_wait3A_52 = tpu.memref_slice %arg7[%dma_wait3A_50, %dma_wait3A_51] : memref<128x128xf32, #tpu.memory_space<vmem>> -> memref<128x128xf32, #tpu.memory_space<vmem>>
      %dma_wait3A_53 = arith.constant 0 : i32
      %dma_wait3A_54 = tpu.memref_slice %arg5[%add3A_26, %dma_wait3A_53] : memref<10008x128xf32, #tpu.memory_space<vmem_shared>> -> memref<128x128xf32, #tpu.memory_space<vmem_shared>>
      tpu.wait_dma2 semaphore(%run_scoped3A_36 : memref<!tpu.dma_semaphore, #tpu.memory_space<semaphore_mem>>) src(%dma_wait3A_54 : memref<128x128xf32, #tpu.memory_space<vmem_shared>>) dst(%dma_wait3A_52 : memref<128x128xf32, #tpu.memory_space<vmem>>)
      tpu.yield
    }) : () -> ()
    "tpu.region"() ({
      %run_scoped3A_36 = tpu.sem_alloc : memref<!tpu.dma_semaphore, #tpu.memory_space<semaphore_mem>>
      %dma_start3A = arith.constant 0 : i32
      %dma_start3A_37 = arith.constant 0 : i32
      %dma_start3A_38 = tpu.memref_slice %arg7[%dma_start3A, %dma_start3A_37] : memref<128x128xf32, #tpu.memory_space<vmem>> -> memref<128x128xf32, #tpu.memory_space<vmem>>
      %dma_start3A_39 = arith.constant 0 : i32
      %dma_start3A_40 = tpu.memref_slice %arg4[%arg0, %add3A_26, %dma_start3A_39] : memref<2x10000x128xf32, #tpu.memory_space<hbm>> -> memref<1x128x128xf32, #tpu.memory_space<hbm>>
      %dma_start3A_41 = tpu.memref_squeeze %dma_start3A_40 : memref<1x128x128xf32, #tpu.memory_space<hbm>> -> memref<128x128xf32, #tpu.memory_space<hbm>>
      %dma_start3A_42 = arith.constant 0 : i32
      %dma_start3A_43 = tpu.memref_slice %arg4[%arg0, %add3A_26, %dma_start3A_42] : memref<2x10000x128xf32, #tpu.memory_space<hbm>> -> memref<1x128x128xf32, #tpu.memory_space<hbm>>
      %dma_start3A_44 = tpu.memref_squeeze %dma_start3A_43 : memref<1x128x128xf32, #tpu.memory_space<hbm>> -> memref<128x128xf32, #tpu.memory_space<hbm>>
      %dma_start3A_45 = arith.constant 0 : i32
      %dma_start3A_46 = arith.constant 0 : i32
      %dma_start3A_47 = tpu.memref_slice %arg7[%dma_start3A_45, %dma_start3A_46] : memref<128x128xf32, #tpu.memory_space<vmem>> -> memref<128x128xf32, #tpu.memory_space<vmem>>
      tpu.enqueue_dma source(%dma_start3A_47 : memref<128x128xf32, #tpu.memory_space<vmem>>) target(%dma_start3A_44 : memref<128x128xf32, #tpu.memory_space<hbm>>) target_semaphore(%run_scoped3A_36 : memref<!tpu.dma_semaphore, #tpu.memory_space<semaphore_mem>>)
      %dma_wait3A = arith.constant 0 : i32
      %dma_wait3A_48 = arith.constant 0 : i32
      %dma_wait3A_49 = tpu.memref_slice %arg7[%dma_wait3A, %dma_wait3A_48] : memref<128x128xf32, #tpu.memory_space<vmem>> -> memref<128x128xf32, #tpu.memory_space<vmem>>
      %dma_wait3A_50 = arith.constant 0 : i32
      %dma_wait3A_51 = tpu.memref_slice %arg4[%arg0, %add3A_26, %dma_wait3A_50] : memref<2x10000x128xf32, #tpu.memory_space<hbm>> -> memref<1x128x128xf32, #tpu.memory_space<hbm>>
      %dma_wait3A_52 = tpu.memref_squeeze %dma_wait3A_51 : memref<1x128x128xf32, #tpu.memory_space<hbm>> -> memref<128x128xf32, #tpu.memory_space<hbm>>
      %dma_wait3A_53 = arith.constant 0 : i32
      %dma_wait3A_54 = tpu.memref_slice %arg4[%arg0, %add3A_26, %dma_wait3A_53] : memref<2x10000x128xf32, #tpu.memory_space<hbm>> -> memref<1x128x128xf32, #tpu.memory_space<hbm>>
      %dma_wait3A_55 = tpu.memref_squeeze %dma_wait3A_54 : memref<1x128x128xf32, #tpu.memory_space<hbm>> -> memref<128x128xf32, #tpu.memory_space<hbm>>
      %dma_wait3A_56 = arith.constant 0 : i32
      %dma_wait3A_57 = arith.constant 0 : i32
      %dma_wait3A_58 = tpu.memref_slice %arg7[%dma_wait3A_56, %dma_wait3A_57] : memref<128x128xf32, #tpu.memory_space<vmem>> -> memref<128x128xf32, #tpu.memory_space<vmem>>
      tpu.wait_dma2 semaphore(%run_scoped3A_36 : memref<!tpu.dma_semaphore, #tpu.memory_space<semaphore_mem>>) src(%dma_wait3A_58 : memref<128x128xf32, #tpu.memory_space<vmem>>) dst(%dma_wait3A_55 : memref<128x128xf32, #tpu.memory_space<hbm>>)
      tpu.yield
    }) : () -> ()
    %add3A_27 = arith.constant 384 : i32
    %add3A_28 = arith.addi %mul3A_20, %add3A_27 : i32
    "tpu.region"() ({
      %run_scoped3A_36 = tpu.sem_alloc : memref<!tpu.dma_semaphore, #tpu.memory_space<semaphore_mem>>
      %dma_start3A = arith.constant 0 : i32
      %dma_start3A_37 = arith.constant 0 : i32
      %dma_start3A_38 = tpu.memref_slice %arg7[%dma_start3A, %dma_start3A_37] : memref<128x128xf32, #tpu.memory_space<vmem>> -> memref<128x128xf32, #tpu.memory_space<vmem>>
      %dma_start3A_39 = arith.constant 0 : i32
      %dma_start3A_40 = tpu.memref_slice %arg5[%add3A_28, %dma_start3A_39] : memref<10008x128xf32, #tpu.memory_space<vmem_shared>> -> memref<128x128xf32, #tpu.memory_space<vmem_shared>>
      %dma_start3A_41 = arith.constant 0 : i32
      %dma_start3A_42 = arith.constant 0 : i32
      %dma_start3A_43 = tpu.memref_slice %arg7[%dma_start3A_41, %dma_start3A_42] : memref<128x128xf32, #tpu.memory_space<vmem>> -> memref<128x128xf32, #tpu.memory_space<vmem>>
      %dma_start3A_44 = arith.constant 0 : i32
      %dma_start3A_45 = tpu.memref_slice %arg5[%add3A_28, %dma_start3A_44] : memref<10008x128xf32, #tpu.memory_space<vmem_shared>> -> memref<128x128xf32, #tpu.memory_space<vmem_shared>>
      tpu.enqueue_dma source(%dma_start3A_45 : memref<128x128xf32, #tpu.memory_space<vmem_shared>>) target(%dma_start3A_43 : memref<128x128xf32, #tpu.memory_space<vmem>>) target_semaphore(%run_scoped3A_36 : memref<!tpu.dma_semaphore, #tpu.memory_space<semaphore_mem>>)
      %dma_wait3A = arith.constant 0 : i32
      %dma_wait3A_46 = arith.constant 0 : i32
      %dma_wait3A_47 = tpu.memref_slice %arg7[%dma_wait3A, %dma_wait3A_46] : memref<128x128xf32, #tpu.memory_space<vmem>> -> memref<128x128xf32, #tpu.memory_space<vmem>>
      %dma_wait3A_48 = arith.constant 0 : i32
      %dma_wait3A_49 = tpu.memref_slice %arg5[%add3A_28, %dma_wait3A_48] : memref<10008x128xf32, #tpu.memory_space<vmem_shared>> -> memref<128x128xf32, #tpu.memory_space<vmem_shared>>
      %dma_wait3A_50 = arith.constant 0 : i32
      %dma_wait3A_51 = arith.constant 0 : i32
      %dma_wait3A_52 = tpu.memref_slice %arg7[%dma_wait3A_50, %dma_wait3A_51] : memref<128x128xf32, #tpu.memory_space<vmem>> -> memref<128x128xf32, #tpu.memory_space<vmem>>
      %dma_wait3A_53 = arith.constant 0 : i32
      %dma_wait3A_54 = tpu.memref_slice %arg5[%add3A_28, %dma_wait3A_53] : memref<10008x128xf32, #tpu.memory_space<vmem_shared>> -> memref<128x128xf32, #tpu.memory_space<vmem_shared>>
      tpu.wait_dma2 semaphore(%run_scoped3A_36 : memref<!tpu.dma_semaphore, #tpu.memory_space<semaphore_mem>>) src(%dma_wait3A_54 : memref<128x128xf32, #tpu.memory_space<vmem_shared>>) dst(%dma_wait3A_52 : memref<128x128xf32, #tpu.memory_space<vmem>>)
      tpu.yield
    }) : () -> ()
    "tpu.region"() ({
      %run_scoped3A_36 = tpu.sem_alloc : memref<!tpu.dma_semaphore, #tpu.memory_space<semaphore_mem>>
      %dma_start3A = arith.constant 0 : i32
      %dma_start3A_37 = arith.constant 0 : i32
      %dma_start3A_38 = tpu.memref_slice %arg7[%dma_start3A, %dma_start3A_37] : memref<128x128xf32, #tpu.memory_space<vmem>> -> memref<128x128xf32, #tpu.memory_space<vmem>>
      %dma_start3A_39 = arith.constant 0 : i32
      %dma_start3A_40 = tpu.memref_slice %arg4[%arg0, %add3A_28, %dma_start3A_39] : memref<2x10000x128xf32, #tpu.memory_space<hbm>> -> memref<1x128x128xf32, #tpu.memory_space<hbm>>
      %dma_start3A_41 = tpu.memref_squeeze %dma_start3A_40 : memref<1x128x128xf32, #tpu.memory_space<hbm>> -> memref<128x128xf32, #tpu.memory_space<hbm>>
      %dma_start3A_42 = arith.constant 0 : i32
      %dma_start3A_43 = tpu.memref_slice %arg4[%arg0, %add3A_28, %dma_start3A_42] : memref<2x10000x128xf32, #tpu.memory_space<hbm>> -> memref<1x128x128xf32, #tpu.memory_space<hbm>>
      %dma_start3A_44 = tpu.memref_squeeze %dma_start3A_43 : memref<1x128x128xf32, #tpu.memory_space<hbm>> -> memref<128x128xf32, #tpu.memory_space<hbm>>
      %dma_start3A_45 = arith.constant 0 : i32
      %dma_start3A_46 = arith.constant 0 : i32
      %dma_start3A_47 = tpu.memref_slice %arg7[%dma_start3A_45, %dma_start3A_46] : memref<128x128xf32, #tpu.memory_space<vmem>> -> memref<128x128xf32, #tpu.memory_space<vmem>>
      tpu.enqueue_dma source(%dma_start3A_47 : memref<128x128xf32, #tpu.memory_space<vmem>>) target(%dma_start3A_44 : memref<128x128xf32, #tpu.memory_space<hbm>>) target_semaphore(%run_scoped3A_36 : memref<!tpu.dma_semaphore, #tpu.memory_space<semaphore_mem>>)
      %dma_wait3A = arith.constant 0 : i32
      %dma_wait3A_48 = arith.constant 0 : i32
      %dma_wait3A_49 = tpu.memref_slice %arg7[%dma_wait3A, %dma_wait3A_48] : memref<128x128xf32, #tpu.memory_space<vmem>> -> memref<128x128xf32, #tpu.memory_space<vmem>>
      %dma_wait3A_50 = arith.constant 0 : i32
      %dma_wait3A_51 = tpu.memref_slice %arg4[%arg0, %add3A_28, %dma_wait3A_50] : memref<2x10000x128xf32, #tpu.memory_space<hbm>> -> memref<1x128x128xf32, #tpu.memory_space<hbm>>
      %dma_wait3A_52 = tpu.memref_squeeze %dma_wait3A_51 : memref<1x128x128xf32, #tpu.memory_space<hbm>> -> memref<128x128xf32, #tpu.memory_space<hbm>>
      %dma_wait3A_53 = arith.constant 0 : i32
      %dma_wait3A_54 = tpu.memref_slice %arg4[%arg0, %add3A_28, %dma_wait3A_53] : memref<2x10000x128xf32, #tpu.memory_space<hbm>> -> memref<1x128x128xf32, #tpu.memory_space<hbm>>
      %dma_wait3A_55 = tpu.memref_squeeze %dma_wait3A_54 : memref<1x128x128xf32, #tpu.memory_space<hbm>> -> memref<128x128xf32, #tpu.memory_space<hbm>>
      %dma_wait3A_56 = arith.constant 0 : i32
      %dma_wait3A_57 = arith.constant 0 : i32
      %dma_wait3A_58 = tpu.memref_slice %arg7[%dma_wait3A_56, %dma_wait3A_57] : memref<128x128xf32, #tpu.memory_space<vmem>> -> memref<128x128xf32, #tpu.memory_space<vmem>>
      tpu.wait_dma2 semaphore(%run_scoped3A_36 : memref<!tpu.dma_semaphore, #tpu.memory_space<semaphore_mem>>) src(%dma_wait3A_58 : memref<128x128xf32, #tpu.memory_space<vmem>>) dst(%dma_wait3A_55 : memref<128x128xf32, #tpu.memory_space<hbm>>)
      tpu.yield
    }) : () -> ()
    %add3A_29 = arith.constant 512 : i32
    %add3A_30 = arith.addi %mul3A_20, %add3A_29 : i32
    "tpu.region"() ({
      %run_scoped3A_36 = tpu.sem_alloc : memref<!tpu.dma_semaphore, #tpu.memory_space<semaphore_mem>>
      %dma_start3A = arith.constant 0 : i32
      %dma_start3A_37 = arith.constant 0 : i32
      %dma_start3A_38 = tpu.memref_slice %arg7[%dma_start3A, %dma_start3A_37] : memref<128x128xf32, #tpu.memory_space<vmem>> -> memref<112x128xf32, #tpu.memory_space<vmem>>
      %dma_start3A_39 = arith.constant 0 : i32
      %dma_start3A_40 = tpu.memref_slice %arg5[%add3A_30, %dma_start3A_39] : memref<10008x128xf32, #tpu.memory_space<vmem_shared>> -> memref<112x128xf32, #tpu.memory_space<vmem_shared>>
      %dma_start3A_41 = arith.constant 0 : i32
      %dma_start3A_42 = arith.constant 0 : i32
      %dma_start3A_43 = tpu.memref_slice %arg7[%dma_start3A_41, %dma_start3A_42] : memref<128x128xf32, #tpu.memory_space<vmem>> -> memref<112x128xf32, #tpu.memory_space<vmem>>
      %dma_start3A_44 = arith.constant 0 : i32
      %dma_start3A_45 = tpu.memref_slice %arg5[%add3A_30, %dma_start3A_44] : memref<10008x128xf32, #tpu.memory_space<vmem_shared>> -> memref<112x128xf32, #tpu.memory_space<vmem_shared>>
      tpu.enqueue_dma source(%dma_start3A_45 : memref<112x128xf32, #tpu.memory_space<vmem_shared>>) target(%dma_start3A_43 : memref<112x128xf32, #tpu.memory_space<vmem>>) target_semaphore(%run_scoped3A_36 : memref<!tpu.dma_semaphore, #tpu.memory_space<semaphore_mem>>)
      %dma_wait3A = arith.constant 0 : i32
      %dma_wait3A_46 = arith.constant 0 : i32
      %dma_wait3A_47 = tpu.memref_slice %arg7[%dma_wait3A, %dma_wait3A_46] : memref<128x128xf32, #tpu.memory_space<vmem>> -> memref<112x128xf32, #tpu.memory_space<vmem>>
      %dma_wait3A_48 = arith.constant 0 : i32
      %dma_wait3A_49 = tpu.memref_slice %arg5[%add3A_30, %dma_wait3A_48] : memref<10008x128xf32, #tpu.memory_space<vmem_shared>> -> memref<112x128xf32, #tpu.memory_space<vmem_shared>>
      %dma_wait3A_50 = arith.constant 0 : i32
      %dma_wait3A_51 = arith.constant 0 : i32
      %dma_wait3A_52 = tpu.memref_slice %arg7[%dma_wait3A_50, %dma_wait3A_51] : memref<128x128xf32, #tpu.memory_space<vmem>> -> memref<112x128xf32, #tpu.memory_space<vmem>>
      %dma_wait3A_53 = arith.constant 0 : i32
      %dma_wait3A_54 = tpu.memref_slice %arg5[%add3A_30, %dma_wait3A_53] : memref<10008x128xf32, #tpu.memory_space<vmem_shared>> -> memref<112x128xf32, #tpu.memory_space<vmem_shared>>
      tpu.wait_dma2 semaphore(%run_scoped3A_36 : memref<!tpu.dma_semaphore, #tpu.memory_space<semaphore_mem>>) src(%dma_wait3A_54 : memref<112x128xf32, #tpu.memory_space<vmem_shared>>) dst(%dma_wait3A_52 : memref<112x128xf32, #tpu.memory_space<vmem>>)
      tpu.yield
    }) : () -> ()
    "tpu.region"() ({
      %run_scoped3A_36 = tpu.sem_alloc : memref<!tpu.dma_semaphore, #tpu.memory_space<semaphore_mem>>
      %dma_start3A = arith.constant 0 : i32
      %dma_start3A_37 = arith.constant 0 : i32
      %dma_start3A_38 = tpu.memref_slice %arg7[%dma_start3A, %dma_start3A_37] : memref<128x128xf32, #tpu.memory_space<vmem>> -> memref<112x128xf32, #tpu.memory_space<vmem>>
      %dma_start3A_39 = arith.constant 0 : i32
      %dma_start3A_40 = tpu.memref_slice %arg4[%arg0, %add3A_30, %dma_start3A_39] : memref<2x10000x128xf32, #tpu.memory_space<hbm>> -> memref<1x112x128xf32, #tpu.memory_space<hbm>>
      %dma_start3A_41 = tpu.memref_squeeze %dma_start3A_40 : memref<1x112x128xf32, #tpu.memory_space<hbm>> -> memref<112x128xf32, #tpu.memory_space<hbm>>
      %dma_start3A_42 = arith.constant 0 : i32
      %dma_start3A_43 = tpu.memref_slice %arg4[%arg0, %add3A_30, %dma_start3A_42] : memref<2x10000x128xf32, #tpu.memory_space<hbm>> -> memref<1x112x128xf32, #tpu.memory_space<hbm>>
      %dma_start3A_44 = tpu.memref_squeeze %dma_start3A_43 : memref<1x112x128xf32, #tpu.memory_space<hbm>> -> memref<112x128xf32, #tpu.memory_space<hbm>>
      %dma_start3A_45 = arith.constant 0 : i32
      %dma_start3A_46 = arith.constant 0 : i32
      %dma_start3A_47 = tpu.memref_slice %arg7[%dma_start3A_45, %dma_start3A_46] : memref<128x128xf32, #tpu.memory_space<vmem>> -> memref<112x128xf32, #tpu.memory_space<vmem>>
      tpu.enqueue_dma source(%dma_start3A_47 : memref<112x128xf32, #tpu.memory_space<vmem>>) target(%dma_start3A_44 : memref<112x128xf32, #tpu.memory_space<hbm>>) target_semaphore(%run_scoped3A_36 : memref<!tpu.dma_semaphore, #tpu.memory_space<semaphore_mem>>)
      %dma_wait3A = arith.constant 0 : i32
      %dma_wait3A_48 = arith.constant 0 : i32
      %dma_wait3A_49 = tpu.memref_slice %arg7[%dma_wait3A, %dma_wait3A_48] : memref<128x128xf32, #tpu.memory_space<vmem>> -> memref<112x128xf32, #tpu.memory_space<vmem>>
      %dma_wait3A_50 = arith.constant 0 : i32
      %dma_wait3A_51 = tpu.memref_slice %arg4[%arg0, %add3A_30, %dma_wait3A_50] : memref<2x10000x128xf32, #tpu.memory_space<hbm>> -> memref<1x112x128xf32, #tpu.memory_space<hbm>>
      %dma_wait3A_52 = tpu.memref_squeeze %dma_wait3A_51 : memref<1x112x128xf32, #tpu.memory_space<hbm>> -> memref<112x128xf32, #tpu.memory_space<hbm>>
      %dma_wait3A_53 = arith.constant 0 : i32
      %dma_wait3A_54 = tpu.memref_slice %arg4[%arg0, %add3A_30, %dma_wait3A_53] : memref<2x10000x128xf32, #tpu.memory_space<hbm>> -> memref<1x112x128xf32, #tpu.memory_space<hbm>>
      %dma_wait3A_55 = tpu.memref_squeeze %dma_wait3A_54 : memref<1x112x128xf32, #tpu.memory_space<hbm>> -> memref<112x128xf32, #tpu.memory_space<hbm>>
      %dma_wait3A_56 = arith.constant 0 : i32
      %dma_wait3A_57 = arith.constant 0 : i32
      %dma_wait3A_58 = tpu.memref_slice %arg7[%dma_wait3A_56, %dma_wait3A_57] : memref<128x128xf32, #tpu.memory_space<vmem>> -> memref<112x128xf32, #tpu.memory_space<vmem>>
      tpu.wait_dma2 semaphore(%run_scoped3A_36 : memref<!tpu.dma_semaphore, #tpu.memory_space<semaphore_mem>>) src(%dma_wait3A_58 : memref<112x128xf32, #tpu.memory_space<vmem>>) dst(%dma_wait3A_55 : memref<112x128xf32, #tpu.memory_space<hbm>>)
      tpu.yield
    }) : () -> ()
    %eq3A_31 = arith.constant 15 : i32
    %eq3A_32 = arith.cmpi eq, %arg1, %eq3A_31 : i32
    %convert_element_type3A_33 = arith.extui %eq3A_32 : i1 to i32
    %cond3A_34 = arith.constant 0 : i32
    %cond3A_35 = arith.cmpi ne, %convert_element_type3A_33, %cond3A_34 : i32
    scf.if %cond3A_35 {
      "tpu.region"() ({
        %run_scoped3A_36 = tpu.sem_alloc : memref<!tpu.dma_semaphore, #tpu.memory_space<semaphore_mem>>
        %dma_start3A = arith.constant 0 : i32
        %dma_start3A_37 = arith.constant 0 : i32
        %dma_start3A_38 = tpu.memref_slice %arg7[%dma_start3A, %dma_start3A_37] : memref<128x128xf32, #tpu.memory_space<vmem>> -> memref<16x128xf32, #tpu.memory_space<vmem>>
        %dma_start3A_39 = arith.constant 9984 : i32
        %dma_start3A_40 = arith.constant 0 : i32
        %dma_start3A_41 = tpu.memref_slice %arg5[%dma_start3A_39, %dma_start3A_40] : memref<10008x128xf32, #tpu.memory_space<vmem_shared>> -> memref<16x128xf32, #tpu.memory_space<vmem_shared>>
        %dma_start3A_42 = arith.constant 0 : i32
        %dma_start3A_43 = arith.constant 0 : i32
        %dma_start3A_44 = tpu.memref_slice %arg7[%dma_start3A_42, %dma_start3A_43] : memref<128x128xf32, #tpu.memory_space<vmem>> -> memref<16x128xf32, #tpu.memory_space<vmem>>
        %dma_start3A_45 = arith.constant 9984 : i32
        %dma_start3A_46 = arith.constant 0 : i32
        %dma_start3A_47 = tpu.memref_slice %arg5[%dma_start3A_45, %dma_start3A_46] : memref<10008x128xf32, #tpu.memory_space<vmem_shared>> -> memref<16x128xf32, #tpu.memory_space<vmem_shared>>
        tpu.enqueue_dma source(%dma_start3A_47 : memref<16x128xf32, #tpu.memory_space<vmem_shared>>) target(%dma_start3A_44 : memref<16x128xf32, #tpu.memory_space<vmem>>) target_semaphore(%run_scoped3A_36 : memref<!tpu.dma_semaphore, #tpu.memory_space<semaphore_mem>>)
        %dma_wait3A = arith.constant 0 : i32
        %dma_wait3A_48 = arith.constant 0 : i32
        %dma_wait3A_49 = tpu.memref_slice %arg7[%dma_wait3A, %dma_wait3A_48] : memref<128x128xf32, #tpu.memory_space<vmem>> -> memref<16x128xf32, #tpu.memory_space<vmem>>
        %dma_wait3A_50 = arith.constant 9984 : i32
        %dma_wait3A_51 = arith.constant 0 : i32
        %dma_wait3A_52 = tpu.memref_slice %arg5[%dma_wait3A_50, %dma_wait3A_51] : memref<10008x128xf32, #tpu.memory_space<vmem_shared>> -> memref<16x128xf32, #tpu.memory_space<vmem_shared>>
        %dma_wait3A_53 = arith.constant 0 : i32
        %dma_wait3A_54 = arith.constant 0 : i32
        %dma_wait3A_55 = tpu.memref_slice %arg7[%dma_wait3A_53, %dma_wait3A_54] : memref<128x128xf32, #tpu.memory_space<vmem>> -> memref<16x128xf32, #tpu.memory_space<vmem>>
        %dma_wait3A_56 = arith.constant 9984 : i32
        %dma_wait3A_57 = arith.constant 0 : i32
        %dma_wait3A_58 = tpu.memref_slice %arg5[%dma_wait3A_56, %dma_wait3A_57] : memref<10008x128xf32, #tpu.memory_space<vmem_shared>> -> memref<16x128xf32, #tpu.memory_space<vmem_shared>>
        tpu.wait_dma2 semaphore(%run_scoped3A_36 : memref<!tpu.dma_semaphore, #tpu.memory_space<semaphore_mem>>) src(%dma_wait3A_58 : memref<16x128xf32, #tpu.memory_space<vmem_shared>>) dst(%dma_wait3A_55 : memref<16x128xf32, #tpu.memory_space<vmem>>)
        tpu.yield
      }) : () -> ()
      "tpu.region"() ({
        %run_scoped3A_36 = tpu.sem_alloc : memref<!tpu.dma_semaphore, #tpu.memory_space<semaphore_mem>>
        %dma_start3A = arith.constant 0 : i32
        %dma_start3A_37 = arith.constant 0 : i32
        %dma_start3A_38 = tpu.memref_slice %arg7[%dma_start3A, %dma_start3A_37] : memref<128x128xf32, #tpu.memory_space<vmem>> -> memref<16x128xf32, #tpu.memory_space<vmem>>
        %dma_start3A_39 = arith.constant 9984 : i32
        %dma_start3A_40 = arith.constant 0 : i32
        %dma_start3A_41 = tpu.memref_slice %arg4[%arg0, %dma_start3A_39, %dma_start3A_40] : memref<2x10000x128xf32, #tpu.memory_space<hbm>> -> memref<1x16x128xf32, #tpu.memory_space<hbm>>
        %dma_start3A_42 = tpu.memref_squeeze %dma_start3A_41 : memref<1x16x128xf32, #tpu.memory_space<hbm>> -> memref<16x128xf32, #tpu.memory_space<hbm>>
        %dma_start3A_43 = arith.constant 9984 : i32
        %dma_start3A_44 = arith.constant 0 : i32
        %dma_start3A_45 = tpu.memref_slice %arg4[%arg0, %dma_start3A_43, %dma_start3A_44] : memref<2x10000x128xf32, #tpu.memory_space<hbm>> -> memref<1x16x128xf32, #tpu.memory_space<hbm>>
        %dma_start3A_46 = tpu.memref_squeeze %dma_start3A_45 : memref<1x16x128xf32, #tpu.memory_space<hbm>> -> memref<16x128xf32, #tpu.memory_space<hbm>>
        %dma_start3A_47 = arith.constant 0 : i32
        %dma_start3A_48 = arith.constant 0 : i32
        %dma_start3A_49 = tpu.memref_slice %arg7[%dma_start3A_47, %dma_start3A_48] : memref<128x128xf32, #tpu.memory_space<vmem>> -> memref<16x128xf32, #tpu.memory_space<vmem>>
        tpu.enqueue_dma source(%dma_start3A_49 : memref<16x128xf32, #tpu.memory_space<vmem>>) target(%dma_start3A_46 : memref<16x128xf32, #tpu.memory_space<hbm>>) target_semaphore(%run_scoped3A_36 : memref<!tpu.dma_semaphore, #tpu.memory_space<semaphore_mem>>)
        %dma_wait3A = arith.constant 0 : i32
        %dma_wait3A_50 = arith.constant 0 : i32
        %dma_wait3A_51 = tpu.memref_slice %arg7[%dma_wait3A, %dma_wait3A_50] : memref<128x128xf32, #tpu.memory_space<vmem>> -> memref<16x128xf32, #tpu.memory_space<vmem>>
        %dma_wait3A_52 = arith.constant 9984 : i32
        %dma_wait3A_53 = arith.constant 0 : i32
        %dma_wait3A_54 = tpu.memref_slice %arg4[%arg0, %dma_wait3A_52, %dma_wait3A_53] : memref<2x10000x128xf32, #tpu.memory_space<hbm>> -> memref<1x16x128xf32, #tpu.memory_space<hbm>>
        %dma_wait3A_55 = tpu.memref_squeeze %dma_wait3A_54 : memref<1x16x128xf32, #tpu.memory_space<hbm>> -> memref<16x128xf32, #tpu.memory_space<hbm>>
        %dma_wait3A_56 = arith.constant 9984 : i32
        %dma_wait3A_57 = arith.constant 0 : i32
        %dma_wait3A_58 = tpu.memref_slice %arg4[%arg0, %dma_wait3A_56, %dma_wait3A_57] : memref<2x10000x128xf32, #tpu.memory_space<hbm>> -> memref<1x16x128xf32, #tpu.memory_space<hbm>>
        %dma_wait3A_59 = tpu.memref_squeeze %dma_wait3A_58 : memref<1x16x128xf32, #tpu.memory_space<hbm>> -> memref<16x128xf32, #tpu.memory_space<hbm>>
        %dma_wait3A_60 = arith.constant 0 : i32
        %dma_wait3A_61 = arith.constant 0 : i32
        %dma_wait3A_62 = tpu.memref_slice %arg7[%dma_wait3A_60, %dma_wait3A_61] : memref<128x128xf32, #tpu.memory_space<vmem>> -> memref<16x128xf32, #tpu.memory_space<vmem>>
        tpu.wait_dma2 semaphore(%run_scoped3A_36 : memref<!tpu.dma_semaphore, #tpu.memory_space<semaphore_mem>>) src(%dma_wait3A_62 : memref<16x128xf32, #tpu.memory_space<vmem>>) dst(%dma_wait3A_59 : memref<16x128xf32, #tpu.memory_space<hbm>>)
        tpu.yield
      }) : () -> ()
    } else {
    }
    return
  }
}

module attributes {stable_mosaic.version = 14 : i64} {
  func.func @_tc_linear_body(%arg0: i32, %arg1: i32, %arg2: memref<1x1000x128xf32, #tpu.memory_space<vmem>>, %arg3: memref<1x1000x128xf32, #tpu.memory_space<vmem>>, %arg4: memref<1x1000x128xf32, #tpu.memory_space<vmem>>, %arg5: memref<1x128x128xf32, #tpu.memory_space<vmem>>, %arg6: memref<1x1x128xf32, #tpu.memory_space<vmem>>, %arg7: memref<1x128x128xf32, #tpu.memory_space<vmem>>, %arg8: memref<1x1000x128xf32, #tpu.memory_space<vmem>>) attributes {dimension_semantics = [#tpu.dimension_semantics<arbitrary>, #tpu.dimension_semantics<arbitrary>], iteration_bounds = array<i64: 2, 10>, scalar_prefetch = 0 : i64, scratch_operands = 0 : i64, tpu.core_type = #tpu.core_type<tc>, window_params = [{transform_indices = @transform_0, window_bounds = array<i64: 1, 1000, 128>}, {transform_indices = @transform_1, window_bounds = array<i64: 1, 1000, 128>}, {transform_indices = @transform_2, window_bounds = array<i64: 1, 1000, 128>}, {transform_indices = @transform_3, window_bounds = array<i64: 1, 128, 128>}, {transform_indices = @transform_4, window_bounds = array<i64: 1, 1, 128>}, {transform_indices = @transform_5, window_bounds = array<i64: 1, 128, 128>}, {transform_indices = @transform_6, window_bounds = array<i64: 1, 1000, 128>}]} {
    %get3A = arith.constant 0 : index
    %get3A_0 = arith.constant 0 : index
    %get3A_1 = arith.constant 0 : index
    %get3A_2 = vector.load %arg2[%get3A, %get3A_0, %get3A_1] : memref<1x1000x128xf32, #tpu.memory_space<vmem>>, vector<1x1000x128xf32>
    %get3A_3 = vector.shape_cast %get3A_2 : vector<1x1000x128xf32> to vector<1000x128xf32>
    %get3A_4 = arith.constant 0 : index
    %get3A_5 = arith.constant 0 : index
    %get3A_6 = arith.constant 0 : index
    %get3A_7 = vector.load %arg3[%get3A_4, %get3A_5, %get3A_6] : memref<1x1000x128xf32, #tpu.memory_space<vmem>>, vector<1x1000x128xf32>
    %get3A_8 = vector.shape_cast %get3A_7 : vector<1x1000x128xf32> to vector<1000x128xf32>
    %slice3A = vector.extract_strided_slice %get3A_8 {offsets = [0, 0], sizes = [1000, 1], strides = [1, 1]} : vector<1000x128xf32> to vector<1000x1xf32>
    %max3A = arith.constant 1.000000e+00 : f32
    %max3A_9 = vector.broadcast %max3A : f32 to vector<1000x1xf32>
    %max3A_10 = arith.maximumf %slice3A, %max3A_9 : vector<1000x1xf32>
    %div3A = arith.constant 1.000000e+00 : f32
    %div3A_11 = vector.broadcast %div3A : f32 to vector<1000x1xf32>
    %div3A_12 = arith.divf %div3A_11, %max3A_10 : vector<1000x1xf32>
    %mul3A = vector.broadcast %div3A_12 : vector<1000x1xf32> to vector<1000x128xf32>
    %mul3A_13 = arith.mulf %get3A_3, %mul3A : vector<1000x128xf32>
    %get3A_14 = arith.constant 0 : index
    %get3A_15 = arith.constant 0 : index
    %get3A_16 = arith.constant 0 : index
    %get3A_17 = vector.load %arg5[%get3A_14, %get3A_15, %get3A_16] : memref<1x128x128xf32, #tpu.memory_space<vmem>>, vector<1x128x128xf32>
    %get3A_18 = vector.shape_cast %get3A_17 : vector<1x128x128xf32> to vector<128x128xf32>
    %dot_general3A = arith.constant dense<0.000000e+00> : vector<1000x128xf32>
    %dot_general3A_19 = tpu.matmul %mul3A_13, %get3A_18, %dot_general3A {dimension_numbers = #tpu.dot_dimension_numbers<[1], [1], [0], [0], [0, 0, 1, 0], [], []>, transpose_lhs_hint = false} : vector<1000x128xf32>, vector<128x128xf32>, vector<1000x128xf32> -> vector<1000x128xf32>
    %get3A_20 = arith.constant 0 : index
    %get3A_21 = arith.constant 0 : index
    %get3A_22 = arith.constant 0 : index
    %get3A_23 = vector.load %arg4[%get3A_20, %get3A_21, %get3A_22] : memref<1x1000x128xf32, #tpu.memory_space<vmem>>, vector<1x1000x128xf32>
    %get3A_24 = vector.shape_cast %get3A_23 : vector<1x1000x128xf32> to vector<1000x128xf32>
    %get3A_25 = arith.constant 0 : index
    %get3A_26 = arith.constant 0 : index
    %get3A_27 = arith.constant 0 : index
    %get3A_28 = vector.load %arg7[%get3A_25, %get3A_26, %get3A_27] : memref<1x128x128xf32, #tpu.memory_space<vmem>>, vector<1x128x128xf32>
    %get3A_29 = vector.shape_cast %get3A_28 : vector<1x128x128xf32> to vector<128x128xf32>
    %dot_general3A_30 = arith.constant dense<0.000000e+00> : vector<1000x128xf32>
    %dot_general3A_31 = tpu.matmul %get3A_24, %get3A_29, %dot_general3A_30 {dimension_numbers = #tpu.dot_dimension_numbers<[1], [1], [0], [0], [0, 0, 1, 0], [], []>, transpose_lhs_hint = false} : vector<1000x128xf32>, vector<128x128xf32>, vector<1000x128xf32> -> vector<1000x128xf32>
    %add3A = arith.addf %dot_general3A_19, %dot_general3A_31 : vector<1000x128xf32>
    %get3A_32 = arith.constant 0 : index
    %get3A_33 = arith.constant 0 : index
    %get3A_34 = arith.constant 0 : index
    %get3A_35 = vector.load %arg6[%get3A_32, %get3A_33, %get3A_34] : memref<1x1x128xf32, #tpu.memory_space<vmem>>, vector<1x1x128xf32>
    %get3A_36 = vector.shape_cast %get3A_35 : vector<1x1x128xf32> to vector<1x128xf32>
    %add3A_37 = vector.broadcast %get3A_36 : vector<1x128xf32> to vector<1000x128xf32>
    %add3A_38 = arith.addf %add3A, %add3A_37 : vector<1000x128xf32>
    %swap3A = arith.constant 0 : index
    %swap3A_39 = arith.constant 0 : index
    %swap3A_40 = arith.constant 0 : index
    %swap3A_41 = vector.load %arg8[%swap3A, %swap3A_39, %swap3A_40] : memref<1x1000x128xf32, #tpu.memory_space<vmem>>, vector<1x1000x128xf32>
    %swap3A_42 = vector.shape_cast %swap3A_41 : vector<1x1000x128xf32> to vector<1000x128xf32>
    %swap3A_43 = vector.shape_cast %add3A_38 : vector<1000x128xf32> to vector<1x1000x128xf32>
    tpu.vector_store %arg8[%swap3A, %swap3A_39, %swap3A_40], %swap3A_43 {strides = array<i32>} : memref<1x1000x128xf32, #tpu.memory_space<vmem>>, vector<1x1000x128xf32>,
    return
  }
  func.func @transform_0(%arg0: i32, %arg1: i32) -> (i32, i32, i32) {
    %sub3A = arith.constant 1 : i32
    %sub3A_0 = arith.subi %sub3A, %arg0 : i32
    %c0_i32 = arith.constant 0 : i32
    %c0_i32_1 = arith.constant 0 : i32
    return %sub3A_0, %arg1, %c0_i32 : i32, i32, i32
  }
  func.func @transform_1(%arg0: i32, %arg1: i32) -> (i32, i32, i32) {
    %sub3A = arith.constant 1 : i32
    %sub3A_0 = arith.subi %sub3A, %arg0 : i32
    %c0_i32 = arith.constant 0 : i32
    %c0_i32_1 = arith.constant 0 : i32
    return %sub3A_0, %arg1, %c0_i32 : i32, i32, i32
  }
  func.func @transform_2(%arg0: i32, %arg1: i32) -> (i32, i32, i32) {
    %c0_i32 = arith.constant 0 : i32
    %c0_i32_0 = arith.constant 0 : i32
    return %arg0, %arg1, %c0_i32 : i32, i32, i32
  }
  func.func @transform_3(%arg0: i32, %arg1: i32) -> (i32, i32, i32) {
    %c0_i32 = arith.constant 0 : i32
    %c0_i32_0 = arith.constant 0 : i32
    %c0_i32_1 = arith.constant 0 : i32
    return %arg0, %c0_i32, %c0_i32_0 : i32, i32, i32
  }
  func.func @transform_4(%arg0: i32, %arg1: i32) -> (i32, i32, i32) {
    %c0_i32 = arith.constant 0 : i32
    %c0_i32_0 = arith.constant 0 : i32
    %c0_i32_1 = arith.constant 0 : i32
    return %arg0, %c0_i32, %c0_i32_0 : i32, i32, i32
  }
  func.func @transform_5(%arg0: i32, %arg1: i32) -> (i32, i32, i32) {
    %c0_i32 = arith.constant 0 : i32
    %c0_i32_0 = arith.constant 0 : i32
    %c0_i32_1 = arith.constant 0 : i32
    return %arg0, %c0_i32, %c0_i32_0 : i32, i32, i32
  }
  func.func @transform_6(%arg0: i32, %arg1: i32) -> (i32, i32, i32) {
    %c0_i32 = arith.constant 0 : i32
    %c0_i32_0 = arith.constant 0 : i32
    return %arg0, %arg1, %c0_i32 : i32, i32, i32
  }
}

module attributes {stable_mosaic.version = 14 : i64} {
  func.func @_tc_linear_body(%arg0: i32, %arg1: i32, %arg2: memref<1x1000x128xf32, #tpu.memory_space<vmem>>, %arg3: memref<1x1000x128xf32, #tpu.memory_space<vmem>>, %arg4: memref<1x1000x128xf32, #tpu.memory_space<vmem>>, %arg5: memref<1x128x128xf32, #tpu.memory_space<vmem>>, %arg6: memref<1x1x128xf32, #tpu.memory_space<vmem>>, %arg7: memref<1x128x128xf32, #tpu.memory_space<vmem>>, %arg8: memref<1x1000x128xf32, #tpu.memory_space<vmem>>) attributes {dimension_semantics = [#tpu.dimension_semantics<arbitrary>, #tpu.dimension_semantics<arbitrary>], iteration_bounds = array<i64: 2, 10>, scalar_prefetch = 0 : i64, scratch_operands = 0 : i64, tpu.core_type = #tpu.core_type<tc>, window_params = [{transform_indices = @transform_0, window_bounds = array<i64: 1, 1000, 128>}, {transform_indices = @transform_1, window_bounds = array<i64: 1, 1000, 128>}, {transform_indices = @transform_2, window_bounds = array<i64: 1, 1000, 128>}, {transform_indices = @transform_3, window_bounds = array<i64: 1, 128, 128>}, {transform_indices = @transform_4, window_bounds = array<i64: 1, 1, 128>}, {transform_indices = @transform_5, window_bounds = array<i64: 1, 128, 128>}, {transform_indices = @transform_6, window_bounds = array<i64: 1, 1000, 128>}]} {
    %get3A = arith.constant 0 : index
    %get3A_0 = arith.constant 0 : index
    %get3A_1 = arith.constant 0 : index
    %get3A_2 = vector.load %arg2[%get3A, %get3A_0, %get3A_1] : memref<1x1000x128xf32, #tpu.memory_space<vmem>>, vector<1x1000x128xf32>
    %get3A_3 = vector.shape_cast %get3A_2 : vector<1x1000x128xf32> to vector<1000x128xf32>
    %get3A_4 = arith.constant 0 : index
    %get3A_5 = arith.constant 0 : index
    %get3A_6 = arith.constant 0 : index
    %get3A_7 = vector.load %arg3[%get3A_4, %get3A_5, %get3A_6] : memref<1x1000x128xf32, #tpu.memory_space<vmem>>, vector<1x1000x128xf32>
    %get3A_8 = vector.shape_cast %get3A_7 : vector<1x1000x128xf32> to vector<1000x128xf32>
    %slice3A = vector.extract_strided_slice %get3A_8 {offsets = [0, 0], sizes = [1000, 1], strides = [1, 1]} : vector<1000x128xf32> to vector<1000x1xf32>
    %max3A = arith.constant 1.000000e+00 : f32
    %max3A_9 = vector.broadcast %max3A : f32 to vector<1000x1xf32>
    %max3A_10 = arith.maximumf %slice3A, %max3A_9 : vector<1000x1xf32>
    %div3A = arith.constant 1.000000e+00 : f32
    %div3A_11 = vector.broadcast %div3A : f32 to vector<1000x1xf32>
    %div3A_12 = arith.divf %div3A_11, %max3A_10 : vector<1000x1xf32>
    %mul3A = vector.broadcast %div3A_12 : vector<1000x1xf32> to vector<1000x128xf32>
    %mul3A_13 = arith.mulf %get3A_3, %mul3A : vector<1000x128xf32>
    %get3A_14 = arith.constant 0 : index
    %get3A_15 = arith.constant 0 : index
    %get3A_16 = arith.constant 0 : index
    %get3A_17 = vector.load %arg5[%get3A_14, %get3A_15, %get3A_16] : memref<1x128x128xf32, #tpu.memory_space<vmem>>, vector<1x128x128xf32>
    %get3A_18 = vector.shape_cast %get3A_17 : vector<1x128x128xf32> to vector<128x128xf32>
    %dot_general3A = arith.constant dense<0.000000e+00> : vector<1000x128xf32>
    %dot_general3A_19 = tpu.matmul %mul3A_13, %get3A_18, %dot_general3A {dimension_numbers = #tpu.dot_dimension_numbers<[1], [1], [0], [0], [0, 0, 1, 0], [], []>, transpose_lhs_hint = false} : vector<1000x128xf32>, vector<128x128xf32>, vector<1000x128xf32> -> vector<1000x128xf32>
    %get3A_20 = arith.constant 0 : index
    %get3A_21 = arith.constant 0 : index
    %get3A_22 = arith.constant 0 : index
    %get3A_23 = vector.load %arg4[%get3A_20, %get3A_21, %get3A_22] : memref<1x1000x128xf32, #tpu.memory_space<vmem>>, vector<1x1000x128xf32>
    %get3A_24 = vector.shape_cast %get3A_23 : vector<1x1000x128xf32> to vector<1000x128xf32>
    %get3A_25 = arith.constant 0 : index
    %get3A_26 = arith.constant 0 : index
    %get3A_27 = arith.constant 0 : index
    %get3A_28 = vector.load %arg7[%get3A_25, %get3A_26, %get3A_27] : memref<1x128x128xf32, #tpu.memory_space<vmem>>, vector<1x128x128xf32>
    %get3A_29 = vector.shape_cast %get3A_28 : vector<1x128x128xf32> to vector<128x128xf32>
    %dot_general3A_30 = arith.constant dense<0.000000e+00> : vector<1000x128xf32>
    %dot_general3A_31 = tpu.matmul %get3A_24, %get3A_29, %dot_general3A_30 {dimension_numbers = #tpu.dot_dimension_numbers<[1], [1], [0], [0], [0, 0, 1, 0], [], []>, transpose_lhs_hint = false} : vector<1000x128xf32>, vector<128x128xf32>, vector<1000x128xf32> -> vector<1000x128xf32>
    %add3A = arith.addf %dot_general3A_19, %dot_general3A_31 : vector<1000x128xf32>
    %get3A_32 = arith.constant 0 : index
    %get3A_33 = arith.constant 0 : index
    %get3A_34 = arith.constant 0 : index
    %get3A_35 = vector.load %arg6[%get3A_32, %get3A_33, %get3A_34] : memref<1x1x128xf32, #tpu.memory_space<vmem>>, vector<1x1x128xf32>
    %get3A_36 = vector.shape_cast %get3A_35 : vector<1x1x128xf32> to vector<1x128xf32>
    %add3A_37 = vector.broadcast %get3A_36 : vector<1x128xf32> to vector<1000x128xf32>
    %add3A_38 = arith.addf %add3A, %add3A_37 : vector<1000x128xf32>
    %swap3A = arith.constant 0 : index
    %swap3A_39 = arith.constant 0 : index
    %swap3A_40 = arith.constant 0 : index
    %swap3A_41 = vector.load %arg8[%swap3A, %swap3A_39, %swap3A_40] : memref<1x1000x128xf32, #tpu.memory_space<vmem>>, vector<1x1000x128xf32>
    %swap3A_42 = vector.shape_cast %swap3A_41 : vector<1x1000x128xf32> to vector<1000x128xf32>
    %swap3A_43 = vector.shape_cast %add3A_38 : vector<1000x128xf32> to vector<1x1000x128xf32>
    tpu.vector_store %arg8[%swap3A, %swap3A_39, %swap3A_40], %swap3A_43 {strides = array<i32>} : memref<1x1000x128xf32, #tpu.memory_space<vmem>>, vector<1x1000x128xf32>,
    return
  }
  func.func @transform_0(%arg0: i32, %arg1: i32) -> (i32, i32, i32) {
    %c0_i32 = arith.constant 0 : i32
    %c0_i32_0 = arith.constant 0 : i32
    return %arg0, %arg1, %c0_i32 : i32, i32, i32
  }
  func.func @transform_1(%arg0: i32, %arg1: i32) -> (i32, i32, i32) {
    %c0_i32 = arith.constant 0 : i32
    %c0_i32_0 = arith.constant 0 : i32
    return %arg0, %arg1, %c0_i32 : i32, i32, i32
  }
  func.func @transform_2(%arg0: i32, %arg1: i32) -> (i32, i32, i32) {
    %sub3A = arith.constant 1 : i32
    %sub3A_0 = arith.subi %sub3A, %arg0 : i32
    %c0_i32 = arith.constant 0 : i32
    %c0_i32_1 = arith.constant 0 : i32
    return %sub3A_0, %arg1, %c0_i32 : i32, i32, i32
  }
  func.func @transform_3(%arg0: i32, %arg1: i32) -> (i32, i32, i32) {
    %c0_i32 = arith.constant 0 : i32
    %c0_i32_0 = arith.constant 0 : i32
    %c0_i32_1 = arith.constant 0 : i32
    return %arg0, %c0_i32, %c0_i32_0 : i32, i32, i32
  }
  func.func @transform_4(%arg0: i32, %arg1: i32) -> (i32, i32, i32) {
    %c0_i32 = arith.constant 0 : i32
    %c0_i32_0 = arith.constant 0 : i32
    %c0_i32_1 = arith.constant 0 : i32
    return %arg0, %c0_i32, %c0_i32_0 : i32, i32, i32
  }
  func.func @transform_5(%arg0: i32, %arg1: i32) -> (i32, i32, i32) {
    %c0_i32 = arith.constant 0 : i32
    %c0_i32_0 = arith.constant 0 : i32
    %c0_i32_1 = arith.constant 0 : i32
    return %arg0, %c0_i32, %c0_i32_0 : i32, i32, i32
  }
  func.func @transform_6(%arg0: i32, %arg1: i32) -> (i32, i32, i32) {
    %c0_i32 = arith.constant 0 : i32
    %c0_i32_0 = arith.constant 0 : i32
    return %arg0, %arg1, %c0_i32 : i32, i32, i32
  }
}

</mosaic_0001>

<sc_bundles>
// kernel: kernel.10.cloned.1.call-start
scs
__scs_entry_jumppad:
0x0: {  	(pc) =	sbr.rel $0x88, $3  }
0x1: {  	(tag) =	ssettag $0x0;
	lr =	simm.s32 $0x1  }
0x2: {  	[smem:$0x3F91] =	sst lr;
	_ =	strace $0xD0000000  }
0x3: {  	_ = 	snop  }
0x4: {  	_ = 	snop  }
0x5: {  	_ = 	snop  }
0x6: {  	_ = 	snop  }
0x7: {  	_ = 	snop  }
__scs_overlays_trampoline_lowered:
0x8: {  	[smem:$0x3FA0] =	sst s0  }
0x9: {  	[smem:$0x3FA1] =	sst s1  }
0xa: {  	[smem:$0x3FA2] =	sst s2  }
0xb: {  	[smem:$0x3FA3] =	sst s3  }
0xc: {  	[smem:$0x3FA4] =	sst s4  }
0xd: {  	[smem:$0x3FA5] =	sst s5  }
0xe: {  	[smem:$0x3FA6] =	sst s6  }
0xf: {  	[smem:$0x3FA7] =	sst s7  }
0x10: {  	[smem:$0x3FA8] =	sst s8  }
0x11: {  	[smem:$0x3FA9] =	sst s9;
	s0 =	simm.s32 @!p0 $0x0  }
0x12: {  	s1 =	sld [smem:$0x3F8F];
	s0 =	simm.s32 @p0 $0x1  }
0x13: {  	[smem:$0x3FAA] =	sst s0;
	s0 =	simm.s32 @!p1 $0x0  }
0x14: {  	s2 =	sld [smem:$0x3F8E];
	s0 =	simm.s32 @p1 $0x1  }
0x15: {  	[smem:$0x3FAB] =	sst s0;
	s0 =	simm.s32 @!p2 $0x0  }
0x16: {  	s3 =	sld [smem:$0x3FDB];
	s0 =	simm.s32 @p2 $0x1  }
0x17: {  	s4 =	simm.s32 $0x1BF5;
	[smem:$0x3FAD] =	sst s0  }
0x18: {  	s0 =	sld [smem:$0x3F90];
	_ =	swait.ge [sflag:s4], $0x0  }
0x19: {  	s7 =	sld [smem:$0x3F91]  }
0x1a: {  	s8 =	sadd.s32 $0xFFFFE003, lr  }
0x1b: {  	s9 =	sadd.s32 $0xFFFFFEF7, lr;
	s5 =	simm.s32 $0xFFFFFFFF;
	p2 =	slt.u32 s8, $0xFFFFF086  }
0x1c: {  	p1 =	slt.u32 s9, $0xF7A;
	s5 =	simm.s32 @!p2 $0x0  }
0x1d: {  	s5 =	simm.s32 @p1 $0x1;
	p0 =	seq.s32 s7, s2  }
0x1e: {  	s7 =	smul.u32 @!p0 $0xF7A, s2;
	p2 =	seq.s32 @!p0 s5, $0x0  }
0x1f: {  	s9 =	smul.u32 $0xF7A, s1;
	s8 =	simm.s32 @!p0 $0x1BF5;
	p2 =	por !p2, p0  }
0x20: {  	[sflag:s8] =	ssyncset.s32 @!p0 $0xFFFFF086;
	s6 =	sadd.s32 @!p0 s3, s7;
	s7 =	simm.s32 @!p0 $0x108  }
0x21: {  	s3 =	sadd.s32 s3, s9;
	s6 =	sadd.s32 @!p0 $0x88, s6;
	s7 =	simm.s32 @p2 $0x1082  }
0x22: {  	[simem:s7], [sflag:s8] =	dma.local @!p0 [hbm:s6], $0xF7A  }
0x23: {  	s9 =	sor.u32 $0xD0000000, s2;
	s6 =	simm.s32 $0x108;
	_ =	swait.ge @!p0 [sflag:s8], $0x0  }
0x24: {  	s3 =	sadd.s32 $0x88, s3;
	s6 =	simm.s32 @!p1 $0x1082;
	[sflag:s4] =	ssyncset.s32 $0xFFFFF086  }
0x25: {  	[simem:s6], [sflag:s4] =	dma.local [hbm:s3], $0xF7A  }
0x26: {  	[smem:$0x3F91] =	sst s1;
	(tag) =	ssettag s2;
	_ =	strace s9  }
0x27: {  	s1 =	sld [smem:$0x3FA1]  }
0x28: {  	s2 =	sld [smem:$0x3FA2]  }
0x29: {  	s4 =	sld [smem:$0x3FA4]  }
0x2a: {  	p0 =	seq.s32 s5, $0x0;
	s5 =	sld [smem:$0x3FA5]  }
0x2b: {  	s6 =	sld [smem:$0x3FA6]  }
0x2c: {  	s7 =	sld [smem:$0x3FA7]  }
0x2d: {  	s3 =	simm.s32 $0x108;
	s8 =	sld [smem:$0x3FA8]  }
0x2e: {  	s3 =	simm.s32 @!p0 $0x1082;
	s9 =	sld [smem:$0x3FA9]  }
0x2f: {  	lr =	sadd.s32 s0, s3;
	s0 =	sld [smem:$0x3FA0]  }
0x30: {  	s3 =	sld [smem:$0x3FA3]  }
0x31: {  	[smem:$0x3FAC] =	sst s10  }
0x32: {  	s10 =	sld [smem:$0x3FAA];
	_ =	sdelay $0x3  }
0x33: {  	p0 =	seq.s32 s10, $0x1;
	s10 =	sld [smem:$0x3FAC];
	_ =	sdelay $0x3  }
0x34: {  	[smem:$0x3FAC] =	sst s10  }
0x35: {  	s10 =	sld [smem:$0x3FAB];
	_ =	sdelay $0x3  }
0x36: {  	p1 =	seq.s32 s10, $0x1;
	s10 =	sld [smem:$0x3FAC];
	_ =	sdelay $0x3  }
0x37: {  	[smem:$0x3FAC] =	sst s10  }
0x38: {  	s10 =	sld [smem:$0x3FAD]  }
0x39: {  	_ = 	snop;
	(pc) =	sbr.ind lr, $3  }
0x3a: {  	_ = 	snop  }
0x3b: {  	_ = 	snop  }
0x3c: {  	p2 =	seq.s32 s10, $0x1;
	s10 =	sld [smem:$0x3FAC]  }
0x3d: {  	_ =	shalt  }
0x3e: {  	_ =	shalt  }
0x3f: {  	_ =	shalt  }
0x40: {  	_ =	shalt  }
0x41: {  	_ =	shalt  }
0x42: {  	_ =	shalt  }
0x43: {  	_ =	shalt  }
0x44: {  	_ =	shalt  }
0x45: {  	_ =	shalt  }
0x46: {  	_ =	shalt  }
0x47: {  	_ =	shalt  }
0x48: {  	_ =	shalt  }
0x49: {  	_ =	shalt  }
0x4a: {  	_ =	shalt  }
0x4b: {  	_ =	shalt  }
0x4c: {  	_ =	shalt  }
0x4d: {  	_ =	shalt  }
0x4e: {  	_ =	shalt  }
0x4f: {  	_ =	shalt  }
0x50: {  	_ =	shalt  }
0x51: {  	_ =	shalt  }
0x52: {  	_ =	shalt  }
0x53: {  	_ =	shalt  }
0x54: {  	_ =	shalt  }
0x55: {  	_ =	shalt  }
0x56: {  	_ =	shalt  }
0x57: {  	_ =	shalt  }
0x58: {  	_ =	shalt  }
0x59: {  	_ =	shalt  }
0x5a: {  	_ =	shalt  }
0x5b: {  	_ =	shalt  }
0x5c: {  	_ =	shalt  }
0x5d: {  	_ =	shalt  }
0x5e: {  	_ =	shalt  }
0x5f: {  	_ =	shalt  }
0x60: {  	_ =	shalt  }
0x61: {  	_ =	shalt  }
0x62: {  	_ =	shalt  }
0x63: {  	_ =	shalt  }
0x64: {  	_ =	shalt  }
0x65: {  	_ =	shalt  }
0x66: {  	_ =	shalt  }
0x67: {  	_ =	shalt  }
0x68: {  	_ =	shalt  }
0x69: {  	_ =	shalt  }
0x6a: {  	_ =	shalt  }
0x6b: {  	_ =	shalt  }
0x6c: {  	_ =	shalt  }
0x6d: {  	_ =	shalt  }
0x6e: {  	_ =	shalt  }
0x6f: {  	_ =	shalt  }
0x70: {  	_ =	shalt  }
0x71: {  	_ =	shalt  }
0x72: {  	_ =	shalt  }
0x73: {  	_ =	shalt  }
0x74: {  	_ =	shalt  }
0x75: {  	_ =	shalt  }
0x76: {  	_ =	shalt  }
0x77: {  	_ =	shalt  }
0x78: {  	_ =	shalt  }
0x79: {  	_ =	shalt  }
0x7a: {  	_ =	shalt  }
0x7b: {  	_ =	shalt  }
0x7c: {  	_ =	shalt  }
0x7d: {  	_ =	shalt  }
0x7e: {  	_ =	shalt  }
0x7f: {  	_ =	shalt  }
0x80: {  	_ =	shalt  }
0x81: {  	_ =	shalt  }
0x82: {  	_ =	shalt  }
0x83: {  	_ =	shalt  }
0x84: {  	_ =	shalt  }
0x85: {  	_ =	shalt  }
0x86: {  	_ =	shalt  }
0x87: {  	_ =	shalt  }
.Lfunc_end0:
.L_simem_size_0:
called_computation.1_lowered:
.L_overlay_start_0:
0x88: {  	s2 =	sld [smem:$0x3FD9]  }
0x89: {  	s3 =	sld [smem:$0x3FFE];
	_ =	sdelay $0x1  }
0x8a: {  	s1 =	srdreg.scid  }
0x8b: {  	s0 =	sand.u32 $0x1, s1  }
0x8c: {  	s14 =	sshll.u32 s0, $0xA;
	s2 =	sadd.s32 s3, s2  }
0x8d: {  	s2 =	sadd.s32 s2, s14  }
0x8e: {  	[smem:$0x3FB8] =	sst s2  }
0x8f: {  	_ = 	snop  }
0x90: {  	s2 =	sld [smem:$0x3FD0];
	_ =	sdelay $0x2  }
0x91: {  	s15 =	simm.s32 $0xB;
	s4 =	simm.s32 $0x10  }
0x92: {  	[smem:s4], [sflag:s15] =	dma.local [hbm:s2], $0x1  }
0x93: {  	_ =	swait.eq [sflag:s15], $0x1  }
0x94: {  	[sflag:s15] =	ssyncset.done $0x0  }
0x95: {  	s16 =	sld [smem:$0x10];
	[sflag:s15] =	ssyncadd.s32 $0xFFFFFFFF  }
0x96: {  	s17 =	sld [smem:$0x11];
	(tm) =	ssettm $0x1  }
0x97: {  	s18 =	sld [smem:$0x3FFB];
	_ =	sdelay $0x3  }
0x98: {  	_ =	strace s18  }
0x99: {  	s4 =	sld [smem:$0x3FFC];
	_ =	sdelay $0x3  }
0x9a: {  	_ =	strace s4  }
0x9b: {  	s4 =	sld [smem:$0x3FFD];
	_ =	sdelay $0x3  }
0x9c: {  	_ =	strace s4  }
0x9d: {  	_ =	strace $0x8FFFFFFF  }
0x9e: {  	s19 =	sld [smem:$0x3FDB];
	_ =	sdelay $0x1  }
0x9f: {  	s5 =	simm.s32 $_scs_section_size  }
0xa0: {  	s6 =	simm.s32 $_size__tile_overlayer_lowered;
	s7 =	simm.s32 $_tile_overlayer_lowered  }
0xa1: {  	s22 =	simm.s32 $0x1BFF;
	s21 =	sshll.u32 s7, $0x1;
	s4 =	sadd.s32 s5, s19  }
0xa2: {  	s8 =	simm.s32 $0x0;
	s20 =	sshll.u32 s6, $0x1;
	s6 =	sadd.s32 s21, s4  }
0xa3: {  	[timem:s8], [sflag:s22] =	dma.local [hbm:s6], s20  }
0xa4: {  	_ =	swait.ge [sflag:s22], s20  }
0xa5: {  	s5 =	ssub.s32 $0x0, s20;
	[sflag:s22] =	ssyncset.done $0x0  }
0xa6: {  	[sflag:s22] =	ssyncadd.s32 s5;
	_ =	sdelay $0x1  }
0xa7: {  	s23 =	simm.s32 $0x1B8B  }
0xa8: {  	_ =	swait.ge [sflag:s23], $0x1  }
0xa9: {  	[sflag:s23] =	ssyncset.done $0x0  }
0xaa: {  	s25 =	simm.s32 $0x1B8E;
	s24 =	sld [smem:$0x3FFE];
	[sflag:s23] =	ssyncadd.s32 $0xFFFFFFFF  }
0xab: {  	s26 =	simm.s32 $execute0_lowered;
	[smem:$0x3FD2] =	sst s25  }
0xac: {  	s6 =	sshll.u32 s26, $0x1;
	_ =	strace $0x80000046;
	[dreg:$0x1] =	wrdreg $0xFFFFFFFF  }
0xad: {  	s28 =	simm.s32 $_size_execute0_lowered;
	s4 =	sadd.s32 s4, s6;
	[dreg:$0x0] =	wrdreg $0x0  }
0xae: {  	s6 =	sshll.u32 s28, $0x1;
	[dreg:$0x2] =	wrdreg s4  }
0xaf: {  	[dreg:$0x3] =	wrdreg s6  }
0xb0: {  	[dreg:$0x4] =	wrdreg $0xC0  }
0xb1: {  	_ =	task [dreg:s8], $0x5FFFF  }
0xb2: {  	[dreg:$0x1] =	wrdreg $0xFFFFFFFF  }
0xb3: {  	[dreg:$0x0] =	wrdreg $0x60  }
0xb4: {  	[dreg:$0x2] =	wrdreg s24  }
0xb5: {  	[dreg:$0x3] =	wrdreg s16  }
0xb6: {  	[dreg:$0x4] =	wrdreg s17  }
0xb7: {  	[dreg:$0x5] =	wrdreg $0x0  }
0xb8: {  	[dreg:$0x6] =	wrdreg $0xA  }
0xb9: {  	_ =	task.clear_ibuf [dreg:s8], $0x7FFFF;
	_ =	strace $0x90000046  }
0xba: {  	s29 =	simm.s32 $0xA;
	_ =	strace $0x80000048  }
0xbb: {  	_ =	swait.ge [sflag:s29], $0x1  }
0xbc: {  	[sflag:s29] =	ssyncadd.s32 $0xFFFFFFFF  }
0xbd: {  	_ =	strace $0x90000048  }
0xbe: {  	_ =	sfence  }
0xbf: {  	s30 =	sld [smem:$0x0];
	_ =	sdelay $0x2  }
0xc0: {  	s31 =	sshll.u32 s1, $0xD;
	s1 =	sshrl.u32 s1, $0x2  }
0xc1: {  	s3 =	sand.u32 $0x4000, s31;
	s1 =	sadd.s32 s1, s30  }
0xc2: {  	s0 =	sor.u32 s3, s0;
	s1 =	sshll.u32 s1, $0x11  }
0xc3: {  	s0 =	sor.u32 s1, s0  }
0xc4: {  	s0 =	sadd.s32 $0x8F2B, s0  }
0xc5: {  	[sflag:s0] =	ssyncadd.remote.s32 $0x1  }
0xc6: {  	_ =	sfence.sel $0xFFFF  }
0xc7: {  	[dreg:$0x0] =	wrdreg $0xFFFFFFFF;
	(pc) =	sbr.abs _section_cstart, $3  }
0xc8: {  	[dreg:$0x1] =	wrdreg $0xFFFFFFFF  }
0xc9: {  	_ =	task.clear_ibuf [dreg:s8], $0x2FFFF;
	_ =	strace $0x9FFFFFFF  }
0xca: {  	(tm) =	ssettm $0x7FFFFFFF  }
0xcb: {  	_ =	shalt  }
tec
execute0_lowered:
.L_overlay_start_1:
0x0: {  	(tag) =	ssettag $0x1  }
0x1: {  	s0 =	rddreg [dreg:$0x0]  }
0x2: {  	s1 =	rddreg [dreg:$0x1]  }
0x3: {  	s2 =	rddreg [dreg:$0x2]  }
0x4: {  	s4 =	srdreg.scid;
	s3 =	rddreg [dreg:$0x3];
	s5 =	simm.s32 $0x0  }
0x5: {  	s22 =	stileid.u32;
	s28 =	simm.s32 $0x13940;
	s29 =	simm.s32 $0x1A0C0  }
0x6: {  	s30 =	simm.s32 $0x1;
	s31 =	simm.s32 $0x2;
	s7 =	smul.u32 $0x4E000, s22  }
0x7: {  	s4 =	sand.u32 $0x1, s4;
	[smem:$0x7FF] =	sst s5;
	s15 =	smul.u32 $0x13800, s22  }
0x8: {  	s8 =	sadd.s32 $0x51800, s0;
	s12 =	sadd.s32 $0x138000, s3;
	s6 =	smul.u32 $0x27100, s4  }
0x9: {  	p0 =	sne.s32 s22, $0xF;
	_ =	strace $0x80000047;
	s13 =	smul.u32 $0x50000, s4  }
0xa: {  	[dreg:$0x5] =	wrdreg s8;
	s14 =	ssub.s32 $0x2, s4;
	s4 =	smul.u32 $0x138800, s4  }
0xb: {  	s9 =	sshrl.u32 s14, $0x1;
	s7 =	sshrl.u32 s7, $0x2;
	s17 =	sadd.s32 $0x4000, s15  }
0xc: {  	s18 =	sadd.s32 $0x8000, s15;
	s19 =	sadd.s32 $0xC000, s15;
	s20 =	sadd.s32 $0x10000, s15  }
0xd: {  	s6 =	sadd.s32 s6, s0;
	s0 =	sadd.s32 $0x52000, s0;
	s16 =	ssub.s32 s14, s9  }
0xe: {  	s7 =	sadd.s32 s7, s3;
	s8 =	sadd.s32 s17, s3;
	s9 =	sadd.s32 s18, s3  }
0xf: {  	s14 =	smul.u32 $0x5000, s22;
	s10 =	sadd.s32 s19, s3;
	s11 =	sadd.s32 s20, s3  }
0x10: {  	s15 =	sadd.s32 s15, s4;
	s17 =	sadd.s32 s4, s17;
	s21 =	sadd.s32 s4, s18  }
0x11: {  	s25 =	sadd.s32 s4, s19;
	s26 =	sadd.s32 s4, s20;
	s4 =	sshrl.u32 s4, $0x3  }
0x12: {  	s22 =	simm.s32 $0x160C0;
	s24 =	sshrl.u32 s21, $0x3;
	s13 =	sadd.s32 s14, s13  }
0x13: {  	s14 =	sadd.s32 $0x3600, s6;
	s6 =	sshrl.u32 s15, $0x3;
	s15 =	sshrl.u32 s17, $0x3  }
0x14: {  	s21 =	smax.u32 s16, $0x1;
	s6 =	sadd.s32 s0, s6;
	s23 =	sadd.s32 s0, s15  }
0x15: {  	s15 =	sshrl.u32 s26, $0x3;
	s26 =	simm.s32 $0x80;
	[dreg:$0x6] =	wrdreg s6  }
0x16: {  	[dreg:$0x7] =	wrdreg s23;
	s6 =	sadd.s32 s0, s24;
	s19 =	sadd.s32 s0, s15  }
0x17: {  	s23 =	simm.s32 $0x3;
	[dreg:$0x8] =	wrdreg s6;
	s6 =	sshrl.u32 s25, $0x3  }
0x18: {  	s24 =	simm.s32 $0x138C0;
	s25 =	simm.s32 $0x14CC0;
	s6 =	sadd.s32 s0, s6  }
0x19: {  	s0 =	sadd.s32 s0, s4;
	s4 =	simm.s32 $0x16040;
	[dreg:$0x9] =	wrdreg s6  }
0x1a: {  	s20 =	sadd.s32 $0x27000, s0;
	s0 =	simm.s32 $0x15FC0;
	s6 =	simm.s32 $0x0  }
.LBB2_1:
0x1b: {  	s15 =	rddreg [dreg:$0x5]  }
0x1c: {  	[tilespmem:s22], [sflag:$0x3] =	stream.linear.gather [hbm4b:s15+s5], $0x4000, $0x38;
	[tilespmem:$0x1E0C0] =	vst v63  }
0x1d: {  	_ =	swait.ge [sflag:s23], $0x4000  }
0x1e: {  	[sflag:s23] =	ssyncset.done $0x0  }
0x1f: {  	[sflag:s23] =	ssyncadd.s32 $0xFFFFC000  }
0x20: {  	[spmem:s7] =	stream.linear.scatter [tilespmem:s22], [sflag:$0x3], $0x4000, $0x38;
	[tilespmem:$0x1E0C0] =	vst v63  }
0x21: {  	_ =	swait.ge [sflag:s23], $0x4000  }
0x22: {  	[sflag:s23] =	ssyncset.done $0x0  }
0x23: {  	[sflag:s23] =	ssyncadd.s32 $0xFFFFC000  }
0x24: {  	[spmem:s8] =	stream.linear.scatter [tilespmem:s22], [sflag:$0x3], $0x4000, $0x38;
	[tilespmem:$0x1E0C0] =	vst v63  }
0x25: {  	_ =	swait.ge [sflag:s23], $0x4000  }
0x26: {  	[sflag:s23] =	ssyncset.done $0x0  }
0x27: {  	[sflag:s23] =	ssyncadd.s32 $0xFFFFC000  }
0x28: {  	[spmem:s9] =	stream.linear.scatter [tilespmem:s22], [sflag:$0x3], $0x4000, $0x38;
	[tilespmem:$0x1E0C0] =	vst v63  }
0x29: {  	_ =	swait.ge [sflag:s23], $0x4000  }
0x2a: {  	[sflag:s23] =	ssyncset.done $0x0  }
0x2b: {  	[sflag:s23] =	ssyncadd.s32 $0xFFFFC000  }
0x2c: {  	[spmem:s10] =	stream.linear.scatter [tilespmem:s22], [sflag:$0x3], $0x4000, $0x38;
	[tilespmem:$0x1E0C0] =	vst v63  }
0x2d: {  	_ =	swait.ge [sflag:s23], $0x4000  }
0x2e: {  	[sflag:s23] =	ssyncset.done $0x0  }
0x2f: {  	[sflag:s23] =	ssyncadd.s32 $0xFFFFC000  }
0x30: {  	[spmem:s11] =	stream.linear.scatter [tilespmem:s22], [sflag:$0x3], $0x3800, $0x38;
	[tilespmem:$0x1E0C0] =	vst v63  }
0x31: {  	_ =	swait.ge [sflag:s23], $0x3800  }
0x32: {  	[sflag:s23] =	ssyncset.done $0x0  }
0x33: {  	s15 =	simm.s32 @!p0 $0x160C0;
	[sflag:s23] =	ssyncadd.s32 $0xFFFFC800  }
0x34: {  	[spmem:s12] =	stream.linear.scatter @!p0 [tilespmem:s15], [sflag:$0x3], $0x800, $0x38;
	[tilespmem:$0x1E0C0] =	vst v63  }
0x35: {  	s15 =	simm.s32 @!p0 $0x3  }
0x36: {  	_ =	swait.ge @!p0 [sflag:s15], $0x800  }
0x37: {  	[sflag:s15] =	ssyncset.done @!p0 $0x0  }
0x38: {  	[sflag:s15] =	ssyncadd.s32 @!p0 $0xFFFFF800  }
0x39: {  	s15 =	simm.s32 $0x0;
	[bflag:$0x0] =	sbarrier.arrive $0xFFFF  }
.LBB2_2:
0x3a: {  	s16 =	smul.u32 $0x1400, s15;
	_ =	sdelay $0x1  }
0x3b: {  	s16 =	sadd.s32 s16, s13  }
0x3c: {  	s16 =	sshrl.u32 s16, $0x3  }
0x3d: {  	s18 =	simm.s32 $0x0;
	s17 =	sadd.s32 s1, s16  }
0x3e: {  	[tilespmem:s24], [sflag:$0x3] =	stream.linear.gather [hbm4b:s17+s18], $0x1400, $0x38;
	[tilespmem:$0x1E0C0] =	vst v63  }
0x3f: {  	_ =	swait.ge [sflag:s23], $0x1400  }
0x40: {  	[sflag:s23] =	ssyncset.done $0x0  }
0x41: {  	s16 =	sadd.s32 s2, s16;
	[sflag:s23] =	ssyncadd.s32 $0xFFFFEC00  }
0x42: {  	[tilespmem:s25], [sflag:$0x3] =	stream.linear.gather [hbm4b:s16+s18], $0x1400, $0x38;
	[tilespmem:$0x1E0C0] =	vst v63  }
0x43: {  	_ =	swait.ge [sflag:s23], $0x1400  }
0x44: {  	[sflag:s23] =	ssyncset.done $0x0  }
0x45: {  	[sflag:s23] =	ssyncadd.s32 $0xFFFFEC00  }
0x46: {  	[tilespmem:s22], [sflag:$0x1] =	stream.indirect.gather [hbm4b:s14+s26], $0x80, s24, s26, $0xb8;
	[tilespmem:$0x1E0C0] =	vst v63  }
0x47: {  	_ = 	snop  }
0x48: {  	[tilespmem:s29], [sflag:$0x2] =	stream.indirect.gather [hbm4b:s14+s26], $0x80, s28, s26, $0xb8;
	[tilespmem:$0x1E0C0] =	vst v63  }
0x49: {  	_ =	swait.ge [sflag:s30], $0x4000  }
0x4a: {  	[sflag:s30] =	ssyncset.done $0x0  }
0x4b: {  	s18 =	simm.s32 $0x14CC0;
	[sflag:s30] =	ssyncadd.s32 $0xFFFFC000  }
0x4c: {  	[spmem:s3] =	stream.indirect.scatter.add.f32 [tilespmem:s22], [sflag:$0x3], $0x80, s18, s26, $0xb8;
	[tilespmem:$0x1E0C0] =	vst v63  }
0x4d: {  	_ =	swait.ge [sflag:s23], $0x4000  }
0x4e: {  	[sflag:s23] =	ssyncset.done $0x0  }
0x4f: {  	s17 =	simm.s32 $0x139C0;
	[sflag:s23] =	ssyncadd.s32 $0xFFFFC000  }
0x50: {  	[tilespmem:s22], [sflag:$0x1] =	stream.indirect.gather [hbm4b:s14+s26], $0x80, s17, s26, $0xb8;
	[tilespmem:$0x1E0C0] =	vst v63  }
0x51: {  	_ =	swait.ge [sflag:s31], $0x4000  }
0x52: {  	[sflag:s31] =	ssyncset.done $0x0  }
0x53: {  	s18 =	simm.s32 $0x14D40;
	[sflag:s31] =	ssyncadd.s32 $0xFFFFC000  }
0x54: {  	[spmem:s3] =	stream.indirect.scatter.add.f32 [tilespmem:s29], [sflag:$0x3], $0x80, s18, s26, $0xb8;
	[tilespmem:$0x1E0C0] =	vst v63  }
0x55: {  	_ =	swait.ge [sflag:s23], $0x4000  }
0x56: {  	[sflag:s23] =	ssyncset.done $0x0  }
0x57: {  	s16 =	simm.s32 $0x400;
	s17 =	simm.s32 $0x13A40;
	[sflag:s23] =	ssyncadd.s32 $0xFFFFC000  }
.LBB2_3:
0x58: {  	[tilespmem:s29], [sflag:$0x2] =	stream.indirect.gather [hbm4b:s14+s26], $0x80, s17, s26, $0xb8;
	[tilespmem:$0x1E0C0] =	vst v63  }
0x59: {  	s17 =	smov.u32 s16  }
0x5a: {  	p1 =	sne.s32 s16, $0x4800;
	s16 =	sadd.s32 $0x400, s16;
	_ =	swait.ge [sflag:s30], $0x4000  }
0x5b: {  	s17 =	sshra.s32 s17, $0x2;
	[sflag:s30] =	ssyncset.done $0x0  }
0x5c: {  	s18 =	sadd.s32 $0x14CC0, s17;
	[sflag:s30] =	ssyncadd.s32 $0xFFFFC000  }
0x5d: {  	[spmem:s3] =	stream.indirect.scatter.add.f32 [tilespmem:s22], [sflag:$0x3], $0x80, s18, s26, $0xb8;
	[tilespmem:$0x1E0C0] =	vst v63  }
0x5e: {  	_ =	swait.ge [sflag:s23], $0x4000  }
0x5f: {  	[sflag:s23] =	ssyncset.done $0x0  }
0x60: {  	s18 =	sadd.s32 $0x139C0, s17;
	[sflag:s23] =	ssyncadd.s32 $0xFFFFC000  }
0x61: {  	[tilespmem:s22], [sflag:$0x1] =	stream.indirect.gather [hbm4b:s14+s26], $0x80, s18, s26, $0xb8;
	[tilespmem:$0x1E0C0] =	vst v63  }
0x62: {  	_ =	swait.ge [sflag:s31], $0x4000  }
0x63: {  	[sflag:s31] =	ssyncset.done $0x0  }
.Ltmp0:
0x64: {  	s18 =	sadd.s32 $0x14D40, s17;
	[sflag:s31] =	ssyncadd.s32 $0xFFFFC000;
	(pc) =	sbr.rel @p1 .LBB2_3-.Ltmp0, $4  }
0x65: {  	[spmem:s3] =	stream.indirect.scatter.add.f32 [tilespmem:s29], [sflag:$0x3], $0x80, s18, s26, $0xb8;
	[tilespmem:$0x1E0C0] =	vst v63  }
0x66: {  	_ =	swait.ge [sflag:s23], $0x4000  }
0x67: {  	[sflag:s23] =	ssyncset.done $0x0  }
0x68: {  	s17 =	sadd.s32 $0x13A40, s17;
	[sflag:s23] =	ssyncadd.s32 $0xFFFFC000  }
0x69: {  	[tilespmem:s29], [sflag:$0x2] =	stream.indirect.gather [hbm4b:s14+s26], $0x80, s17, s26, $0xb8;
	[tilespmem:$0x1E0C0] =	vst v63  }
0x6a: {  	_ =	swait.ge [sflag:s30], $0x4000  }
0x6b: {  	[sflag:s30] =	ssyncset.done $0x0  }
0x6c: {  	[sflag:s30] =	ssyncadd.s32 $0xFFFFC000  }
0x6d: {  	[spmem:s3] =	stream.indirect.scatter.add.f32 [tilespmem:s22], [sflag:$0x3], $0x80, s0, s26, $0xb8;
	[tilespmem:$0x1E0C0] =	vst v63  }
0x6e: {  	_ =	swait.ge [sflag:s23], $0x4000  }
0x6f: {  	[sflag:s23] =	ssyncset.done $0x0  }
0x70: {  	[sflag:s23] =	ssyncadd.s32 $0xFFFFC000  }
0x71: {  	s15 =	sadd.s32 $0x1, s15;
	_ =	swait.ge [sflag:s31], $0x4000  }
0x72: {  	p1 =	sne.s32 s15, $0x4;
	[sflag:s31] =	ssyncset.done $0x0  }
.Ltmp1:
0x73: {  	[sflag:s31] =	ssyncadd.s32 $0xFFFFC000;
	(pc) =	sbr.rel @p1 .LBB2_2-.Ltmp1, $4  }
0x74: {  	[spmem:s3] =	stream.indirect.scatter.add.f32 [tilespmem:s29], [sflag:$0x3], $0x80, s4, s26, $0xb8;
	[tilespmem:$0x1E0C0] =	vst v63  }
0x75: {  	_ =	swait.ge [sflag:s23], $0x4000  }
0x76: {  	[sflag:s23] =	ssyncset.done $0x0  }
0x77: {  	[sflag:s23] =	ssyncadd.s32 $0xFFFFC000  }
0x78: {  	[bflag:$0x0] =	sbarrier.arrive $0xFFFF  }
0x79: {  	[tilespmem:s22], [sflag:$0x3] =	stream.linear.gather [spmem:s7], $0x4000, $0x38;
	[tilespmem:$0x1E0C0] =	vst v63  }
0x7a: {  	_ =	swait.ge [sflag:s23], $0x4000  }
0x7b: {  	[sflag:s23] =	ssyncset.done $0x0  }
0x7c: {  	s15 =	rddreg [dreg:$0x6];
	[sflag:s23] =	ssyncadd.s32 $0xFFFFC000  }
0x7d: {  	[hbm4b:s15+s5] =	stream.linear.scatter [tilespmem:s22], [sflag:$0x3], $0x4000, $0x38;
	[tilespmem:$0x1E0C0] =	vst v63  }
0x7e: {  	_ =	swait.ge [sflag:s23], $0x4000  }
0x7f: {  	[sflag:s23] =	ssyncset.done $0x0  }
0x80: {  	[sflag:s23] =	ssyncadd.s32 $0xFFFFC000  }
0x81: {  	[tilespmem:s22], [sflag:$0x3] =	stream.linear.gather [spmem:s8], $0x4000, $0x38;
	[tilespmem:$0x1E0C0] =	vst v63  }
0x82: {  	_ =	swait.ge [sflag:s23], $0x4000  }
0x83: {  	[sflag:s23] =	ssyncset.done $0x0  }
0x84: {  	s16 =	rddreg [dreg:$0x7];
	[sflag:s23] =	ssyncadd.s32 $0xFFFFC000  }
0x85: {  	[hbm4b:s16+s5] =	stream.linear.scatter [tilespmem:s22], [sflag:$0x3], $0x4000, $0x38;
	[tilespmem:$0x1E0C0] =	vst v63  }
0x86: {  	_ =	swait.ge [sflag:s23], $0x4000  }
0x87: {  	[sflag:s23] =	ssyncset.done $0x0  }
0x88: {  	[sflag:s23] =	ssyncadd.s32 $0xFFFFC000  }
0x89: {  	[tilespmem:s22], [sflag:$0x3] =	stream.linear.gather [spmem:s9], $0x4000, $0x38;
	[tilespmem:$0x1E0C0] =	vst v63  }
0x8a: {  	_ =	swait.ge [sflag:s23], $0x4000  }
0x8b: {  	[sflag:s23] =	ssyncset.done $0x0  }
0x8c: {  	s17 =	rddreg [dreg:$0x8];
	[sflag:s23] =	ssyncadd.s32 $0xFFFFC000  }
0x8d: {  	[hbm4b:s17+s5] =	stream.linear.scatter [tilespmem:s22], [sflag:$0x3], $0x4000, $0x38;
	[tilespmem:$0x1E0C0] =	vst v63  }
0x8e: {  	_ =	swait.ge [sflag:s23], $0x4000  }
0x8f: {  	[sflag:s23] =	ssyncset.done $0x0  }
0x90: {  	[sflag:s23] =	ssyncadd.s32 $0xFFFFC000  }
0x91: {  	[tilespmem:s22], [sflag:$0x3] =	stream.linear.gather [spmem:s10], $0x4000, $0x38;
	[tilespmem:$0x1E0C0] =	vst v63  }
0x92: {  	_ =	swait.ge [sflag:s23], $0x4000  }
0x93: {  	[sflag:s23] =	ssyncset.done $0x0  }
0x94: {  	s18 =	rddreg [dreg:$0x9];
	[sflag:s23] =	ssyncadd.s32 $0xFFFFC000  }
0x95: {  	[hbm4b:s18+s5] =	stream.linear.scatter [tilespmem:s22], [sflag:$0x3], $0x4000, $0x38;
	[tilespmem:$0x1E0C0] =	vst v63  }
0x96: {  	_ =	swait.ge [sflag:s23], $0x4000  }
0x97: {  	[sflag:s23] =	ssyncset.done $0x0  }
0x98: {  	[sflag:s23] =	ssyncadd.s32 $0xFFFFC000  }
0x99: {  	[tilespmem:s22], [sflag:$0x3] =	stream.linear.gather [spmem:s11], $0x3800, $0x38;
	[tilespmem:$0x1E0C0] =	vst v63  }
0x9a: {  	_ =	swait.ge [sflag:s23], $0x3800  }
0x9b: {  	[sflag:s23] =	ssyncset.done $0x0  }
0x9c: {  	[sflag:s23] =	ssyncadd.s32 $0xFFFFC800  }
0x9d: {  	[hbm4b:s19+s5] =	stream.linear.scatter [tilespmem:s22], [sflag:$0x3], $0x3800, $0x38;
	[tilespmem:$0x1E0C0] =	vst v63  }
0x9e: {  	_ =	swait.ge [sflag:s23], $0x3800  }
0x9f: {  	[sflag:s23] =	ssyncset.done $0x0  }
0xa0: {  	s15 =	simm.s32 @!p0 $0x160C0;
	s16 =	simm.s32 @!p0 $0x3;
	[sflag:s23] =	ssyncadd.s32 $0xFFFFC800  }
0xa1: {  	[tilespmem:s15], [sflag:$0x3] =	stream.linear.gather @!p0 [spmem:s12], $0x800, $0x38;
	[tilespmem:$0x1E0C0] =	vst v63  }
0xa2: {  	s6 =	sadd.s32 $0x1, s6;
	_ =	swait.ge @!p0 [sflag:s16], $0x800  }
0xa3: {  	p1 =	sne.s32 s6, s21;
	[sflag:s16] =	ssyncset.done @!p0 $0x0  }
.Ltmp2:
0xa4: {  	s17 =	simm.s32 @!p0 $0x0;
	[sflag:s16] =	ssyncadd.s32 @!p0 $0xFFFFF800;
	(pc) =	sbr.rel @p1 .LBB2_1-.Ltmp2, $4  }
0xa5: {  	[hbm4b:s20+s17] =	stream.linear.scatter @!p0 [tilespmem:s15], [sflag:$0x3], $0x800, $0x38;
	[tilespmem:$0x1E0C0] =	vst v63  }
0xa6: {  	_ =	swait.ge @!p0 [sflag:s16], $0x800  }
0xa7: {  	[sflag:s16] =	ssyncset.done @!p0 $0x0  }
0xa8: {  	[sflag:s16] =	ssyncadd.s32 @!p0 $0xFFFFF800  }
0xa9: {  	_ =	sfence.sel $0x180000  }
0xaa: {  	[bflag:$0x0] =	sbarrier.arrive $0xFFFF  }
0xab: {  	_ =	strace $0x90000047  }
0xac: {  	s0 =	stileid.u32;
	[bflag:$0x2] =	sbarrier.arrive $0xFFFF  }
0xad: {  	p0 =	sne.s32 s0, $0x0;
	s0 =	rddreg [dreg:$0x4]  }
0xae: {  	s0 =	sadd.s32 @!p0 $0x100000, s0  }
0xaf: {  	[sflag:s0] =	ssyncadd.tile.s32 @!p0 $0x1;
	_ =	shalt  }
.Lfunc_end2:
_tile_overlayer_lowered:
.L_overlay_start_2:
0xb0: {  	(tag) =	ssettag $0x2  }
0xb1: {  	s0 =	rddreg [dreg:$0x0];
	s2 =	stileid.u32  }
0xb2: {  	s1 =	rddreg [dreg:$0x1];
	p0 =	sne.s32 s2, $0x0  }
0xb3: {  	s3 =	rddreg [dreg:$0x2];
	[bflag:$0x3] =	sbarrier.arrive $0xFFFF;
	s2 =	simm.s32 @!p0 $0x1C03  }
0xb4: {  	[timem:s3], [sflag:s2] =	dma.local @!p0 [hbm:s0], s1  }
0xb5: {  	s0 =	simm.s32 @!p0 $0x3  }
0xb6: {  	_ =	swait.ge @!p0 [sflag:s0], s1  }
0xb7: {  	s1 =	ssub.s32 @!p0 $0x0, s1;
	[sflag:s0] =	ssyncset.done @!p0 $0x0  }
0xb8: {  	[sflag:s0] =	ssyncadd.s32 @!p0 s1  }
0xb9: {  	[bflag:$0x3] =	sbarrier.arrive $0xFFFF  }
0xba: {  	_ =	shalt  }

// kernel: kernel.13.cloned.1.call-start
scs
__scs_entry_jumppad:
0x0: {  	(pc) =	sbr.rel $0x88, $3  }
0x1: {  	(tag) =	ssettag $0x0;
	lr =	simm.s32 $0x1  }
0x2: {  	[smem:$0x3F91] =	sst lr;
	_ =	strace $0xD0000000  }
0x3: {  	_ = 	snop  }
0x4: {  	_ = 	snop  }
0x5: {  	_ = 	snop  }
0x6: {  	_ = 	snop  }
0x7: {  	_ = 	snop  }
__scs_overlays_trampoline_lowered:
0x8: {  	[smem:$0x3FA0] =	sst s0  }
0x9: {  	[smem:$0x3FA1] =	sst s1  }
0xa: {  	[smem:$0x3FA2] =	sst s2  }
0xb: {  	[smem:$0x3FA3] =	sst s3  }
0xc: {  	[smem:$0x3FA4] =	sst s4  }
0xd: {  	[smem:$0x3FA5] =	sst s5  }
0xe: {  	[smem:$0x3FA6] =	sst s6  }
0xf: {  	[smem:$0x3FA7] =	sst s7  }
0x10: {  	[smem:$0x3FA8] =	sst s8  }
0x11: {  	[smem:$0x3FA9] =	sst s9;
	s0 =	simm.s32 @!p0 $0x0  }
0x12: {  	s1 =	sld [smem:$0x3F8F];
	s0 =	simm.s32 @p0 $0x1  }
0x13: {  	[smem:$0x3FAA] =	sst s0;
	s0 =	simm.s32 @!p1 $0x0  }
0x14: {  	s2 =	sld [smem:$0x3F8E];
	s0 =	simm.s32 @p1 $0x1  }
0x15: {  	[smem:$0x3FAB] =	sst s0;
	s0 =	simm.s32 @!p2 $0x0  }
0x16: {  	s3 =	sld [smem:$0x3FDB];
	s0 =	simm.s32 @p2 $0x1  }
0x17: {  	s4 =	simm.s32 $0x1BF5;
	[smem:$0x3FAD] =	sst s0  }
0x18: {  	s0 =	sld [smem:$0x3F90];
	_ =	swait.ge [sflag:s4], $0x0  }
0x19: {  	s7 =	sld [smem:$0x3F91]  }
0x1a: {  	s8 =	sadd.s32 $0xFFFFE003, lr  }
0x1b: {  	s9 =	sadd.s32 $0xFFFFFEF7, lr;
	s5 =	simm.s32 $0xFFFFFFFF;
	p2 =	slt.u32 s8, $0xFFFFF086  }
0x1c: {  	p1 =	slt.u32 s9, $0xF7A;
	s5 =	simm.s32 @!p2 $0x0  }
0x1d: {  	s5 =	simm.s32 @p1 $0x1;
	p0 =	seq.s32 s7, s2  }
0x1e: {  	s7 =	smul.u32 @!p0 $0xF7A, s2;
	p2 =	seq.s32 @!p0 s5, $0x0  }
0x1f: {  	s9 =	smul.u32 $0xF7A, s1;
	s8 =	simm.s32 @!p0 $0x1BF5;
	p2 =	por !p2, p0  }
0x20: {  	[sflag:s8] =	ssyncset.s32 @!p0 $0xFFFFF086;
	s6 =	sadd.s32 @!p0 s3, s7;
	s7 =	simm.s32 @!p0 $0x108  }
0x21: {  	s3 =	sadd.s32 s3, s9;
	s6 =	sadd.s32 @!p0 $0x88, s6;
	s7 =	simm.s32 @p2 $0x1082  }
0x22: {  	[simem:s7], [sflag:s8] =	dma.local @!p0 [hbm:s6], $0xF7A  }
0x23: {  	s9 =	sor.u32 $0xD0000000, s2;
	s6 =	simm.s32 $0x108;
	_ =	swait.ge @!p0 [sflag:s8], $0x0  }
0x24: {  	s3 =	sadd.s32 $0x88, s3;
	s6 =	simm.s32 @!p1 $0x1082;
	[sflag:s4] =	ssyncset.s32 $0xFFFFF086  }
0x25: {  	[simem:s6], [sflag:s4] =	dma.local [hbm:s3], $0xF7A  }
0x26: {  	[smem:$0x3F91] =	sst s1;
	(tag) =	ssettag s2;
	_ =	strace s9  }
0x27: {  	s1 =	sld [smem:$0x3FA1]  }
0x28: {  	s2 =	sld [smem:$0x3FA2]  }
0x29: {  	s4 =	sld [smem:$0x3FA4]  }
0x2a: {  	p0 =	seq.s32 s5, $0x0;
	s5 =	sld [smem:$0x3FA5]  }
0x2b: {  	s6 =	sld [smem:$0x3FA6]  }
0x2c: {  	s7 =	sld [smem:$0x3FA7]  }
0x2d: {  	s3 =	simm.s32 $0x108;
	s8 =	sld [smem:$0x3FA8]  }
0x2e: {  	s3 =	simm.s32 @!p0 $0x1082;
	s9 =	sld [smem:$0x3FA9]  }
0x2f: {  	lr =	sadd.s32 s0, s3;
	s0 =	sld [smem:$0x3FA0]  }
0x30: {  	s3 =	sld [smem:$0x3FA3]  }
0x31: {  	[smem:$0x3FAC] =	sst s10  }
0x32: {  	s10 =	sld [smem:$0x3FAA];
	_ =	sdelay $0x3  }
0x33: {  	p0 =	seq.s32 s10, $0x1;
	s10 =	sld [smem:$0x3FAC];
	_ =	sdelay $0x3  }
0x34: {  	[smem:$0x3FAC] =	sst s10  }
0x35: {  	s10 =	sld [smem:$0x3FAB];
	_ =	sdelay $0x3  }
0x36: {  	p1 =	seq.s32 s10, $0x1;
	s10 =	sld [smem:$0x3FAC];
	_ =	sdelay $0x3  }
0x37: {  	[smem:$0x3FAC] =	sst s10  }
0x38: {  	s10 =	sld [smem:$0x3FAD]  }
0x39: {  	_ = 	snop;
	(pc) =	sbr.ind lr, $3  }
0x3a: {  	_ = 	snop  }
0x3b: {  	_ = 	snop  }
0x3c: {  	p2 =	seq.s32 s10, $0x1;
	s10 =	sld [smem:$0x3FAC]  }
0x3d: {  	_ =	shalt  }
0x3e: {  	_ =	shalt  }
0x3f: {  	_ =	shalt  }
0x40: {  	_ =	shalt  }
0x41: {  	_ =	shalt  }
0x42: {  	_ =	shalt  }
0x43: {  	_ =	shalt  }
0x44: {  	_ =	shalt  }
0x45: {  	_ =	shalt  }
0x46: {  	_ =	shalt  }
0x47: {  	_ =	shalt  }
0x48: {  	_ =	shalt  }
0x49: {  	_ =	shalt  }
0x4a: {  	_ =	shalt  }
0x4b: {  	_ =	shalt  }
0x4c: {  	_ =	shalt  }
0x4d: {  	_ =	shalt  }
0x4e: {  	_ =	shalt  }
0x4f: {  	_ =	shalt  }
0x50: {  	_ =	shalt  }
0x51: {  	_ =	shalt  }
0x52: {  	_ =	shalt  }
0x53: {  	_ =	shalt  }
0x54: {  	_ =	shalt  }
0x55: {  	_ =	shalt  }
0x56: {  	_ =	shalt  }
0x57: {  	_ =	shalt  }
0x58: {  	_ =	shalt  }
0x59: {  	_ =	shalt  }
0x5a: {  	_ =	shalt  }
0x5b: {  	_ =	shalt  }
0x5c: {  	_ =	shalt  }
0x5d: {  	_ =	shalt  }
0x5e: {  	_ =	shalt  }
0x5f: {  	_ =	shalt  }
0x60: {  	_ =	shalt  }
0x61: {  	_ =	shalt  }
0x62: {  	_ =	shalt  }
0x63: {  	_ =	shalt  }
0x64: {  	_ =	shalt  }
0x65: {  	_ =	shalt  }
0x66: {  	_ =	shalt  }
0x67: {  	_ =	shalt  }
0x68: {  	_ =	shalt  }
0x69: {  	_ =	shalt  }
0x6a: {  	_ =	shalt  }
0x6b: {  	_ =	shalt  }
0x6c: {  	_ =	shalt  }
0x6d: {  	_ =	shalt  }
0x6e: {  	_ =	shalt  }
0x6f: {  	_ =	shalt  }
0x70: {  	_ =	shalt  }
0x71: {  	_ =	shalt  }
0x72: {  	_ =	shalt  }
0x73: {  	_ =	shalt  }
0x74: {  	_ =	shalt  }
0x75: {  	_ =	shalt  }
0x76: {  	_ =	shalt  }
0x77: {  	_ =	shalt  }
0x78: {  	_ =	shalt  }
0x79: {  	_ =	shalt  }
0x7a: {  	_ =	shalt  }
0x7b: {  	_ =	shalt  }
0x7c: {  	_ =	shalt  }
0x7d: {  	_ =	shalt  }
0x7e: {  	_ =	shalt  }
0x7f: {  	_ =	shalt  }
0x80: {  	_ =	shalt  }
0x81: {  	_ =	shalt  }
0x82: {  	_ =	shalt  }
0x83: {  	_ =	shalt  }
0x84: {  	_ =	shalt  }
0x85: {  	_ =	shalt  }
0x86: {  	_ =	shalt  }
0x87: {  	_ =	shalt  }
.Lfunc_end0:
.L_simem_size_0:
called_computation.2_lowered:
.L_overlay_start_0:
0x88: {  	s2 =	sld [smem:$0x3FD9]  }
0x89: {  	s3 =	sld [smem:$0x3FFE];
	_ =	sdelay $0x1  }
0x8a: {  	s1 =	srdreg.scid  }
0x8b: {  	s0 =	sand.u32 $0x1, s1  }
0x8c: {  	s14 =	sshll.u32 s0, $0xA;
	s2 =	sadd.s32 s3, s2  }
0x8d: {  	s2 =	sadd.s32 s2, s14  }
0x8e: {  	[smem:$0x3FB8] =	sst s2  }
0x8f: {  	_ = 	snop  }
0x90: {  	s2 =	sld [smem:$0x3FD0];
	_ =	sdelay $0x2  }
0x91: {  	s15 =	simm.s32 $0xB;
	s4 =	simm.s32 $0x10  }
0x92: {  	[smem:s4], [sflag:s15] =	dma.local [hbm:s2], $0x1  }
0x93: {  	_ =	swait.eq [sflag:s15], $0x1  }
0x94: {  	[sflag:s15] =	ssyncset.done $0x0  }
0x95: {  	s16 =	sld [smem:$0x10];
	[sflag:s15] =	ssyncadd.s32 $0xFFFFFFFF  }
0x96: {  	s17 =	sld [smem:$0x11];
	(tm) =	ssettm $0x1  }
0x97: {  	s18 =	sld [smem:$0x3FFB];
	_ =	sdelay $0x3  }
0x98: {  	_ =	strace s18  }
0x99: {  	s4 =	sld [smem:$0x3FFC];
	_ =	sdelay $0x3  }
0x9a: {  	_ =	strace s4  }
0x9b: {  	s4 =	sld [smem:$0x3FFD];
	_ =	sdelay $0x3  }
0x9c: {  	_ =	strace s4  }
0x9d: {  	_ =	strace $0x8FFFFFFF  }
0x9e: {  	s19 =	sld [smem:$0x3FDB];
	_ =	sdelay $0x1  }
0x9f: {  	s5 =	simm.s32 $_scs_section_size  }
0xa0: {  	s6 =	simm.s32 $_size__tile_overlayer_lowered;
	s7 =	simm.s32 $_tile_overlayer_lowered  }
0xa1: {  	s22 =	simm.s32 $0x1BFF;
	s21 =	sshll.u32 s7, $0x1;
	s4 =	sadd.s32 s5, s19  }
0xa2: {  	s8 =	simm.s32 $0x0;
	s20 =	sshll.u32 s6, $0x1;
	s6 =	sadd.s32 s21, s4  }
0xa3: {  	[timem:s8], [sflag:s22] =	dma.local [hbm:s6], s20  }
0xa4: {  	_ =	swait.ge [sflag:s22], s20  }
0xa5: {  	s5 =	ssub.s32 $0x0, s20;
	[sflag:s22] =	ssyncset.done $0x0  }
0xa6: {  	[sflag:s22] =	ssyncadd.s32 s5;
	_ =	sdelay $0x1  }
0xa7: {  	s23 =	simm.s32 $0x1B8B  }
0xa8: {  	_ =	swait.ge [sflag:s23], $0x1  }
0xa9: {  	[sflag:s23] =	ssyncset.done $0x0  }
0xaa: {  	s25 =	simm.s32 $0x1B8E;
	s24 =	sld [smem:$0x3FFE];
	[sflag:s23] =	ssyncadd.s32 $0xFFFFFFFF  }
0xab: {  	s26 =	simm.s32 $execute0_lowered;
	[smem:$0x3FD2] =	sst s25  }
0xac: {  	s6 =	sshll.u32 s26, $0x1;
	_ =	strace $0x8000004C;
	[dreg:$0x1] =	wrdreg $0xFFFFFFFF  }
0xad: {  	s28 =	simm.s32 $_size_execute0_lowered;
	s4 =	sadd.s32 s4, s6;
	[dreg:$0x0] =	wrdreg $0x0  }
0xae: {  	s6 =	sshll.u32 s28, $0x1;
	[dreg:$0x2] =	wrdreg s4  }
0xaf: {  	[dreg:$0x3] =	wrdreg s6  }
0xb0: {  	[dreg:$0x4] =	wrdreg $0xC0  }
0xb1: {  	_ =	task [dreg:s8], $0x5FFFF  }
0xb2: {  	[dreg:$0x1] =	wrdreg $0xFFFFFFFF  }
0xb3: {  	[dreg:$0x0] =	wrdreg $0x60  }
0xb4: {  	[dreg:$0x2] =	wrdreg s24  }
0xb5: {  	[dreg:$0x3] =	wrdreg s16  }
0xb6: {  	[dreg:$0x4] =	wrdreg s17  }
0xb7: {  	[dreg:$0x5] =	wrdreg $0x0  }
0xb8: {  	[dreg:$0x6] =	wrdreg $0x9  }
0xb9: {  	_ =	task.clear_ibuf [dreg:s8], $0x7FFFF;
	_ =	strace $0x9000004C  }
0xba: {  	s29 =	simm.s32 $0x9;
	_ =	strace $0x8000004E  }
0xbb: {  	_ =	swait.ge [sflag:s29], $0x1  }
0xbc: {  	[sflag:s29] =	ssyncadd.s32 $0xFFFFFFFF  }
0xbd: {  	_ =	strace $0x9000004E  }
0xbe: {  	_ =	sfence  }
0xbf: {  	s30 =	sld [smem:$0x0];
	_ =	sdelay $0x2  }
0xc0: {  	s31 =	sshll.u32 s1, $0xD;
	s1 =	sshrl.u32 s1, $0x2  }
0xc1: {  	s3 =	sand.u32 $0x4000, s31;
	s1 =	sadd.s32 s1, s30  }
0xc2: {  	s0 =	sor.u32 s3, s0;
	s1 =	sshll.u32 s1, $0x11  }
0xc3: {  	s0 =	sor.u32 s1, s0  }
0xc4: {  	s0 =	sadd.s32 $0x8F2B, s0  }
0xc5: {  	[sflag:s0] =	ssyncadd.remote.s32 $0x1  }
0xc6: {  	_ =	sfence.sel $0xFFFF  }
0xc7: {  	[dreg:$0x0] =	wrdreg $0xFFFFFFFF;
	(pc) =	sbr.abs _section_cstart, $3  }
0xc8: {  	[dreg:$0x1] =	wrdreg $0xFFFFFFFF  }
0xc9: {  	_ =	task.clear_ibuf [dreg:s8], $0x2FFFF;
	_ =	strace $0x9FFFFFFF  }
0xca: {  	(tm) =	ssettm $0x7FFFFFFF  }
0xcb: {  	_ =	shalt  }
tec
execute0_lowered:
.L_overlay_start_1:
0x0: {  	(tag) =	ssettag $0x1  }
0x1: {  	s0 =	rddreg [dreg:$0x0]  }
0x2: {  	s1 =	rddreg [dreg:$0x1]  }
0x3: {  	s2 =	rddreg [dreg:$0x2]  }
0x4: {  	s4 =	srdreg.scid;
	s3 =	rddreg [dreg:$0x3];
	s5 =	simm.s32 $0x0  }
0x5: {  	s22 =	stileid.u32;
	s28 =	simm.s32 $0x13940;
	s29 =	simm.s32 $0x1A0C0  }
0x6: {  	s30 =	simm.s32 $0x1;
	s31 =	simm.s32 $0x2;
	s7 =	smul.u32 $0x4E000, s22  }
0x7: {  	s4 =	sand.u32 $0x1, s4;
	[smem:$0x7FF] =	sst s5;
	s15 =	smul.u32 $0x13800, s22  }
0x8: {  	s8 =	sadd.s32 $0x51800, s0;
	s12 =	sadd.s32 $0x138000, s3;
	s6 =	smul.u32 $0x27100, s4  }
0x9: {  	p0 =	sne.s32 s22, $0xF;
	_ =	strace $0x8000004D;
	s13 =	smul.u32 $0x50000, s4  }
0xa: {  	[dreg:$0x5] =	wrdreg s8;
	s14 =	ssub.s32 $0x2, s4;
	s4 =	smul.u32 $0x138800, s4  }
0xb: {  	s9 =	sshrl.u32 s14, $0x1;
	s7 =	sshrl.u32 s7, $0x2;
	s17 =	sadd.s32 $0x4000, s15  }
0xc: {  	s18 =	sadd.s32 $0x8000, s15;
	s19 =	sadd.s32 $0xC000, s15;
	s20 =	sadd.s32 $0x10000, s15  }
0xd: {  	s6 =	sadd.s32 s6, s0;
	s0 =	sadd.s32 $0x52000, s0;
	s16 =	ssub.s32 s14, s9  }
0xe: {  	s7 =	sadd.s32 s7, s3;
	s8 =	sadd.s32 s17, s3;
	s9 =	sadd.s32 s18, s3  }
0xf: {  	s14 =	smul.u32 $0x5000, s22;
	s10 =	sadd.s32 s19, s3;
	s11 =	sadd.s32 s20, s3  }
0x10: {  	s15 =	sadd.s32 s15, s4;
	s17 =	sadd.s32 s4, s17;
	s21 =	sadd.s32 s4, s18  }
0x11: {  	s25 =	sadd.s32 s4, s19;
	s26 =	sadd.s32 s4, s20;
	s4 =	sshrl.u32 s4, $0x3  }
0x12: {  	s22 =	simm.s32 $0x160C0;
	s24 =	sshrl.u32 s21, $0x3;
	s13 =	sadd.s32 s14, s13  }
0x13: {  	s14 =	sadd.s32 $0x3600, s6;
	s6 =	sshrl.u32 s15, $0x3;
	s15 =	sshrl.u32 s17, $0x3  }
0x14: {  	s21 =	smax.u32 s16, $0x1;
	s6 =	sadd.s32 s0, s6;
	s23 =	sadd.s32 s0, s15  }
0x15: {  	s15 =	sshrl.u32 s26, $0x3;
	s26 =	simm.s32 $0x80;
	[dreg:$0x6] =	wrdreg s6  }
0x16: {  	[dreg:$0x7] =	wrdreg s23;
	s6 =	sadd.s32 s0, s24;
	s19 =	sadd.s32 s0, s15  }
0x17: {  	s23 =	simm.s32 $0x3;
	[dreg:$0x8] =	wrdreg s6;
	s6 =	sshrl.u32 s25, $0x3  }
0x18: {  	s24 =	simm.s32 $0x138C0;
	s25 =	simm.s32 $0x14CC0;
	s6 =	sadd.s32 s0, s6  }
0x19: {  	s0 =	sadd.s32 s0, s4;
	s4 =	simm.s32 $0x16040;
	[dreg:$0x9] =	wrdreg s6  }
0x1a: {  	s20 =	sadd.s32 $0x27000, s0;
	s0 =	simm.s32 $0x15FC0;
	s6 =	simm.s32 $0x0  }
.LBB2_1:
0x1b: {  	s15 =	rddreg [dreg:$0x5]  }
0x1c: {  	[tilespmem:s22], [sflag:$0x3] =	stream.linear.gather [hbm4b:s15+s5], $0x4000, $0x38;
	[tilespmem:$0x1E0C0] =	vst v63  }
0x1d: {  	_ =	swait.ge [sflag:s23], $0x4000  }
0x1e: {  	[sflag:s23] =	ssyncset.done $0x0  }
0x1f: {  	[sflag:s23] =	ssyncadd.s32 $0xFFFFC000  }
0x20: {  	[spmem:s7] =	stream.linear.scatter [tilespmem:s22], [sflag:$0x3], $0x4000, $0x38;
	[tilespmem:$0x1E0C0] =	vst v63  }
0x21: {  	_ =	swait.ge [sflag:s23], $0x4000  }
0x22: {  	[sflag:s23] =	ssyncset.done $0x0  }
0x23: {  	[sflag:s23] =	ssyncadd.s32 $0xFFFFC000  }
0x24: {  	[spmem:s8] =	stream.linear.scatter [tilespmem:s22], [sflag:$0x3], $0x4000, $0x38;
	[tilespmem:$0x1E0C0] =	vst v63  }
0x25: {  	_ =	swait.ge [sflag:s23], $0x4000  }
0x26: {  	[sflag:s23] =	ssyncset.done $0x0  }
0x27: {  	[sflag:s23] =	ssyncadd.s32 $0xFFFFC000  }
0x28: {  	[spmem:s9] =	stream.linear.scatter [tilespmem:s22], [sflag:$0x3], $0x4000, $0x38;
	[tilespmem:$0x1E0C0] =	vst v63  }
0x29: {  	_ =	swait.ge [sflag:s23], $0x4000  }
0x2a: {  	[sflag:s23] =	ssyncset.done $0x0  }
0x2b: {  	[sflag:s23] =	ssyncadd.s32 $0xFFFFC000  }
0x2c: {  	[spmem:s10] =	stream.linear.scatter [tilespmem:s22], [sflag:$0x3], $0x4000, $0x38;
	[tilespmem:$0x1E0C0] =	vst v63  }
0x2d: {  	_ =	swait.ge [sflag:s23], $0x4000  }
0x2e: {  	[sflag:s23] =	ssyncset.done $0x0  }
0x2f: {  	[sflag:s23] =	ssyncadd.s32 $0xFFFFC000  }
0x30: {  	[spmem:s11] =	stream.linear.scatter [tilespmem:s22], [sflag:$0x3], $0x3800, $0x38;
	[tilespmem:$0x1E0C0] =	vst v63  }
0x31: {  	_ =	swait.ge [sflag:s23], $0x3800  }
0x32: {  	[sflag:s23] =	ssyncset.done $0x0  }
0x33: {  	s15 =	simm.s32 @!p0 $0x160C0;
	[sflag:s23] =	ssyncadd.s32 $0xFFFFC800  }
0x34: {  	[spmem:s12] =	stream.linear.scatter @!p0 [tilespmem:s15], [sflag:$0x3], $0x800, $0x38;
	[tilespmem:$0x1E0C0] =	vst v63  }
0x35: {  	s15 =	simm.s32 @!p0 $0x3  }
0x36: {  	_ =	swait.ge @!p0 [sflag:s15], $0x800  }
0x37: {  	[sflag:s15] =	ssyncset.done @!p0 $0x0  }
0x38: {  	[sflag:s15] =	ssyncadd.s32 @!p0 $0xFFFFF800  }
0x39: {  	s15 =	simm.s32 $0x0;
	[bflag:$0x0] =	sbarrier.arrive $0xFFFF  }
.LBB2_2:
0x3a: {  	s16 =	smul.u32 $0x1400, s15;
	_ =	sdelay $0x1  }
0x3b: {  	s16 =	sadd.s32 s16, s13  }
0x3c: {  	s16 =	sshrl.u32 s16, $0x3  }
0x3d: {  	s18 =	simm.s32 $0x0;
	s17 =	sadd.s32 s1, s16  }
0x3e: {  	[tilespmem:s24], [sflag:$0x3] =	stream.linear.gather [hbm4b:s17+s18], $0x1400, $0x38;
	[tilespmem:$0x1E0C0] =	vst v63  }
0x3f: {  	_ =	swait.ge [sflag:s23], $0x1400  }
0x40: {  	[sflag:s23] =	ssyncset.done $0x0  }
0x41: {  	s16 =	sadd.s32 s2, s16;
	[sflag:s23] =	ssyncadd.s32 $0xFFFFEC00  }
0x42: {  	[tilespmem:s25], [sflag:$0x3] =	stream.linear.gather [hbm4b:s16+s18], $0x1400, $0x38;
	[tilespmem:$0x1E0C0] =	vst v63  }
0x43: {  	_ =	swait.ge [sflag:s23], $0x1400  }
0x44: {  	[sflag:s23] =	ssyncset.done $0x0  }
0x45: {  	[sflag:s23] =	ssyncadd.s32 $0xFFFFEC00  }
0x46: {  	[tilespmem:s22], [sflag:$0x1] =	stream.indirect.gather [hbm4b:s14+s26], $0x80, s24, s26, $0xb8;
	[tilespmem:$0x1E0C0] =	vst v63  }
0x47: {  	_ = 	snop  }
0x48: {  	[tilespmem:s29], [sflag:$0x2] =	stream.indirect.gather [hbm4b:s14+s26], $0x80, s28, s26, $0xb8;
	[tilespmem:$0x1E0C0] =	vst v63  }
0x49: {  	_ =	swait.ge [sflag:s30], $0x4000  }
0x4a: {  	[sflag:s30] =	ssyncset.done $0x0  }
0x4b: {  	s18 =	simm.s32 $0x14CC0;
	[sflag:s30] =	ssyncadd.s32 $0xFFFFC000  }
0x4c: {  	[spmem:s3] =	stream.indirect.scatter.add.f32 [tilespmem:s22], [sflag:$0x3], $0x80, s18, s26, $0xb8;
	[tilespmem:$0x1E0C0] =	vst v63  }
0x4d: {  	_ =	swait.ge [sflag:s23], $0x4000  }
0x4e: {  	[sflag:s23] =	ssyncset.done $0x0  }
0x4f: {  	s17 =	simm.s32 $0x139C0;
	[sflag:s23] =	ssyncadd.s32 $0xFFFFC000  }
0x50: {  	[tilespmem:s22], [sflag:$0x1] =	stream.indirect.gather [hbm4b:s14+s26], $0x80, s17, s26, $0xb8;
	[tilespmem:$0x1E0C0] =	vst v63  }
0x51: {  	_ =	swait.ge [sflag:s31], $0x4000  }
0x52: {  	[sflag:s31] =	ssyncset.done $0x0  }
0x53: {  	s18 =	simm.s32 $0x14D40;
	[sflag:s31] =	ssyncadd.s32 $0xFFFFC000  }
0x54: {  	[spmem:s3] =	stream.indirect.scatter.add.f32 [tilespmem:s29], [sflag:$0x3], $0x80, s18, s26, $0xb8;
	[tilespmem:$0x1E0C0] =	vst v63  }
0x55: {  	_ =	swait.ge [sflag:s23], $0x4000  }
0x56: {  	[sflag:s23] =	ssyncset.done $0x0  }
0x57: {  	s16 =	simm.s32 $0x400;
	s17 =	simm.s32 $0x13A40;
	[sflag:s23] =	ssyncadd.s32 $0xFFFFC000  }
.LBB2_3:
0x58: {  	[tilespmem:s29], [sflag:$0x2] =	stream.indirect.gather [hbm4b:s14+s26], $0x80, s17, s26, $0xb8;
	[tilespmem:$0x1E0C0] =	vst v63  }
0x59: {  	s17 =	smov.u32 s16  }
0x5a: {  	p1 =	sne.s32 s16, $0x4800;
	s16 =	sadd.s32 $0x400, s16;
	_ =	swait.ge [sflag:s30], $0x4000  }
0x5b: {  	s17 =	sshra.s32 s17, $0x2;
	[sflag:s30] =	ssyncset.done $0x0  }
0x5c: {  	s18 =	sadd.s32 $0x14CC0, s17;
	[sflag:s30] =	ssyncadd.s32 $0xFFFFC000  }
0x5d: {  	[spmem:s3] =	stream.indirect.scatter.add.f32 [tilespmem:s22], [sflag:$0x3], $0x80, s18, s26, $0xb8;
	[tilespmem:$0x1E0C0] =	vst v63  }
0x5e: {  	_ =	swait.ge [sflag:s23], $0x4000  }
0x5f: {  	[sflag:s23] =	ssyncset.done $0x0  }
0x60: {  	s18 =	sadd.s32 $0x139C0, s17;
	[sflag:s23] =	ssyncadd.s32 $0xFFFFC000  }
0x61: {  	[tilespmem:s22], [sflag:$0x1] =	stream.indirect.gather [hbm4b:s14+s26], $0x80, s18, s26, $0xb8;
	[tilespmem:$0x1E0C0] =	vst v63  }
0x62: {  	_ =	swait.ge [sflag:s31], $0x4000  }
0x63: {  	[sflag:s31] =	ssyncset.done $0x0  }
.Ltmp0:
0x64: {  	s18 =	sadd.s32 $0x14D40, s17;
	[sflag:s31] =	ssyncadd.s32 $0xFFFFC000;
	(pc) =	sbr.rel @p1 .LBB2_3-.Ltmp0, $4  }
0x65: {  	[spmem:s3] =	stream.indirect.scatter.add.f32 [tilespmem:s29], [sflag:$0x3], $0x80, s18, s26, $0xb8;
	[tilespmem:$0x1E0C0] =	vst v63  }
0x66: {  	_ =	swait.ge [sflag:s23], $0x4000  }
0x67: {  	[sflag:s23] =	ssyncset.done $0x0  }
0x68: {  	s17 =	sadd.s32 $0x13A40, s17;
	[sflag:s23] =	ssyncadd.s32 $0xFFFFC000  }
0x69: {  	[tilespmem:s29], [sflag:$0x2] =	stream.indirect.gather [hbm4b:s14+s26], $0x80, s17, s26, $0xb8;
	[tilespmem:$0x1E0C0] =	vst v63  }
0x6a: {  	_ =	swait.ge [sflag:s30], $0x4000  }
0x6b: {  	[sflag:s30] =	ssyncset.done $0x0  }
0x6c: {  	[sflag:s30] =	ssyncadd.s32 $0xFFFFC000  }
0x6d: {  	[spmem:s3] =	stream.indirect.scatter.add.f32 [tilespmem:s22], [sflag:$0x3], $0x80, s0, s26, $0xb8;
	[tilespmem:$0x1E0C0] =	vst v63  }
0x6e: {  	_ =	swait.ge [sflag:s23], $0x4000  }
0x6f: {  	[sflag:s23] =	ssyncset.done $0x0  }
0x70: {  	[sflag:s23] =	ssyncadd.s32 $0xFFFFC000  }
0x71: {  	s15 =	sadd.s32 $0x1, s15;
	_ =	swait.ge [sflag:s31], $0x4000  }
0x72: {  	p1 =	sne.s32 s15, $0x4;
	[sflag:s31] =	ssyncset.done $0x0  }
.Ltmp1:
0x73: {  	[sflag:s31] =	ssyncadd.s32 $0xFFFFC000;
	(pc) =	sbr.rel @p1 .LBB2_2-.Ltmp1, $4  }
0x74: {  	[spmem:s3] =	stream.indirect.scatter.add.f32 [tilespmem:s29], [sflag:$0x3], $0x80, s4, s26, $0xb8;
	[tilespmem:$0x1E0C0] =	vst v63  }
0x75: {  	_ =	swait.ge [sflag:s23], $0x4000  }
0x76: {  	[sflag:s23] =	ssyncset.done $0x0  }
0x77: {  	[sflag:s23] =	ssyncadd.s32 $0xFFFFC000  }
0x78: {  	[bflag:$0x0] =	sbarrier.arrive $0xFFFF  }
0x79: {  	[tilespmem:s22], [sflag:$0x3] =	stream.linear.gather [spmem:s7], $0x4000, $0x38;
	[tilespmem:$0x1E0C0] =	vst v63  }
0x7a: {  	_ =	swait.ge [sflag:s23], $0x4000  }
0x7b: {  	[sflag:s23] =	ssyncset.done $0x0  }
0x7c: {  	s15 =	rddreg [dreg:$0x6];
	[sflag:s23] =	ssyncadd.s32 $0xFFFFC000  }
0x7d: {  	[hbm4b:s15+s5] =	stream.linear.scatter [tilespmem:s22], [sflag:$0x3], $0x4000, $0x38;
	[tilespmem:$0x1E0C0] =	vst v63  }
0x7e: {  	_ =	swait.ge [sflag:s23], $0x4000  }
0x7f: {  	[sflag:s23] =	ssyncset.done $0x0  }
0x80: {  	[sflag:s23] =	ssyncadd.s32 $0xFFFFC000  }
0x81: {  	[tilespmem:s22], [sflag:$0x3] =	stream.linear.gather [spmem:s8], $0x4000, $0x38;
	[tilespmem:$0x1E0C0] =	vst v63  }
0x82: {  	_ =	swait.ge [sflag:s23], $0x4000  }
0x83: {  	[sflag:s23] =	ssyncset.done $0x0  }
0x84: {  	s16 =	rddreg [dreg:$0x7];
	[sflag:s23] =	ssyncadd.s32 $0xFFFFC000  }
0x85: {  	[hbm4b:s16+s5] =	stream.linear.scatter [tilespmem:s22], [sflag:$0x3], $0x4000, $0x38;
	[tilespmem:$0x1E0C0] =	vst v63  }
0x86: {  	_ =	swait.ge [sflag:s23], $0x4000  }
0x87: {  	[sflag:s23] =	ssyncset.done $0x0  }
0x88: {  	[sflag:s23] =	ssyncadd.s32 $0xFFFFC000  }
0x89: {  	[tilespmem:s22], [sflag:$0x3] =	stream.linear.gather [spmem:s9], $0x4000, $0x38;
	[tilespmem:$0x1E0C0] =	vst v63  }
0x8a: {  	_ =	swait.ge [sflag:s23], $0x4000  }
0x8b: {  	[sflag:s23] =	ssyncset.done $0x0  }
0x8c: {  	s17 =	rddreg [dreg:$0x8];
	[sflag:s23] =	ssyncadd.s32 $0xFFFFC000  }
0x8d: {  	[hbm4b:s17+s5] =	stream.linear.scatter [tilespmem:s22], [sflag:$0x3], $0x4000, $0x38;
	[tilespmem:$0x1E0C0] =	vst v63  }
0x8e: {  	_ =	swait.ge [sflag:s23], $0x4000  }
0x8f: {  	[sflag:s23] =	ssyncset.done $0x0  }
0x90: {  	[sflag:s23] =	ssyncadd.s32 $0xFFFFC000  }
0x91: {  	[tilespmem:s22], [sflag:$0x3] =	stream.linear.gather [spmem:s10], $0x4000, $0x38;
	[tilespmem:$0x1E0C0] =	vst v63  }
0x92: {  	_ =	swait.ge [sflag:s23], $0x4000  }
0x93: {  	[sflag:s23] =	ssyncset.done $0x0  }
0x94: {  	s18 =	rddreg [dreg:$0x9];
	[sflag:s23] =	ssyncadd.s32 $0xFFFFC000  }
0x95: {  	[hbm4b:s18+s5] =	stream.linear.scatter [tilespmem:s22], [sflag:$0x3], $0x4000, $0x38;
	[tilespmem:$0x1E0C0] =	vst v63  }
0x96: {  	_ =	swait.ge [sflag:s23], $0x4000  }
0x97: {  	[sflag:s23] =	ssyncset.done $0x0  }
0x98: {  	[sflag:s23] =	ssyncadd.s32 $0xFFFFC000  }
0x99: {  	[tilespmem:s22], [sflag:$0x3] =	stream.linear.gather [spmem:s11], $0x3800, $0x38;
	[tilespmem:$0x1E0C0] =	vst v63  }
0x9a: {  	_ =	swait.ge [sflag:s23], $0x3800  }
0x9b: {  	[sflag:s23] =	ssyncset.done $0x0  }
0x9c: {  	[sflag:s23] =	ssyncadd.s32 $0xFFFFC800  }
0x9d: {  	[hbm4b:s19+s5] =	stream.linear.scatter [tilespmem:s22], [sflag:$0x3], $0x3800, $0x38;
	[tilespmem:$0x1E0C0] =	vst v63  }
0x9e: {  	_ =	swait.ge [sflag:s23], $0x3800  }
0x9f: {  	[sflag:s23] =	ssyncset.done $0x0  }
0xa0: {  	s15 =	simm.s32 @!p0 $0x160C0;
	s16 =	simm.s32 @!p0 $0x3;
	[sflag:s23] =	ssyncadd.s32 $0xFFFFC800  }
0xa1: {  	[tilespmem:s15], [sflag:$0x3] =	stream.linear.gather @!p0 [spmem:s12], $0x800, $0x38;
	[tilespmem:$0x1E0C0] =	vst v63  }
0xa2: {  	s6 =	sadd.s32 $0x1, s6;
	_ =	swait.ge @!p0 [sflag:s16], $0x800  }
0xa3: {  	p1 =	sne.s32 s6, s21;
	[sflag:s16] =	ssyncset.done @!p0 $0x0  }
.Ltmp2:
0xa4: {  	s17 =	simm.s32 @!p0 $0x0;
	[sflag:s16] =	ssyncadd.s32 @!p0 $0xFFFFF800;
	(pc) =	sbr.rel @p1 .LBB2_1-.Ltmp2, $4  }
0xa5: {  	[hbm4b:s20+s17] =	stream.linear.scatter @!p0 [tilespmem:s15], [sflag:$0x3], $0x800, $0x38;
	[tilespmem:$0x1E0C0] =	vst v63  }
0xa6: {  	_ =	swait.ge @!p0 [sflag:s16], $0x800  }
0xa7: {  	[sflag:s16] =	ssyncset.done @!p0 $0x0  }
0xa8: {  	[sflag:s16] =	ssyncadd.s32 @!p0 $0xFFFFF800  }
0xa9: {  	_ =	sfence.sel $0x180000  }
0xaa: {  	[bflag:$0x0] =	sbarrier.arrive $0xFFFF  }
0xab: {  	_ =	strace $0x9000004D  }
0xac: {  	s0 =	stileid.u32;
	[bflag:$0x2] =	sbarrier.arrive $0xFFFF  }
0xad: {  	p0 =	sne.s32 s0, $0x0;
	s0 =	rddreg [dreg:$0x4]  }
0xae: {  	s0 =	sadd.s32 @!p0 $0x100000, s0  }
0xaf: {  	[sflag:s0] =	ssyncadd.tile.s32 @!p0 $0x1;
	_ =	shalt  }
.Lfunc_end2:
_tile_overlayer_lowered:
.L_overlay_start_2:
0xb0: {  	(tag) =	ssettag $0x2  }
0xb1: {  	s0 =	rddreg [dreg:$0x0];
	s2 =	stileid.u32  }
0xb2: {  	s1 =	rddreg [dreg:$0x1];
	p0 =	sne.s32 s2, $0x0  }
0xb3: {  	s3 =	rddreg [dreg:$0x2];
	[bflag:$0x3] =	sbarrier.arrive $0xFFFF;
	s2 =	simm.s32 @!p0 $0x1C03  }
0xb4: {  	[timem:s3], [sflag:s2] =	dma.local @!p0 [hbm:s0], s1  }
0xb5: {  	s0 =	simm.s32 @!p0 $0x3  }
0xb6: {  	_ =	swait.ge @!p0 [sflag:s0], s1  }
0xb7: {  	s1 =	ssub.s32 @!p0 $0x0, s1;
	[sflag:s0] =	ssyncset.done @!p0 $0x0  }
0xb8: {  	[sflag:s0] =	ssyncadd.s32 @!p0 s1  }
0xb9: {  	[bflag:$0x3] =	sbarrier.arrive $0xFFFF  }
0xba: {  	_ =	shalt  }

// kernel: kernel.7.cloned.1.call-start
scs
__scs_entry_jumppad:
0x0: {  	(pc) =	sbr.rel $0x88, $3  }
0x1: {  	(tag) =	ssettag $0x0;
	lr =	simm.s32 $0x1  }
0x2: {  	[smem:$0x3F91] =	sst lr;
	_ =	strace $0xD0000000  }
0x3: {  	_ = 	snop  }
0x4: {  	_ = 	snop  }
0x5: {  	_ = 	snop  }
0x6: {  	_ = 	snop  }
0x7: {  	_ = 	snop  }
__scs_overlays_trampoline_lowered:
0x8: {  	[smem:$0x3FA0] =	sst s0  }
0x9: {  	[smem:$0x3FA1] =	sst s1  }
0xa: {  	[smem:$0x3FA2] =	sst s2  }
0xb: {  	[smem:$0x3FA3] =	sst s3  }
0xc: {  	[smem:$0x3FA4] =	sst s4  }
0xd: {  	[smem:$0x3FA5] =	sst s5  }
0xe: {  	[smem:$0x3FA6] =	sst s6  }
0xf: {  	[smem:$0x3FA7] =	sst s7  }
0x10: {  	[smem:$0x3FA8] =	sst s8  }
0x11: {  	[smem:$0x3FA9] =	sst s9;
	s0 =	simm.s32 @!p0 $0x0  }
0x12: {  	s1 =	sld [smem:$0x3F8F];
	s0 =	simm.s32 @p0 $0x1  }
0x13: {  	[smem:$0x3FAA] =	sst s0;
	s0 =	simm.s32 @!p1 $0x0  }
0x14: {  	s2 =	sld [smem:$0x3F8E];
	s0 =	simm.s32 @p1 $0x1  }
0x15: {  	[smem:$0x3FAB] =	sst s0;
	s0 =	simm.s32 @!p2 $0x0  }
0x16: {  	s3 =	sld [smem:$0x3FDB];
	s0 =	simm.s32 @p2 $0x1  }
0x17: {  	s4 =	simm.s32 $0x1BF5;
	[smem:$0x3FAD] =	sst s0  }
0x18: {  	s0 =	sld [smem:$0x3F90];
	_ =	swait.ge [sflag:s4], $0x0  }
0x19: {  	s7 =	sld [smem:$0x3F91]  }
0x1a: {  	s8 =	sadd.s32 $0xFFFFE003, lr  }
0x1b: {  	s9 =	sadd.s32 $0xFFFFFEF7, lr;
	s5 =	simm.s32 $0xFFFFFFFF;
	p2 =	slt.u32 s8, $0xFFFFF086  }
0x1c: {  	p1 =	slt.u32 s9, $0xF7A;
	s5 =	simm.s32 @!p2 $0x0  }
0x1d: {  	s5 =	simm.s32 @p1 $0x1;
	p0 =	seq.s32 s7, s2  }
0x1e: {  	s7 =	smul.u32 @!p0 $0xF7A, s2;
	p2 =	seq.s32 @!p0 s5, $0x0  }
0x1f: {  	s9 =	smul.u32 $0xF7A, s1;
	s8 =	simm.s32 @!p0 $0x1BF5;
	p2 =	por !p2, p0  }
0x20: {  	[sflag:s8] =	ssyncset.s32 @!p0 $0xFFFFF086;
	s6 =	sadd.s32 @!p0 s3, s7;
	s7 =	simm.s32 @!p0 $0x108  }
0x21: {  	s3 =	sadd.s32 s3, s9;
	s6 =	sadd.s32 @!p0 $0x88, s6;
	s7 =	simm.s32 @p2 $0x1082  }
0x22: {  	[simem:s7], [sflag:s8] =	dma.local @!p0 [hbm:s6], $0xF7A  }
0x23: {  	s9 =	sor.u32 $0xD0000000, s2;
	s6 =	simm.s32 $0x108;
	_ =	swait.ge @!p0 [sflag:s8], $0x0  }
0x24: {  	s3 =	sadd.s32 $0x88, s3;
	s6 =	simm.s32 @!p1 $0x1082;
	[sflag:s4] =	ssyncset.s32 $0xFFFFF086  }
0x25: {  	[simem:s6], [sflag:s4] =	dma.local [hbm:s3], $0xF7A  }
0x26: {  	[smem:$0x3F91] =	sst s1;
	(tag) =	ssettag s2;
	_ =	strace s9  }
0x27: {  	s1 =	sld [smem:$0x3FA1]  }
0x28: {  	s2 =	sld [smem:$0x3FA2]  }
0x29: {  	s4 =	sld [smem:$0x3FA4]  }
0x2a: {  	p0 =	seq.s32 s5, $0x0;
	s5 =	sld [smem:$0x3FA5]  }
0x2b: {  	s6 =	sld [smem:$0x3FA6]  }
0x2c: {  	s7 =	sld [smem:$0x3FA7]  }
0x2d: {  	s3 =	simm.s32 $0x108;
	s8 =	sld [smem:$0x3FA8]  }
0x2e: {  	s3 =	simm.s32 @!p0 $0x1082;
	s9 =	sld [smem:$0x3FA9]  }
0x2f: {  	lr =	sadd.s32 s0, s3;
	s0 =	sld [smem:$0x3FA0]  }
0x30: {  	s3 =	sld [smem:$0x3FA3]  }
0x31: {  	[smem:$0x3FAC] =	sst s10  }
0x32: {  	s10 =	sld [smem:$0x3FAA];
	_ =	sdelay $0x3  }
0x33: {  	p0 =	seq.s32 s10, $0x1;
	s10 =	sld [smem:$0x3FAC];
	_ =	sdelay $0x3  }
0x34: {  	[smem:$0x3FAC] =	sst s10  }
0x35: {  	s10 =	sld [smem:$0x3FAB];
	_ =	sdelay $0x3  }
0x36: {  	p1 =	seq.s32 s10, $0x1;
	s10 =	sld [smem:$0x3FAC];
	_ =	sdelay $0x3  }
0x37: {  	[smem:$0x3FAC] =	sst s10  }
0x38: {  	s10 =	sld [smem:$0x3FAD]  }
0x39: {  	_ = 	snop;
	(pc) =	sbr.ind lr, $3  }
0x3a: {  	_ = 	snop  }
0x3b: {  	_ = 	snop  }
0x3c: {  	p2 =	seq.s32 s10, $0x1;
	s10 =	sld [smem:$0x3FAC]  }
0x3d: {  	_ =	shalt  }
0x3e: {  	_ =	shalt  }
0x3f: {  	_ =	shalt  }
0x40: {  	_ =	shalt  }
0x41: {  	_ =	shalt  }
0x42: {  	_ =	shalt  }
0x43: {  	_ =	shalt  }
0x44: {  	_ =	shalt  }
0x45: {  	_ =	shalt  }
0x46: {  	_ =	shalt  }
0x47: {  	_ =	shalt  }
0x48: {  	_ =	shalt  }
0x49: {  	_ =	shalt  }
0x4a: {  	_ =	shalt  }
0x4b: {  	_ =	shalt  }
0x4c: {  	_ =	shalt  }
0x4d: {  	_ =	shalt  }
0x4e: {  	_ =	shalt  }
0x4f: {  	_ =	shalt  }
0x50: {  	_ =	shalt  }
0x51: {  	_ =	shalt  }
0x52: {  	_ =	shalt  }
0x53: {  	_ =	shalt  }
0x54: {  	_ =	shalt  }
0x55: {  	_ =	shalt  }
0x56: {  	_ =	shalt  }
0x57: {  	_ =	shalt  }
0x58: {  	_ =	shalt  }
0x59: {  	_ =	shalt  }
0x5a: {  	_ =	shalt  }
0x5b: {  	_ =	shalt  }
0x5c: {  	_ =	shalt  }
0x5d: {  	_ =	shalt  }
0x5e: {  	_ =	shalt  }
0x5f: {  	_ =	shalt  }
0x60: {  	_ =	shalt  }
0x61: {  	_ =	shalt  }
0x62: {  	_ =	shalt  }
0x63: {  	_ =	shalt  }
0x64: {  	_ =	shalt  }
0x65: {  	_ =	shalt  }
0x66: {  	_ =	shalt  }
0x67: {  	_ =	shalt  }
0x68: {  	_ =	shalt  }
0x69: {  	_ =	shalt  }
0x6a: {  	_ =	shalt  }
0x6b: {  	_ =	shalt  }
0x6c: {  	_ =	shalt  }
0x6d: {  	_ =	shalt  }
0x6e: {  	_ =	shalt  }
0x6f: {  	_ =	shalt  }
0x70: {  	_ =	shalt  }
0x71: {  	_ =	shalt  }
0x72: {  	_ =	shalt  }
0x73: {  	_ =	shalt  }
0x74: {  	_ =	shalt  }
0x75: {  	_ =	shalt  }
0x76: {  	_ =	shalt  }
0x77: {  	_ =	shalt  }
0x78: {  	_ =	shalt  }
0x79: {  	_ =	shalt  }
0x7a: {  	_ =	shalt  }
0x7b: {  	_ =	shalt  }
0x7c: {  	_ =	shalt  }
0x7d: {  	_ =	shalt  }
0x7e: {  	_ =	shalt  }
0x7f: {  	_ =	shalt  }
0x80: {  	_ =	shalt  }
0x81: {  	_ =	shalt  }
0x82: {  	_ =	shalt  }
0x83: {  	_ =	shalt  }
0x84: {  	_ =	shalt  }
0x85: {  	_ =	shalt  }
0x86: {  	_ =	shalt  }
0x87: {  	_ =	shalt  }
.Lfunc_end0:
.L_simem_size_0:
called_computation_lowered:
.L_overlay_start_0:
0x88: {  	s2 =	sld [smem:$0x3FD9]  }
0x89: {  	s3 =	sld [smem:$0x3FFE];
	_ =	sdelay $0x1  }
0x8a: {  	s1 =	srdreg.scid  }
0x8b: {  	s0 =	sand.u32 $0x1, s1  }
0x8c: {  	s15 =	sshll.u32 s0, $0xA;
	s2 =	sadd.s32 s3, s2  }
0x8d: {  	s2 =	sadd.s32 s2, s15  }
0x8e: {  	[smem:$0x3FB8] =	sst s2  }
0x8f: {  	_ = 	snop  }
0x90: {  	s2 =	sld [smem:$0x3FD0];
	_ =	sdelay $0x2  }
0x91: {  	s16 =	simm.s32 $0xB;
	s4 =	simm.s32 $0x10  }
0x92: {  	[smem:s4], [sflag:s16] =	dma.local [hbm:s2], $0x1  }
0x93: {  	_ =	swait.eq [sflag:s16], $0x1  }
0x94: {  	[sflag:s16] =	ssyncset.done $0x0  }
0x95: {  	[sflag:s16] =	ssyncadd.s32 $0xFFFFFFFF  }
0x96: {  	s17 =	sld [smem:$0x11];
	(tm) =	ssettm $0x1  }
0x97: {  	s18 =	sld [smem:$0x3FFB];
	_ =	sdelay $0x3  }
0x98: {  	_ =	strace s18  }
0x99: {  	s2 =	sld [smem:$0x3FFC];
	_ =	sdelay $0x3  }
0x9a: {  	_ =	strace s2  }
0x9b: {  	s2 =	sld [smem:$0x3FFD];
	_ =	sdelay $0x3  }
0x9c: {  	_ =	strace s2  }
0x9d: {  	_ =	strace $0x8FFFFFFF  }
0x9e: {  	s19 =	sld [smem:$0x3FDB];
	_ =	sdelay $0x1  }
0x9f: {  	s20 =	simm.s32 $_scs_section_size  }
0xa0: {  	s5 =	simm.s32 $_size__tile_overlayer_lowered;
	s6 =	simm.s32 $_tile_overlayer_lowered  }
0xa1: {  	s7 =	simm.s32 $0x1BFF;
	s21 =	sshll.u32 s6, $0x1;
	s4 =	sadd.s32 s20, s19  }
0xa2: {  	s22 =	simm.s32 $0x0;
	s5 =	sshll.u32 s5, $0x1;
	s6 =	sadd.s32 s21, s4  }
0xa3: {  	[timem:s22], [sflag:s7] =	dma.local [hbm:s6], s5  }
0xa4: {  	_ =	swait.ge [sflag:s7], s5  }
0xa5: {  	s5 =	ssub.s32 $0x0, s5;
	[sflag:s7] =	ssyncset.done $0x0  }
0xa6: {  	[sflag:s7] =	ssyncadd.s32 s5;
	_ =	sdelay $0x1  }
0xa7: {  	s23 =	simm.s32 $0x1B8B  }
0xa8: {  	_ =	swait.ge [sflag:s23], $0x1  }
0xa9: {  	[sflag:s23] =	ssyncset.done $0x0  }
0xaa: {  	[sflag:s23] =	ssyncadd.s32 $0xFFFFFFFF  }
0xab: {  	s5 =	sld [smem:$0x0]  }
0xac: {  	s6 =	sand.u32 $0xFFFFFFFE, s1  }
0xad: {  	p0 =	sne.s32 s1, s6  }
0xae: {  	s6 =	sshll.u32 @p0 s6, $0xE  }
0xaf: {  	s6 =	sadd.s32 @p0 $0x11B8D, s6;
	s7 =	sshll.u32 @p0 s5, $0x11  }
0xb0: {  	s6 =	sor.u32 @p0 s7, s6  }
0xb1: {  	[sflag:s6] =	ssyncadd.remote.s32 @p0 $0x1;
	_ =	sdelay $0x1  }
0xb2: {  	s6 =	simm.s32 @p0 $0x1B8D  }
0xb3: {  	_ =	swait.eq @p0 [sflag:s6], $0x1  }
0xb4: {  	[sflag:s6] =	ssyncadd.s32 @p0 $0xFFFFFFFF  }
0xb5: {  	s7 =	sshll.u32 @!p0 s1, $0xE  }
0xb6: {  	s7 =	sor.u32 @!p0 $0x4000, s7;
	s6 =	simm.s32 @!p0 $0x1B8D  }
0xb7: {  	s5 =	sshll.u32 @!p0 s5, $0x11;
	s7 =	sadd.s32 @!p0 $0x11B8D, s7;
	_ =	swait.eq @!p0 [sflag:s6], $0x1  }
0xb8: {  	s5 =	sor.u32 @!p0 s5, s7;
	[sflag:s6] =	ssyncadd.s32 @!p0 $0xFFFFFFFF  }
0xb9: {  	s25 =	simm.s32 $0x1B8E;
	s24 =	sld [smem:$0x3FFE];
	[sflag:s5] =	ssyncadd.remote.s32 @!p0 $0x1  }
0xba: {  	s26 =	simm.s32 $execute0_lowered;
	[smem:$0x3FD2] =	sst s25  }
0xbb: {  	s6 =	sshll.u32 s26, $0x1;
	_ =	strace $0x80000049;
	[dreg:$0x1] =	wrdreg $0xFFFFFFFF  }
0xbc: {  	s28 =	simm.s32 $_size_execute0_lowered;
	s4 =	sadd.s32 s4, s6;
	[dreg:$0x0] =	wrdreg $0x0  }
0xbd: {  	s6 =	sshll.u32 s28, $0x1;
	[dreg:$0x2] =	wrdreg s4  }
0xbe: {  	[dreg:$0x3] =	wrdreg s6  }
0xbf: {  	[dreg:$0x4] =	wrdreg $0xC0  }
0xc0: {  	_ =	task [dreg:s22], $0x5FFFF  }
0xc1: {  	[dreg:$0x1] =	wrdreg $0xFFFFFFFF  }
0xc2: {  	[dreg:$0x0] =	wrdreg $0x60  }
0xc3: {  	[dreg:$0x2] =	wrdreg s17  }
0xc4: {  	[dreg:$0x3] =	wrdreg s24  }
0xc5: {  	[dreg:$0x4] =	wrdreg $0x0  }
0xc6: {  	[dreg:$0x5] =	wrdreg $0x9  }
0xc7: {  	_ =	task.clear_ibuf [dreg:s22], $0x6FFFF;
	_ =	strace $0x90000049  }
0xc8: {  	s29 =	simm.s32 $0x9;
	_ =	strace $0x8000004B  }
0xc9: {  	_ =	swait.ge [sflag:s29], $0x1  }
0xca: {  	[sflag:s29] =	ssyncadd.s32 $0xFFFFFFFF  }
0xcb: {  	_ =	strace $0x9000004B  }
0xcc: {  	_ =	sfence  }
0xcd: {  	s30 =	sld [smem:$0x0];
	_ =	sdelay $0x2  }
0xce: {  	s31 =	sshll.u32 s1, $0xD;
	s1 =	sshrl.u32 s1, $0x2  }
0xcf: {  	s4 =	sand.u32 $0x4000, s31;
	s1 =	sadd.s32 s1, s30  }
0xd0: {  	s0 =	sor.u32 s4, s0;
	s1 =	sshll.u32 s1, $0x11  }
0xd1: {  	s0 =	sor.u32 s1, s0  }
0xd2: {  	s0 =	sadd.s32 $0x8F2B, s0  }
0xd3: {  	[sflag:s0] =	ssyncadd.remote.s32 $0x1  }
0xd4: {  	_ =	sfence.sel $0xFFFF  }
0xd5: {  	[dreg:$0x0] =	wrdreg $0xFFFFFFFF;
	(pc) =	sbr.abs _section_cstart, $3  }
0xd6: {  	[dreg:$0x1] =	wrdreg $0xFFFFFFFF  }
0xd7: {  	_ =	task.clear_ibuf [dreg:s22], $0x2FFFF;
	_ =	strace $0x9FFFFFFF  }
0xd8: {  	(tm) =	ssettm $0x7FFFFFFF  }
0xd9: {  	_ =	shalt  }
tec
execute0_lowered:
.L_overlay_start_1:
0x0: {  	(tag) =	ssettag $0x1  }
0x1: {  	s0 =	rddreg [dreg:$0x0]  }
0x2: {  	s2 =	rddreg [dreg:$0x1]  }
0x3: {  	s1 =	rddreg [dreg:$0x2];
	s3 =	simm.s32 $0x0  }
0x4: {  	s4 =	srdreg.scid;
	s22 =	simm.s32 $0x13940;
	s23 =	simm.s32 $0x139C0  }
0x5: {  	s25 =	simm.s32 $0x13A40;
	s28 =	simm.s32 $0x143C0;
	s29 =	simm.s32 $0x14440  }
0x6: {  	s30 =	simm.s32 $0x144C0;
	s31 =	simm.s32 $0x14540;
	[smem:$0x7FF] =	sst s3  }
0x7: {  	s3 =	stileid.u32;
	s6 =	sadd.s32 $0xA0200, s2;
	s20 =	sadd.s32 $0x138000, s1  }
0x8: {  	_ =	strace $0x8000004A;
	s5 =	smul.u32 $0x4E000, s3;
	[dreg:$0x17] =	wrdreg s6  }
0x9: {  	s4 =	sand.u32 $0x1, s4;
	s9 =	smul.u32 $0x13800, s3;
	[dreg:$0x1e] =	wrdreg s20  }
0xa: {  	s6 =	sadd.s32 $0xA1200, s2;
	s17 =	smul.u32 $0x50000, s4;
	[dreg:$0x5] =	wrdreg s22  }
0xb: {  	s7 =	ssub.s32 $0x2, s4;
	s18 =	smul.u32 $0x5000, s3;
	[dreg:$0x6] =	wrdreg s23  }
0xc: {  	s2 =	sadd.s32 $0xA0A00, s2;
	s4 =	smul.u32 $0x138800, s4;
	[dreg:$0x7] =	wrdreg s25  }
0xd: {  	s20 =	simm.s32 $0x13F40;
	p0 =	sne.s32 s3, $0xF;
	[dreg:$0x18] =	wrdreg s2  }
0xe: {  	s22 =	simm.s32 $0x14040;
	s23 =	simm.s32 $0x140C0;
	[dreg:$0x11] =	wrdreg s20  }
0xf: {  	s25 =	simm.s32 $0x14140;
	s8 =	sshrl.u32 s7, $0x1;
	[dreg:$0x13] =	wrdreg s22  }
0x10: {  	s20 =	simm.s32 $0x2;
	[dreg:$0x14] =	wrdreg s23;
	s22 =	simm.s32 $0x80  }
0x11: {  	[dreg:$0x15] =	wrdreg s25;
	s23 =	simm.s32 $0x1;
	s25 =	simm.s32 $0x142C0  }
0x12: {  	s5 =	sshrl.u32 s5, $0x2;
	s7 =	ssub.s32 s7, s8;
	s15 =	sadd.s32 $0x4000, s9  }
0x13: {  	s16 =	sadd.s32 $0x8000, s9;
	s11 =	sadd.s32 $0xC000, s9;
	s12 =	sadd.s32 $0x10000, s9  }
0x14: {  	s9 =	sadd.s32 s9, s4;
	s8 =	sadd.s32 s18, s17;
	s17 =	simm.s32 $0x13E40  }
0x15: {  	s18 =	simm.s32 $0x13EC0;
	s24 =	sadd.s32 s5, s1;
	s13 =	sadd.s32 s15, s1  }
0x16: {  	s10 =	sadd.s32 s16, s1;
	s14 =	sadd.s32 s11, s1;
	[dreg:$0xf] =	wrdreg s17  }
0x17: {  	s19 =	sadd.s32 s12, s1;
	s2 =	sadd.s32 s4, s15;
	[dreg:$0x10] =	wrdreg s18  }
0x18: {  	s9 =	sshrl.u32 s9, $0x3;
	s8 =	sshrl.u32 s8, $0x3;
	[dreg:$0x1b] =	wrdreg s10  }
0x19: {  	s21 =	sadd.s32 s4, s16;
	s26 =	sadd.s32 s4, s11;
	[dreg:$0x1c] =	wrdreg s14  }
0x1a: {  	s5 =	simm.s32 $0x13AC0;
	s15 =	sshrl.u32 s4, $0x3;
	[dreg:$0x1d] =	wrdreg s19  }
0x1b: {  	s16 =	simm.s32 $0x13DC0;
	s17 =	simm.s32 $0x14A40;
	[dreg:$0x8] =	wrdreg s5  }
0x1c: {  	s18 =	simm.s32 $0x14AC0;
	s2 =	sshrl.u32 s2, $0x3;
	[dreg:$0xe] =	wrdreg s16  }
0x1d: {  	s9 =	sadd.s32 s6, s9;
	s0 =	sadd.s32 s8, s0;
	[dreg:$0x19] =	wrdreg s24  }
0x1e: {  	s11 =	smov.u32 s13;
	s8 =	simm.s32 $0x13B40;
	[dreg:$0x1f] =	wrdreg s9  }
0x1f: {  	s10 =	sadd.s32 s4, s12;
	s12 =	simm.s32 $0x13C40;
	[dreg:$0x4] =	wrdreg s0  }
0x20: {  	s13 =	simm.s32 $0x13CC0;
	s14 =	simm.s32 $0x13D40;
	[dreg:$0x9] =	wrdreg s8  }
0x21: {  	s19 =	smax.u32 s7, $0x1;
	s4 =	simm.s32 $0x146C0;
	[dreg:$0xb] =	wrdreg s12  }
0x22: {  	s5 =	simm.s32 $0x14740;
	s16 =	simm.s32 $0x149C0;
	[dreg:$0xc] =	wrdreg s13  }
0x23: {  	s7 =	simm.s32 $0x14BC0;
	s2 =	sadd.s32 s6, s2;
	[dreg:$0xd] =	wrdreg s14  }
0x24: {  	s9 =	simm.s32 $0x13BC0;
	[smem:$0x7FD] =	sst s19;
	s19 =	simm.s32 $0x14CC0  }
0x25: {  	s0 =	simm.s32 $0x145C0;
	s12 =	simm.s32 $0x147C0;
	[dreg:$0x1a] =	wrdreg s11  }
0x26: {  	s13 =	simm.s32 $0x14840;
	[smem:$0x7F8] =	sst s2;
	s2 =	sshrl.u32 s21, $0x3  }
0x27: {  	s14 =	simm.s32 $0x148C0;
	[dreg:$0xa] =	wrdreg s9;
	s2 =	sadd.s32 s6, s2  }
0x28: {  	s21 =	simm.s32 $0x13FC0;
	[smem:$0x7F9] =	sst s2;
	s2 =	sshrl.u32 s26, $0x3  }
0x29: {  	s8 =	simm.s32 $0x14C40;
	[dreg:$0x12] =	wrdreg s21;
	s2 =	sadd.s32 s6, s2  }
0x2a: {  	s26 =	simm.s32 $0x141C0;
	[smem:$0x7FA] =	sst s2;
	s2 =	sshrl.u32 s10, $0x3  }
0x2b: {  	s21 =	simm.s32 $0x138C0;
	[dreg:$0x16] =	wrdreg s26;
	s2 =	sadd.s32 s6, s2  }
0x2c: {  	s26 =	simm.s32 $0x14340;
	[smem:$0x7FB] =	sst s2;
	s2 =	sadd.s32 s6, s15  }
0x2d: {  	s10 =	simm.s32 $0x0;
	s15 =	simm.s32 $0x14940;
	s2 =	sadd.s32 $0x27000, s2  }
0x2e: {  	s6 =	simm.s32 $0x14B40;
	[smem:$0x7FC] =	sst s2;
	s2 =	simm.s32 $0x14640  }
.LBB2_1:
0x2f: {  	[smem:$0x7F7] =	sst s10  }
0x30: {  	s3 =	simm.s32 $0x0;
	s9 =	rddreg [dreg:$0x18]  }
0x31: {  	[tilespmem:s19], [sflag:$0x2] =	stream.linear.gather [hbm4b:s9+s3], $0x4000, $0x38;
	[tilespmem:$0x18CC0] =	vst v63  }
0x32: {  	_ =	swait.ge [sflag:s20], $0x4000  }
0x33: {  	[sflag:s20] =	ssyncset.done $0x0  }
0x34: {  	[sflag:s20] =	ssyncadd.s32 $0xFFFFC000  }
0x35: {  	[spmem:s24] =	stream.linear.scatter [tilespmem:s19], [sflag:$0x2], $0x4000, $0x38;
	[tilespmem:$0x18CC0] =	vst v63  }
0x36: {  	_ =	swait.ge [sflag:s20], $0x4000  }
0x37: {  	[sflag:s20] =	ssyncset.done $0x0  }
0x38: {  	[sflag:s20] =	ssyncadd.s32 $0xFFFFC000  }
0x39: {  	[spmem:s11] =	stream.linear.scatter [tilespmem:s19], [sflag:$0x2], $0x4000, $0x38;
	[tilespmem:$0x18CC0] =	vst v63  }
0x3a: {  	_ =	swait.ge [sflag:s20], $0x4000  }
0x3b: {  	[sflag:s20] =	ssyncset.done $0x0  }
0x3c: {  	s11 =	rddreg [dreg:$0x1b];
	[sflag:s20] =	ssyncadd.s32 $0xFFFFC000  }
0x3d: {  	[spmem:s11] =	stream.linear.scatter [tilespmem:s19], [sflag:$0x2], $0x4000, $0x38;
	[tilespmem:$0x18CC0] =	vst v63  }
0x3e: {  	_ =	swait.ge [sflag:s20], $0x4000  }
0x3f: {  	[sflag:s20] =	ssyncset.done $0x0  }
0x40: {  	s24 =	rddreg [dreg:$0x1c];
	[sflag:s20] =	ssyncadd.s32 $0xFFFFC000  }
0x41: {  	[spmem:s24] =	stream.linear.scatter [tilespmem:s19], [sflag:$0x2], $0x4000, $0x38;
	[tilespmem:$0x18CC0] =	vst v63  }
0x42: {  	_ =	swait.ge [sflag:s20], $0x4000  }
0x43: {  	[sflag:s20] =	ssyncset.done $0x0  }
0x44: {  	s10 =	rddreg [dreg:$0x1d];
	[sflag:s20] =	ssyncadd.s32 $0xFFFFC000  }
0x45: {  	[spmem:s10] =	stream.linear.scatter [tilespmem:s19], [sflag:$0x2], $0x3800, $0x38;
	[tilespmem:$0x18CC0] =	vst v63  }
0x46: {  	_ =	swait.ge [sflag:s20], $0x3800  }
0x47: {  	[sflag:s20] =	ssyncset.done $0x0  }
0x48: {  	s9 =	simm.s32 @!p0 $0x14CC0;
	s10 =	rddreg [dreg:$0x1e];
	[sflag:s20] =	ssyncadd.s32 $0xFFFFC800  }
0x49: {  	[spmem:s10] =	stream.linear.scatter @!p0 [tilespmem:s9], [sflag:$0x2], $0x800, $0x38;
	[tilespmem:$0x18CC0] =	vst v63  }
0x4a: {  	s9 =	simm.s32 @!p0 $0x2  }
0x4b: {  	_ =	swait.ge @!p0 [sflag:s9], $0x800  }
0x4c: {  	[sflag:s9] =	ssyncset.done @!p0 $0x0  }
0x4d: {  	s11 =	rddreg [dreg:$0x17];
	[sflag:s9] =	ssyncadd.s32 @!p0 $0xFFFFF800  }
0x4e: {  	[tilespmem:s19], [sflag:$0x2] =	stream.linear.gather [hbm4b:s11+s3], $0x4000, $0x38;
	[tilespmem:$0x18CC0] =	vst v63  }
0x4f: {  	_ =	swait.ge [sflag:s20], $0x4000  }
0x50: {  	[sflag:s20] =	ssyncset.done $0x0  }
0x51: {  	[sflag:s20] =	ssyncadd.s32 $0xFFFFC000  }
0x52: {  	[bflag:$0x0] =	sbarrier.arrive $0xFFFF  }
0x53: {  	s24 =	rddreg [dreg:$0x4]  }
0x54: {  	s9 =	sadd.s32 $0x0, s24  }
0x55: {  	[tilespmem:s21], [sflag:$0x2] =	stream.linear.gather [hbm4b:s9+s3], $0x1400, $0x38;
	[tilespmem:$0x18CC0] =	vst v63  }
0x56: {  	_ =	swait.ge [sflag:s20], $0x1400  }
0x57: {  	[sflag:s20] =	ssyncset.done $0x0  }
0x58: {  	[sflag:s20] =	ssyncadd.s32 $0xFFFFEC00  }
0x59: {  	[spmem:s1] =	stream.indirect.scatter.add.f32 [tilespmem:s19], [sflag:$0x1], $0x80, s21, s22, $0xb8;
	[tilespmem:$0x18CC0] =	vst v63  }
0x5a: {  	s10 =	rddreg [dreg:$0x5]  }
0x5b: {  	[spmem:s1] =	stream.indirect.scatter.add.f32 [tilespmem:s19], [sflag:$0x1], $0x80, s10, s22, $0xb8;
	[tilespmem:$0x18CC0] =	vst v63  }
0x5c: {  	s11 =	rddreg [dreg:$0x6]  }
0x5d: {  	[spmem:s1] =	stream.indirect.scatter.add.f32 [tilespmem:s19], [sflag:$0x1], $0x80, s11, s22, $0xb8;
	[tilespmem:$0x18CC0] =	vst v63  }
0x5e: {  	s3 =	rddreg [dreg:$0x7]  }
0x5f: {  	[spmem:s1] =	stream.indirect.scatter.add.f32 [tilespmem:s19], [sflag:$0x1], $0x80, s3, s22, $0xb8;
	[tilespmem:$0x18CC0] =	vst v63  }
0x60: {  	s11 =	rddreg [dreg:$0x8]  }
0x61: {  	[spmem:s1] =	stream.indirect.scatter.add.f32 [tilespmem:s19], [sflag:$0x1], $0x80, s11, s22, $0xb8;
	[tilespmem:$0x18CC0] =	vst v63  }
0x62: {  	s3 =	rddreg [dreg:$0x9]  }
0x63: {  	[spmem:s1] =	stream.indirect.scatter.add.f32 [tilespmem:s19], [sflag:$0x1], $0x80, s3, s22, $0xb8;
	[tilespmem:$0x18CC0] =	vst v63  }
0x64: {  	s11 =	rddreg [dreg:$0xa]  }
0x65: {  	[spmem:s1] =	stream.indirect.scatter.add.f32 [tilespmem:s19], [sflag:$0x1], $0x80, s11, s22, $0xb8;
	[tilespmem:$0x18CC0] =	vst v63  }
0x66: {  	s3 =	rddreg [dreg:$0xb]  }
0x67: {  	[spmem:s1] =	stream.indirect.scatter.add.f32 [tilespmem:s19], [sflag:$0x1], $0x80, s3, s22, $0xb8;
	[tilespmem:$0x18CC0] =	vst v63  }
0x68: {  	_ =	swait.ge [sflag:s23], $0x4000  }
0x69: {  	[sflag:s23] =	ssyncset.done $0x0  }
0x6a: {  	[sflag:s23] =	ssyncadd.s32 $0xFFFFC000  }
0x6b: {  	_ =	swait.ge [sflag:s23], $0x4000  }
0x6c: {  	[sflag:s23] =	ssyncset.done $0x0  }
0x6d: {  	[sflag:s23] =	ssyncadd.s32 $0xFFFFC000  }
0x6e: {  	_ =	swait.ge [sflag:s23], $0x4000  }
0x6f: {  	[sflag:s23] =	ssyncset.done $0x0  }
0x70: {  	[sflag:s23] =	ssyncadd.s32 $0xFFFFC000  }
0x71: {  	_ =	swait.ge [sflag:s23], $0x4000  }
0x72: {  	[sflag:s23] =	ssyncset.done $0x0  }
0x73: {  	[sflag:s23] =	ssyncadd.s32 $0xFFFFC000  }
0x74: {  	_ =	swait.ge [sflag:s23], $0x4000  }
0x75: {  	[sflag:s23] =	ssyncset.done $0x0  }
0x76: {  	[sflag:s23] =	ssyncadd.s32 $0xFFFFC000  }
0x77: {  	_ =	swait.ge [sflag:s23], $0x4000  }
0x78: {  	[sflag:s23] =	ssyncset.done $0x0  }
0x79: {  	[sflag:s23] =	ssyncadd.s32 $0xFFFFC000  }
0x7a: {  	_ =	swait.ge [sflag:s23], $0x4000  }
0x7b: {  	[sflag:s23] =	ssyncset.done $0x0  }
0x7c: {  	[sflag:s23] =	ssyncadd.s32 $0xFFFFC000  }
0x7d: {  	_ =	swait.ge [sflag:s23], $0x4000  }
0x7e: {  	[sflag:s23] =	ssyncset.done $0x0  }
0x7f: {  	s11 =	rddreg [dreg:$0xc];
	[sflag:s23] =	ssyncadd.s32 $0xFFFFC000  }
0x80: {  	[spmem:s1] =	stream.indirect.scatter.add.f32 [tilespmem:s19], [sflag:$0x1], $0x80, s11, s22, $0xb8;
	[tilespmem:$0x18CC0] =	vst v63  }
0x81: {  	s3 =	rddreg [dreg:$0xd]  }
0x82: {  	[spmem:s1] =	stream.indirect.scatter.add.f32 [tilespmem:s19], [sflag:$0x1], $0x80, s3, s22, $0xb8;
	[tilespmem:$0x18CC0] =	vst v63  }
0x83: {  	s11 =	rddreg [dreg:$0xe]  }
0x84: {  	[spmem:s1] =	stream.indirect.scatter.add.f32 [tilespmem:s19], [sflag:$0x1], $0x80, s11, s22, $0xb8;
	[tilespmem:$0x18CC0] =	vst v63  }
0x85: {  	s3 =	rddreg [dreg:$0xf]  }
0x86: {  	[spmem:s1] =	stream.indirect.scatter.add.f32 [tilespmem:s19], [sflag:$0x1], $0x80, s3, s22, $0xb8;
	[tilespmem:$0x18CC0] =	vst v63  }
0x87: {  	s11 =	rddreg [dreg:$0x10]  }
0x88: {  	[spmem:s1] =	stream.indirect.scatter.add.f32 [tilespmem:s19], [sflag:$0x1], $0x80, s11, s22, $0xb8;
	[tilespmem:$0x18CC0] =	vst v63  }
0x89: {  	s3 =	rddreg [dreg:$0x11]  }
0x8a: {  	[spmem:s1] =	stream.indirect.scatter.add.f32 [tilespmem:s19], [sflag:$0x1], $0x80, s3, s22, $0xb8;
	[tilespmem:$0x18CC0] =	vst v63  }
0x8b: {  	s11 =	rddreg [dreg:$0x12]  }
0x8c: {  	[spmem:s1] =	stream.indirect.scatter.add.f32 [tilespmem:s19], [sflag:$0x1], $0x80, s11, s22, $0xb8;
	[tilespmem:$0x18CC0] =	vst v63  }
0x8d: {  	s3 =	rddreg [dreg:$0x13]  }
0x8e: {  	[spmem:s1] =	stream.indirect.scatter.add.f32 [tilespmem:s19], [sflag:$0x1], $0x80, s3, s22, $0xb8;
	[tilespmem:$0x18CC0] =	vst v63  }
0x8f: {  	_ =	swait.ge [sflag:s23], $0x4000  }
0x90: {  	[sflag:s23] =	ssyncset.done $0x0  }
0x91: {  	[sflag:s23] =	ssyncadd.s32 $0xFFFFC000  }
0x92: {  	_ =	swait.ge [sflag:s23], $0x4000  }
0x93: {  	[sflag:s23] =	ssyncset.done $0x0  }
0x94: {  	[sflag:s23] =	ssyncadd.s32 $0xFFFFC000  }
0x95: {  	_ =	swait.ge [sflag:s23], $0x4000  }
0x96: {  	[sflag:s23] =	ssyncset.done $0x0  }
0x97: {  	[sflag:s23] =	ssyncadd.s32 $0xFFFFC000  }
0x98: {  	_ =	swait.ge [sflag:s23], $0x4000  }
0x99: {  	[sflag:s23] =	ssyncset.done $0x0  }
0x9a: {  	[sflag:s23] =	ssyncadd.s32 $0xFFFFC000  }
0x9b: {  	_ =	swait.ge [sflag:s23], $0x4000  }
0x9c: {  	[sflag:s23] =	ssyncset.done $0x0  }
0x9d: {  	[sflag:s23] =	ssyncadd.s32 $0xFFFFC000  }
0x9e: {  	_ =	swait.ge [sflag:s23], $0x4000  }
0x9f: {  	[sflag:s23] =	ssyncset.done $0x0  }
0xa0: {  	[sflag:s23] =	ssyncadd.s32 $0xFFFFC000  }
0xa1: {  	_ =	swait.ge [sflag:s23], $0x4000  }
0xa2: {  	[sflag:s23] =	ssyncset.done $0x0  }
0xa3: {  	[sflag:s23] =	ssyncadd.s32 $0xFFFFC000  }
0xa4: {  	_ =	swait.ge [sflag:s23], $0x4000  }
0xa5: {  	[sflag:s23] =	ssyncset.done $0x0  }
0xa6: {  	s10 =	rddreg [dreg:$0x14];
	[sflag:s23] =	ssyncadd.s32 $0xFFFFC000  }
0xa7: {  	[spmem:s1] =	stream.indirect.scatter.add.f32 [tilespmem:s19], [sflag:$0x1], $0x80, s10, s22, $0xb8;
	[tilespmem:$0x18CC0] =	vst v63  }
0xa8: {  	s11 =	rddreg [dreg:$0x15]  }
0xa9: {  	[spmem:s1] =	stream.indirect.scatter.add.f32 [tilespmem:s19], [sflag:$0x1], $0x80, s11, s22, $0xb8;
	[tilespmem:$0x18CC0] =	vst v63  }
0xaa: {  	s3 =	rddreg [dreg:$0x16]  }
0xab: {  	[spmem:s1] =	stream.indirect.scatter.add.f32 [tilespmem:s19], [sflag:$0x1], $0x80, s3, s22, $0xb8;
	[tilespmem:$0x18CC0] =	vst v63  }
0xac: {  	s11 =	simm.s32 $0x14240  }
0xad: {  	[spmem:s1] =	stream.indirect.scatter.add.f32 [tilespmem:s19], [sflag:$0x1], $0x80, s11, s22, $0xb8;
	[tilespmem:$0x18CC0] =	vst v63  }
0xae: {  	_ = 	snop  }
0xaf: {  	[spmem:s1] =	stream.indirect.scatter.add.f32 [tilespmem:s19], [sflag:$0x1], $0x80, s25, s22, $0xb8;
	[tilespmem:$0x18CC0] =	vst v63  }
0xb0: {  	_ = 	snop  }
0xb1: {  	[spmem:s1] =	stream.indirect.scatter.add.f32 [tilespmem:s19], [sflag:$0x1], $0x80, s26, s22, $0xb8;
	[tilespmem:$0x18CC0] =	vst v63  }
0xb2: {  	_ = 	snop  }
0xb3: {  	[spmem:s1] =	stream.indirect.scatter.add.f32 [tilespmem:s19], [sflag:$0x1], $0x80, s28, s22, $0xb8;
	[tilespmem:$0x18CC0] =	vst v63  }
0xb4: {  	_ = 	snop  }
0xb5: {  	[spmem:s1] =	stream.indirect.scatter.add.f32 [tilespmem:s19], [sflag:$0x1], $0x80, s29, s22, $0xb8;
	[tilespmem:$0x18CC0] =	vst v63  }
0xb6: {  	_ =	swait.ge [sflag:s23], $0x4000  }
0xb7: {  	[sflag:s23] =	ssyncset.done $0x0  }
0xb8: {  	[sflag:s23] =	ssyncadd.s32 $0xFFFFC000  }
0xb9: {  	_ =	swait.ge [sflag:s23], $0x4000  }
0xba: {  	[sflag:s23] =	ssyncset.done $0x0  }
0xbb: {  	[sflag:s23] =	ssyncadd.s32 $0xFFFFC000  }
0xbc: {  	_ =	swait.ge [sflag:s23], $0x4000  }
0xbd: {  	[sflag:s23] =	ssyncset.done $0x0  }
0xbe: {  	[sflag:s23] =	ssyncadd.s32 $0xFFFFC000  }
0xbf: {  	_ =	swait.ge [sflag:s23], $0x4000  }
0xc0: {  	[sflag:s23] =	ssyncset.done $0x0  }
0xc1: {  	[sflag:s23] =	ssyncadd.s32 $0xFFFFC000  }
0xc2: {  	_ =	swait.ge [sflag:s23], $0x4000  }
0xc3: {  	[sflag:s23] =	ssyncset.done $0x0  }
0xc4: {  	[sflag:s23] =	ssyncadd.s32 $0xFFFFC000  }
0xc5: {  	_ =	swait.ge [sflag:s23], $0x4000  }
0xc6: {  	[sflag:s23] =	ssyncset.done $0x0  }
0xc7: {  	[sflag:s23] =	ssyncadd.s32 $0xFFFFC000  }
0xc8: {  	_ =	swait.ge [sflag:s23], $0x4000  }
0xc9: {  	[sflag:s23] =	ssyncset.done $0x0  }
0xca: {  	[sflag:s23] =	ssyncadd.s32 $0xFFFFC000  }
0xcb: {  	_ =	swait.ge [sflag:s23], $0x4000  }
0xcc: {  	[sflag:s23] =	ssyncset.done $0x0  }
0xcd: {  	[sflag:s23] =	ssyncadd.s32 $0xFFFFC000  }
0xce: {  	[spmem:s1] =	stream.indirect.scatter.add.f32 [tilespmem:s19], [sflag:$0x1], $0x80, s30, s22, $0xb8;
	[tilespmem:$0x18CC0] =	vst v63  }
0xcf: {  	_ = 	snop  }
0xd0: {  	[spmem:s1] =	stream.indirect.scatter.add.f32 [tilespmem:s19], [sflag:$0x1], $0x80, s31, s22, $0xb8;
	[tilespmem:$0x18CC0] =	vst v63  }
0xd1: {  	_ = 	snop  }
0xd2: {  	[spmem:s1] =	stream.indirect.scatter.add.f32 [tilespmem:s19], [sflag:$0x1], $0x80, s0, s22, $0xb8;
	[tilespmem:$0x18CC0] =	vst v63  }
0xd3: {  	_ = 	snop  }
0xd4: {  	[spmem:s1] =	stream.indirect.scatter.add.f32 [tilespmem:s19], [sflag:$0x1], $0x80, s2, s22, $0xb8;
	[tilespmem:$0x18CC0] =	vst v63  }
0xd5: {  	_ = 	snop  }
0xd6: {  	[spmem:s1] =	stream.indirect.scatter.add.f32 [tilespmem:s19], [sflag:$0x1], $0x80, s4, s22, $0xb8;
	[tilespmem:$0x18CC0] =	vst v63  }
0xd7: {  	_ = 	snop  }
0xd8: {  	[spmem:s1] =	stream.indirect.scatter.add.f32 [tilespmem:s19], [sflag:$0x1], $0x80, s5, s22, $0xb8;
	[tilespmem:$0x18CC0] =	vst v63  }
0xd9: {  	_ = 	snop  }
0xda: {  	[spmem:s1] =	stream.indirect.scatter.add.f32 [tilespmem:s19], [sflag:$0x1], $0x80, s12, s22, $0xb8;
	[tilespmem:$0x18CC0] =	vst v63  }
0xdb: {  	_ = 	snop  }
0xdc: {  	[spmem:s1] =	stream.indirect.scatter.add.f32 [tilespmem:s19], [sflag:$0x1], $0x80, s13, s22, $0xb8;
	[tilespmem:$0x18CC0] =	vst v63  }
0xdd: {  	_ =	swait.ge [sflag:s23], $0x4000  }
0xde: {  	[sflag:s23] =	ssyncset.done $0x0  }
0xdf: {  	[sflag:s23] =	ssyncadd.s32 $0xFFFFC000  }
0xe0: {  	_ =	swait.ge [sflag:s23], $0x4000  }
0xe1: {  	[sflag:s23] =	ssyncset.done $0x0  }
0xe2: {  	[sflag:s23] =	ssyncadd.s32 $0xFFFFC000  }
0xe3: {  	_ =	swait.ge [sflag:s23], $0x4000  }
0xe4: {  	[sflag:s23] =	ssyncset.done $0x0  }
0xe5: {  	[sflag:s23] =	ssyncadd.s32 $0xFFFFC000  }
0xe6: {  	_ =	swait.ge [sflag:s23], $0x4000  }
0xe7: {  	[sflag:s23] =	ssyncset.done $0x0  }
0xe8: {  	[sflag:s23] =	ssyncadd.s32 $0xFFFFC000  }
0xe9: {  	_ =	swait.ge [sflag:s23], $0x4000  }
0xea: {  	[sflag:s23] =	ssyncset.done $0x0  }
0xeb: {  	[sflag:s23] =	ssyncadd.s32 $0xFFFFC000  }
0xec: {  	_ =	swait.ge [sflag:s23], $0x4000  }
0xed: {  	[sflag:s23] =	ssyncset.done $0x0  }
0xee: {  	[sflag:s23] =	ssyncadd.s32 $0xFFFFC000  }
0xef: {  	_ =	swait.ge [sflag:s23], $0x4000  }
0xf0: {  	[sflag:s23] =	ssyncset.done $0x0  }
0xf1: {  	[sflag:s23] =	ssyncadd.s32 $0xFFFFC000  }
0xf2: {  	_ =	swait.ge [sflag:s23], $0x4000  }
0xf3: {  	[sflag:s23] =	ssyncset.done $0x0  }
0xf4: {  	[sflag:s23] =	ssyncadd.s32 $0xFFFFC000  }
0xf5: {  	[spmem:s1] =	stream.indirect.scatter.add.f32 [tilespmem:s19], [sflag:$0x1], $0x80, s14, s22, $0xb8;
	[tilespmem:$0x18CC0] =	vst v63  }
0xf6: {  	_ = 	snop  }
0xf7: {  	[spmem:s1] =	stream.indirect.scatter.add.f32 [tilespmem:s19], [sflag:$0x1], $0x80, s15, s22, $0xb8;
	[tilespmem:$0x18CC0] =	vst v63  }
0xf8: {  	_ = 	snop  }
0xf9: {  	[spmem:s1] =	stream.indirect.scatter.add.f32 [tilespmem:s19], [sflag:$0x1], $0x80, s16, s22, $0xb8;
	[tilespmem:$0x18CC0] =	vst v63  }
0xfa: {  	_ = 	snop  }
0xfb: {  	[spmem:s1] =	stream.indirect.scatter.add.f32 [tilespmem:s19], [sflag:$0x1], $0x80, s17, s22, $0xb8;
	[tilespmem:$0x18CC0] =	vst v63  }
0xfc: {  	_ = 	snop  }
0xfd: {  	[spmem:s1] =	stream.indirect.scatter.add.f32 [tilespmem:s19], [sflag:$0x1], $0x80, s18, s22, $0xb8;
	[tilespmem:$0x18CC0] =	vst v63  }
0xfe: {  	_ = 	snop  }
0xff: {  	[spmem:s1] =	stream.indirect.scatter.add.f32 [tilespmem:s19], [sflag:$0x1], $0x80, s6, s22, $0xb8;
	[tilespmem:$0x18CC0] =	vst v63  }
0x100: {  	_ = 	snop  }
0x101: {  	[spmem:s1] =	stream.indirect.scatter.add.f32 [tilespmem:s19], [sflag:$0x1], $0x80, s7, s22, $0xb8;
	[tilespmem:$0x18CC0] =	vst v63  }
0x102: {  	_ = 	snop  }
0x103: {  	[spmem:s1] =	stream.indirect.scatter.add.f32 [tilespmem:s19], [sflag:$0x1], $0x80, s8, s22, $0xb8;
	[tilespmem:$0x18CC0] =	vst v63  }
0x104: {  	_ =	swait.ge [sflag:s23], $0x4000  }
0x105: {  	[sflag:s23] =	ssyncset.done $0x0  }
0x106: {  	[sflag:s23] =	ssyncadd.s32 $0xFFFFC000  }
0x107: {  	_ =	swait.ge [sflag:s23], $0x4000  }
0x108: {  	[sflag:s23] =	ssyncset.done $0x0  }
0x109: {  	[sflag:s23] =	ssyncadd.s32 $0xFFFFC000  }
0x10a: {  	_ =	swait.ge [sflag:s23], $0x4000  }
0x10b: {  	[sflag:s23] =	ssyncset.done $0x0  }
0x10c: {  	[sflag:s23] =	ssyncadd.s32 $0xFFFFC000  }
0x10d: {  	_ =	swait.ge [sflag:s23], $0x4000  }
0x10e: {  	[sflag:s23] =	ssyncset.done $0x0  }
0x10f: {  	[sflag:s23] =	ssyncadd.s32 $0xFFFFC000  }
0x110: {  	_ =	swait.ge [sflag:s23], $0x4000  }
0x111: {  	[sflag:s23] =	ssyncset.done $0x0  }
0x112: {  	[sflag:s23] =	ssyncadd.s32 $0xFFFFC000  }
0x113: {  	_ =	swait.ge [sflag:s23], $0x4000  }
0x114: {  	[sflag:s23] =	ssyncset.done $0x0  }
0x115: {  	[sflag:s23] =	ssyncadd.s32 $0xFFFFC000  }
0x116: {  	_ =	swait.ge [sflag:s23], $0x4000  }
0x117: {  	[sflag:s23] =	ssyncset.done $0x0  }
0x118: {  	[sflag:s23] =	ssyncadd.s32 $0xFFFFC000  }
0x119: {  	s24 =	simm.s32 $0x0;
	s10 =	simm.s32 $0x280;
	_ =	swait.ge [sflag:s23], $0x4000  }
0x11a: {  	s11 =	simm.s32 $0x500;
	s9 =	rddreg [dreg:$0x4];
	[sflag:s23] =	ssyncset.done $0x0  }
.LBB2_2:
0x11b: {  	[sflag:s23] =	ssyncadd.s32 $0xFFFFC000;
	s9 =	sadd.s32 s10, s9  }
0x11c: {  	[tilespmem:s21], [sflag:$0x2] =	stream.linear.gather [hbm4b:s9+s24], $0x1400, $0x38;
	[tilespmem:$0x18CC0] =	vst v63  }
0x11d: {  	_ =	swait.ge [sflag:s20], $0x1400  }
0x11e: {  	[sflag:s20] =	ssyncset.done $0x0  }
0x11f: {  	s3 =	smov.u32 s11;
	[sflag:s20] =	ssyncadd.s32 $0xFFFFEC00  }
0x120: {  	[spmem:s1] =	stream.indirect.scatter.add.f32 [tilespmem:s19], [sflag:$0x1], $0x80, s21, s22, $0xb8;
	[tilespmem:$0x18CC0] =	vst v63  }
0x121: {  	s10 =	smov.u32 s3;
	s3 =	rddreg [dreg:$0x5]  }
0x122: {  	[spmem:s1] =	stream.indirect.scatter.add.f32 [tilespmem:s19], [sflag:$0x1], $0x80, s3, s22, $0xb8;
	[tilespmem:$0x18CC0] =	vst v63  }
0x123: {  	s9 =	rddreg [dreg:$0x6]  }
0x124: {  	[spmem:s1] =	stream.indirect.scatter.add.f32 [tilespmem:s19], [sflag:$0x1], $0x80, s9, s22, $0xb8;
	[tilespmem:$0x18CC0] =	vst v63  }
0x125: {  	s3 =	rddreg [dreg:$0x7]  }
0x126: {  	[spmem:s1] =	stream.indirect.scatter.add.f32 [tilespmem:s19], [sflag:$0x1], $0x80, s3, s22, $0xb8;
	[tilespmem:$0x18CC0] =	vst v63  }
0x127: {  	s9 =	rddreg [dreg:$0x8]  }
0x128: {  	[spmem:s1] =	stream.indirect.scatter.add.f32 [tilespmem:s19], [sflag:$0x1], $0x80, s9, s22, $0xb8;
	[tilespmem:$0x18CC0] =	vst v63  }
0x129: {  	s3 =	rddreg [dreg:$0x9]  }
0x12a: {  	[spmem:s1] =	stream.indirect.scatter.add.f32 [tilespmem:s19], [sflag:$0x1], $0x80, s3, s22, $0xb8;
	[tilespmem:$0x18CC0] =	vst v63  }
0x12b: {  	s9 =	rddreg [dreg:$0xa]  }
0x12c: {  	[spmem:s1] =	stream.indirect.scatter.add.f32 [tilespmem:s19], [sflag:$0x1], $0x80, s9, s22, $0xb8;
	[tilespmem:$0x18CC0] =	vst v63  }
0x12d: {  	s3 =	rddreg [dreg:$0xb]  }
0x12e: {  	[spmem:s1] =	stream.indirect.scatter.add.f32 [tilespmem:s19], [sflag:$0x1], $0x80, s3, s22, $0xb8;
	[tilespmem:$0x18CC0] =	vst v63  }
0x12f: {  	_ =	swait.ge [sflag:s23], $0x4000  }
0x130: {  	[sflag:s23] =	ssyncset.done $0x0  }
0x131: {  	[sflag:s23] =	ssyncadd.s32 $0xFFFFC000  }
0x132: {  	_ =	swait.ge [sflag:s23], $0x4000  }
0x133: {  	[sflag:s23] =	ssyncset.done $0x0  }
0x134: {  	[sflag:s23] =	ssyncadd.s32 $0xFFFFC000  }
0x135: {  	_ =	swait.ge [sflag:s23], $0x4000  }
0x136: {  	[sflag:s23] =	ssyncset.done $0x0  }
0x137: {  	[sflag:s23] =	ssyncadd.s32 $0xFFFFC000  }
0x138: {  	_ =	swait.ge [sflag:s23], $0x4000  }
0x139: {  	[sflag:s23] =	ssyncset.done $0x0  }
0x13a: {  	[sflag:s23] =	ssyncadd.s32 $0xFFFFC000  }
0x13b: {  	_ =	swait.ge [sflag:s23], $0x4000  }
0x13c: {  	[sflag:s23] =	ssyncset.done $0x0  }
0x13d: {  	[sflag:s23] =	ssyncadd.s32 $0xFFFFC000  }
0x13e: {  	_ =	swait.ge [sflag:s23], $0x4000  }
0x13f: {  	[sflag:s23] =	ssyncset.done $0x0  }
0x140: {  	[sflag:s23] =	ssyncadd.s32 $0xFFFFC000  }
0x141: {  	_ =	swait.ge [sflag:s23], $0x4000  }
0x142: {  	[sflag:s23] =	ssyncset.done $0x0  }
0x143: {  	[sflag:s23] =	ssyncadd.s32 $0xFFFFC000  }
0x144: {  	_ =	swait.ge [sflag:s23], $0x4000  }
0x145: {  	[sflag:s23] =	ssyncset.done $0x0  }
0x146: {  	s3 =	rddreg [dreg:$0xc];
	[sflag:s23] =	ssyncadd.s32 $0xFFFFC000  }
0x147: {  	[spmem:s1] =	stream.indirect.scatter.add.f32 [tilespmem:s19], [sflag:$0x1], $0x80, s3, s22, $0xb8;
	[tilespmem:$0x18CC0] =	vst v63  }
0x148: {  	s9 =	rddreg [dreg:$0xd]  }
0x149: {  	[spmem:s1] =	stream.indirect.scatter.add.f32 [tilespmem:s19], [sflag:$0x1], $0x80, s9, s22, $0xb8;
	[tilespmem:$0x18CC0] =	vst v63  }
0x14a: {  	s3 =	rddreg [dreg:$0xe]  }
0x14b: {  	[spmem:s1] =	stream.indirect.scatter.add.f32 [tilespmem:s19], [sflag:$0x1], $0x80, s3, s22, $0xb8;
	[tilespmem:$0x18CC0] =	vst v63  }
0x14c: {  	s9 =	rddreg [dreg:$0xf]  }
0x14d: {  	[spmem:s1] =	stream.indirect.scatter.add.f32 [tilespmem:s19], [sflag:$0x1], $0x80, s9, s22, $0xb8;
	[tilespmem:$0x18CC0] =	vst v63  }
0x14e: {  	s3 =	rddreg [dreg:$0x10]  }
0x14f: {  	[spmem:s1] =	stream.indirect.scatter.add.f32 [tilespmem:s19], [sflag:$0x1], $0x80, s3, s22, $0xb8;
	[tilespmem:$0x18CC0] =	vst v63  }
0x150: {  	s9 =	rddreg [dreg:$0x11]  }
0x151: {  	[spmem:s1] =	stream.indirect.scatter.add.f32 [tilespmem:s19], [sflag:$0x1], $0x80, s9, s22, $0xb8;
	[tilespmem:$0x18CC0] =	vst v63  }
0x152: {  	s3 =	rddreg [dreg:$0x12]  }
0x153: {  	[spmem:s1] =	stream.indirect.scatter.add.f32 [tilespmem:s19], [sflag:$0x1], $0x80, s3, s22, $0xb8;
	[tilespmem:$0x18CC0] =	vst v63  }
0x154: {  	s9 =	rddreg [dreg:$0x13]  }
0x155: {  	[spmem:s1] =	stream.indirect.scatter.add.f32 [tilespmem:s19], [sflag:$0x1], $0x80, s9, s22, $0xb8;
	[tilespmem:$0x18CC0] =	vst v63  }
0x156: {  	_ =	swait.ge [sflag:s23], $0x4000  }
0x157: {  	[sflag:s23] =	ssyncset.done $0x0  }
0x158: {  	[sflag:s23] =	ssyncadd.s32 $0xFFFFC000  }
0x159: {  	_ =	swait.ge [sflag:s23], $0x4000  }
0x15a: {  	[sflag:s23] =	ssyncset.done $0x0  }
0x15b: {  	[sflag:s23] =	ssyncadd.s32 $0xFFFFC000  }
0x15c: {  	_ =	swait.ge [sflag:s23], $0x4000  }
0x15d: {  	[sflag:s23] =	ssyncset.done $0x0  }
0x15e: {  	[sflag:s23] =	ssyncadd.s32 $0xFFFFC000  }
0x15f: {  	_ =	swait.ge [sflag:s23], $0x4000  }
0x160: {  	[sflag:s23] =	ssyncset.done $0x0  }
0x161: {  	[sflag:s23] =	ssyncadd.s32 $0xFFFFC000  }
0x162: {  	_ =	swait.ge [sflag:s23], $0x4000  }
0x163: {  	[sflag:s23] =	ssyncset.done $0x0  }
0x164: {  	[sflag:s23] =	ssyncadd.s32 $0xFFFFC000  }
0x165: {  	_ =	swait.ge [sflag:s23], $0x4000  }
0x166: {  	[sflag:s23] =	ssyncset.done $0x0  }
0x167: {  	[sflag:s23] =	ssyncadd.s32 $0xFFFFC000  }
0x168: {  	_ =	swait.ge [sflag:s23], $0x4000  }
0x169: {  	[sflag:s23] =	ssyncset.done $0x0  }
0x16a: {  	[sflag:s23] =	ssyncadd.s32 $0xFFFFC000  }
0x16b: {  	_ =	swait.ge [sflag:s23], $0x4000  }
0x16c: {  	[sflag:s23] =	ssyncset.done $0x0  }
0x16d: {  	s3 =	rddreg [dreg:$0x14];
	[sflag:s23] =	ssyncadd.s32 $0xFFFFC000  }
0x16e: {  	[spmem:s1] =	stream.indirect.scatter.add.f32 [tilespmem:s19], [sflag:$0x1], $0x80, s3, s22, $0xb8;
	[tilespmem:$0x18CC0] =	vst v63  }
0x16f: {  	s9 =	rddreg [dreg:$0x15]  }
0x170: {  	[spmem:s1] =	stream.indirect.scatter.add.f32 [tilespmem:s19], [sflag:$0x1], $0x80, s9, s22, $0xb8;
	[tilespmem:$0x18CC0] =	vst v63  }
0x171: {  	s3 =	rddreg [dreg:$0x16]  }
0x172: {  	[spmem:s1] =	stream.indirect.scatter.add.f32 [tilespmem:s19], [sflag:$0x1], $0x80, s3, s22, $0xb8;
	[tilespmem:$0x18CC0] =	vst v63  }
0x173: {  	s9 =	simm.s32 $0x14240  }
0x174: {  	[spmem:s1] =	stream.indirect.scatter.add.f32 [tilespmem:s19], [sflag:$0x1], $0x80, s9, s22, $0xb8;
	[tilespmem:$0x18CC0] =	vst v63  }
0x175: {  	_ = 	snop  }
0x176: {  	[spmem:s1] =	stream.indirect.scatter.add.f32 [tilespmem:s19], [sflag:$0x1], $0x80, s25, s22, $0xb8;
	[tilespmem:$0x18CC0] =	vst v63  }
0x177: {  	_ = 	snop  }
0x178: {  	[spmem:s1] =	stream.indirect.scatter.add.f32 [tilespmem:s19], [sflag:$0x1], $0x80, s26, s22, $0xb8;
	[tilespmem:$0x18CC0] =	vst v63  }
0x179: {  	_ = 	snop  }
0x17a: {  	[spmem:s1] =	stream.indirect.scatter.add.f32 [tilespmem:s19], [sflag:$0x1], $0x80, s28, s22, $0xb8;
	[tilespmem:$0x18CC0] =	vst v63  }
0x17b: {  	_ = 	snop  }
0x17c: {  	[spmem:s1] =	stream.indirect.scatter.add.f32 [tilespmem:s19], [sflag:$0x1], $0x80, s29, s22, $0xb8;
	[tilespmem:$0x18CC0] =	vst v63  }
0x17d: {  	_ =	swait.ge [sflag:s23], $0x4000  }
0x17e: {  	[sflag:s23] =	ssyncset.done $0x0  }
0x17f: {  	[sflag:s23] =	ssyncadd.s32 $0xFFFFC000  }
0x180: {  	_ =	swait.ge [sflag:s23], $0x4000  }
0x181: {  	[sflag:s23] =	ssyncset.done $0x0  }
0x182: {  	[sflag:s23] =	ssyncadd.s32 $0xFFFFC000  }
0x183: {  	_ =	swait.ge [sflag:s23], $0x4000  }
0x184: {  	[sflag:s23] =	ssyncset.done $0x0  }
0x185: {  	[sflag:s23] =	ssyncadd.s32 $0xFFFFC000  }
0x186: {  	_ =	swait.ge [sflag:s23], $0x4000  }
0x187: {  	[sflag:s23] =	ssyncset.done $0x0  }
0x188: {  	[sflag:s23] =	ssyncadd.s32 $0xFFFFC000  }
0x189: {  	_ =	swait.ge [sflag:s23], $0x4000  }
0x18a: {  	[sflag:s23] =	ssyncset.done $0x0  }
0x18b: {  	[sflag:s23] =	ssyncadd.s32 $0xFFFFC000  }
0x18c: {  	_ =	swait.ge [sflag:s23], $0x4000  }
0x18d: {  	[sflag:s23] =	ssyncset.done $0x0  }
0x18e: {  	[sflag:s23] =	ssyncadd.s32 $0xFFFFC000  }
0x18f: {  	_ =	swait.ge [sflag:s23], $0x4000  }
0x190: {  	[sflag:s23] =	ssyncset.done $0x0  }
0x191: {  	[sflag:s23] =	ssyncadd.s32 $0xFFFFC000  }
0x192: {  	_ =	swait.ge [sflag:s23], $0x4000  }
0x193: {  	[sflag:s23] =	ssyncset.done $0x0  }
0x194: {  	[sflag:s23] =	ssyncadd.s32 $0xFFFFC000  }
0x195: {  	[spmem:s1] =	stream.indirect.scatter.add.f32 [tilespmem:s19], [sflag:$0x1], $0x80, s30, s22, $0xb8;
	[tilespmem:$0x18CC0] =	vst v63  }
0x196: {  	_ = 	snop  }
0x197: {  	[spmem:s1] =	stream.indirect.scatter.add.f32 [tilespmem:s19], [sflag:$0x1], $0x80, s31, s22, $0xb8;
	[tilespmem:$0x18CC0] =	vst v63  }
0x198: {  	_ = 	snop  }
0x199: {  	[spmem:s1] =	stream.indirect.scatter.add.f32 [tilespmem:s19], [sflag:$0x1], $0x80, s0, s22, $0xb8;
	[tilespmem:$0x18CC0] =	vst v63  }
0x19a: {  	_ = 	snop  }
0x19b: {  	[spmem:s1] =	stream.indirect.scatter.add.f32 [tilespmem:s19], [sflag:$0x1], $0x80, s2, s22, $0xb8;
	[tilespmem:$0x18CC0] =	vst v63  }
0x19c: {  	_ = 	snop  }
0x19d: {  	[spmem:s1] =	stream.indirect.scatter.add.f32 [tilespmem:s19], [sflag:$0x1], $0x80, s4, s22, $0xb8;
	[tilespmem:$0x18CC0] =	vst v63  }
0x19e: {  	_ = 	snop  }
0x19f: {  	[spmem:s1] =	stream.indirect.scatter.add.f32 [tilespmem:s19], [sflag:$0x1], $0x80, s5, s22, $0xb8;
	[tilespmem:$0x18CC0] =	vst v63  }
0x1a0: {  	_ = 	snop  }
0x1a1: {  	[spmem:s1] =	stream.indirect.scatter.add.f32 [tilespmem:s19], [sflag:$0x1], $0x80, s12, s22, $0xb8;
	[tilespmem:$0x18CC0] =	vst v63  }
0x1a2: {  	_ = 	snop  }
0x1a3: {  	[spmem:s1] =	stream.indirect.scatter.add.f32 [tilespmem:s19], [sflag:$0x1], $0x80, s13, s22, $0xb8;
	[tilespmem:$0x18CC0] =	vst v63  }
0x1a4: {  	_ =	swait.ge [sflag:s23], $0x4000  }
0x1a5: {  	[sflag:s23] =	ssyncset.done $0x0  }
0x1a6: {  	[sflag:s23] =	ssyncadd.s32 $0xFFFFC000  }
0x1a7: {  	_ =	swait.ge [sflag:s23], $0x4000  }
0x1a8: {  	[sflag:s23] =	ssyncset.done $0x0  }
0x1a9: {  	[sflag:s23] =	ssyncadd.s32 $0xFFFFC000  }
0x1aa: {  	_ =	swait.ge [sflag:s23], $0x4000  }
0x1ab: {  	[sflag:s23] =	ssyncset.done $0x0  }
0x1ac: {  	[sflag:s23] =	ssyncadd.s32 $0xFFFFC000  }
0x1ad: {  	_ =	swait.ge [sflag:s23], $0x4000  }
0x1ae: {  	[sflag:s23] =	ssyncset.done $0x0  }
0x1af: {  	[sflag:s23] =	ssyncadd.s32 $0xFFFFC000  }
0x1b0: {  	_ =	swait.ge [sflag:s23], $0x4000  }
0x1b1: {  	[sflag:s23] =	ssyncset.done $0x0  }
0x1b2: {  	[sflag:s23] =	ssyncadd.s32 $0xFFFFC000  }
0x1b3: {  	_ =	swait.ge [sflag:s23], $0x4000  }
0x1b4: {  	[sflag:s23] =	ssyncset.done $0x0  }
0x1b5: {  	[sflag:s23] =	ssyncadd.s32 $0xFFFFC000  }
0x1b6: {  	_ =	swait.ge [sflag:s23], $0x4000  }
0x1b7: {  	[sflag:s23] =	ssyncset.done $0x0  }
0x1b8: {  	[sflag:s23] =	ssyncadd.s32 $0xFFFFC000  }
0x1b9: {  	_ =	swait.ge [sflag:s23], $0x4000  }
0x1ba: {  	[sflag:s23] =	ssyncset.done $0x0  }
0x1bb: {  	[sflag:s23] =	ssyncadd.s32 $0xFFFFC000  }
0x1bc: {  	[spmem:s1] =	stream.indirect.scatter.add.f32 [tilespmem:s19], [sflag:$0x1], $0x80, s14, s22, $0xb8;
	[tilespmem:$0x18CC0] =	vst v63  }
0x1bd: {  	_ = 	snop  }
0x1be: {  	[spmem:s1] =	stream.indirect.scatter.add.f32 [tilespmem:s19], [sflag:$0x1], $0x80, s15, s22, $0xb8;
	[tilespmem:$0x18CC0] =	vst v63  }
0x1bf: {  	_ = 	snop  }
0x1c0: {  	[spmem:s1] =	stream.indirect.scatter.add.f32 [tilespmem:s19], [sflag:$0x1], $0x80, s16, s22, $0xb8;
	[tilespmem:$0x18CC0] =	vst v63  }
0x1c1: {  	_ = 	snop  }
0x1c2: {  	[spmem:s1] =	stream.indirect.scatter.add.f32 [tilespmem:s19], [sflag:$0x1], $0x80, s17, s22, $0xb8;
	[tilespmem:$0x18CC0] =	vst v63  }
0x1c3: {  	_ = 	snop  }
0x1c4: {  	[spmem:s1] =	stream.indirect.scatter.add.f32 [tilespmem:s19], [sflag:$0x1], $0x80, s18, s22, $0xb8;
	[tilespmem:$0x18CC0] =	vst v63  }
0x1c5: {  	_ = 	snop  }
0x1c6: {  	[spmem:s1] =	stream.indirect.scatter.add.f32 [tilespmem:s19], [sflag:$0x1], $0x80, s6, s22, $0xb8;
	[tilespmem:$0x18CC0] =	vst v63  }
0x1c7: {  	_ = 	snop  }
0x1c8: {  	[spmem:s1] =	stream.indirect.scatter.add.f32 [tilespmem:s19], [sflag:$0x1], $0x80, s7, s22, $0xb8;
	[tilespmem:$0x18CC0] =	vst v63  }
0x1c9: {  	_ = 	snop  }
0x1ca: {  	[spmem:s1] =	stream.indirect.scatter.add.f32 [tilespmem:s19], [sflag:$0x1], $0x80, s8, s22, $0xb8;
	[tilespmem:$0x18CC0] =	vst v63  }
0x1cb: {  	_ =	swait.ge [sflag:s23], $0x4000  }
0x1cc: {  	[sflag:s23] =	ssyncset.done $0x0  }
0x1cd: {  	[sflag:s23] =	ssyncadd.s32 $0xFFFFC000  }
0x1ce: {  	_ =	swait.ge [sflag:s23], $0x4000  }
0x1cf: {  	[sflag:s23] =	ssyncset.done $0x0  }
0x1d0: {  	[sflag:s23] =	ssyncadd.s32 $0xFFFFC000  }
0x1d1: {  	_ =	swait.ge [sflag:s23], $0x4000  }
0x1d2: {  	[sflag:s23] =	ssyncset.done $0x0  }
0x1d3: {  	[sflag:s23] =	ssyncadd.s32 $0xFFFFC000  }
0x1d4: {  	_ =	swait.ge [sflag:s23], $0x4000  }
0x1d5: {  	[sflag:s23] =	ssyncset.done $0x0  }
0x1d6: {  	[sflag:s23] =	ssyncadd.s32 $0xFFFFC000  }
0x1d7: {  	_ =	swait.ge [sflag:s23], $0x4000  }
0x1d8: {  	[sflag:s23] =	ssyncset.done $0x0  }
0x1d9: {  	[sflag:s23] =	ssyncadd.s32 $0xFFFFC000  }
0x1da: {  	_ =	swait.ge [sflag:s23], $0x4000  }
0x1db: {  	[sflag:s23] =	ssyncset.done $0x0  }
0x1dc: {  	p1 =	sne.s32 s11, $0x780;
	[sflag:s23] =	ssyncadd.s32 $0xFFFFC000  }
.Ltmp0:
0x1dd: {  	_ =	swait.ge [sflag:s23], $0x4000;
	(pc) =	sbr.rel @p1 .LBB2_2-.Ltmp0, $4  }
0x1de: {  	[sflag:s23] =	ssyncset.done $0x0  }
0x1df: {  	[sflag:s23] =	ssyncadd.s32 $0xFFFFC000  }
0x1e0: {  	_ =	swait.ge [sflag:s23], $0x4000  }
0x1e1: {  	s11 =	sadd.s32 $0x280, s11;
	s9 =	rddreg [dreg:$0x4];
	[sflag:s23] =	ssyncset.done $0x0  }
0x1e2: {  	[sflag:s23] =	ssyncadd.s32 $0xFFFFC000;
	s3 =	sadd.s32 s10, s9;
	s10 =	simm.s32 $0x0  }
0x1e3: {  	[tilespmem:s21], [sflag:$0x2] =	stream.linear.gather [hbm4b:s3+s10], $0x1400, $0x38;
	[tilespmem:$0x18CC0] =	vst v63  }
0x1e4: {  	_ =	swait.ge [sflag:s20], $0x1400  }
0x1e5: {  	[sflag:s20] =	ssyncset.done $0x0  }
0x1e6: {  	[sflag:s20] =	ssyncadd.s32 $0xFFFFEC00  }
0x1e7: {  	[spmem:s1] =	stream.indirect.scatter.add.f32 [tilespmem:s19], [sflag:$0x1], $0x80, s21, s22, $0xb8;
	[tilespmem:$0x18CC0] =	vst v63  }
0x1e8: {  	s9 =	rddreg [dreg:$0x5]  }
0x1e9: {  	[spmem:s1] =	stream.indirect.scatter.add.f32 [tilespmem:s19], [sflag:$0x1], $0x80, s9, s22, $0xb8;
	[tilespmem:$0x18CC0] =	vst v63  }
0x1ea: {  	s11 =	rddreg [dreg:$0x6]  }
0x1eb: {  	[spmem:s1] =	stream.indirect.scatter.add.f32 [tilespmem:s19], [sflag:$0x1], $0x80, s11, s22, $0xb8;
	[tilespmem:$0x18CC0] =	vst v63  }
0x1ec: {  	s24 =	rddreg [dreg:$0x7]  }
0x1ed: {  	[spmem:s1] =	stream.indirect.scatter.add.f32 [tilespmem:s19], [sflag:$0x1], $0x80, s24, s22, $0xb8;
	[tilespmem:$0x18CC0] =	vst v63  }
0x1ee: {  	s11 =	rddreg [dreg:$0x8]  }
0x1ef: {  	[spmem:s1] =	stream.indirect.scatter.add.f32 [tilespmem:s19], [sflag:$0x1], $0x80, s11, s22, $0xb8;
	[tilespmem:$0x18CC0] =	vst v63  }
0x1f0: {  	s24 =	rddreg [dreg:$0x9]  }
0x1f1: {  	[spmem:s1] =	stream.indirect.scatter.add.f32 [tilespmem:s19], [sflag:$0x1], $0x80, s24, s22, $0xb8;
	[tilespmem:$0x18CC0] =	vst v63  }
0x1f2: {  	s11 =	rddreg [dreg:$0xa]  }
0x1f3: {  	[spmem:s1] =	stream.indirect.scatter.add.f32 [tilespmem:s19], [sflag:$0x1], $0x80, s11, s22, $0xb8;
	[tilespmem:$0x18CC0] =	vst v63  }
0x1f4: {  	s24 =	rddreg [dreg:$0xb]  }
0x1f5: {  	[spmem:s1] =	stream.indirect.scatter.add.f32 [tilespmem:s19], [sflag:$0x1], $0x80, s24, s22, $0xb8;
	[tilespmem:$0x18CC0] =	vst v63  }
0x1f6: {  	_ =	swait.ge [sflag:s23], $0x4000  }
0x1f7: {  	[sflag:s23] =	ssyncset.done $0x0  }
0x1f8: {  	[sflag:s23] =	ssyncadd.s32 $0xFFFFC000  }
0x1f9: {  	_ =	swait.ge [sflag:s23], $0x4000  }
0x1fa: {  	[sflag:s23] =	ssyncset.done $0x0  }
0x1fb: {  	[sflag:s23] =	ssyncadd.s32 $0xFFFFC000  }
0x1fc: {  	_ =	swait.ge [sflag:s23], $0x4000  }
0x1fd: {  	[sflag:s23] =	ssyncset.done $0x0  }
0x1fe: {  	[sflag:s23] =	ssyncadd.s32 $0xFFFFC000  }
0x1ff: {  	_ =	swait.ge [sflag:s23], $0x4000  }
0x200: {  	[sflag:s23] =	ssyncset.done $0x0  }
0x201: {  	[sflag:s23] =	ssyncadd.s32 $0xFFFFC000  }
0x202: {  	_ =	swait.ge [sflag:s23], $0x4000  }
0x203: {  	[sflag:s23] =	ssyncset.done $0x0  }
0x204: {  	[sflag:s23] =	ssyncadd.s32 $0xFFFFC000  }
0x205: {  	_ =	swait.ge [sflag:s23], $0x4000  }
0x206: {  	[sflag:s23] =	ssyncset.done $0x0  }
0x207: {  	[sflag:s23] =	ssyncadd.s32 $0xFFFFC000  }
0x208: {  	_ =	swait.ge [sflag:s23], $0x4000  }
0x209: {  	[sflag:s23] =	ssyncset.done $0x0  }
0x20a: {  	[sflag:s23] =	ssyncadd.s32 $0xFFFFC000  }
0x20b: {  	_ =	swait.ge [sflag:s23], $0x4000  }
0x20c: {  	[sflag:s23] =	ssyncset.done $0x0  }
0x20d: {  	s11 =	rddreg [dreg:$0xc];
	[sflag:s23] =	ssyncadd.s32 $0xFFFFC000  }
0x20e: {  	[spmem:s1] =	stream.indirect.scatter.add.f32 [tilespmem:s19], [sflag:$0x1], $0x80, s11, s22, $0xb8;
	[tilespmem:$0x18CC0] =	vst v63  }
0x20f: {  	s24 =	rddreg [dreg:$0xd]  }
0x210: {  	[spmem:s1] =	stream.indirect.scatter.add.f32 [tilespmem:s19], [sflag:$0x1], $0x80, s24, s22, $0xb8;
	[tilespmem:$0x18CC0] =	vst v63  }
0x211: {  	s11 =	rddreg [dreg:$0xe]  }
0x212: {  	[spmem:s1] =	stream.indirect.scatter.add.f32 [tilespmem:s19], [sflag:$0x1], $0x80, s11, s22, $0xb8;
	[tilespmem:$0x18CC0] =	vst v63  }
0x213: {  	s24 =	rddreg [dreg:$0xf]  }
0x214: {  	[spmem:s1] =	stream.indirect.scatter.add.f32 [tilespmem:s19], [sflag:$0x1], $0x80, s24, s22, $0xb8;
	[tilespmem:$0x18CC0] =	vst v63  }
0x215: {  	s11 =	rddreg [dreg:$0x10]  }
0x216: {  	[spmem:s1] =	stream.indirect.scatter.add.f32 [tilespmem:s19], [sflag:$0x1], $0x80, s11, s22, $0xb8;
	[tilespmem:$0x18CC0] =	vst v63  }
0x217: {  	s24 =	rddreg [dreg:$0x11]  }
0x218: {  	[spmem:s1] =	stream.indirect.scatter.add.f32 [tilespmem:s19], [sflag:$0x1], $0x80, s24, s22, $0xb8;
	[tilespmem:$0x18CC0] =	vst v63  }
0x219: {  	s11 =	rddreg [dreg:$0x12]  }
0x21a: {  	[spmem:s1] =	stream.indirect.scatter.add.f32 [tilespmem:s19], [sflag:$0x1], $0x80, s11, s22, $0xb8;
	[tilespmem:$0x18CC0] =	vst v63  }
0x21b: {  	s24 =	rddreg [dreg:$0x13]  }
0x21c: {  	[spmem:s1] =	stream.indirect.scatter.add.f32 [tilespmem:s19], [sflag:$0x1], $0x80, s24, s22, $0xb8;
	[tilespmem:$0x18CC0] =	vst v63  }
0x21d: {  	_ =	swait.ge [sflag:s23], $0x4000  }
0x21e: {  	[sflag:s23] =	ssyncset.done $0x0  }
0x21f: {  	[sflag:s23] =	ssyncadd.s32 $0xFFFFC000  }
0x220: {  	_ =	swait.ge [sflag:s23], $0x4000  }
0x221: {  	[sflag:s23] =	ssyncset.done $0x0  }
0x222: {  	[sflag:s23] =	ssyncadd.s32 $0xFFFFC000  }
0x223: {  	_ =	swait.ge [sflag:s23], $0x4000  }
0x224: {  	[sflag:s23] =	ssyncset.done $0x0  }
0x225: {  	[sflag:s23] =	ssyncadd.s32 $0xFFFFC000  }
0x226: {  	_ =	swait.ge [sflag:s23], $0x4000  }
0x227: {  	[sflag:s23] =	ssyncset.done $0x0  }
0x228: {  	[sflag:s23] =	ssyncadd.s32 $0xFFFFC000  }
0x229: {  	_ =	swait.ge [sflag:s23], $0x4000  }
0x22a: {  	[sflag:s23] =	ssyncset.done $0x0  }
0x22b: {  	[sflag:s23] =	ssyncadd.s32 $0xFFFFC000  }
0x22c: {  	_ =	swait.ge [sflag:s23], $0x4000  }
0x22d: {  	[sflag:s23] =	ssyncset.done $0x0  }
0x22e: {  	[sflag:s23] =	ssyncadd.s32 $0xFFFFC000  }
0x22f: {  	_ =	swait.ge [sflag:s23], $0x4000  }
0x230: {  	[sflag:s23] =	ssyncset.done $0x0  }
0x231: {  	[sflag:s23] =	ssyncadd.s32 $0xFFFFC000  }
0x232: {  	_ =	swait.ge [sflag:s23], $0x4000  }
0x233: {  	[sflag:s23] =	ssyncset.done $0x0  }
0x234: {  	s11 =	rddreg [dreg:$0x14];
	[sflag:s23] =	ssyncadd.s32 $0xFFFFC000  }
0x235: {  	[spmem:s1] =	stream.indirect.scatter.add.f32 [tilespmem:s19], [sflag:$0x1], $0x80, s11, s22, $0xb8;
	[tilespmem:$0x18CC0] =	vst v63  }
0x236: {  	s24 =	rddreg [dreg:$0x15]  }
0x237: {  	[spmem:s1] =	stream.indirect.scatter.add.f32 [tilespmem:s19], [sflag:$0x1], $0x80, s24, s22, $0xb8;
	[tilespmem:$0x18CC0] =	vst v63  }
0x238: {  	s11 =	rddreg [dreg:$0x16]  }
0x239: {  	[spmem:s1] =	stream.indirect.scatter.add.f32 [tilespmem:s19], [sflag:$0x1], $0x80, s11, s22, $0xb8;
	[tilespmem:$0x18CC0] =	vst v63  }
0x23a: {  	s24 =	simm.s32 $0x14240  }
0x23b: {  	[spmem:s1] =	stream.indirect.scatter.add.f32 [tilespmem:s19], [sflag:$0x1], $0x80, s24, s22, $0xb8;
	[tilespmem:$0x18CC0] =	vst v63  }
0x23c: {  	_ = 	snop  }
0x23d: {  	[spmem:s1] =	stream.indirect.scatter.add.f32 [tilespmem:s19], [sflag:$0x1], $0x80, s25, s22, $0xb8;
	[tilespmem:$0x18CC0] =	vst v63  }
0x23e: {  	_ = 	snop  }
0x23f: {  	[spmem:s1] =	stream.indirect.scatter.add.f32 [tilespmem:s19], [sflag:$0x1], $0x80, s26, s22, $0xb8;
	[tilespmem:$0x18CC0] =	vst v63  }
0x240: {  	_ = 	snop  }
0x241: {  	[spmem:s1] =	stream.indirect.scatter.add.f32 [tilespmem:s19], [sflag:$0x1], $0x80, s28, s22, $0xb8;
	[tilespmem:$0x18CC0] =	vst v63  }
0x242: {  	_ = 	snop  }
0x243: {  	[spmem:s1] =	stream.indirect.scatter.add.f32 [tilespmem:s19], [sflag:$0x1], $0x80, s29, s22, $0xb8;
	[tilespmem:$0x18CC0] =	vst v63  }
0x244: {  	_ =	swait.ge [sflag:s23], $0x4000  }
0x245: {  	[sflag:s23] =	ssyncset.done $0x0  }
0x246: {  	[sflag:s23] =	ssyncadd.s32 $0xFFFFC000  }
0x247: {  	_ =	swait.ge [sflag:s23], $0x4000  }
0x248: {  	[sflag:s23] =	ssyncset.done $0x0  }
0x249: {  	[sflag:s23] =	ssyncadd.s32 $0xFFFFC000  }
0x24a: {  	_ =	swait.ge [sflag:s23], $0x4000  }
0x24b: {  	[sflag:s23] =	ssyncset.done $0x0  }
0x24c: {  	[sflag:s23] =	ssyncadd.s32 $0xFFFFC000  }
0x24d: {  	_ =	swait.ge [sflag:s23], $0x4000  }
0x24e: {  	[sflag:s23] =	ssyncset.done $0x0  }
0x24f: {  	[sflag:s23] =	ssyncadd.s32 $0xFFFFC000  }
0x250: {  	_ =	swait.ge [sflag:s23], $0x4000  }
0x251: {  	[sflag:s23] =	ssyncset.done $0x0  }
0x252: {  	[sflag:s23] =	ssyncadd.s32 $0xFFFFC000  }
0x253: {  	_ =	swait.ge [sflag:s23], $0x4000  }
0x254: {  	[sflag:s23] =	ssyncset.done $0x0  }
0x255: {  	[sflag:s23] =	ssyncadd.s32 $0xFFFFC000  }
0x256: {  	_ =	swait.ge [sflag:s23], $0x4000  }
0x257: {  	[sflag:s23] =	ssyncset.done $0x0  }
0x258: {  	[sflag:s23] =	ssyncadd.s32 $0xFFFFC000  }
0x259: {  	_ =	swait.ge [sflag:s23], $0x4000  }
0x25a: {  	[sflag:s23] =	ssyncset.done $0x0  }
0x25b: {  	[sflag:s23] =	ssyncadd.s32 $0xFFFFC000  }
0x25c: {  	[spmem:s1] =	stream.indirect.scatter.add.f32 [tilespmem:s19], [sflag:$0x1], $0x80, s30, s22, $0xb8;
	[tilespmem:$0x18CC0] =	vst v63  }
0x25d: {  	_ = 	snop  }
0x25e: {  	[spmem:s1] =	stream.indirect.scatter.add.f32 [tilespmem:s19], [sflag:$0x1], $0x80, s31, s22, $0xb8;
	[tilespmem:$0x18CC0] =	vst v63  }
0x25f: {  	_ = 	snop  }
0x260: {  	[spmem:s1] =	stream.indirect.scatter.add.f32 [tilespmem:s19], [sflag:$0x1], $0x80, s0, s22, $0xb8;
	[tilespmem:$0x18CC0] =	vst v63  }
0x261: {  	_ = 	snop  }
0x262: {  	[spmem:s1] =	stream.indirect.scatter.add.f32 [tilespmem:s19], [sflag:$0x1], $0x80, s2, s22, $0xb8;
	[tilespmem:$0x18CC0] =	vst v63  }
0x263: {  	_ = 	snop  }
0x264: {  	[spmem:s1] =	stream.indirect.scatter.add.f32 [tilespmem:s19], [sflag:$0x1], $0x80, s4, s22, $0xb8;
	[tilespmem:$0x18CC0] =	vst v63  }
0x265: {  	_ = 	snop  }
0x266: {  	[spmem:s1] =	stream.indirect.scatter.add.f32 [tilespmem:s19], [sflag:$0x1], $0x80, s5, s22, $0xb8;
	[tilespmem:$0x18CC0] =	vst v63  }
0x267: {  	_ = 	snop  }
0x268: {  	[spmem:s1] =	stream.indirect.scatter.add.f32 [tilespmem:s19], [sflag:$0x1], $0x80, s12, s22, $0xb8;
	[tilespmem:$0x18CC0] =	vst v63  }
0x269: {  	_ = 	snop  }
0x26a: {  	[spmem:s1] =	stream.indirect.scatter.add.f32 [tilespmem:s19], [sflag:$0x1], $0x80, s13, s22, $0xb8;
	[tilespmem:$0x18CC0] =	vst v63  }
0x26b: {  	_ =	swait.ge [sflag:s23], $0x4000  }
0x26c: {  	[sflag:s23] =	ssyncset.done $0x0  }
0x26d: {  	[sflag:s23] =	ssyncadd.s32 $0xFFFFC000  }
0x26e: {  	_ =	swait.ge [sflag:s23], $0x4000  }
0x26f: {  	[sflag:s23] =	ssyncset.done $0x0  }
0x270: {  	[sflag:s23] =	ssyncadd.s32 $0xFFFFC000  }
0x271: {  	_ =	swait.ge [sflag:s23], $0x4000  }
0x272: {  	[sflag:s23] =	ssyncset.done $0x0  }
0x273: {  	[sflag:s23] =	ssyncadd.s32 $0xFFFFC000  }
0x274: {  	_ =	swait.ge [sflag:s23], $0x4000  }
0x275: {  	[sflag:s23] =	ssyncset.done $0x0  }
0x276: {  	[sflag:s23] =	ssyncadd.s32 $0xFFFFC000  }
0x277: {  	_ =	swait.ge [sflag:s23], $0x4000  }
0x278: {  	[sflag:s23] =	ssyncset.done $0x0  }
0x279: {  	[sflag:s23] =	ssyncadd.s32 $0xFFFFC000  }
0x27a: {  	_ =	swait.ge [sflag:s23], $0x4000  }
0x27b: {  	[sflag:s23] =	ssyncset.done $0x0  }
0x27c: {  	[sflag:s23] =	ssyncadd.s32 $0xFFFFC000  }
0x27d: {  	_ =	swait.ge [sflag:s23], $0x4000  }
0x27e: {  	[sflag:s23] =	ssyncset.done $0x0  }
0x27f: {  	[sflag:s23] =	ssyncadd.s32 $0xFFFFC000  }
0x280: {  	_ =	swait.ge [sflag:s23], $0x4000  }
0x281: {  	[sflag:s23] =	ssyncset.done $0x0  }
0x282: {  	[sflag:s23] =	ssyncadd.s32 $0xFFFFC000  }
0x283: {  	[spmem:s1] =	stream.indirect.scatter.add.f32 [tilespmem:s19], [sflag:$0x1], $0x80, s14, s22, $0xb8;
	[tilespmem:$0x18CC0] =	vst v63  }
0x284: {  	_ = 	snop  }
0x285: {  	[spmem:s1] =	stream.indirect.scatter.add.f32 [tilespmem:s19], [sflag:$0x1], $0x80, s15, s22, $0xb8;
	[tilespmem:$0x18CC0] =	vst v63  }
0x286: {  	_ = 	snop  }
0x287: {  	[spmem:s1] =	stream.indirect.scatter.add.f32 [tilespmem:s19], [sflag:$0x1], $0x80, s16, s22, $0xb8;
	[tilespmem:$0x18CC0] =	vst v63  }
0x288: {  	_ = 	snop  }
0x289: {  	[spmem:s1] =	stream.indirect.scatter.add.f32 [tilespmem:s19], [sflag:$0x1], $0x80, s17, s22, $0xb8;
	[tilespmem:$0x18CC0] =	vst v63  }
0x28a: {  	_ = 	snop  }
0x28b: {  	[spmem:s1] =	stream.indirect.scatter.add.f32 [tilespmem:s19], [sflag:$0x1], $0x80, s18, s22, $0xb8;
	[tilespmem:$0x18CC0] =	vst v63  }
0x28c: {  	_ = 	snop  }
0x28d: {  	[spmem:s1] =	stream.indirect.scatter.add.f32 [tilespmem:s19], [sflag:$0x1], $0x80, s6, s22, $0xb8;
	[tilespmem:$0x18CC0] =	vst v63  }
0x28e: {  	_ = 	snop  }
0x28f: {  	[spmem:s1] =	stream.indirect.scatter.add.f32 [tilespmem:s19], [sflag:$0x1], $0x80, s7, s22, $0xb8;
	[tilespmem:$0x18CC0] =	vst v63  }
0x290: {  	_ = 	snop  }
0x291: {  	[spmem:s1] =	stream.indirect.scatter.add.f32 [tilespmem:s19], [sflag:$0x1], $0x80, s8, s22, $0xb8;
	[tilespmem:$0x18CC0] =	vst v63  }
0x292: {  	_ =	swait.ge [sflag:s23], $0x4000  }
0x293: {  	[sflag:s23] =	ssyncset.done $0x0  }
0x294: {  	[sflag:s23] =	ssyncadd.s32 $0xFFFFC000  }
0x295: {  	_ =	swait.ge [sflag:s23], $0x4000  }
0x296: {  	[sflag:s23] =	ssyncset.done $0x0  }
0x297: {  	[sflag:s23] =	ssyncadd.s32 $0xFFFFC000  }
0x298: {  	_ =	swait.ge [sflag:s23], $0x4000  }
0x299: {  	[sflag:s23] =	ssyncset.done $0x0  }
0x29a: {  	[sflag:s23] =	ssyncadd.s32 $0xFFFFC000  }
0x29b: {  	_ =	swait.ge [sflag:s23], $0x4000  }
0x29c: {  	[sflag:s23] =	ssyncset.done $0x0  }
0x29d: {  	[sflag:s23] =	ssyncadd.s32 $0xFFFFC000  }
0x29e: {  	_ =	swait.ge [sflag:s23], $0x4000  }
0x29f: {  	[sflag:s23] =	ssyncset.done $0x0  }
0x2a0: {  	[sflag:s23] =	ssyncadd.s32 $0xFFFFC000  }
0x2a1: {  	_ =	swait.ge [sflag:s23], $0x4000  }
0x2a2: {  	[sflag:s23] =	ssyncset.done $0x0  }
0x2a3: {  	[sflag:s23] =	ssyncadd.s32 $0xFFFFC000  }
0x2a4: {  	_ =	swait.ge [sflag:s23], $0x4000  }
0x2a5: {  	[sflag:s23] =	ssyncset.done $0x0  }
0x2a6: {  	[sflag:s23] =	ssyncadd.s32 $0xFFFFC000  }
0x2a7: {  	_ =	swait.ge [sflag:s23], $0x4000  }
0x2a8: {  	[sflag:s23] =	ssyncset.done $0x0  }
0x2a9: {  	[sflag:s23] =	ssyncadd.s32 $0xFFFFC000  }
0x2aa: {  	[bflag:$0x0] =	sbarrier.arrive $0xFFFF  }
0x2ab: {  	s9 =	rddreg [dreg:$0x19]  }
0x2ac: {  	[tilespmem:s19], [sflag:$0x2] =	stream.linear.gather [spmem:s9], $0x4000, $0x38;
	[tilespmem:$0x18CC0] =	vst v63  }
0x2ad: {  	_ =	swait.ge [sflag:s20], $0x4000  }
0x2ae: {  	[sflag:s20] =	ssyncset.done $0x0  }
0x2af: {  	s11 =	rddreg [dreg:$0x1f];
	[sflag:s20] =	ssyncadd.s32 $0xFFFFC000  }
0x2b0: {  	[hbm4b:s11+s10] =	stream.linear.scatter [tilespmem:s19], [sflag:$0x2], $0x4000, $0x38;
	[tilespmem:$0x18CC0] =	vst v63  }
0x2b1: {  	_ =	swait.ge [sflag:s20], $0x4000  }
0x2b2: {  	[sflag:s20] =	ssyncset.done $0x0  }
0x2b3: {  	s11 =	rddreg [dreg:$0x1a];
	[sflag:s20] =	ssyncadd.s32 $0xFFFFC000  }
0x2b4: {  	[tilespmem:s19], [sflag:$0x2] =	stream.linear.gather [spmem:s11], $0x4000, $0x38;
	[tilespmem:$0x18CC0] =	vst v63  }
0x2b5: {  	_ =	swait.ge [sflag:s20], $0x4000  }
0x2b6: {  	s24 =	sld [smem:$0x7F8]  }
0x2b7: {  	[sflag:s20] =	ssyncset.done $0x0  }
0x2b8: {  	[sflag:s20] =	ssyncadd.s32 $0xFFFFC000  }
0x2b9: {  	[hbm4b:s24+s10] =	stream.linear.scatter [tilespmem:s19], [sflag:$0x2], $0x4000, $0x38;
	[tilespmem:$0x18CC0] =	vst v63  }
0x2ba: {  	_ =	swait.ge [sflag:s20], $0x4000  }
0x2bb: {  	[sflag:s20] =	ssyncset.done $0x0  }
0x2bc: {  	s9 =	rddreg [dreg:$0x1b];
	[sflag:s20] =	ssyncadd.s32 $0xFFFFC000  }
0x2bd: {  	[tilespmem:s19], [sflag:$0x2] =	stream.linear.gather [spmem:s9], $0x4000, $0x38;
	[tilespmem:$0x18CC0] =	vst v63  }
0x2be: {  	_ =	swait.ge [sflag:s20], $0x4000  }
0x2bf: {  	s24 =	sld [smem:$0x7F9]  }
0x2c0: {  	[sflag:s20] =	ssyncset.done $0x0  }
0x2c1: {  	[sflag:s20] =	ssyncadd.s32 $0xFFFFC000  }
0x2c2: {  	[hbm4b:s24+s10] =	stream.linear.scatter [tilespmem:s19], [sflag:$0x2], $0x4000, $0x38;
	[tilespmem:$0x18CC0] =	vst v63  }
0x2c3: {  	_ =	swait.ge [sflag:s20], $0x4000  }
0x2c4: {  	[sflag:s20] =	ssyncset.done $0x0  }
0x2c5: {  	s9 =	rddreg [dreg:$0x1c];
	[sflag:s20] =	ssyncadd.s32 $0xFFFFC000  }
0x2c6: {  	[tilespmem:s19], [sflag:$0x2] =	stream.linear.gather [spmem:s9], $0x4000, $0x38;
	[tilespmem:$0x18CC0] =	vst v63  }
0x2c7: {  	_ =	swait.ge [sflag:s20], $0x4000  }
0x2c8: {  	s24 =	sld [smem:$0x7FA]  }
0x2c9: {  	[sflag:s20] =	ssyncset.done $0x0  }
0x2ca: {  	[sflag:s20] =	ssyncadd.s32 $0xFFFFC000  }
0x2cb: {  	[hbm4b:s24+s10] =	stream.linear.scatter [tilespmem:s19], [sflag:$0x2], $0x4000, $0x38;
	[tilespmem:$0x18CC0] =	vst v63  }
0x2cc: {  	_ =	swait.ge [sflag:s20], $0x4000  }
0x2cd: {  	[sflag:s20] =	ssyncset.done $0x0  }
0x2ce: {  	s9 =	rddreg [dreg:$0x1d];
	[sflag:s20] =	ssyncadd.s32 $0xFFFFC000  }
0x2cf: {  	[tilespmem:s19], [sflag:$0x2] =	stream.linear.gather [spmem:s9], $0x3800, $0x38;
	[tilespmem:$0x18CC0] =	vst v63  }
0x2d0: {  	_ =	swait.ge [sflag:s20], $0x3800  }
0x2d1: {  	s24 =	sld [smem:$0x7FB]  }
0x2d2: {  	[sflag:s20] =	ssyncset.done $0x0  }
0x2d3: {  	[sflag:s20] =	ssyncadd.s32 $0xFFFFC800  }
0x2d4: {  	[hbm4b:s24+s10] =	stream.linear.scatter [tilespmem:s19], [sflag:$0x2], $0x3800, $0x38;
	[tilespmem:$0x18CC0] =	vst v63  }
0x2d5: {  	_ =	swait.ge [sflag:s20], $0x3800  }
0x2d6: {  	[sflag:s20] =	ssyncset.done $0x0  }
0x2d7: {  	s3 =	simm.s32 @!p0 $0x14CC0;
	s9 =	rddreg [dreg:$0x1e];
	[sflag:s20] =	ssyncadd.s32 $0xFFFFC800  }
0x2d8: {  	[tilespmem:s3], [sflag:$0x2] =	stream.linear.gather @!p0 [spmem:s9], $0x800, $0x38;
	[tilespmem:$0x18CC0] =	vst v63  }
0x2d9: {  	s9 =	simm.s32 @!p0 $0x2  }
0x2da: {  	_ =	swait.ge @!p0 [sflag:s9], $0x800  }
0x2db: {  	s24 =	sld [smem:$0x7FC]  }
0x2dc: {  	[sflag:s9] =	ssyncset.done @!p0 $0x0  }
0x2dd: {  	s10 =	simm.s32 @!p0 $0x0;
	[sflag:s9] =	ssyncadd.s32 @!p0 $0xFFFFF800  }
0x2de: {  	[hbm4b:s24+s10] =	stream.linear.scatter @!p0 [tilespmem:s3], [sflag:$0x2], $0x800, $0x38;
	[tilespmem:$0x18CC0] =	vst v63  }
0x2df: {  	s24 =	rddreg [dreg:$0x19];
	_ =	swait.ge @!p0 [sflag:s9], $0x800  }
0x2e0: {  	s3 =	sld [smem:$0x7F7];
	_ =	sdelay $0x2  }
0x2e1: {  	s10 =	sadd.s32 $0x1, s3;
	s3 =	sld [smem:$0x7FD];
	_ =	sdelay $0x2  }
0x2e2: {  	p1 =	sne.s32 s10, s3  }
.Ltmp1:
0x2e3: {  	_ = 	snop;
	(pc) =	sbr.rel @p1 .LBB2_1-.Ltmp1, $3  }
0x2e4: {  	_ =	sdelay $0x1  }
0x2e5: {  	[sflag:s9] =	ssyncset.done @!p0 $0x0  }
0x2e6: {  	[sflag:s9] =	ssyncadd.s32 @!p0 $0xFFFFF800  }
0x2e7: {  	_ =	sfence.sel $0x180000  }
0x2e8: {  	[bflag:$0x0] =	sbarrier.arrive $0xFFFF  }
0x2e9: {  	_ =	strace $0x9000004A  }
0x2ea: {  	s0 =	stileid.u32;
	[bflag:$0x2] =	sbarrier.arrive $0xFFFF  }
0x2eb: {  	p0 =	sne.s32 s0, $0x0;
	s0 =	rddreg [dreg:$0x3]  }
0x2ec: {  	s0 =	sadd.s32 @!p0 $0x100000, s0  }
0x2ed: {  	[sflag:s0] =	ssyncadd.tile.s32 @!p0 $0x1;
	_ =	shalt  }
.Lfunc_end2:
_tile_overlayer_lowered:
.L_overlay_start_2:
0x2ee: {  	(tag) =	ssettag $0x2  }
0x2ef: {  	s0 =	rddreg [dreg:$0x0];
	s2 =	stileid.u32  }
0x2f0: {  	s1 =	rddreg [dreg:$0x1];
	p0 =	sne.s32 s2, $0x0  }
0x2f1: {  	s3 =	rddreg [dreg:$0x2];
	[bflag:$0x3] =	sbarrier.arrive $0xFFFF;
	s2 =	simm.s32 @!p0 $0x1C02  }
0x2f2: {  	[timem:s3], [sflag:s2] =	dma.local @!p0 [hbm:s0], s1  }
0x2f3: {  	s0 =	simm.s32 @!p0 $0x2  }
0x2f4: {  	_ =	swait.ge @!p0 [sflag:s0], s1  }
0x2f5: {  	s1 =	ssub.s32 @!p0 $0x0, s1;
	[sflag:s0] =	ssyncset.done @!p0 $0x0  }
0x2f6: {  	[sflag:s0] =	ssyncadd.s32 @!p0 s1  }
0x2f7: {  	[bflag:$0x3] =	sbarrier.arrive $0xFFFF  }
0x2f8: {  	_ =	shalt  }

</sc_bundles>
